<compile_context>
chip_gen: v7x
topology: tpu7x:2x2x1
jax: 0.10.2.dev20260603
libtpu: 0.0.44.dev20260713+nightly
codegen_flags: <defaults>
</compile_context>

<pallas_src>
import functools

import jax
import jax.numpy as jnp
from jax import lax
from jax.experimental import pallas as pl
from jax.experimental.pallas import tpu as pltpu
from jax.experimental.pallas import tpu_sc as plsc

NC, NS = 2, 16
CHUNK = 128


def _mesh():
    return plsc.VectorSubcoreMesh(core_axis_name="c", subcore_axis_name="s")


def _make_sc_hist(N, E):
    per_tile = E // (NC * NS)
    nfull, tail = divmod(per_tile, CHUNK)
    rows_per_tile = N // NS

    @functools.partial(
        pl.kernel,
        out_type=jax.ShapeDtypeStruct((NC * N, 16), jnp.float32),
        mesh=_mesh(),
        compiler_params=pltpu.CompilerParams(use_tc_tiling_on_sc=False),
        scratch_types=[
            pltpu.VMEM((CHUNK,), jnp.int32),
            pltpu.VMEM((tail if tail else 8,), jnp.int32),
            pltpu.VMEM((CHUNK, 16), jnp.float32),
            pltpu.VMEM((rows_per_tile, 16), jnp.float32),
            pltpu.VMEM_SHARED((N, 16), jnp.float32),
        ],
    )
    def k(dst_hbm, zeros_hbm, out_hbm, didx, didx_t, ones, bounce, slab):
        cid = lax.axis_index("c")
        sid = lax.axis_index("s")
        wid = sid * NC + cid
        row0 = sid * rows_per_tile
        e0 = jnp.where(lax.iota(jnp.int32, 16) == 0,
                       jnp.float32(1.0), jnp.float32(0.0))

        def fill(i, c):
            ones[i, pl.ds(0, 16)] = e0
            return c
        lax.fori_loop(0, CHUNK, fill, 0)
        pltpu.sync_copy(zeros_hbm, slab.at[pl.ds(row0, rows_per_tile)])
        plsc.subcore_barrier()

        ebase = wid * per_tile

        def body(i, c):
            pltpu.sync_copy(dst_hbm.at[pl.ds(ebase + i * CHUNK, CHUNK)], didx)
            pltpu.sync_copy(ones, slab.at[didx], add=True)
            return c
        lax.fori_loop(0, nfull, body, 0)
        if tail:
            pltpu.sync_copy(dst_hbm.at[pl.ds(ebase + nfull * CHUNK, tail)], didx_t)
            pltpu.sync_copy(ones.at[pl.ds(0, tail)], slab.at[didx_t], add=True)
        plsc.subcore_barrier()
        pltpu.sync_copy(slab.at[pl.ds(row0, rows_per_tile)], bounce)
        pltpu.sync_copy(bounce, out_hbm.at[pl.ds(cid * N + row0, rows_per_tile)])

    return k


def _make_sc_segsum(N, E, W):
    per_tile = E // NS
    nfull, tail = divmod(per_tile, CHUNK)
    rows_per_tile = N // NS
    assert nfull >= 8 and (nfull - 4) % 4 == 0 and tail % 8 == 0

    NIB = 4

    @functools.partial(
        pl.kernel,
        out_type=jax.ShapeDtypeStruct((NC * N, W), jnp.float32),
        mesh=_mesh(),
        compiler_params=pltpu.CompilerParams(use_tc_tiling_on_sc=False),
        scratch_types=(
            [pltpu.VMEM((CHUNK,), jnp.int32) for _ in range(NIB)]
            + [pltpu.VMEM((CHUNK,), jnp.int32) for _ in range(NIB)]
            + [
                pltpu.VMEM((tail if tail else 8,), jnp.int32),
                pltpu.VMEM((tail if tail else 8,), jnp.int32),
                pltpu.VMEM((CHUNK, W), jnp.float32),
                pltpu.VMEM((CHUNK, W), jnp.float32),
                pltpu.VMEM((tail if tail else 8, W), jnp.float32),
                pltpu.VMEM_SHARED((N, W), jnp.float32),
            ]
            + [pltpu.SemaphoreType.DMA for _ in range(NIB + 5)]
        ),
    )
    def k(t0, t1, src_hbm, dst_hbm, zeros_hbm, out_hbm, *refs):
        sidx = refs[0:NIB]
        didx = refs[NIB:2 * NIB]
        sidx_t, didx_t, rows0, rows1, rows_t, slab = refs[2 * NIB:2 * NIB + 6]
        sems = refs[2 * NIB + 6:]
        isem = sems[0:NIB]
        gsem = sems[NIB:NIB + 2]
        ssem = sems[NIB + 2:NIB + 4]
        tsem = sems[NIB + 4]
        rows = (rows0, rows1)
        cid = lax.axis_index("c")
        sid = lax.axis_index("s")
        row0 = sid * rows_per_tile
        pltpu.sync_copy(zeros_hbm, slab.at[pl.ds(row0, rows_per_tile)])
        plsc.subcore_barrier()

        ebase = sid * per_tile

        def issue_idx(i, j):
            off = ebase + i * CHUNK
            pltpu.async_copy(src_hbm.at[pl.ds(off, CHUNK)], sidx[j], isem[j])
            pltpu.async_copy(dst_hbm.at[pl.ds(off, CHUNK)], didx[j], isem[j])

        def wait_idx(i, j):
            off = ebase + i * CHUNK
            pltpu.make_async_copy(src_hbm.at[pl.ds(off, CHUNK)], sidx[j], isem[j]).wait()
            pltpu.make_async_copy(dst_hbm.at[pl.ds(off, CHUNK)], didx[j], isem[j]).wait()

        def issue_gather(b, j):
            @pl.when(cid == 0)
            def _g0():
                pltpu.async_copy(t0.at[sidx[j]], rows[b], gsem[b])

            @pl.when(cid == 1)
            def _g1():
                pltpu.async_copy(t1.at[sidx[j]], rows[b], gsem[b])

        def wait_gather(b, j):
            @pl.when(cid == 0)
            def _w0():
                pltpu.make_async_copy(t0.at[sidx[j]], rows[b], gsem[b]).wait()

            @pl.when(cid == 1)
            def _w1():
                pltpu.make_async_copy(t1.at[sidx[j]], rows[b], gsem[b]).wait()

        def issue_scatter(b, j):
            pltpu.async_copy(rows[b], slab.at[didx[j]], ssem[b], add=True)

        def wait_scatter(b, j):
            pltpu.make_async_copy(rows[b], slab.at[didx[j]], ssem[b]).wait()

        def step(i, b, j, first=False, issue_i=True, issue_g=True):
            wait_gather(b, j)
            if not first:
                wait_scatter(1 - b, (j - 1) % NIB)
            issue_scatter(b, j)
            if issue_g:
                wait_idx(i + 1, (j + 1) % NIB)
                issue_gather(1 - b, (j + 1) % NIB)
            if issue_i:
                issue_idx(i + 3, (j + 3) % NIB)

        issue_idx(0, 0)
        issue_idx(1, 1)
        wait_idx(0, 0)
        issue_gather(0, 0)
        issue_idx(2, 2)
        step(0, 0, 0, first=True)

        def body4(s, c):
            i = 1 + s * 4
            step(i, 1, 1)
            step(i + 1, 0, 2)
            step(i + 2, 1, 3)
            step(i + 3, 0, 0)
            return c
        lax.fori_loop(0, (nfull - 4) // 4, body4, 0)
        step(nfull - 3, 1, 1, issue_i=False)
        step(nfull - 2, 0, 2, issue_i=False)
        step(nfull - 1, 1, 3, issue_i=False, issue_g=False)
        wait_scatter(1, 3)
        if tail:
            b = ebase + nfull * CHUNK
            pltpu.sync_copy(src_hbm.at[pl.ds(b, tail)], sidx_t)
            pltpu.sync_copy(dst_hbm.at[pl.ds(b, tail)], didx_t)

            @pl.when(cid == 0)
            def _t0():
                pltpu.async_copy(t0.at[sidx_t], rows_t, tsem).wait()

            @pl.when(cid == 1)
            def _t1():
                pltpu.async_copy(t1.at[sidx_t], rows_t, tsem).wait()

            pltpu.sync_copy(rows_t, slab.at[didx_t], add=True)
        plsc.subcore_barrier()
        pltpu.sync_copy(slab.at[pl.ds(row0, rows_per_tile)],
                        out_hbm.at[pl.ds(cid * N + row0, rows_per_tile)])

    return k


_BN = 2000


def _tc_pre(x, dis, gb, aux_w8):
    N, D = x.shape
    grid = (N // _BN,)

    def body(x_r, dis_r, gb_r, aw_r, ls_o, filmed_o, hp0_o, hp1_o):
        gbv = gb_r[...]
        gamma, beta = gbv[:, :D], gbv[:, D:]
        aux_w = aw_r[...]
        xv = x_r[...]
        ls_o[...] = jnp.sum(xv[:, :8] * aux_w, axis=1, keepdims=True)
        filmed = (1.0 + 0.5 * gamma) * xv + 0.3 * beta
        filmed_o[...] = filmed
        hp = filmed * dis_r[...]
        hp0_o[...] = hp[:, :D // 2]
        hp1_o[...] = hp[:, D // 2:]

    full = lambda s: pl.BlockSpec(s, lambda i: (0, 0))
    outs = pl.pallas_call(
        body,
        grid=grid,
        in_specs=[
            pl.BlockSpec((_BN, D), lambda i: (i, 0)),
            pl.BlockSpec((_BN, 1), lambda i: (i, 0)),
            full((1, 2 * D)),
            full((1, 8)),
        ],
        out_specs=[
            pl.BlockSpec((_BN, 1), lambda i: (i, 0)),
            pl.BlockSpec((_BN, D), lambda i: (i, 0)),
            pl.BlockSpec((_BN, D // 2), lambda i: (i, 0)),
            pl.BlockSpec((_BN, D // 2), lambda i: (i, 0)),
        ],
        out_shape=[
            jax.ShapeDtypeStruct((N, 1), jnp.float32),
            jax.ShapeDtypeStruct((N, D), jnp.float32),
            jax.ShapeDtypeStruct((N, D // 2), jnp.float32),
            jax.ShapeDtypeStruct((N, D // 2), jnp.float32),
        ],
    )(x, dis, gb, aux_w8)
    return outs


def _tc_layer(slab, h, dis, di, W, b, relu):
    N, K = h.shape
    H2 = W.shape[1]
    nb = N // _BN

    def body(s0_r, s1_r, h_r, dis_r, di_r, W_r, b_r, hn_o, hp0_o, hp1_o):
        dis = dis_r[...]
        agg = jnp.concatenate([s0_r[...], s1_r[...]], axis=1) * dis + h_r[...] * di_r[...]
        z = jnp.dot(agg, W_r[...], preferred_element_type=jnp.float32) + b_r[...]
        if relu:
            z = jnp.maximum(z, 0.0)
        hn_o[...] = z
        hp = z * dis
        hp0_o[...] = hp[:, :H2 // 2]
        hp1_o[...] = hp[:, H2 // 2:]

    return pl.pallas_call(
        body,
        grid=(nb,),
        in_specs=[
            pl.BlockSpec((_BN, K // 2), lambda i: (i, 0)),
            pl.BlockSpec((_BN, K // 2), lambda i, _nb=nb: (i + _nb, 0)),
            pl.BlockSpec((_BN, K), lambda i: (i, 0)),
            pl.BlockSpec((_BN, 1), lambda i: (i, 0)),
            pl.BlockSpec((_BN, 1), lambda i: (i, 0)),
            pl.BlockSpec(W.shape, lambda i: (0, 0)),
            pl.BlockSpec(b.shape, lambda i: (0, 0)),
        ],
        out_specs=[
            pl.BlockSpec((_BN, H2), lambda i: (i, 0)),
            pl.BlockSpec((_BN, H2 // 2), lambda i: (i, 0)),
            pl.BlockSpec((_BN, H2 // 2), lambda i: (i, 0)),
        ],
        out_shape=[
            jax.ShapeDtypeStruct((N, H2), jnp.float32),
            jax.ShapeDtypeStruct((N, H2 // 2), jnp.float32),
            jax.ShapeDtypeStruct((N, H2 // 2), jnp.float32),
        ],
    )(slab, slab, h, dis, di, W, b)


def _tc_final(slab, h, dis, di, ndeg, nu2, W3, b3, attW1, attb1,
              attW2, attb2, outW1, outb1, outW2, outb2):
    N, K = h.shape
    nb = N // _BN

    def body(s0_r, s1_r, h_r, dis_r, di_r, nd_r, nu_r, W3_r, b3_r, aW1_r,
             ab1_r, aW2_r, ab2_r, oW1_r, ob1_r, oW2_r, ob2_r, main_o):
        dis = dis_r[...]
        agg = jnp.concatenate([s0_r[...], s1_r[...]], axis=1) * dis + h_r[...] * di_r[...]
        h4 = jnp.dot(agg, W3_r[...], preferred_element_type=jnp.float32) + b3_r[...]
        nu_col = jnp.broadcast_to(nu_r[...], (h4.shape[0], 1))
        ai = jnp.concatenate([h4, nu_col, nd_r[...]], axis=1)
        t = jnp.dot(ai, aW1_r[...], preferred_element_type=jnp.float32) + ab1_r[...]
        t = jnp.maximum(t, 0.0)
        aw = jnp.dot(t, aW2_r[...], preferred_element_type=jnp.float32) + ab2_r[...]
        aw = 1.0 / (1.0 + jnp.exp(-aw))
        att = h4 * aw
        u = jnp.maximum(
            jnp.dot(att, oW1_r[...], preferred_element_type=jnp.float32) + ob1_r[...], 0.0)
        main_o[...] = jnp.dot(u, oW2_r[...], preferred_element_type=jnp.float32) + ob2_r[...]

    full = lambda s: pl.BlockSpec(s, lambda i: (0, 0))
    return pl.pallas_call(
        body,
        grid=(nb,),
        in_specs=[
            pl.BlockSpec((_BN, K // 2), lambda i: (i, 0)),
            pl.BlockSpec((_BN, K // 2), lambda i, _nb=nb: (i + _nb, 0)),
            pl.BlockSpec((_BN, K), lambda i: (i, 0)),
            pl.BlockSpec((_BN, 1), lambda i: (i, 0)),
            pl.BlockSpec((_BN, 1), lambda i: (i, 0)),
            pl.BlockSpec((_BN, 1), lambda i: (i, 0)),
            full((1, 1)),
            full(W3.shape), full(b3.shape),
            full(attW1.shape),
            full(attb1.shape), full(attW2.shape), full(attb2.shape),
            full(outW1.shape), full(outb1.shape), full(outW2.shape), full(outb2.shape),
        ],
        out_specs=[pl.BlockSpec((_BN, 1), lambda i: (i, 0))],
        out_shape=[jax.ShapeDtypeStruct((N, 1), jnp.float32)],
    )(slab, slab, h, dis, di, ndeg, nu2, W3, b3, attW1, attb1,
      attW2, attb2, outW1, outb1, outW2, outb2)[0]


def kernel(x, edge_index, nu, node_degrees, params):
    p = params
    N, D = x.shape
    E = edge_index.shape[1]
    H = p["gcn_W1"].shape[1]
    src = edge_index[0]
    dst = edge_index[1]
    nu2 = nu.reshape(1, 1)
    rows_per_tile = N // NS
    zeros_w = jnp.zeros((rows_per_tile, max(H // 2, 16)), jnp.float32)

    hist = _make_sc_hist(N, E)(dst, zeros_w[:, :16])

    aux_h = jax.nn.relu(nu2 @ p["aux_W1"] + p["aux_b1"])
    aux_w = jax.nn.softmax(aux_h @ p["aux_W2"] + p["aux_b2"], axis=-1)
    aux_w8 = jnp.pad(aux_w, ((0, 0), (0, 3)))
    gb = jax.nn.relu(nu2 @ p["film_W1"] + p["film_b1"]) @ p["film_W2"] + p["film_b2"]
    deg = hist[:N, 0:1] + hist[N:, 0:1] + 1.0
    dis = deg ** -0.5
    di = 1.0 / deg
    ls, filmed, hp0, hp1 = _tc_pre(x, dis, gb, aux_w8)

    s1 = _make_sc_segsum(N, E, D // 2)(hp0, hp1, src, dst, zeros_w[:, :D // 2])
    h2, h2p0, h2p1 = _tc_layer(s1, filmed, dis, di, p["gcn_W1"],
                               p["gcn_b1"].reshape(1, -1), True)
    s2 = _make_sc_segsum(N, E, H // 2)(h2p0, h2p1, src, dst, zeros_w[:, :H // 2])
    h3, h3p0, h3p1 = _tc_layer(s2, h2, dis, di, p["gcn_W2"],
                               p["gcn_b2"].reshape(1, -1), True)
    s3 = _make_sc_segsum(N, E, H // 2)(h3p0, h3p1, src, dst, zeros_w[:, :H // 2])

    main = _tc_final(
        s3, h3, dis, di, node_degrees, nu2,
        p["gcn_W3"], p["gcn_b3"].reshape(1, -1),
        p["att_W1"],
        p["att_b1"].reshape(1, -1), p["att_W2"], p["att_b2"].reshape(1, -1),
        p["out_W1"], p["out_b1"].reshape(1, -1),
        p["out_W2"], p["out_b2"].reshape(1, -1))
    return main, ls

# --- scband reference (transcript-rebuilt; emitter-appended) ---
"""Pipeline reference for scband-enhanced-nu-aware-model-35605278884364 (READ-ONLY COPY).

The authoritative reference and input builder live on the scoring server;
editing this copy changes nothing except your own understanding.
"""

import jax, jax.numpy as jnp
import numpy as np

N, D, E, H = 10000, 128, 320000, 256
NRF = 5

def _glorot(k, shape):
    lim = (6.0 / (shape[0] + shape[1])) ** 0.5
    return jax.random.uniform(k, shape, minval=-lim, maxval=lim, dtype=jnp.float32)

def setup_inputs(seed: int = 0) -> dict:
    key = jax.random.key(seed)
    ks = jax.random.split(key, 20)
    params = {
        "film_W1": _glorot(ks[0], (1, 32)), "film_b1": jnp.zeros((32,), jnp.float32),
        "film_W2": _glorot(ks[1], (32, 2 * D)), "film_b2": jnp.zeros((2 * D,), jnp.float32),
        "aux_W1": _glorot(ks[2], (1, 32)), "aux_b1": jnp.zeros((32,), jnp.float32),
        "aux_W2": _glorot(ks[3], (32, NRF)), "aux_b2": jnp.zeros((NRF,), jnp.float32),
        "gcn_W1": _glorot(ks[4], (D, H)), "gcn_b1": jnp.zeros((H,), jnp.float32),
        "gcn_W2": _glorot(ks[5], (H, H)), "gcn_b2": jnp.zeros((H,), jnp.float32),
        "gcn_W3": _glorot(ks[6], (H, H)), "gcn_b3": jnp.zeros((H,), jnp.float32),
        "att_W1": _glorot(ks[7], (H + 2, H // 2)), "att_b1": jnp.zeros((H // 2,), jnp.float32),
        "att_W2": _glorot(ks[8], (H // 2, 1)), "att_b2": jnp.zeros((1,), jnp.float32),
        "out_W1": _glorot(ks[9], (H, H // 2)), "out_b1": jnp.zeros((H // 2,), jnp.float32),
        "out_W2": _glorot(ks[10], (H // 2, 1)), "out_b2": jnp.zeros((1,), jnp.float32),
    }
    x = jax.random.normal(ks[11], (N, D), dtype=jnp.float32)
    edge_index = jax.random.randint(ks[12], (2, E), 0, N, dtype=jnp.int32)
    nu = jax.random.uniform(ks[13], (1,), dtype=jnp.float32)
    node_degrees = jax.random.uniform(ks[14], (N, 1), dtype=jnp.float32)
    return {"x": x, "edge_index": edge_index, "nu": nu, "node_degrees": node_degrees, "params": params}

def _forward(x, nu, node_degrees, params, edge_index):
    nu_t = nu.reshape(1, 1)
    # auxiliary net: Linear(1,32) -> ReLU -> Linear(32,5) -> Softmax
    aux_h = jax.nn.relu(nu_t @ params["aux_W1"] + params["aux_b1"])
    aux_w = jax.nn.softmax(aux_h @ params["aux_W2"] + params["aux_b2"], axis=-1)
    linear_scores = jnp.sum(aux_w * x[:, :NRF], axis=1, keepdims=True)
    # FiLM conditioning
    gb = jax.nn.relu(nu_t @ params["film_W1"] + params["film_b1"]) @ params["film_W2"] + params["film_b2"]
    gamma, beta = gb[:, :D], gb[:, D:]
    filmed = (1.0 + 0.5 * gamma) * x + 0.3 * beta
    # GCN backbone (3 layers, symmetric-normalized adjacency with self-loops, dropout=eval noop)
    src, dst = edge_index[0], edge_index[1]
    deg = jax.ops.segment_sum(jnp.ones((E,), jnp.float32), dst, num_segments=N) + 1.0
    dis = deg ** -0.5
    di = 1.0 / deg
    coef = dis[src] * dis[dst]
    def gcn(h, W, b):
        agg = jax.ops.segment_sum(h[src] * coef[:, None], dst, num_segments=N) + h * di[:, None]
        return agg @ W + b
    h = jax.nn.relu(gcn(filmed, params["gcn_W1"], params["gcn_b1"]))
    h = jax.nn.relu(gcn(h, params["gcn_W2"], params["gcn_b2"]))
    h = gcn(h, params["gcn_W3"], params["gcn_b3"])
    # nu-attention
    nu_exp = jnp.broadcast_to(nu_t, (N, 1))
    ai = jnp.concatenate([h, nu_exp, node_degrees], axis=1)
    aw = jax.nn.sigmoid(jax.nn.relu(ai @ params["att_W1"] + params["att_b1"]) @ params["att_W2"] + params["att_b2"])
    att = h * aw
    main = jax.nn.relu(att @ params["out_W1"] + params["out_b1"]) @ params["out_W2"] + params["out_b2"]
    return main, linear_scores

def reference(x, edge_index, nu, node_degrees, params):
    return _forward(x, nu, node_degrees, params, edge_index)

if __name__ == "__main__":
    import jax
    _d = setup_inputs()
    print(jax.jit(kernel)(*tuple(_d.values())))

</pallas_src>

<mosaic_0001>
#map = affine_map<(d0, d1) -> (0)>
#map1 = affine_map<(d0, d1) -> (0, 0)>
module attributes {stable_mosaic.version = 14 : i64} {
  func.func @k(%arg0: i32, %arg1: i32, %arg2: memref<320000xi32, #tpu.memory_space<hbm>>, %arg3: memref<625x16xf32, #tpu.memory_space<hbm>>, %arg4: memref<20000x16xf32, #tpu.memory_space<hbm>>, %arg5: memref<128xi32, #tpu.memory_space<vmem>>, %arg6: memref<16xi32, #tpu.memory_space<vmem>>, %arg7: memref<128x16xf32, #tpu.memory_space<vmem>>, %arg8: memref<625x16xf32, #tpu.memory_space<vmem>>, %arg9: memref<10000x16xf32, #tpu.memory_space<vmem_shared>>) attributes {dimension_semantics = [#tpu.dimension_semantics<core_parallel>, #tpu.dimension_semantics<subcore_parallel>], iteration_bounds = array<i64: 2, 16>, scalar_prefetch = 0 : i64, scratch_operands = 5 : i64, tpu.core_type = #tpu.core_type<sc_vector_subcore>, window_params = [{transform_indices = #map}, {transform_indices = #map1}, {transform_indices = #map1}]} {
    %mul3A = arith.constant 2 : i32
    %mul3A_0 = arith.muli %arg1, %mul3A : i32
    %add3A = arith.addi %mul3A_0, %arg0 : i32
    %mul3A_1 = arith.constant 625 : i32
    %mul3A_2 = arith.muli %arg1, %mul3A_1 : i32
    %iota3A = tpu.iota {dimensions = array<i32: 0>} : vector<16xi32>
    %eq3A = arith.constant 0 : i32
    %eq3A_3 = vector.broadcast %eq3A : i32 to vector<16xi32>
    %eq3A_4 = arith.cmpi eq, %iota3A, %eq3A_3 : vector<16xi32>
    %jit3A = arith.constant 1.000000e+00 : f32
    %jit3A_5 = arith.constant 0.000000e+00 : f32
    %broadcast_in_dim3A = vector.broadcast %jit3A : f32 to vector<16xf32>
    %broadcast_in_dim3A_6 = vector.broadcast %jit3A_5 : f32 to vector<16xf32>
    %select_n3A = arith.select %eq3A_4, %broadcast_in_dim3A, %broadcast_in_dim3A_6 : vector<16xi1>, vector<16xf32>
    %scan3A = arith.constant 0 : i32
    %scan3A_7 = arith.constant 0 : i32
    %scan3A_8 = arith.constant 128 : i32
    %scan3A_9 = arith.addi %scan3A_7, %scan3A_8 : i32
    %scan3A_10 = arith.constant 1 : i32
    scf.for %scan3A_26 = %scan3A_7 to %scan3A_9 step %scan3A_10  : i32 {
      %swap3A = arith.index_cast %scan3A_26 : i32 to index
      %swap3A_27 = arith.constant 0 : index
      %swap3A_28 = tpu.vector_load %arg7[%swap3A, %swap3A_27] {strides = array<i32>} : memref<128x16xf32, #tpu.memory_space<vmem>>, vector<1x16xf32>,
      %swap3A_29 = vector.shape_cast %swap3A_28 : vector<1x16xf32> to vector<16xf32>
      %swap3A_30 = vector.shape_cast %select_n3A : vector<16xf32> to vector<1x16xf32>
      tpu.vector_store %arg7[%swap3A, %swap3A_27], %swap3A_30 {strides = array<i32>} : memref<128x16xf32, #tpu.memory_space<vmem>>, vector<1x16xf32>,
    }
    %scan3A_11 = arith.constant 128 : i32
    "tpu.region"() ({
      %run_scoped3A = tpu.sem_alloc : memref<!tpu.dma_semaphore, #tpu.memory_space<semaphore_mem>>
      %dma_start3A = arith.constant 0 : i32
      %dma_start3A_26 = tpu.memref_slice %arg9[%mul3A_2, %dma_start3A] : memref<10000x16xf32, #tpu.memory_space<vmem_shared>> -> memref<625x16xf32, #tpu.memory_space<vmem_shared>>
      tpu.enqueue_dma source(%arg3 : memref<625x16xf32, #tpu.memory_space<hbm>>) target(%dma_start3A_26 : memref<625x16xf32, #tpu.memory_space<vmem_shared>>) target_semaphore(%run_scoped3A : memref<!tpu.dma_semaphore, #tpu.memory_space<semaphore_mem>>)
      %dma_wait3A = arith.constant 0 : i32
      %dma_wait3A_27 = tpu.memref_slice %arg9[%mul3A_2, %dma_wait3A] : memref<10000x16xf32, #tpu.memory_space<vmem_shared>> -> memref<625x16xf32, #tpu.memory_space<vmem_shared>>
      tpu.wait_dma2 semaphore(%run_scoped3A : memref<!tpu.dma_semaphore, #tpu.memory_space<semaphore_mem>>) src(%arg3 : memref<625x16xf32, #tpu.memory_space<hbm>>) dst(%dma_wait3A_27 : memref<625x16xf32, #tpu.memory_space<vmem_shared>>)
      tpu.yield
    }) : () -> ()
    %barrier3A = arith.constant 0 : index
    tpu.barrier barrier_id(%barrier3A)
    %mul3A_12 = arith.constant 10000 : i32
    %mul3A_13 = arith.muli %add3A, %mul3A_12 : i32
    %scan3A_14 = arith.constant 0 : i32
    %scan3A_15 = arith.constant 0 : i32
    %scan3A_16 = arith.constant 78 : i32
    %scan3A_17 = arith.addi %scan3A_15, %scan3A_16 : i32
    %scan3A_18 = arith.constant 1 : i32
    scf.for %scan3A_26 = %scan3A_15 to %scan3A_17 step %scan3A_18  : i32 {
      %mul3A_27 = arith.constant 128 : i32
      %mul3A_28 = arith.muli %scan3A_26, %mul3A_27 : i32
      %add3A_29 = arith.addi %mul3A_13, %mul3A_28 : i32
      "tpu.region"() ({
        %run_scoped3A = tpu.sem_alloc : memref<!tpu.dma_semaphore, #tpu.memory_space<semaphore_mem>>
        %dma_start3A = tpu.memref_slice %arg2[%add3A_29] : memref<320000xi32, #tpu.memory_space<hbm>> -> memref<128xi32, #tpu.memory_space<hbm>>
        %dma_start3A_30 = tpu.memref_slice %arg2[%add3A_29] : memref<320000xi32, #tpu.memory_space<hbm>> -> memref<128xi32, #tpu.memory_space<hbm>>
        tpu.enqueue_dma source(%dma_start3A_30 : memref<128xi32, #tpu.memory_space<hbm>>) target(%arg5 : memref<128xi32, #tpu.memory_space<vmem>>) target_semaphore(%run_scoped3A : memref<!tpu.dma_semaphore, #tpu.memory_space<semaphore_mem>>)
        %dma_wait3A = tpu.memref_slice %arg2[%add3A_29] : memref<320000xi32, #tpu.memory_space<hbm>> -> memref<128xi32, #tpu.memory_space<hbm>>
        %dma_wait3A_31 = tpu.memref_slice %arg2[%add3A_29] : memref<320000xi32, #tpu.memory_space<hbm>> -> memref<128xi32, #tpu.memory_space<hbm>>
        tpu.wait_dma2 semaphore(%run_scoped3A : memref<!tpu.dma_semaphore, #tpu.memory_space<semaphore_mem>>) src(%dma_wait3A_31 : memref<128xi32, #tpu.memory_space<hbm>>) dst(%arg5 : memref<128xi32, #tpu.memory_space<vmem>>)
        tpu.yield
      }) : () -> ()
      "tpu.region"() ({
        %run_scoped3A = tpu.sem_alloc : memref<!tpu.dma_semaphore, #tpu.memory_space<semaphore_mem>>
        %dma_start3A = arith.constant 0 : i32
        %dma_start3A_30 = arith.constant 0 : i32
        %dma_start3A_31 = tpu.memref_slice %arg9[%dma_start3A, %dma_start3A_30] : memref<10000x16xf32, #tpu.memory_space<vmem_shared>> -> memref<10000x16xf32, #tpu.memory_space<vmem_shared>>
        tpu.enqueue_indirect_dma source(%arg7 : memref<128x16xf32, #tpu.memory_space<vmem>>) target(%dma_start3A_31 : memref<10000x16xf32, #tpu.memory_space<vmem_shared>>) offsets(%arg5 : memref<128xi32, #tpu.memory_space<vmem>>) semaphore(%run_scoped3A : memref<!tpu.dma_semaphore, #tpu.memory_space<semaphore_mem>>) {add = true}
        %dma_wait3A = arith.constant 0 : i32
        %dma_wait3A_32 = arith.constant 0 : i32
        %dma_wait3A_33 = tpu.memref_slice %arg9[%dma_wait3A, %dma_wait3A_32] : memref<10000x16xf32, #tpu.memory_space<vmem_shared>> -> memref<10000x16xf32, #tpu.memory_space<vmem_shared>>
        tpu.wait_indirect_dma semaphore(%run_scoped3A : memref<!tpu.dma_semaphore, #tpu.memory_space<semaphore_mem>>) src(%arg7 : memref<128x16xf32, #tpu.memory_space<vmem>>) dst(%dma_wait3A_33 : memref<10000x16xf32, #tpu.memory_space<vmem_shared>>)
        tpu.yield
      }) : () -> ()
    }
    %scan3A_19 = arith.constant 78 : i32
    %add3A_20 = arith.constant 9984 : i32
    %add3A_21 = arith.addi %mul3A_13, %add3A_20 : i32
    "tpu.region"() ({
      %run_scoped3A = tpu.sem_alloc : memref<!tpu.dma_semaphore, #tpu.memory_space<semaphore_mem>>
      %dma_start3A = tpu.memref_slice %arg2[%add3A_21] : memref<320000xi32, #tpu.memory_space<hbm>> -> memref<16xi32, #tpu.memory_space<hbm>>
      %dma_start3A_26 = tpu.memref_slice %arg2[%add3A_21] : memref<320000xi32, #tpu.memory_space<hbm>> -> memref<16xi32, #tpu.memory_space<hbm>>
      tpu.enqueue_dma source(%dma_start3A_26 : memref<16xi32, #tpu.memory_space<hbm>>) target(%arg6 : memref<16xi32, #tpu.memory_space<vmem>>) target_semaphore(%run_scoped3A : memref<!tpu.dma_semaphore, #tpu.memory_space<semaphore_mem>>)
      %dma_wait3A = tpu.memref_slice %arg2[%add3A_21] : memref<320000xi32, #tpu.memory_space<hbm>> -> memref<16xi32, #tpu.memory_space<hbm>>
      %dma_wait3A_27 = tpu.memref_slice %arg2[%add3A_21] : memref<320000xi32, #tpu.memory_space<hbm>> -> memref<16xi32, #tpu.memory_space<hbm>>
      tpu.wait_dma2 semaphore(%run_scoped3A : memref<!tpu.dma_semaphore, #tpu.memory_space<semaphore_mem>>) src(%dma_wait3A_27 : memref<16xi32, #tpu.memory_space<hbm>>) dst(%arg6 : memref<16xi32, #tpu.memory_space<vmem>>)
      tpu.yield
    }) : () -> ()
    "tpu.region"() ({
      %run_scoped3A = tpu.sem_alloc : memref<!tpu.dma_semaphore, #tpu.memory_space<semaphore_mem>>
      %dma_start3A = arith.constant 0 : i32
      %dma_start3A_26 = arith.constant 0 : i32
      %dma_start3A_27 = tpu.memref_slice %arg7[%dma_start3A, %dma_start3A_26] : memref<128x16xf32, #tpu.memory_space<vmem>> -> memref<16x16xf32, #tpu.memory_space<vmem>>
      %dma_start3A_28 = arith.constant 0 : i32
      %dma_start3A_29 = arith.constant 0 : i32
      %dma_start3A_30 = tpu.memref_slice %arg9[%dma_start3A_28, %dma_start3A_29] : memref<10000x16xf32, #tpu.memory_space<vmem_shared>> -> memref<10000x16xf32, #tpu.memory_space<vmem_shared>>
      tpu.enqueue_indirect_dma source(%dma_start3A_27 : memref<16x16xf32, #tpu.memory_space<vmem>>) target(%dma_start3A_30 : memref<10000x16xf32, #tpu.memory_space<vmem_shared>>) offsets(%arg6 : memref<16xi32, #tpu.memory_space<vmem>>) semaphore(%run_scoped3A : memref<!tpu.dma_semaphore, #tpu.memory_space<semaphore_mem>>) {add = true}
      %dma_wait3A = arith.constant 0 : i32
      %dma_wait3A_31 = arith.constant 0 : i32
      %dma_wait3A_32 = tpu.memref_slice %arg7[%dma_wait3A, %dma_wait3A_31] : memref<128x16xf32, #tpu.memory_space<vmem>> -> memref<16x16xf32, #tpu.memory_space<vmem>>
      %dma_wait3A_33 = arith.constant 0 : i32
      %dma_wait3A_34 = arith.constant 0 : i32
      %dma_wait3A_35 = tpu.memref_slice %arg9[%dma_wait3A_33, %dma_wait3A_34] : memref<10000x16xf32, #tpu.memory_space<vmem_shared>> -> memref<10000x16xf32, #tpu.memory_space<vmem_shared>>
      tpu.wait_indirect_dma semaphore(%run_scoped3A : memref<!tpu.dma_semaphore, #tpu.memory_space<semaphore_mem>>) src(%dma_wait3A_32 : memref<16x16xf32, #tpu.memory_space<vmem>>) dst(%dma_wait3A_35 : memref<10000x16xf32, #tpu.memory_space<vmem_shared>>)
      tpu.yield
    }) : () -> ()
    %barrier3A_22 = arith.constant 0 : index
    tpu.barrier barrier_id(%barrier3A_22)
    "tpu.region"() ({
      %run_scoped3A = tpu.sem_alloc : memref<!tpu.dma_semaphore, #tpu.memory_space<semaphore_mem>>
      %dma_start3A = arith.constant 0 : i32
      %dma_start3A_26 = tpu.memref_slice %arg9[%mul3A_2, %dma_start3A] : memref<10000x16xf32, #tpu.memory_space<vmem_shared>> -> memref<625x16xf32, #tpu.memory_space<vmem_shared>>
      %dma_start3A_27 = arith.constant 0 : i32
      %dma_start3A_28 = tpu.memref_slice %arg9[%mul3A_2, %dma_start3A_27] : memref<10000x16xf32, #tpu.memory_space<vmem_shared>> -> memref<625x16xf32, #tpu.memory_space<vmem_shared>>
      tpu.enqueue_dma source(%dma_start3A_28 : memref<625x16xf32, #tpu.memory_space<vmem_shared>>) target(%arg8 : memref<625x16xf32, #tpu.memory_space<vmem>>) target_semaphore(%run_scoped3A : memref<!tpu.dma_semaphore, #tpu.memory_space<semaphore_mem>>)
      %dma_wait3A = arith.constant 0 : i32
      %dma_wait3A_29 = tpu.memref_slice %arg9[%mul3A_2, %dma_wait3A] : memref<10000x16xf32, #tpu.memory_space<vmem_shared>> -> memref<625x16xf32, #tpu.memory_space<vmem_shared>>
      %dma_wait3A_30 = arith.constant 0 : i32
      %dma_wait3A_31 = tpu.memref_slice %arg9[%mul3A_2, %dma_wait3A_30] : memref<10000x16xf32, #tpu.memory_space<vmem_shared>> -> memref<625x16xf32, #tpu.memory_space<vmem_shared>>
      tpu.wait_dma2 semaphore(%run_scoped3A : memref<!tpu.dma_semaphore, #tpu.memory_space<semaphore_mem>>) src(%dma_wait3A_31 : memref<625x16xf32, #tpu.memory_space<vmem_shared>>) dst(%arg8 : memref<625x16xf32, #tpu.memory_space<vmem>>)
      tpu.yield
    }) : () -> ()
    %mul3A_23 = arith.constant 10000 : i32
    %mul3A_24 = arith.muli %arg0, %mul3A_23 : i32
    %add3A_25 = arith.addi %mul3A_24, %mul3A_2 : i32
    "tpu.region"() ({
      %run_scoped3A = tpu.sem_alloc : memref<!tpu.dma_semaphore, #tpu.memory_space<semaphore_mem>>
      %dma_start3A = arith.constant 0 : i32
      %dma_start3A_26 = tpu.memref_slice %arg4[%add3A_25, %dma_start3A] : memref<20000x16xf32, #tpu.memory_space<hbm>> -> memref<625x16xf32, #tpu.memory_space<hbm>>
      %dma_start3A_27 = arith.constant 0 : i32
      %dma_start3A_28 = tpu.memref_slice %arg4[%add3A_25, %dma_start3A_27] : memref<20000x16xf32, #tpu.memory_space<hbm>> -> memref<625x16xf32, #tpu.memory_space<hbm>>
      tpu.enqueue_dma source(%arg8 : memref<625x16xf32, #tpu.memory_space<vmem>>) target(%dma_start3A_28 : memref<625x16xf32, #tpu.memory_space<hbm>>) target_semaphore(%run_scoped3A : memref<!tpu.dma_semaphore, #tpu.memory_space<semaphore_mem>>)
      %dma_wait3A = arith.constant 0 : i32
      %dma_wait3A_29 = tpu.memref_slice %arg4[%add3A_25, %dma_wait3A] : memref<20000x16xf32, #tpu.memory_space<hbm>> -> memref<625x16xf32, #tpu.memory_space<hbm>>
      %dma_wait3A_30 = arith.constant 0 : i32
      %dma_wait3A_31 = tpu.memref_slice %arg4[%add3A_25, %dma_wait3A_30] : memref<20000x16xf32, #tpu.memory_space<hbm>> -> memref<625x16xf32, #tpu.memory_space<hbm>>
      tpu.wait_dma2 semaphore(%run_scoped3A : memref<!tpu.dma_semaphore, #tpu.memory_space<semaphore_mem>>) src(%arg8 : memref<625x16xf32, #tpu.memory_space<vmem>>) dst(%dma_wait3A_31 : memref<625x16xf32, #tpu.memory_space<hbm>>)
      tpu.yield
    }) : () -> ()
    return
  }
}

#map = affine_map<(d0, d1) -> (0, 0)>
#map1 = affine_map<(d0, d1) -> (0)>
module attributes {stable_mosaic.version = 14 : i64} {
  func.func @k(%arg0: i32, %arg1: i32, %arg2: memref<10000x128xf32, #tpu.memory_space<hbm>>, %arg3: memref<10000x128xf32, #tpu.memory_space<hbm>>, %arg4: memref<320000xi32, #tpu.memory_space<hbm>>, %arg5: memref<320000xi32, #tpu.memory_space<hbm>>, %arg6: memref<625x128xf32, #tpu.memory_space<hbm>>, %arg7: memref<20000x128xf32, #tpu.memory_space<hbm>>, %arg8: memref<128xi32, #tpu.memory_space<vmem>>, %arg9: memref<128xi32, #tpu.memory_space<vmem>>, %arg10: memref<128xi32, #tpu.memory_space<vmem>>, %arg11: memref<128xi32, #tpu.memory_space<vmem>>, %arg12: memref<128xi32, #tpu.memory_space<vmem>>, %arg13: memref<128xi32, #tpu.memory_space<vmem>>, %arg14: memref<128xi32, #tpu.memory_space<vmem>>, %arg15: memref<128xi32, #tpu.memory_space<vmem>>, %arg16: memref<32xi32, #tpu.memory_space<vmem>>, %arg17: memref<32xi32, #tpu.memory_space<vmem>>, %arg18: memref<128x128xf32, #tpu.memory_space<vmem>>, %arg19: memref<128x128xf32, #tpu.memory_space<vmem>>, %arg20: memref<32x128xf32, #tpu.memory_space<vmem>>, %arg21: memref<10000x128xf32, #tpu.memory_space<vmem_shared>>, %arg22: memref<!tpu.dma_semaphore, #tpu.memory_space<semaphore_mem>>, %arg23: memref<!tpu.dma_semaphore, #tpu.memory_space<semaphore_mem>>, %arg24: memref<!tpu.dma_semaphore, #tpu.memory_space<semaphore_mem>>, %arg25: memref<!tpu.dma_semaphore, #tpu.memory_space<semaphore_mem>>, %arg26: memref<!tpu.dma_semaphore, #tpu.memory_space<semaphore_mem>>, %arg27: memref<!tpu.dma_semaphore, #tpu.memory_space<semaphore_mem>>, %arg28: memref<!tpu.dma_semaphore, #tpu.memory_space<semaphore_mem>>, %arg29: memref<!tpu.dma_semaphore, #tpu.memory_space<semaphore_mem>>, %arg30: memref<!tpu.dma_semaphore, #tpu.memory_space<semaphore_mem>>) attributes {dimension_semantics = [#tpu.dimension_semantics<core_parallel>, #tpu.dimension_semantics<subcore_parallel>], iteration_bounds = array<i64: 2, 16>, scalar_prefetch = 0 : i64, scratch_operands = 23 : i64, tpu.core_type = #tpu.core_type<sc_vector_subcore>, window_params = [{transform_indices = #map}, {transform_indices = #map}, {transform_indices = #map1}, {transform_indices = #map1}, {transform_indices = #map}, {transform_indices = #map}]} {
    %mul3A = arith.constant 625 : i32
    %mul3A_0 = arith.muli %arg1, %mul3A : i32
    "tpu.region"() ({
      %run_scoped3A = tpu.sem_alloc : memref<!tpu.dma_semaphore, #tpu.memory_space<semaphore_mem>>
      %dma_start3A_170 = arith.constant 0 : i32
      %dma_start3A_171 = tpu.memref_slice %arg21[%mul3A_0, %dma_start3A_170] : memref<10000x128xf32, #tpu.memory_space<vmem_shared>> -> memref<625x128xf32, #tpu.memory_space<vmem_shared>>
      tpu.enqueue_dma source(%arg6 : memref<625x128xf32, #tpu.memory_space<hbm>>) target(%dma_start3A_171 : memref<625x128xf32, #tpu.memory_space<vmem_shared>>) target_semaphore(%run_scoped3A : memref<!tpu.dma_semaphore, #tpu.memory_space<semaphore_mem>>)
      %dma_wait3A_172 = arith.constant 0 : i32
      %dma_wait3A_173 = tpu.memref_slice %arg21[%mul3A_0, %dma_wait3A_172] : memref<10000x128xf32, #tpu.memory_space<vmem_shared>> -> memref<625x128xf32, #tpu.memory_space<vmem_shared>>
      tpu.wait_dma2 semaphore(%run_scoped3A : memref<!tpu.dma_semaphore, #tpu.memory_space<semaphore_mem>>) src(%arg6 : memref<625x128xf32, #tpu.memory_space<hbm>>) dst(%dma_wait3A_173 : memref<625x128xf32, #tpu.memory_space<vmem_shared>>)
      tpu.yield
    }) : () -> ()
    %barrier3A = arith.constant 0 : index
    tpu.barrier barrier_id(%barrier3A)
    %mul3A_1 = arith.constant 20000 : i32
    %mul3A_2 = arith.muli %arg1, %mul3A_1 : i32
    %add3A = arith.constant 0 : i32
    %add3A_3 = arith.addi %mul3A_2, %add3A : i32
    %dma_start3A = tpu.memref_slice %arg4[%add3A_3] : memref<320000xi32, #tpu.memory_space<hbm>> -> memref<128xi32, #tpu.memory_space<hbm>>
    %dma_start3A_4 = tpu.memref_slice %arg4[%add3A_3] : memref<320000xi32, #tpu.memory_space<hbm>> -> memref<128xi32, #tpu.memory_space<hbm>>
    tpu.enqueue_dma source(%dma_start3A_4 : memref<128xi32, #tpu.memory_space<hbm>>) target(%arg8 : memref<128xi32, #tpu.memory_space<vmem>>) target_semaphore(%arg22 : memref<!tpu.dma_semaphore, #tpu.memory_space<semaphore_mem>>)
    %dma_start3A_5 = tpu.memref_slice %arg5[%add3A_3] : memref<320000xi32, #tpu.memory_space<hbm>> -> memref<128xi32, #tpu.memory_space<hbm>>
    %dma_start3A_6 = tpu.memref_slice %arg5[%add3A_3] : memref<320000xi32, #tpu.memory_space<hbm>> -> memref<128xi32, #tpu.memory_space<hbm>>
    tpu.enqueue_dma source(%dma_start3A_6 : memref<128xi32, #tpu.memory_space<hbm>>) target(%arg12 : memref<128xi32, #tpu.memory_space<vmem>>) target_semaphore(%arg22 : memref<!tpu.dma_semaphore, #tpu.memory_space<semaphore_mem>>)
    %add3A_7 = arith.constant 128 : i32
    %add3A_8 = arith.addi %mul3A_2, %add3A_7 : i32
    %dma_start3A_9 = tpu.memref_slice %arg4[%add3A_8] : memref<320000xi32, #tpu.memory_space<hbm>> -> memref<128xi32, #tpu.memory_space<hbm>>
    %dma_start3A_10 = tpu.memref_slice %arg4[%add3A_8] : memref<320000xi32, #tpu.memory_space<hbm>> -> memref<128xi32, #tpu.memory_space<hbm>>
    tpu.enqueue_dma source(%dma_start3A_10 : memref<128xi32, #tpu.memory_space<hbm>>) target(%arg9 : memref<128xi32, #tpu.memory_space<vmem>>) target_semaphore(%arg23 : memref<!tpu.dma_semaphore, #tpu.memory_space<semaphore_mem>>)
    %dma_start3A_11 = tpu.memref_slice %arg5[%add3A_8] : memref<320000xi32, #tpu.memory_space<hbm>> -> memref<128xi32, #tpu.memory_space<hbm>>
    %dma_start3A_12 = tpu.memref_slice %arg5[%add3A_8] : memref<320000xi32, #tpu.memory_space<hbm>> -> memref<128xi32, #tpu.memory_space<hbm>>
    tpu.enqueue_dma source(%dma_start3A_12 : memref<128xi32, #tpu.memory_space<hbm>>) target(%arg13 : memref<128xi32, #tpu.memory_space<vmem>>) target_semaphore(%arg23 : memref<!tpu.dma_semaphore, #tpu.memory_space<semaphore_mem>>)
    %add3A_13 = arith.constant 0 : i32
    %add3A_14 = arith.addi %mul3A_2, %add3A_13 : i32
    %dma_wait3A = tpu.memref_slice %arg4[%add3A_14] : memref<320000xi32, #tpu.memory_space<hbm>> -> memref<128xi32, #tpu.memory_space<hbm>>
    %dma_wait3A_15 = tpu.memref_slice %arg4[%add3A_14] : memref<320000xi32, #tpu.memory_space<hbm>> -> memref<128xi32, #tpu.memory_space<hbm>>
    tpu.wait_dma2 semaphore(%arg22 : memref<!tpu.dma_semaphore, #tpu.memory_space<semaphore_mem>>) src(%dma_wait3A_15 : memref<128xi32, #tpu.memory_space<hbm>>) dst(%arg8 : memref<128xi32, #tpu.memory_space<vmem>>)
    %dma_wait3A_16 = tpu.memref_slice %arg5[%add3A_14] : memref<320000xi32, #tpu.memory_space<hbm>> -> memref<128xi32, #tpu.memory_space<hbm>>
    %dma_wait3A_17 = tpu.memref_slice %arg5[%add3A_14] : memref<320000xi32, #tpu.memory_space<hbm>> -> memref<128xi32, #tpu.memory_space<hbm>>
    tpu.wait_dma2 semaphore(%arg22 : memref<!tpu.dma_semaphore, #tpu.memory_space<semaphore_mem>>) src(%dma_wait3A_17 : memref<128xi32, #tpu.memory_space<hbm>>) dst(%arg12 : memref<128xi32, #tpu.memory_space<vmem>>)
    %eq3A = arith.constant 0 : i32
    %eq3A_18 = arith.cmpi eq, %arg0, %eq3A : i32
    %convert_element_type3A = arith.extui %eq3A_18 : i1 to i32
    %cond3A = arith.constant 0 : i32
    %cond3A_19 = arith.cmpi ne, %convert_element_type3A, %cond3A : i32
    scf.if %cond3A_19 {
      %dma_start3A_170 = arith.constant 0 : i32
      %dma_start3A_171 = arith.constant 0 : i32
      %dma_start3A_172 = tpu.memref_slice %arg2[%dma_start3A_170, %dma_start3A_171] : memref<10000x128xf32, #tpu.memory_space<hbm>> -> memref<10000x128xf32, #tpu.memory_space<hbm>>
      tpu.enqueue_indirect_dma source(%dma_start3A_172 : memref<10000x128xf32, #tpu.memory_space<hbm>>) target(%arg18 : memref<128x128xf32, #tpu.memory_space<vmem>>) offsets(%arg8 : memref<128xi32, #tpu.memory_space<vmem>>) semaphore(%arg26 : memref<!tpu.dma_semaphore, #tpu.memory_space<semaphore_mem>>)
    } else {
    }
    %eq3A_20 = arith.constant 1 : i32
    %eq3A_21 = arith.cmpi eq, %arg0, %eq3A_20 : i32
    %convert_element_type3A_22 = arith.extui %eq3A_21 : i1 to i32
    %cond3A_23 = arith.constant 0 : i32
    %cond3A_24 = arith.cmpi ne, %convert_element_type3A_22, %cond3A_23 : i32
    scf.if %cond3A_24 {
      %dma_start3A_170 = arith.constant 0 : i32
      %dma_start3A_171 = arith.constant 0 : i32
      %dma_start3A_172 = tpu.memref_slice %arg3[%dma_start3A_170, %dma_start3A_171] : memref<10000x128xf32, #tpu.memory_space<hbm>> -> memref<10000x128xf32, #tpu.memory_space<hbm>>
      tpu.enqueue_indirect_dma source(%dma_start3A_172 : memref<10000x128xf32, #tpu.memory_space<hbm>>) target(%arg18 : memref<128x128xf32, #tpu.memory_space<vmem>>) offsets(%arg8 : memref<128xi32, #tpu.memory_space<vmem>>) semaphore(%arg26 : memref<!tpu.dma_semaphore, #tpu.memory_space<semaphore_mem>>)
    } else {
    }
    %add3A_25 = arith.constant 256 : i32
    %add3A_26 = arith.addi %mul3A_2, %add3A_25 : i32
    %dma_start3A_27 = tpu.memref_slice %arg4[%add3A_26] : memref<320000xi32, #tpu.memory_space<hbm>> -> memref<128xi32, #tpu.memory_space<hbm>>
    %dma_start3A_28 = tpu.memref_slice %arg4[%add3A_26] : memref<320000xi32, #tpu.memory_space<hbm>> -> memref<128xi32, #tpu.memory_space<hbm>>
    tpu.enqueue_dma source(%dma_start3A_28 : memref<128xi32, #tpu.memory_space<hbm>>) target(%arg10 : memref<128xi32, #tpu.memory_space<vmem>>) target_semaphore(%arg24 : memref<!tpu.dma_semaphore, #tpu.memory_space<semaphore_mem>>)
    %dma_start3A_29 = tpu.memref_slice %arg5[%add3A_26] : memref<320000xi32, #tpu.memory_space<hbm>> -> memref<128xi32, #tpu.memory_space<hbm>>
    %dma_start3A_30 = tpu.memref_slice %arg5[%add3A_26] : memref<320000xi32, #tpu.memory_space<hbm>> -> memref<128xi32, #tpu.memory_space<hbm>>
    tpu.enqueue_dma source(%dma_start3A_30 : memref<128xi32, #tpu.memory_space<hbm>>) target(%arg14 : memref<128xi32, #tpu.memory_space<vmem>>) target_semaphore(%arg24 : memref<!tpu.dma_semaphore, #tpu.memory_space<semaphore_mem>>)
    %eq3A_31 = arith.constant 0 : i32
    %eq3A_32 = arith.cmpi eq, %arg0, %eq3A_31 : i32
    %convert_element_type3A_33 = arith.extui %eq3A_32 : i1 to i32
    %cond3A_34 = arith.constant 0 : i32
    %cond3A_35 = arith.cmpi ne, %convert_element_type3A_33, %cond3A_34 : i32
    scf.if %cond3A_35 {
      %dma_wait3A_170 = arith.constant 0 : i32
      %dma_wait3A_171 = arith.constant 0 : i32
      %dma_wait3A_172 = tpu.memref_slice %arg2[%dma_wait3A_170, %dma_wait3A_171] : memref<10000x128xf32, #tpu.memory_space<hbm>> -> memref<10000x128xf32, #tpu.memory_space<hbm>>
      tpu.wait_indirect_dma semaphore(%arg26 : memref<!tpu.dma_semaphore, #tpu.memory_space<semaphore_mem>>) src(%dma_wait3A_172 : memref<10000x128xf32, #tpu.memory_space<hbm>>) dst(%arg18 : memref<128x128xf32, #tpu.memory_space<vmem>>)
    } else {
    }
    %eq3A_36 = arith.constant 1 : i32
    %eq3A_37 = arith.cmpi eq, %arg0, %eq3A_36 : i32
    %convert_element_type3A_38 = arith.extui %eq3A_37 : i1 to i32
    %cond3A_39 = arith.constant 0 : i32
    %cond3A_40 = arith.cmpi ne, %convert_element_type3A_38, %cond3A_39 : i32
    scf.if %cond3A_40 {
      %dma_wait3A_170 = arith.constant 0 : i32
      %dma_wait3A_171 = arith.constant 0 : i32
      %dma_wait3A_172 = tpu.memref_slice %arg3[%dma_wait3A_170, %dma_wait3A_171] : memref<10000x128xf32, #tpu.memory_space<hbm>> -> memref<10000x128xf32, #tpu.memory_space<hbm>>
      tpu.wait_indirect_dma semaphore(%arg26 : memref<!tpu.dma_semaphore, #tpu.memory_space<semaphore_mem>>) src(%dma_wait3A_172 : memref<10000x128xf32, #tpu.memory_space<hbm>>) dst(%arg18 : memref<128x128xf32, #tpu.memory_space<vmem>>)
    } else {
    }
    %dma_start3A_41 = arith.constant 0 : i32
    %dma_start3A_42 = arith.constant 0 : i32
    %dma_start3A_43 = tpu.memref_slice %arg21[%dma_start3A_41, %dma_start3A_42] : memref<10000x128xf32, #tpu.memory_space<vmem_shared>> -> memref<10000x128xf32, #tpu.memory_space<vmem_shared>>
    tpu.enqueue_indirect_dma source(%arg18 : memref<128x128xf32, #tpu.memory_space<vmem>>) target(%dma_start3A_43 : memref<10000x128xf32, #tpu.memory_space<vmem_shared>>) offsets(%arg12 : memref<128xi32, #tpu.memory_space<vmem>>) semaphore(%arg28 : memref<!tpu.dma_semaphore, #tpu.memory_space<semaphore_mem>>) {add = true}
    %add3A_44 = arith.constant 128 : i32
    %add3A_45 = arith.addi %mul3A_2, %add3A_44 : i32
    %dma_wait3A_46 = tpu.memref_slice %arg4[%add3A_45] : memref<320000xi32, #tpu.memory_space<hbm>> -> memref<128xi32, #tpu.memory_space<hbm>>
    %dma_wait3A_47 = tpu.memref_slice %arg4[%add3A_45] : memref<320000xi32, #tpu.memory_space<hbm>> -> memref<128xi32, #tpu.memory_space<hbm>>
    tpu.wait_dma2 semaphore(%arg23 : memref<!tpu.dma_semaphore, #tpu.memory_space<semaphore_mem>>) src(%dma_wait3A_47 : memref<128xi32, #tpu.memory_space<hbm>>) dst(%arg9 : memref<128xi32, #tpu.memory_space<vmem>>)
    %dma_wait3A_48 = tpu.memref_slice %arg5[%add3A_45] : memref<320000xi32, #tpu.memory_space<hbm>> -> memref<128xi32, #tpu.memory_space<hbm>>
    %dma_wait3A_49 = tpu.memref_slice %arg5[%add3A_45] : memref<320000xi32, #tpu.memory_space<hbm>> -> memref<128xi32, #tpu.memory_space<hbm>>
    tpu.wait_dma2 semaphore(%arg23 : memref<!tpu.dma_semaphore, #tpu.memory_space<semaphore_mem>>) src(%dma_wait3A_49 : memref<128xi32, #tpu.memory_space<hbm>>) dst(%arg13 : memref<128xi32, #tpu.memory_space<vmem>>)
    %eq3A_50 = arith.constant 0 : i32
    %eq3A_51 = arith.cmpi eq, %arg0, %eq3A_50 : i32
    %convert_element_type3A_52 = arith.extui %eq3A_51 : i1 to i32
    %cond3A_53 = arith.constant 0 : i32
    %cond3A_54 = arith.cmpi ne, %convert_element_type3A_52, %cond3A_53 : i32
    scf.if %cond3A_54 {
      %dma_start3A_170 = arith.constant 0 : i32
      %dma_start3A_171 = arith.constant 0 : i32
      %dma_start3A_172 = tpu.memref_slice %arg2[%dma_start3A_170, %dma_start3A_171] : memref<10000x128xf32, #tpu.memory_space<hbm>> -> memref<10000x128xf32, #tpu.memory_space<hbm>>
      tpu.enqueue_indirect_dma source(%dma_start3A_172 : memref<10000x128xf32, #tpu.memory_space<hbm>>) target(%arg19 : memref<128x128xf32, #tpu.memory_space<vmem>>) offsets(%arg9 : memref<128xi32, #tpu.memory_space<vmem>>) semaphore(%arg27 : memref<!tpu.dma_semaphore, #tpu.memory_space<semaphore_mem>>)
    } else {
    }
    %eq3A_55 = arith.constant 1 : i32
    %eq3A_56 = arith.cmpi eq, %arg0, %eq3A_55 : i32
    %convert_element_type3A_57 = arith.extui %eq3A_56 : i1 to i32
    %cond3A_58 = arith.constant 0 : i32
    %cond3A_59 = arith.cmpi ne, %convert_element_type3A_57, %cond3A_58 : i32
    scf.if %cond3A_59 {
      %dma_start3A_170 = arith.constant 0 : i32
      %dma_start3A_171 = arith.constant 0 : i32
      %dma_start3A_172 = tpu.memref_slice %arg3[%dma_start3A_170, %dma_start3A_171] : memref<10000x128xf32, #tpu.memory_space<hbm>> -> memref<10000x128xf32, #tpu.memory_space<hbm>>
      tpu.enqueue_indirect_dma source(%dma_start3A_172 : memref<10000x128xf32, #tpu.memory_space<hbm>>) target(%arg19 : memref<128x128xf32, #tpu.memory_space<vmem>>) offsets(%arg9 : memref<128xi32, #tpu.memory_space<vmem>>) semaphore(%arg27 : memref<!tpu.dma_semaphore, #tpu.memory_space<semaphore_mem>>)
    } else {
    }
    %add3A_60 = arith.constant 384 : i32
    %add3A_61 = arith.addi %mul3A_2, %add3A_60 : i32
    %dma_start3A_62 = tpu.memref_slice %arg4[%add3A_61] : memref<320000xi32, #tpu.memory_space<hbm>> -> memref<128xi32, #tpu.memory_space<hbm>>
    %dma_start3A_63 = tpu.memref_slice %arg4[%add3A_61] : memref<320000xi32, #tpu.memory_space<hbm>> -> memref<128xi32, #tpu.memory_space<hbm>>
    tpu.enqueue_dma source(%dma_start3A_63 : memref<128xi32, #tpu.memory_space<hbm>>) target(%arg11 : memref<128xi32, #tpu.memory_space<vmem>>) target_semaphore(%arg25 : memref<!tpu.dma_semaphore, #tpu.memory_space<semaphore_mem>>)
    %dma_start3A_64 = tpu.memref_slice %arg5[%add3A_61] : memref<320000xi32, #tpu.memory_space<hbm>> -> memref<128xi32, #tpu.memory_space<hbm>>
    %dma_start3A_65 = tpu.memref_slice %arg5[%add3A_61] : memref<320000xi32, #tpu.memory_space<hbm>> -> memref<128xi32, #tpu.memory_space<hbm>>
    tpu.enqueue_dma source(%dma_start3A_65 : memref<128xi32, #tpu.memory_space<hbm>>) target(%arg15 : memref<128xi32, #tpu.memory_space<vmem>>) target_semaphore(%arg25 : memref<!tpu.dma_semaphore, #tpu.memory_space<semaphore_mem>>)
    %scan3A = arith.constant 0 : i32
    %scan3A_66 = arith.constant 0 : i32
    %scan3A_67 = arith.constant 38 : i32
    %scan3A_68 = arith.addi %scan3A_66, %scan3A_67 : i32
    %scan3A_69 = arith.constant 1 : i32
    scf.for %scan3A_170 = %scan3A_66 to %scan3A_68 step %scan3A_69  : i32 {
      %mul3A_171 = arith.constant 4 : i32
      %mul3A_172 = arith.muli %scan3A_170, %mul3A_171 : i32
      %add3A_173 = arith.constant 1 : i32
      %add3A_174 = arith.addi %add3A_173, %mul3A_172 : i32
      %eq3A_175 = arith.constant 0 : i32
      %eq3A_176 = arith.cmpi eq, %arg0, %eq3A_175 : i32
      %convert_element_type3A_177 = arith.extui %eq3A_176 : i1 to i32
      %cond3A_178 = arith.constant 0 : i32
      %cond3A_179 = arith.cmpi ne, %convert_element_type3A_177, %cond3A_178 : i32
      scf.if %cond3A_179 {
        %dma_wait3A_357 = arith.constant 0 : i32
        %dma_wait3A_358 = arith.constant 0 : i32
        %dma_wait3A_359 = tpu.memref_slice %arg2[%dma_wait3A_357, %dma_wait3A_358] : memref<10000x128xf32, #tpu.memory_space<hbm>> -> memref<10000x128xf32, #tpu.memory_space<hbm>>
        tpu.wait_indirect_dma semaphore(%arg27 : memref<!tpu.dma_semaphore, #tpu.memory_space<semaphore_mem>>) src(%dma_wait3A_359 : memref<10000x128xf32, #tpu.memory_space<hbm>>) dst(%arg19 : memref<128x128xf32, #tpu.memory_space<vmem>>)
      } else {
      }
      %eq3A_180 = arith.constant 1 : i32
      %eq3A_181 = arith.cmpi eq, %arg0, %eq3A_180 : i32
      %convert_element_type3A_182 = arith.extui %eq3A_181 : i1 to i32
      %cond3A_183 = arith.constant 0 : i32
      %cond3A_184 = arith.cmpi ne, %convert_element_type3A_182, %cond3A_183 : i32
      scf.if %cond3A_184 {
        %dma_wait3A_357 = arith.constant 0 : i32
        %dma_wait3A_358 = arith.constant 0 : i32
        %dma_wait3A_359 = tpu.memref_slice %arg3[%dma_wait3A_357, %dma_wait3A_358] : memref<10000x128xf32, #tpu.memory_space<hbm>> -> memref<10000x128xf32, #tpu.memory_space<hbm>>
        tpu.wait_indirect_dma semaphore(%arg27 : memref<!tpu.dma_semaphore, #tpu.memory_space<semaphore_mem>>) src(%dma_wait3A_359 : memref<10000x128xf32, #tpu.memory_space<hbm>>) dst(%arg19 : memref<128x128xf32, #tpu.memory_space<vmem>>)
      } else {
      }
      %dma_wait3A_185 = arith.constant 0 : i32
      %dma_wait3A_186 = arith.constant 0 : i32
      %dma_wait3A_187 = tpu.memref_slice %arg21[%dma_wait3A_185, %dma_wait3A_186] : memref<10000x128xf32, #tpu.memory_space<vmem_shared>> -> memref<10000x128xf32, #tpu.memory_space<vmem_shared>>
      tpu.wait_indirect_dma semaphore(%arg28 : memref<!tpu.dma_semaphore, #tpu.memory_space<semaphore_mem>>) src(%arg18 : memref<128x128xf32, #tpu.memory_space<vmem>>) dst(%dma_wait3A_187 : memref<10000x128xf32, #tpu.memory_space<vmem_shared>>)
      %dma_start3A_188 = arith.constant 0 : i32
      %dma_start3A_189 = arith.constant 0 : i32
      %dma_start3A_190 = tpu.memref_slice %arg21[%dma_start3A_188, %dma_start3A_189] : memref<10000x128xf32, #tpu.memory_space<vmem_shared>> -> memref<10000x128xf32, #tpu.memory_space<vmem_shared>>
      tpu.enqueue_indirect_dma source(%arg19 : memref<128x128xf32, #tpu.memory_space<vmem>>) target(%dma_start3A_190 : memref<10000x128xf32, #tpu.memory_space<vmem_shared>>) offsets(%arg13 : memref<128xi32, #tpu.memory_space<vmem>>) semaphore(%arg29 : memref<!tpu.dma_semaphore, #tpu.memory_space<semaphore_mem>>) {add = true}
      %add3A_191 = arith.constant 1 : i32
      %add3A_192 = arith.addi %add3A_174, %add3A_191 : i32
      %mul3A_193 = arith.constant 128 : i32
      %mul3A_194 = arith.muli %add3A_192, %mul3A_193 : i32
      %add3A_195 = arith.addi %mul3A_2, %mul3A_194 : i32
      %dma_wait3A_196 = tpu.memref_slice %arg4[%add3A_195] : memref<320000xi32, #tpu.memory_space<hbm>> -> memref<128xi32, #tpu.memory_space<hbm>>
      %dma_wait3A_197 = tpu.memref_slice %arg4[%add3A_195] : memref<320000xi32, #tpu.memory_space<hbm>> -> memref<128xi32, #tpu.memory_space<hbm>>
      tpu.wait_dma2 semaphore(%arg24 : memref<!tpu.dma_semaphore, #tpu.memory_space<semaphore_mem>>) src(%dma_wait3A_197 : memref<128xi32, #tpu.memory_space<hbm>>) dst(%arg10 : memref<128xi32, #tpu.memory_space<vmem>>)
      %dma_wait3A_198 = tpu.memref_slice %arg5[%add3A_195] : memref<320000xi32, #tpu.memory_space<hbm>> -> memref<128xi32, #tpu.memory_space<hbm>>
      %dma_wait3A_199 = tpu.memref_slice %arg5[%add3A_195] : memref<320000xi32, #tpu.memory_space<hbm>> -> memref<128xi32, #tpu.memory_space<hbm>>
      tpu.wait_dma2 semaphore(%arg24 : memref<!tpu.dma_semaphore, #tpu.memory_space<semaphore_mem>>) src(%dma_wait3A_199 : memref<128xi32, #tpu.memory_space<hbm>>) dst(%arg14 : memref<128xi32, #tpu.memory_space<vmem>>)
      %eq3A_200 = arith.constant 0 : i32
      %eq3A_201 = arith.cmpi eq, %arg0, %eq3A_200 : i32
      %convert_element_type3A_202 = arith.extui %eq3A_201 : i1 to i32
      %cond3A_203 = arith.constant 0 : i32
      %cond3A_204 = arith.cmpi ne, %convert_element_type3A_202, %cond3A_203 : i32
      scf.if %cond3A_204 {
        %dma_start3A_357 = arith.constant 0 : i32
        %dma_start3A_358 = arith.constant 0 : i32
        %dma_start3A_359 = tpu.memref_slice %arg2[%dma_start3A_357, %dma_start3A_358] : memref<10000x128xf32, #tpu.memory_space<hbm>> -> memref<10000x128xf32, #tpu.memory_space<hbm>>
        tpu.enqueue_indirect_dma source(%dma_start3A_359 : memref<10000x128xf32, #tpu.memory_space<hbm>>) target(%arg18 : memref<128x128xf32, #tpu.memory_space<vmem>>) offsets(%arg10 : memref<128xi32, #tpu.memory_space<vmem>>) semaphore(%arg26 : memref<!tpu.dma_semaphore, #tpu.memory_space<semaphore_mem>>)
      } else {
      }
      %eq3A_205 = arith.constant 1 : i32
      %eq3A_206 = arith.cmpi eq, %arg0, %eq3A_205 : i32
      %convert_element_type3A_207 = arith.extui %eq3A_206 : i1 to i32
      %cond3A_208 = arith.constant 0 : i32
      %cond3A_209 = arith.cmpi ne, %convert_element_type3A_207, %cond3A_208 : i32
      scf.if %cond3A_209 {
        %dma_start3A_357 = arith.constant 0 : i32
        %dma_start3A_358 = arith.constant 0 : i32
        %dma_start3A_359 = tpu.memref_slice %arg3[%dma_start3A_357, %dma_start3A_358] : memref<10000x128xf32, #tpu.memory_space<hbm>> -> memref<10000x128xf32, #tpu.memory_space<hbm>>
        tpu.enqueue_indirect_dma source(%dma_start3A_359 : memref<10000x128xf32, #tpu.memory_space<hbm>>) target(%arg18 : memref<128x128xf32, #tpu.memory_space<vmem>>) offsets(%arg10 : memref<128xi32, #tpu.memory_space<vmem>>) semaphore(%arg26 : memref<!tpu.dma_semaphore, #tpu.memory_space<semaphore_mem>>)
      } else {
      }
      %add3A_210 = arith.constant 3 : i32
      %add3A_211 = arith.addi %add3A_174, %add3A_210 : i32
      %mul3A_212 = arith.constant 128 : i32
      %mul3A_213 = arith.muli %add3A_211, %mul3A_212 : i32
      %add3A_214 = arith.addi %mul3A_2, %mul3A_213 : i32
      %dma_start3A_215 = tpu.memref_slice %arg4[%add3A_214] : memref<320000xi32, #tpu.memory_space<hbm>> -> memref<128xi32, #tpu.memory_space<hbm>>
      %dma_start3A_216 = tpu.memref_slice %arg4[%add3A_214] : memref<320000xi32, #tpu.memory_space<hbm>> -> memref<128xi32, #tpu.memory_space<hbm>>
      tpu.enqueue_dma source(%dma_start3A_216 : memref<128xi32, #tpu.memory_space<hbm>>) target(%arg8 : memref<128xi32, #tpu.memory_space<vmem>>) target_semaphore(%arg22 : memref<!tpu.dma_semaphore, #tpu.memory_space<semaphore_mem>>)
      %dma_start3A_217 = tpu.memref_slice %arg5[%add3A_214] : memref<320000xi32, #tpu.memory_space<hbm>> -> memref<128xi32, #tpu.memory_space<hbm>>
      %dma_start3A_218 = tpu.memref_slice %arg5[%add3A_214] : memref<320000xi32, #tpu.memory_space<hbm>> -> memref<128xi32, #tpu.memory_space<hbm>>
      tpu.enqueue_dma source(%dma_start3A_218 : memref<128xi32, #tpu.memory_space<hbm>>) target(%arg12 : memref<128xi32, #tpu.memory_space<vmem>>) target_semaphore(%arg22 : memref<!tpu.dma_semaphore, #tpu.memory_space<semaphore_mem>>)
      %add3A_219 = arith.constant 1 : i32
      %add3A_220 = arith.addi %add3A_174, %add3A_219 : i32
      %eq3A_221 = arith.constant 0 : i32
      %eq3A_222 = arith.cmpi eq, %arg0, %eq3A_221 : i32
      %convert_element_type3A_223 = arith.extui %eq3A_222 : i1 to i32
      %cond3A_224 = arith.constant 0 : i32
      %cond3A_225 = arith.cmpi ne, %convert_element_type3A_223, %cond3A_224 : i32
      scf.if %cond3A_225 {
        %dma_wait3A_357 = arith.constant 0 : i32
        %dma_wait3A_358 = arith.constant 0 : i32
        %dma_wait3A_359 = tpu.memref_slice %arg2[%dma_wait3A_357, %dma_wait3A_358] : memref<10000x128xf32, #tpu.memory_space<hbm>> -> memref<10000x128xf32, #tpu.memory_space<hbm>>
        tpu.wait_indirect_dma semaphore(%arg26 : memref<!tpu.dma_semaphore, #tpu.memory_space<semaphore_mem>>) src(%dma_wait3A_359 : memref<10000x128xf32, #tpu.memory_space<hbm>>) dst(%arg18 : memref<128x128xf32, #tpu.memory_space<vmem>>)
      } else {
      }
      %eq3A_226 = arith.constant 1 : i32
      %eq3A_227 = arith.cmpi eq, %arg0, %eq3A_226 : i32
      %convert_element_type3A_228 = arith.extui %eq3A_227 : i1 to i32
      %cond3A_229 = arith.constant 0 : i32
      %cond3A_230 = arith.cmpi ne, %convert_element_type3A_228, %cond3A_229 : i32
      scf.if %cond3A_230 {
        %dma_wait3A_357 = arith.constant 0 : i32
        %dma_wait3A_358 = arith.constant 0 : i32
        %dma_wait3A_359 = tpu.memref_slice %arg3[%dma_wait3A_357, %dma_wait3A_358] : memref<10000x128xf32, #tpu.memory_space<hbm>> -> memref<10000x128xf32, #tpu.memory_space<hbm>>
        tpu.wait_indirect_dma semaphore(%arg26 : memref<!tpu.dma_semaphore, #tpu.memory_space<semaphore_mem>>) src(%dma_wait3A_359 : memref<10000x128xf32, #tpu.memory_space<hbm>>) dst(%arg18 : memref<128x128xf32, #tpu.memory_space<vmem>>)
      } else {
      }
      %dma_wait3A_231 = arith.constant 0 : i32
      %dma_wait3A_232 = arith.constant 0 : i32
      %dma_wait3A_233 = tpu.memref_slice %arg21[%dma_wait3A_231, %dma_wait3A_232] : memref<10000x128xf32, #tpu.memory_space<vmem_shared>> -> memref<10000x128xf32, #tpu.memory_space<vmem_shared>>
      tpu.wait_indirect_dma semaphore(%arg29 : memref<!tpu.dma_semaphore, #tpu.memory_space<semaphore_mem>>) src(%arg19 : memref<128x128xf32, #tpu.memory_space<vmem>>) dst(%dma_wait3A_233 : memref<10000x128xf32, #tpu.memory_space<vmem_shared>>)
      %dma_start3A_234 = arith.constant 0 : i32
      %dma_start3A_235 = arith.constant 0 : i32
      %dma_start3A_236 = tpu.memref_slice %arg21[%dma_start3A_234, %dma_start3A_235] : memref<10000x128xf32, #tpu.memory_space<vmem_shared>> -> memref<10000x128xf32, #tpu.memory_space<vmem_shared>>
      tpu.enqueue_indirect_dma source(%arg18 : memref<128x128xf32, #tpu.memory_space<vmem>>) target(%dma_start3A_236 : memref<10000x128xf32, #tpu.memory_space<vmem_shared>>) offsets(%arg14 : memref<128xi32, #tpu.memory_space<vmem>>) semaphore(%arg28 : memref<!tpu.dma_semaphore, #tpu.memory_space<semaphore_mem>>) {add = true}
      %add3A_237 = arith.constant 1 : i32
      %add3A_238 = arith.addi %add3A_220, %add3A_237 : i32
      %mul3A_239 = arith.constant 128 : i32
      %mul3A_240 = arith.muli %add3A_238, %mul3A_239 : i32
      %add3A_241 = arith.addi %mul3A_2, %mul3A_240 : i32
      %dma_wait3A_242 = tpu.memref_slice %arg4[%add3A_241] : memref<320000xi32, #tpu.memory_space<hbm>> -> memref<128xi32, #tpu.memory_space<hbm>>
      %dma_wait3A_243 = tpu.memref_slice %arg4[%add3A_241] : memref<320000xi32, #tpu.memory_space<hbm>> -> memref<128xi32, #tpu.memory_space<hbm>>
      tpu.wait_dma2 semaphore(%arg25 : memref<!tpu.dma_semaphore, #tpu.memory_space<semaphore_mem>>) src(%dma_wait3A_243 : memref<128xi32, #tpu.memory_space<hbm>>) dst(%arg11 : memref<128xi32, #tpu.memory_space<vmem>>)
      %dma_wait3A_244 = tpu.memref_slice %arg5[%add3A_241] : memref<320000xi32, #tpu.memory_space<hbm>> -> memref<128xi32, #tpu.memory_space<hbm>>
      %dma_wait3A_245 = tpu.memref_slice %arg5[%add3A_241] : memref<320000xi32, #tpu.memory_space<hbm>> -> memref<128xi32, #tpu.memory_space<hbm>>
      tpu.wait_dma2 semaphore(%arg25 : memref<!tpu.dma_semaphore, #tpu.memory_space<semaphore_mem>>) src(%dma_wait3A_245 : memref<128xi32, #tpu.memory_space<hbm>>) dst(%arg15 : memref<128xi32, #tpu.memory_space<vmem>>)
      %eq3A_246 = arith.constant 0 : i32
      %eq3A_247 = arith.cmpi eq, %arg0, %eq3A_246 : i32
      %convert_element_type3A_248 = arith.extui %eq3A_247 : i1 to i32
      %cond3A_249 = arith.constant 0 : i32
      %cond3A_250 = arith.cmpi ne, %convert_element_type3A_248, %cond3A_249 : i32
      scf.if %cond3A_250 {
        %dma_start3A_357 = arith.constant 0 : i32
        %dma_start3A_358 = arith.constant 0 : i32
        %dma_start3A_359 = tpu.memref_slice %arg2[%dma_start3A_357, %dma_start3A_358] : memref<10000x128xf32, #tpu.memory_space<hbm>> -> memref<10000x128xf32, #tpu.memory_space<hbm>>
        tpu.enqueue_indirect_dma source(%dma_start3A_359 : memref<10000x128xf32, #tpu.memory_space<hbm>>) target(%arg19 : memref<128x128xf32, #tpu.memory_space<vmem>>) offsets(%arg11 : memref<128xi32, #tpu.memory_space<vmem>>) semaphore(%arg27 : memref<!tpu.dma_semaphore, #tpu.memory_space<semaphore_mem>>)
      } else {
      }
      %eq3A_251 = arith.constant 1 : i32
      %eq3A_252 = arith.cmpi eq, %arg0, %eq3A_251 : i32
      %convert_element_type3A_253 = arith.extui %eq3A_252 : i1 to i32
      %cond3A_254 = arith.constant 0 : i32
      %cond3A_255 = arith.cmpi ne, %convert_element_type3A_253, %cond3A_254 : i32
      scf.if %cond3A_255 {
        %dma_start3A_357 = arith.constant 0 : i32
        %dma_start3A_358 = arith.constant 0 : i32
        %dma_start3A_359 = tpu.memref_slice %arg3[%dma_start3A_357, %dma_start3A_358] : memref<10000x128xf32, #tpu.memory_space<hbm>> -> memref<10000x128xf32, #tpu.memory_space<hbm>>
        tpu.enqueue_indirect_dma source(%dma_start3A_359 : memref<10000x128xf32, #tpu.memory_space<hbm>>) target(%arg19 : memref<128x128xf32, #tpu.memory_space<vmem>>) offsets(%arg11 : memref<128xi32, #tpu.memory_space<vmem>>) semaphore(%arg27 : memref<!tpu.dma_semaphore, #tpu.memory_space<semaphore_mem>>)
      } else {
      }
      %add3A_256 = arith.constant 3 : i32
      %add3A_257 = arith.addi %add3A_220, %add3A_256 : i32
      %mul3A_258 = arith.constant 128 : i32
      %mul3A_259 = arith.muli %add3A_257, %mul3A_258 : i32
      %add3A_260 = arith.addi %mul3A_2, %mul3A_259 : i32
      %dma_start3A_261 = tpu.memref_slice %arg4[%add3A_260] : memref<320000xi32, #tpu.memory_space<hbm>> -> memref<128xi32, #tpu.memory_space<hbm>>
      %dma_start3A_262 = tpu.memref_slice %arg4[%add3A_260] : memref<320000xi32, #tpu.memory_space<hbm>> -> memref<128xi32, #tpu.memory_space<hbm>>
      tpu.enqueue_dma source(%dma_start3A_262 : memref<128xi32, #tpu.memory_space<hbm>>) target(%arg9 : memref<128xi32, #tpu.memory_space<vmem>>) target_semaphore(%arg23 : memref<!tpu.dma_semaphore, #tpu.memory_space<semaphore_mem>>)
      %dma_start3A_263 = tpu.memref_slice %arg5[%add3A_260] : memref<320000xi32, #tpu.memory_space<hbm>> -> memref<128xi32, #tpu.memory_space<hbm>>
      %dma_start3A_264 = tpu.memref_slice %arg5[%add3A_260] : memref<320000xi32, #tpu.memory_space<hbm>> -> memref<128xi32, #tpu.memory_space<hbm>>
      tpu.enqueue_dma source(%dma_start3A_264 : memref<128xi32, #tpu.memory_space<hbm>>) target(%arg13 : memref<128xi32, #tpu.memory_space<vmem>>) target_semaphore(%arg23 : memref<!tpu.dma_semaphore, #tpu.memory_space<semaphore_mem>>)
      %add3A_265 = arith.constant 2 : i32
      %add3A_266 = arith.addi %add3A_174, %add3A_265 : i32
      %eq3A_267 = arith.constant 0 : i32
      %eq3A_268 = arith.cmpi eq, %arg0, %eq3A_267 : i32
      %convert_element_type3A_269 = arith.extui %eq3A_268 : i1 to i32
      %cond3A_270 = arith.constant 0 : i32
      %cond3A_271 = arith.cmpi ne, %convert_element_type3A_269, %cond3A_270 : i32
      scf.if %cond3A_271 {
        %dma_wait3A_357 = arith.constant 0 : i32
        %dma_wait3A_358 = arith.constant 0 : i32
        %dma_wait3A_359 = tpu.memref_slice %arg2[%dma_wait3A_357, %dma_wait3A_358] : memref<10000x128xf32, #tpu.memory_space<hbm>> -> memref<10000x128xf32, #tpu.memory_space<hbm>>
        tpu.wait_indirect_dma semaphore(%arg27 : memref<!tpu.dma_semaphore, #tpu.memory_space<semaphore_mem>>) src(%dma_wait3A_359 : memref<10000x128xf32, #tpu.memory_space<hbm>>) dst(%arg19 : memref<128x128xf32, #tpu.memory_space<vmem>>)
      } else {
      }
      %eq3A_272 = arith.constant 1 : i32
      %eq3A_273 = arith.cmpi eq, %arg0, %eq3A_272 : i32
      %convert_element_type3A_274 = arith.extui %eq3A_273 : i1 to i32
      %cond3A_275 = arith.constant 0 : i32
      %cond3A_276 = arith.cmpi ne, %convert_element_type3A_274, %cond3A_275 : i32
      scf.if %cond3A_276 {
        %dma_wait3A_357 = arith.constant 0 : i32
        %dma_wait3A_358 = arith.constant 0 : i32
        %dma_wait3A_359 = tpu.memref_slice %arg3[%dma_wait3A_357, %dma_wait3A_358] : memref<10000x128xf32, #tpu.memory_space<hbm>> -> memref<10000x128xf32, #tpu.memory_space<hbm>>
        tpu.wait_indirect_dma semaphore(%arg27 : memref<!tpu.dma_semaphore, #tpu.memory_space<semaphore_mem>>) src(%dma_wait3A_359 : memref<10000x128xf32, #tpu.memory_space<hbm>>) dst(%arg19 : memref<128x128xf32, #tpu.memory_space<vmem>>)
      } else {
      }
      %dma_wait3A_277 = arith.constant 0 : i32
      %dma_wait3A_278 = arith.constant 0 : i32
      %dma_wait3A_279 = tpu.memref_slice %arg21[%dma_wait3A_277, %dma_wait3A_278] : memref<10000x128xf32, #tpu.memory_space<vmem_shared>> -> memref<10000x128xf32, #tpu.memory_space<vmem_shared>>
      tpu.wait_indirect_dma semaphore(%arg28 : memref<!tpu.dma_semaphore, #tpu.memory_space<semaphore_mem>>) src(%arg18 : memref<128x128xf32, #tpu.memory_space<vmem>>) dst(%dma_wait3A_279 : memref<10000x128xf32, #tpu.memory_space<vmem_shared>>)
      %dma_start3A_280 = arith.constant 0 : i32
      %dma_start3A_281 = arith.constant 0 : i32
      %dma_start3A_282 = tpu.memref_slice %arg21[%dma_start3A_280, %dma_start3A_281] : memref<10000x128xf32, #tpu.memory_space<vmem_shared>> -> memref<10000x128xf32, #tpu.memory_space<vmem_shared>>
      tpu.enqueue_indirect_dma source(%arg19 : memref<128x128xf32, #tpu.memory_space<vmem>>) target(%dma_start3A_282 : memref<10000x128xf32, #tpu.memory_space<vmem_shared>>) offsets(%arg15 : memref<128xi32, #tpu.memory_space<vmem>>) semaphore(%arg29 : memref<!tpu.dma_semaphore, #tpu.memory_space<semaphore_mem>>) {add = true}
      %add3A_283 = arith.constant 1 : i32
      %add3A_284 = arith.addi %add3A_266, %add3A_283 : i32
      %mul3A_285 = arith.constant 128 : i32
      %mul3A_286 = arith.muli %add3A_284, %mul3A_285 : i32
      %add3A_287 = arith.addi %mul3A_2, %mul3A_286 : i32
      %dma_wait3A_288 = tpu.memref_slice %arg4[%add3A_287] : memref<320000xi32, #tpu.memory_space<hbm>> -> memref<128xi32, #tpu.memory_space<hbm>>
      %dma_wait3A_289 = tpu.memref_slice %arg4[%add3A_287] : memref<320000xi32, #tpu.memory_space<hbm>> -> memref<128xi32, #tpu.memory_space<hbm>>
      tpu.wait_dma2 semaphore(%arg22 : memref<!tpu.dma_semaphore, #tpu.memory_space<semaphore_mem>>) src(%dma_wait3A_289 : memref<128xi32, #tpu.memory_space<hbm>>) dst(%arg8 : memref<128xi32, #tpu.memory_space<vmem>>)
      %dma_wait3A_290 = tpu.memref_slice %arg5[%add3A_287] : memref<320000xi32, #tpu.memory_space<hbm>> -> memref<128xi32, #tpu.memory_space<hbm>>
      %dma_wait3A_291 = tpu.memref_slice %arg5[%add3A_287] : memref<320000xi32, #tpu.memory_space<hbm>> -> memref<128xi32, #tpu.memory_space<hbm>>
      tpu.wait_dma2 semaphore(%arg22 : memref<!tpu.dma_semaphore, #tpu.memory_space<semaphore_mem>>) src(%dma_wait3A_291 : memref<128xi32, #tpu.memory_space<hbm>>) dst(%arg12 : memref<128xi32, #tpu.memory_space<vmem>>)
      %eq3A_292 = arith.constant 0 : i32
      %eq3A_293 = arith.cmpi eq, %arg0, %eq3A_292 : i32
      %convert_element_type3A_294 = arith.extui %eq3A_293 : i1 to i32
      %cond3A_295 = arith.constant 0 : i32
      %cond3A_296 = arith.cmpi ne, %convert_element_type3A_294, %cond3A_295 : i32
      scf.if %cond3A_296 {
        %dma_start3A_357 = arith.constant 0 : i32
        %dma_start3A_358 = arith.constant 0 : i32
        %dma_start3A_359 = tpu.memref_slice %arg2[%dma_start3A_357, %dma_start3A_358] : memref<10000x128xf32, #tpu.memory_space<hbm>> -> memref<10000x128xf32, #tpu.memory_space<hbm>>
        tpu.enqueue_indirect_dma source(%dma_start3A_359 : memref<10000x128xf32, #tpu.memory_space<hbm>>) target(%arg18 : memref<128x128xf32, #tpu.memory_space<vmem>>) offsets(%arg8 : memref<128xi32, #tpu.memory_space<vmem>>) semaphore(%arg26 : memref<!tpu.dma_semaphore, #tpu.memory_space<semaphore_mem>>)
      } else {
      }
      %eq3A_297 = arith.constant 1 : i32
      %eq3A_298 = arith.cmpi eq, %arg0, %eq3A_297 : i32
      %convert_element_type3A_299 = arith.extui %eq3A_298 : i1 to i32
      %cond3A_300 = arith.constant 0 : i32
      %cond3A_301 = arith.cmpi ne, %convert_element_type3A_299, %cond3A_300 : i32
      scf.if %cond3A_301 {
        %dma_start3A_357 = arith.constant 0 : i32
        %dma_start3A_358 = arith.constant 0 : i32
        %dma_start3A_359 = tpu.memref_slice %arg3[%dma_start3A_357, %dma_start3A_358] : memref<10000x128xf32, #tpu.memory_space<hbm>> -> memref<10000x128xf32, #tpu.memory_space<hbm>>
        tpu.enqueue_indirect_dma source(%dma_start3A_359 : memref<10000x128xf32, #tpu.memory_space<hbm>>) target(%arg18 : memref<128x128xf32, #tpu.memory_space<vmem>>) offsets(%arg8 : memref<128xi32, #tpu.memory_space<vmem>>) semaphore(%arg26 : memref<!tpu.dma_semaphore, #tpu.memory_space<semaphore_mem>>)
      } else {
      }
      %add3A_302 = arith.constant 3 : i32
      %add3A_303 = arith.addi %add3A_266, %add3A_302 : i32
      %mul3A_304 = arith.constant 128 : i32
      %mul3A_305 = arith.muli %add3A_303, %mul3A_304 : i32
      %add3A_306 = arith.addi %mul3A_2, %mul3A_305 : i32
      %dma_start3A_307 = tpu.memref_slice %arg4[%add3A_306] : memref<320000xi32, #tpu.memory_space<hbm>> -> memref<128xi32, #tpu.memory_space<hbm>>
      %dma_start3A_308 = tpu.memref_slice %arg4[%add3A_306] : memref<320000xi32, #tpu.memory_space<hbm>> -> memref<128xi32, #tpu.memory_space<hbm>>
      tpu.enqueue_dma source(%dma_start3A_308 : memref<128xi32, #tpu.memory_space<hbm>>) target(%arg10 : memref<128xi32, #tpu.memory_space<vmem>>) target_semaphore(%arg24 : memref<!tpu.dma_semaphore, #tpu.memory_space<semaphore_mem>>)
      %dma_start3A_309 = tpu.memref_slice %arg5[%add3A_306] : memref<320000xi32, #tpu.memory_space<hbm>> -> memref<128xi32, #tpu.memory_space<hbm>>
      %dma_start3A_310 = tpu.memref_slice %arg5[%add3A_306] : memref<320000xi32, #tpu.memory_space<hbm>> -> memref<128xi32, #tpu.memory_space<hbm>>
      tpu.enqueue_dma source(%dma_start3A_310 : memref<128xi32, #tpu.memory_space<hbm>>) target(%arg14 : memref<128xi32, #tpu.memory_space<vmem>>) target_semaphore(%arg24 : memref<!tpu.dma_semaphore, #tpu.memory_space<semaphore_mem>>)
      %add3A_311 = arith.constant 3 : i32
      %add3A_312 = arith.addi %add3A_174, %add3A_311 : i32
      %eq3A_313 = arith.constant 0 : i32
      %eq3A_314 = arith.cmpi eq, %arg0, %eq3A_313 : i32
      %convert_element_type3A_315 = arith.extui %eq3A_314 : i1 to i32
      %cond3A_316 = arith.constant 0 : i32
      %cond3A_317 = arith.cmpi ne, %convert_element_type3A_315, %cond3A_316 : i32
      scf.if %cond3A_317 {
        %dma_wait3A_357 = arith.constant 0 : i32
        %dma_wait3A_358 = arith.constant 0 : i32
        %dma_wait3A_359 = tpu.memref_slice %arg2[%dma_wait3A_357, %dma_wait3A_358] : memref<10000x128xf32, #tpu.memory_space<hbm>> -> memref<10000x128xf32, #tpu.memory_space<hbm>>
        tpu.wait_indirect_dma semaphore(%arg26 : memref<!tpu.dma_semaphore, #tpu.memory_space<semaphore_mem>>) src(%dma_wait3A_359 : memref<10000x128xf32, #tpu.memory_space<hbm>>) dst(%arg18 : memref<128x128xf32, #tpu.memory_space<vmem>>)
      } else {
      }
      %eq3A_318 = arith.constant 1 : i32
      %eq3A_319 = arith.cmpi eq, %arg0, %eq3A_318 : i32
      %convert_element_type3A_320 = arith.extui %eq3A_319 : i1 to i32
      %cond3A_321 = arith.constant 0 : i32
      %cond3A_322 = arith.cmpi ne, %convert_element_type3A_320, %cond3A_321 : i32
      scf.if %cond3A_322 {
        %dma_wait3A_357 = arith.constant 0 : i32
        %dma_wait3A_358 = arith.constant 0 : i32
        %dma_wait3A_359 = tpu.memref_slice %arg3[%dma_wait3A_357, %dma_wait3A_358] : memref<10000x128xf32, #tpu.memory_space<hbm>> -> memref<10000x128xf32, #tpu.memory_space<hbm>>
        tpu.wait_indirect_dma semaphore(%arg26 : memref<!tpu.dma_semaphore, #tpu.memory_space<semaphore_mem>>) src(%dma_wait3A_359 : memref<10000x128xf32, #tpu.memory_space<hbm>>) dst(%arg18 : memref<128x128xf32, #tpu.memory_space<vmem>>)
      } else {
      }
      %dma_wait3A_323 = arith.constant 0 : i32
      %dma_wait3A_324 = arith.constant 0 : i32
      %dma_wait3A_325 = tpu.memref_slice %arg21[%dma_wait3A_323, %dma_wait3A_324] : memref<10000x128xf32, #tpu.memory_space<vmem_shared>> -> memref<10000x128xf32, #tpu.memory_space<vmem_shared>>
      tpu.wait_indirect_dma semaphore(%arg29 : memref<!tpu.dma_semaphore, #tpu.memory_space<semaphore_mem>>) src(%arg19 : memref<128x128xf32, #tpu.memory_space<vmem>>) dst(%dma_wait3A_325 : memref<10000x128xf32, #tpu.memory_space<vmem_shared>>)
      %dma_start3A_326 = arith.constant 0 : i32
      %dma_start3A_327 = arith.constant 0 : i32
      %dma_start3A_328 = tpu.memref_slice %arg21[%dma_start3A_326, %dma_start3A_327] : memref<10000x128xf32, #tpu.memory_space<vmem_shared>> -> memref<10000x128xf32, #tpu.memory_space<vmem_shared>>
      tpu.enqueue_indirect_dma source(%arg18 : memref<128x128xf32, #tpu.memory_space<vmem>>) target(%dma_start3A_328 : memref<10000x128xf32, #tpu.memory_space<vmem_shared>>) offsets(%arg12 : memref<128xi32, #tpu.memory_space<vmem>>) semaphore(%arg28 : memref<!tpu.dma_semaphore, #tpu.memory_space<semaphore_mem>>) {add = true}
      %add3A_329 = arith.constant 1 : i32
      %add3A_330 = arith.addi %add3A_312, %add3A_329 : i32
      %mul3A_331 = arith.constant 128 : i32
      %mul3A_332 = arith.muli %add3A_330, %mul3A_331 : i32
      %add3A_333 = arith.addi %mul3A_2, %mul3A_332 : i32
      %dma_wait3A_334 = tpu.memref_slice %arg4[%add3A_333] : memref<320000xi32, #tpu.memory_space<hbm>> -> memref<128xi32, #tpu.memory_space<hbm>>
      %dma_wait3A_335 = tpu.memref_slice %arg4[%add3A_333] : memref<320000xi32, #tpu.memory_space<hbm>> -> memref<128xi32, #tpu.memory_space<hbm>>
      tpu.wait_dma2 semaphore(%arg23 : memref<!tpu.dma_semaphore, #tpu.memory_space<semaphore_mem>>) src(%dma_wait3A_335 : memref<128xi32, #tpu.memory_space<hbm>>) dst(%arg9 : memref<128xi32, #tpu.memory_space<vmem>>)
      %dma_wait3A_336 = tpu.memref_slice %arg5[%add3A_333] : memref<320000xi32, #tpu.memory_space<hbm>> -> memref<128xi32, #tpu.memory_space<hbm>>
      %dma_wait3A_337 = tpu.memref_slice %arg5[%add3A_333] : memref<320000xi32, #tpu.memory_space<hbm>> -> memref<128xi32, #tpu.memory_space<hbm>>
      tpu.wait_dma2 semaphore(%arg23 : memref<!tpu.dma_semaphore, #tpu.memory_space<semaphore_mem>>) src(%dma_wait3A_337 : memref<128xi32, #tpu.memory_space<hbm>>) dst(%arg13 : memref<128xi32, #tpu.memory_space<vmem>>)
      %eq3A_338 = arith.constant 0 : i32
      %eq3A_339 = arith.cmpi eq, %arg0, %eq3A_338 : i32
      %convert_element_type3A_340 = arith.extui %eq3A_339 : i1 to i32
      %cond3A_341 = arith.constant 0 : i32
      %cond3A_342 = arith.cmpi ne, %convert_element_type3A_340, %cond3A_341 : i32
      scf.if %cond3A_342 {
        %dma_start3A_357 = arith.constant 0 : i32
        %dma_start3A_358 = arith.constant 0 : i32
        %dma_start3A_359 = tpu.memref_slice %arg2[%dma_start3A_357, %dma_start3A_358] : memref<10000x128xf32, #tpu.memory_space<hbm>> -> memref<10000x128xf32, #tpu.memory_space<hbm>>
        tpu.enqueue_indirect_dma source(%dma_start3A_359 : memref<10000x128xf32, #tpu.memory_space<hbm>>) target(%arg19 : memref<128x128xf32, #tpu.memory_space<vmem>>) offsets(%arg9 : memref<128xi32, #tpu.memory_space<vmem>>) semaphore(%arg27 : memref<!tpu.dma_semaphore, #tpu.memory_space<semaphore_mem>>)
      } else {
      }
      %eq3A_343 = arith.constant 1 : i32
      %eq3A_344 = arith.cmpi eq, %arg0, %eq3A_343 : i32
      %convert_element_type3A_345 = arith.extui %eq3A_344 : i1 to i32
      %cond3A_346 = arith.constant 0 : i32
      %cond3A_347 = arith.cmpi ne, %convert_element_type3A_345, %cond3A_346 : i32
      scf.if %cond3A_347 {
        %dma_start3A_357 = arith.constant 0 : i32
        %dma_start3A_358 = arith.constant 0 : i32
        %dma_start3A_359 = tpu.memref_slice %arg3[%dma_start3A_357, %dma_start3A_358] : memref<10000x128xf32, #tpu.memory_space<hbm>> -> memref<10000x128xf32, #tpu.memory_space<hbm>>
        tpu.enqueue_indirect_dma source(%dma_start3A_359 : memref<10000x128xf32, #tpu.memory_space<hbm>>) target(%arg19 : memref<128x128xf32, #tpu.memory_space<vmem>>) offsets(%arg9 : memref<128xi32, #tpu.memory_space<vmem>>) semaphore(%arg27 : memref<!tpu.dma_semaphore, #tpu.memory_space<semaphore_mem>>)
      } else {
      }
      %add3A_348 = arith.constant 3 : i32
      %add3A_349 = arith.addi %add3A_312, %add3A_348 : i32
      %mul3A_350 = arith.constant 128 : i32
      %mul3A_351 = arith.muli %add3A_349, %mul3A_350 : i32
      %add3A_352 = arith.addi %mul3A_2, %mul3A_351 : i32
      %dma_start3A_353 = tpu.memref_slice %arg4[%add3A_352] : memref<320000xi32, #tpu.memory_space<hbm>> -> memref<128xi32, #tpu.memory_space<hbm>>
      %dma_start3A_354 = tpu.memref_slice %arg4[%add3A_352] : memref<320000xi32, #tpu.memory_space<hbm>> -> memref<128xi32, #tpu.memory_space<hbm>>
      tpu.enqueue_dma source(%dma_start3A_354 : memref<128xi32, #tpu.memory_space<hbm>>) target(%arg11 : memref<128xi32, #tpu.memory_space<vmem>>) target_semaphore(%arg25 : memref<!tpu.dma_semaphore, #tpu.memory_space<semaphore_mem>>)
      %dma_start3A_355 = tpu.memref_slice %arg5[%add3A_352] : memref<320000xi32, #tpu.memory_space<hbm>> -> memref<128xi32, #tpu.memory_space<hbm>>
      %dma_start3A_356 = tpu.memref_slice %arg5[%add3A_352] : memref<320000xi32, #tpu.memory_space<hbm>> -> memref<128xi32, #tpu.memory_space<hbm>>
      tpu.enqueue_dma source(%dma_start3A_356 : memref<128xi32, #tpu.memory_space<hbm>>) target(%arg15 : memref<128xi32, #tpu.memory_space<vmem>>) target_semaphore(%arg25 : memref<!tpu.dma_semaphore, #tpu.memory_space<semaphore_mem>>)
    }
    %scan3A_70 = arith.constant 38 : i32
    %eq3A_71 = arith.constant 0 : i32
    %eq3A_72 = arith.cmpi eq, %arg0, %eq3A_71 : i32
    %convert_element_type3A_73 = arith.extui %eq3A_72 : i1 to i32
    %cond3A_74 = arith.constant 0 : i32
    %cond3A_75 = arith.cmpi ne, %convert_element_type3A_73, %cond3A_74 : i32
    scf.if %cond3A_75 {
      %dma_wait3A_170 = arith.constant 0 : i32
      %dma_wait3A_171 = arith.constant 0 : i32
      %dma_wait3A_172 = tpu.memref_slice %arg2[%dma_wait3A_170, %dma_wait3A_171] : memref<10000x128xf32, #tpu.memory_space<hbm>> -> memref<10000x128xf32, #tpu.memory_space<hbm>>
      tpu.wait_indirect_dma semaphore(%arg27 : memref<!tpu.dma_semaphore, #tpu.memory_space<semaphore_mem>>) src(%dma_wait3A_172 : memref<10000x128xf32, #tpu.memory_space<hbm>>) dst(%arg19 : memref<128x128xf32, #tpu.memory_space<vmem>>)
    } else {
    }
    %eq3A_76 = arith.constant 1 : i32
    %eq3A_77 = arith.cmpi eq, %arg0, %eq3A_76 : i32
    %convert_element_type3A_78 = arith.extui %eq3A_77 : i1 to i32
    %cond3A_79 = arith.constant 0 : i32
    %cond3A_80 = arith.cmpi ne, %convert_element_type3A_78, %cond3A_79 : i32
    scf.if %cond3A_80 {
      %dma_wait3A_170 = arith.constant 0 : i32
      %dma_wait3A_171 = arith.constant 0 : i32
      %dma_wait3A_172 = tpu.memref_slice %arg3[%dma_wait3A_170, %dma_wait3A_171] : memref<10000x128xf32, #tpu.memory_space<hbm>> -> memref<10000x128xf32, #tpu.memory_space<hbm>>
      tpu.wait_indirect_dma semaphore(%arg27 : memref<!tpu.dma_semaphore, #tpu.memory_space<semaphore_mem>>) src(%dma_wait3A_172 : memref<10000x128xf32, #tpu.memory_space<hbm>>) dst(%arg19 : memref<128x128xf32, #tpu.memory_space<vmem>>)
    } else {
    }
    %dma_wait3A_81 = arith.constant 0 : i32
    %dma_wait3A_82 = arith.constant 0 : i32
    %dma_wait3A_83 = tpu.memref_slice %arg21[%dma_wait3A_81, %dma_wait3A_82] : memref<10000x128xf32, #tpu.memory_space<vmem_shared>> -> memref<10000x128xf32, #tpu.memory_space<vmem_shared>>
    tpu.wait_indirect_dma semaphore(%arg28 : memref<!tpu.dma_semaphore, #tpu.memory_space<semaphore_mem>>) src(%arg18 : memref<128x128xf32, #tpu.memory_space<vmem>>) dst(%dma_wait3A_83 : memref<10000x128xf32, #tpu.memory_space<vmem_shared>>)
    %dma_start3A_84 = arith.constant 0 : i32
    %dma_start3A_85 = arith.constant 0 : i32
    %dma_start3A_86 = tpu.memref_slice %arg21[%dma_start3A_84, %dma_start3A_85] : memref<10000x128xf32, #tpu.memory_space<vmem_shared>> -> memref<10000x128xf32, #tpu.memory_space<vmem_shared>>
    tpu.enqueue_indirect_dma source(%arg19 : memref<128x128xf32, #tpu.memory_space<vmem>>) target(%dma_start3A_86 : memref<10000x128xf32, #tpu.memory_space<vmem_shared>>) offsets(%arg13 : memref<128xi32, #tpu.memory_space<vmem>>) semaphore(%arg29 : memref<!tpu.dma_semaphore, #tpu.memory_space<semaphore_mem>>) {add = true}
    %add3A_87 = arith.constant 19712 : i32
    %add3A_88 = arith.addi %mul3A_2, %add3A_87 : i32
    %dma_wait3A_89 = tpu.memref_slice %arg4[%add3A_88] : memref<320000xi32, #tpu.memory_space<hbm>> -> memref<128xi32, #tpu.memory_space<hbm>>
    %dma_wait3A_90 = tpu.memref_slice %arg4[%add3A_88] : memref<320000xi32, #tpu.memory_space<hbm>> -> memref<128xi32, #tpu.memory_space<hbm>>
    tpu.wait_dma2 semaphore(%arg24 : memref<!tpu.dma_semaphore, #tpu.memory_space<semaphore_mem>>) src(%dma_wait3A_90 : memref<128xi32, #tpu.memory_space<hbm>>) dst(%arg10 : memref<128xi32, #tpu.memory_space<vmem>>)
    %dma_wait3A_91 = tpu.memref_slice %arg5[%add3A_88] : memref<320000xi32, #tpu.memory_space<hbm>> -> memref<128xi32, #tpu.memory_space<hbm>>
    %dma_wait3A_92 = tpu.memref_slice %arg5[%add3A_88] : memref<320000xi32, #tpu.memory_space<hbm>> -> memref<128xi32, #tpu.memory_space<hbm>>
    tpu.wait_dma2 semaphore(%arg24 : memref<!tpu.dma_semaphore, #tpu.memory_space<semaphore_mem>>) src(%dma_wait3A_92 : memref<128xi32, #tpu.memory_space<hbm>>) dst(%arg14 : memref<128xi32, #tpu.memory_space<vmem>>)
    %eq3A_93 = arith.constant 0 : i32
    %eq3A_94 = arith.cmpi eq, %arg0, %eq3A_93 : i32
    %convert_element_type3A_95 = arith.extui %eq3A_94 : i1 to i32
    %cond3A_96 = arith.constant 0 : i32
    %cond3A_97 = arith.cmpi ne, %convert_element_type3A_95, %cond3A_96 : i32
    scf.if %cond3A_97 {
      %dma_start3A_170 = arith.constant 0 : i32
      %dma_start3A_171 = arith.constant 0 : i32
      %dma_start3A_172 = tpu.memref_slice %arg2[%dma_start3A_170, %dma_start3A_171] : memref<10000x128xf32, #tpu.memory_space<hbm>> -> memref<10000x128xf32, #tpu.memory_space<hbm>>
      tpu.enqueue_indirect_dma source(%dma_start3A_172 : memref<10000x128xf32, #tpu.memory_space<hbm>>) target(%arg18 : memref<128x128xf32, #tpu.memory_space<vmem>>) offsets(%arg10 : memref<128xi32, #tpu.memory_space<vmem>>) semaphore(%arg26 : memref<!tpu.dma_semaphore, #tpu.memory_space<semaphore_mem>>)
    } else {
    }
    %eq3A_98 = arith.constant 1 : i32
    %eq3A_99 = arith.cmpi eq, %arg0, %eq3A_98 : i32
    %convert_element_type3A_100 = arith.extui %eq3A_99 : i1 to i32
    %cond3A_101 = arith.constant 0 : i32
    %cond3A_102 = arith.cmpi ne, %convert_element_type3A_100, %cond3A_101 : i32
    scf.if %cond3A_102 {
      %dma_start3A_170 = arith.constant 0 : i32
      %dma_start3A_171 = arith.constant 0 : i32
      %dma_start3A_172 = tpu.memref_slice %arg3[%dma_start3A_170, %dma_start3A_171] : memref<10000x128xf32, #tpu.memory_space<hbm>> -> memref<10000x128xf32, #tpu.memory_space<hbm>>
      tpu.enqueue_indirect_dma source(%dma_start3A_172 : memref<10000x128xf32, #tpu.memory_space<hbm>>) target(%arg18 : memref<128x128xf32, #tpu.memory_space<vmem>>) offsets(%arg10 : memref<128xi32, #tpu.memory_space<vmem>>) semaphore(%arg26 : memref<!tpu.dma_semaphore, #tpu.memory_space<semaphore_mem>>)
    } else {
    }
    %eq3A_103 = arith.constant 0 : i32
    %eq3A_104 = arith.cmpi eq, %arg0, %eq3A_103 : i32
    %convert_element_type3A_105 = arith.extui %eq3A_104 : i1 to i32
    %cond3A_106 = arith.constant 0 : i32
    %cond3A_107 = arith.cmpi ne, %convert_element_type3A_105, %cond3A_106 : i32
    scf.if %cond3A_107 {
      %dma_wait3A_170 = arith.constant 0 : i32
      %dma_wait3A_171 = arith.constant 0 : i32
      %dma_wait3A_172 = tpu.memref_slice %arg2[%dma_wait3A_170, %dma_wait3A_171] : memref<10000x128xf32, #tpu.memory_space<hbm>> -> memref<10000x128xf32, #tpu.memory_space<hbm>>
      tpu.wait_indirect_dma semaphore(%arg26 : memref<!tpu.dma_semaphore, #tpu.memory_space<semaphore_mem>>) src(%dma_wait3A_172 : memref<10000x128xf32, #tpu.memory_space<hbm>>) dst(%arg18 : memref<128x128xf32, #tpu.memory_space<vmem>>)
    } else {
    }
    %eq3A_108 = arith.constant 1 : i32
    %eq3A_109 = arith.cmpi eq, %arg0, %eq3A_108 : i32
    %convert_element_type3A_110 = arith.extui %eq3A_109 : i1 to i32
    %cond3A_111 = arith.constant 0 : i32
    %cond3A_112 = arith.cmpi ne, %convert_element_type3A_110, %cond3A_111 : i32
    scf.if %cond3A_112 {
      %dma_wait3A_170 = arith.constant 0 : i32
      %dma_wait3A_171 = arith.constant 0 : i32
      %dma_wait3A_172 = tpu.memref_slice %arg3[%dma_wait3A_170, %dma_wait3A_171] : memref<10000x128xf32, #tpu.memory_space<hbm>> -> memref<10000x128xf32, #tpu.memory_space<hbm>>
      tpu.wait_indirect_dma semaphore(%arg26 : memref<!tpu.dma_semaphore, #tpu.memory_space<semaphore_mem>>) src(%dma_wait3A_172 : memref<10000x128xf32, #tpu.memory_space<hbm>>) dst(%arg18 : memref<128x128xf32, #tpu.memory_space<vmem>>)
    } else {
    }
    %dma_wait3A_113 = arith.constant 0 : i32
    %dma_wait3A_114 = arith.constant 0 : i32
    %dma_wait3A_115 = tpu.memref_slice %arg21[%dma_wait3A_113, %dma_wait3A_114] : memref<10000x128xf32, #tpu.memory_space<vmem_shared>> -> memref<10000x128xf32, #tpu.memory_space<vmem_shared>>
    tpu.wait_indirect_dma semaphore(%arg29 : memref<!tpu.dma_semaphore, #tpu.memory_space<semaphore_mem>>) src(%arg19 : memref<128x128xf32, #tpu.memory_space<vmem>>) dst(%dma_wait3A_115 : memref<10000x128xf32, #tpu.memory_space<vmem_shared>>)
    %dma_start3A_116 = arith.constant 0 : i32
    %dma_start3A_117 = arith.constant 0 : i32
    %dma_start3A_118 = tpu.memref_slice %arg21[%dma_start3A_116, %dma_start3A_117] : memref<10000x128xf32, #tpu.memory_space<vmem_shared>> -> memref<10000x128xf32, #tpu.memory_space<vmem_shared>>
    tpu.enqueue_indirect_dma source(%arg18 : memref<128x128xf32, #tpu.memory_space<vmem>>) target(%dma_start3A_118 : memref<10000x128xf32, #tpu.memory_space<vmem_shared>>) offsets(%arg14 : memref<128xi32, #tpu.memory_space<vmem>>) semaphore(%arg28 : memref<!tpu.dma_semaphore, #tpu.memory_space<semaphore_mem>>) {add = true}
    %add3A_119 = arith.constant 19840 : i32
    %add3A_120 = arith.addi %mul3A_2, %add3A_119 : i32
    %dma_wait3A_121 = tpu.memref_slice %arg4[%add3A_120] : memref<320000xi32, #tpu.memory_space<hbm>> -> memref<128xi32, #tpu.memory_space<hbm>>
    %dma_wait3A_122 = tpu.memref_slice %arg4[%add3A_120] : memref<320000xi32, #tpu.memory_space<hbm>> -> memref<128xi32, #tpu.memory_space<hbm>>
    tpu.wait_dma2 semaphore(%arg25 : memref<!tpu.dma_semaphore, #tpu.memory_space<semaphore_mem>>) src(%dma_wait3A_122 : memref<128xi32, #tpu.memory_space<hbm>>) dst(%arg11 : memref<128xi32, #tpu.memory_space<vmem>>)
    %dma_wait3A_123 = tpu.memref_slice %arg5[%add3A_120] : memref<320000xi32, #tpu.memory_space<hbm>> -> memref<128xi32, #tpu.memory_space<hbm>>
    %dma_wait3A_124 = tpu.memref_slice %arg5[%add3A_120] : memref<320000xi32, #tpu.memory_space<hbm>> -> memref<128xi32, #tpu.memory_space<hbm>>
    tpu.wait_dma2 semaphore(%arg25 : memref<!tpu.dma_semaphore, #tpu.memory_space<semaphore_mem>>) src(%dma_wait3A_124 : memref<128xi32, #tpu.memory_space<hbm>>) dst(%arg15 : memref<128xi32, #tpu.memory_space<vmem>>)
    %eq3A_125 = arith.constant 0 : i32
    %eq3A_126 = arith.cmpi eq, %arg0, %eq3A_125 : i32
    %convert_element_type3A_127 = arith.extui %eq3A_126 : i1 to i32
    %cond3A_128 = arith.constant 0 : i32
    %cond3A_129 = arith.cmpi ne, %convert_element_type3A_127, %cond3A_128 : i32
    scf.if %cond3A_129 {
      %dma_start3A_170 = arith.constant 0 : i32
      %dma_start3A_171 = arith.constant 0 : i32
      %dma_start3A_172 = tpu.memref_slice %arg2[%dma_start3A_170, %dma_start3A_171] : memref<10000x128xf32, #tpu.memory_space<hbm>> -> memref<10000x128xf32, #tpu.memory_space<hbm>>
      tpu.enqueue_indirect_dma source(%dma_start3A_172 : memref<10000x128xf32, #tpu.memory_space<hbm>>) target(%arg19 : memref<128x128xf32, #tpu.memory_space<vmem>>) offsets(%arg11 : memref<128xi32, #tpu.memory_space<vmem>>) semaphore(%arg27 : memref<!tpu.dma_semaphore, #tpu.memory_space<semaphore_mem>>)
    } else {
    }
    %eq3A_130 = arith.constant 1 : i32
    %eq3A_131 = arith.cmpi eq, %arg0, %eq3A_130 : i32
    %convert_element_type3A_132 = arith.extui %eq3A_131 : i1 to i32
    %cond3A_133 = arith.constant 0 : i32
    %cond3A_134 = arith.cmpi ne, %convert_element_type3A_132, %cond3A_133 : i32
    scf.if %cond3A_134 {
      %dma_start3A_170 = arith.constant 0 : i32
      %dma_start3A_171 = arith.constant 0 : i32
      %dma_start3A_172 = tpu.memref_slice %arg3[%dma_start3A_170, %dma_start3A_171] : memref<10000x128xf32, #tpu.memory_space<hbm>> -> memref<10000x128xf32, #tpu.memory_space<hbm>>
      tpu.enqueue_indirect_dma source(%dma_start3A_172 : memref<10000x128xf32, #tpu.memory_space<hbm>>) target(%arg19 : memref<128x128xf32, #tpu.memory_space<vmem>>) offsets(%arg11 : memref<128xi32, #tpu.memory_space<vmem>>) semaphore(%arg27 : memref<!tpu.dma_semaphore, #tpu.memory_space<semaphore_mem>>)
    } else {
    }
    %eq3A_135 = arith.constant 0 : i32
    %eq3A_136 = arith.cmpi eq, %arg0, %eq3A_135 : i32
    %convert_element_type3A_137 = arith.extui %eq3A_136 : i1 to i32
    %cond3A_138 = arith.constant 0 : i32
    %cond3A_139 = arith.cmpi ne, %convert_element_type3A_137, %cond3A_138 : i32
    scf.if %cond3A_139 {
      %dma_wait3A_170 = arith.constant 0 : i32
      %dma_wait3A_171 = arith.constant 0 : i32
      %dma_wait3A_172 = tpu.memref_slice %arg2[%dma_wait3A_170, %dma_wait3A_171] : memref<10000x128xf32, #tpu.memory_space<hbm>> -> memref<10000x128xf32, #tpu.memory_space<hbm>>
      tpu.wait_indirect_dma semaphore(%arg27 : memref<!tpu.dma_semaphore, #tpu.memory_space<semaphore_mem>>) src(%dma_wait3A_172 : memref<10000x128xf32, #tpu.memory_space<hbm>>) dst(%arg19 : memref<128x128xf32, #tpu.memory_space<vmem>>)
    } else {
    }
    %eq3A_140 = arith.constant 1 : i32
    %eq3A_141 = arith.cmpi eq, %arg0, %eq3A_140 : i32
    %convert_element_type3A_142 = arith.extui %eq3A_141 : i1 to i32
    %cond3A_143 = arith.constant 0 : i32
    %cond3A_144 = arith.cmpi ne, %convert_element_type3A_142, %cond3A_143 : i32
    scf.if %cond3A_144 {
      %dma_wait3A_170 = arith.constant 0 : i32
      %dma_wait3A_171 = arith.constant 0 : i32
      %dma_wait3A_172 = tpu.memref_slice %arg3[%dma_wait3A_170, %dma_wait3A_171] : memref<10000x128xf32, #tpu.memory_space<hbm>> -> memref<10000x128xf32, #tpu.memory_space<hbm>>
      tpu.wait_indirect_dma semaphore(%arg27 : memref<!tpu.dma_semaphore, #tpu.memory_space<semaphore_mem>>) src(%dma_wait3A_172 : memref<10000x128xf32, #tpu.memory_space<hbm>>) dst(%arg19 : memref<128x128xf32, #tpu.memory_space<vmem>>)
    } else {
    }
    %dma_wait3A_145 = arith.constant 0 : i32
    %dma_wait3A_146 = arith.constant 0 : i32
    %dma_wait3A_147 = tpu.memref_slice %arg21[%dma_wait3A_145, %dma_wait3A_146] : memref<10000x128xf32, #tpu.memory_space<vmem_shared>> -> memref<10000x128xf32, #tpu.memory_space<vmem_shared>>
    tpu.wait_indirect_dma semaphore(%arg28 : memref<!tpu.dma_semaphore, #tpu.memory_space<semaphore_mem>>) src(%arg18 : memref<128x128xf32, #tpu.memory_space<vmem>>) dst(%dma_wait3A_147 : memref<10000x128xf32, #tpu.memory_space<vmem_shared>>)
    %dma_start3A_148 = arith.constant 0 : i32
    %dma_start3A_149 = arith.constant 0 : i32
    %dma_start3A_150 = tpu.memref_slice %arg21[%dma_start3A_148, %dma_start3A_149] : memref<10000x128xf32, #tpu.memory_space<vmem_shared>> -> memref<10000x128xf32, #tpu.memory_space<vmem_shared>>
    tpu.enqueue_indirect_dma source(%arg19 : memref<128x128xf32, #tpu.memory_space<vmem>>) target(%dma_start3A_150 : memref<10000x128xf32, #tpu.memory_space<vmem_shared>>) offsets(%arg15 : memref<128xi32, #tpu.memory_space<vmem>>) semaphore(%arg29 : memref<!tpu.dma_semaphore, #tpu.memory_space<semaphore_mem>>) {add = true}
    %dma_wait3A_151 = arith.constant 0 : i32
    %dma_wait3A_152 = arith.constant 0 : i32
    %dma_wait3A_153 = tpu.memref_slice %arg21[%dma_wait3A_151, %dma_wait3A_152] : memref<10000x128xf32, #tpu.memory_space<vmem_shared>> -> memref<10000x128xf32, #tpu.memory_space<vmem_shared>>
    tpu.wait_indirect_dma semaphore(%arg29 : memref<!tpu.dma_semaphore, #tpu.memory_space<semaphore_mem>>) src(%arg19 : memref<128x128xf32, #tpu.memory_space<vmem>>) dst(%dma_wait3A_153 : memref<10000x128xf32, #tpu.memory_space<vmem_shared>>)
    %add3A_154 = arith.constant 19968 : i32
    %add3A_155 = arith.addi %mul3A_2, %add3A_154 : i32
    "tpu.region"() ({
      %run_scoped3A = tpu.sem_alloc : memref<!tpu.dma_semaphore, #tpu.memory_space<semaphore_mem>>
      %dma_start3A_170 = tpu.memref_slice %arg4[%add3A_155] : memref<320000xi32, #tpu.memory_space<hbm>> -> memref<32xi32, #tpu.memory_space<hbm>>
      %dma_start3A_171 = tpu.memref_slice %arg4[%add3A_155] : memref<320000xi32, #tpu.memory_space<hbm>> -> memref<32xi32, #tpu.memory_space<hbm>>
      tpu.enqueue_dma source(%dma_start3A_171 : memref<32xi32, #tpu.memory_space<hbm>>) target(%arg16 : memref<32xi32, #tpu.memory_space<vmem>>) target_semaphore(%run_scoped3A : memref<!tpu.dma_semaphore, #tpu.memory_space<semaphore_mem>>)
      %dma_wait3A_172 = tpu.memref_slice %arg4[%add3A_155] : memref<320000xi32, #tpu.memory_space<hbm>> -> memref<32xi32, #tpu.memory_space<hbm>>
      %dma_wait3A_173 = tpu.memref_slice %arg4[%add3A_155] : memref<320000xi32, #tpu.memory_space<hbm>> -> memref<32xi32, #tpu.memory_space<hbm>>
      tpu.wait_dma2 semaphore(%run_scoped3A : memref<!tpu.dma_semaphore, #tpu.memory_space<semaphore_mem>>) src(%dma_wait3A_173 : memref<32xi32, #tpu.memory_space<hbm>>) dst(%arg16 : memref<32xi32, #tpu.memory_space<vmem>>)
      tpu.yield
    }) : () -> ()
    "tpu.region"() ({
      %run_scoped3A = tpu.sem_alloc : memref<!tpu.dma_semaphore, #tpu.memory_space<semaphore_mem>>
      %dma_start3A_170 = tpu.memref_slice %arg5[%add3A_155] : memref<320000xi32, #tpu.memory_space<hbm>> -> memref<32xi32, #tpu.memory_space<hbm>>
      %dma_start3A_171 = tpu.memref_slice %arg5[%add3A_155] : memref<320000xi32, #tpu.memory_space<hbm>> -> memref<32xi32, #tpu.memory_space<hbm>>
      tpu.enqueue_dma source(%dma_start3A_171 : memref<32xi32, #tpu.memory_space<hbm>>) target(%arg17 : memref<32xi32, #tpu.memory_space<vmem>>) target_semaphore(%run_scoped3A : memref<!tpu.dma_semaphore, #tpu.memory_space<semaphore_mem>>)
      %dma_wait3A_172 = tpu.memref_slice %arg5[%add3A_155] : memref<320000xi32, #tpu.memory_space<hbm>> -> memref<32xi32, #tpu.memory_space<hbm>>
      %dma_wait3A_173 = tpu.memref_slice %arg5[%add3A_155] : memref<320000xi32, #tpu.memory_space<hbm>> -> memref<32xi32, #tpu.memory_space<hbm>>
      tpu.wait_dma2 semaphore(%run_scoped3A : memref<!tpu.dma_semaphore, #tpu.memory_space<semaphore_mem>>) src(%dma_wait3A_173 : memref<32xi32, #tpu.memory_space<hbm>>) dst(%arg17 : memref<32xi32, #tpu.memory_space<vmem>>)
      tpu.yield
    }) : () -> ()
    %eq3A_156 = arith.constant 0 : i32
    %eq3A_157 = arith.cmpi eq, %arg0, %eq3A_156 : i32
    %convert_element_type3A_158 = arith.extui %eq3A_157 : i1 to i32
    %cond3A_159 = arith.constant 0 : i32
    %cond3A_160 = arith.cmpi ne, %convert_element_type3A_158, %cond3A_159 : i32
    scf.if %cond3A_160 {
      %dma_start3A_170 = arith.constant 0 : i32
      %dma_start3A_171 = arith.constant 0 : i32
      %dma_start3A_172 = tpu.memref_slice %arg2[%dma_start3A_170, %dma_start3A_171] : memref<10000x128xf32, #tpu.memory_space<hbm>> -> memref<10000x128xf32, #tpu.memory_space<hbm>>
      tpu.enqueue_indirect_dma source(%dma_start3A_172 : memref<10000x128xf32, #tpu.memory_space<hbm>>) target(%arg20 : memref<32x128xf32, #tpu.memory_space<vmem>>) offsets(%arg16 : memref<32xi32, #tpu.memory_space<vmem>>) semaphore(%arg30 : memref<!tpu.dma_semaphore, #tpu.memory_space<semaphore_mem>>)
      %dma_wait3A_173 = arith.constant 0 : i32
      %dma_wait3A_174 = arith.constant 0 : i32
      %dma_wait3A_175 = tpu.memref_slice %arg2[%dma_wait3A_173, %dma_wait3A_174] : memref<10000x128xf32, #tpu.memory_space<hbm>> -> memref<10000x128xf32, #tpu.memory_space<hbm>>
      tpu.wait_indirect_dma semaphore(%arg30 : memref<!tpu.dma_semaphore, #tpu.memory_space<semaphore_mem>>) src(%dma_wait3A_175 : memref<10000x128xf32, #tpu.memory_space<hbm>>) dst(%arg20 : memref<32x128xf32, #tpu.memory_space<vmem>>)
    } else {
    }
    %eq3A_161 = arith.constant 1 : i32
    %eq3A_162 = arith.cmpi eq, %arg0, %eq3A_161 : i32
    %convert_element_type3A_163 = arith.extui %eq3A_162 : i1 to i32
    %cond3A_164 = arith.constant 0 : i32
    %cond3A_165 = arith.cmpi ne, %convert_element_type3A_163, %cond3A_164 : i32
    scf.if %cond3A_165 {
      %dma_start3A_170 = arith.constant 0 : i32
      %dma_start3A_171 = arith.constant 0 : i32
      %dma_start3A_172 = tpu.memref_slice %arg3[%dma_start3A_170, %dma_start3A_171] : memref<10000x128xf32, #tpu.memory_space<hbm>> -> memref<10000x128xf32, #tpu.memory_space<hbm>>
      tpu.enqueue_indirect_dma source(%dma_start3A_172 : memref<10000x128xf32, #tpu.memory_space<hbm>>) target(%arg20 : memref<32x128xf32, #tpu.memory_space<vmem>>) offsets(%arg16 : memref<32xi32, #tpu.memory_space<vmem>>) semaphore(%arg30 : memref<!tpu.dma_semaphore, #tpu.memory_space<semaphore_mem>>)
      %dma_wait3A_173 = arith.constant 0 : i32
      %dma_wait3A_174 = arith.constant 0 : i32
      %dma_wait3A_175 = tpu.memref_slice %arg3[%dma_wait3A_173, %dma_wait3A_174] : memref<10000x128xf32, #tpu.memory_space<hbm>> -> memref<10000x128xf32, #tpu.memory_space<hbm>>
      tpu.wait_indirect_dma semaphore(%arg30 : memref<!tpu.dma_semaphore, #tpu.memory_space<semaphore_mem>>) src(%dma_wait3A_175 : memref<10000x128xf32, #tpu.memory_space<hbm>>) dst(%arg20 : memref<32x128xf32, #tpu.memory_space<vmem>>)
    } else {
    }
    "tpu.region"() ({
      %run_scoped3A = tpu.sem_alloc : memref<!tpu.dma_semaphore, #tpu.memory_space<semaphore_mem>>
      %dma_start3A_170 = arith.constant 0 : i32
      %dma_start3A_171 = arith.constant 0 : i32
      %dma_start3A_172 = tpu.memref_slice %arg21[%dma_start3A_170, %dma_start3A_171] : memref<10000x128xf32, #tpu.memory_space<vmem_shared>> -> memref<10000x128xf32, #tpu.memory_space<vmem_shared>>
      tpu.enqueue_indirect_dma source(%arg20 : memref<32x128xf32, #tpu.memory_space<vmem>>) target(%dma_start3A_172 : memref<10000x128xf32, #tpu.memory_space<vmem_shared>>) offsets(%arg17 : memref<32xi32, #tpu.memory_space<vmem>>) semaphore(%run_scoped3A : memref<!tpu.dma_semaphore, #tpu.memory_space<semaphore_mem>>) {add = true}
      %dma_wait3A_173 = arith.constant 0 : i32
      %dma_wait3A_174 = arith.constant 0 : i32
      %dma_wait3A_175 = tpu.memref_slice %arg21[%dma_wait3A_173, %dma_wait3A_174] : memref<10000x128xf32, #tpu.memory_space<vmem_shared>> -> memref<10000x128xf32, #tpu.memory_space<vmem_shared>>
      tpu.wait_indirect_dma semaphore(%run_scoped3A : memref<!tpu.dma_semaphore, #tpu.memory_space<semaphore_mem>>) src(%arg20 : memref<32x128xf32, #tpu.memory_space<vmem>>) dst(%dma_wait3A_175 : memref<10000x128xf32, #tpu.memory_space<vmem_shared>>)
      tpu.yield
    }) : () -> ()
    %barrier3A_166 = arith.constant 0 : index
    tpu.barrier barrier_id(%barrier3A_166)
    %mul3A_167 = arith.constant 10000 : i32
    %mul3A_168 = arith.muli %arg0, %mul3A_167 : i32
    %add3A_169 = arith.addi %mul3A_168, %mul3A_0 : i32
    "tpu.region"() ({
      %run_scoped3A = tpu.sem_alloc : memref<!tpu.dma_semaphore, #tpu.memory_space<semaphore_mem>>
      %dma_start3A_170 = arith.constant 0 : i32
      %dma_start3A_171 = tpu.memref_slice %arg7[%add3A_169, %dma_start3A_170] : memref<20000x128xf32, #tpu.memory_space<hbm>> -> memref<625x128xf32, #tpu.memory_space<hbm>>
      %dma_start3A_172 = arith.constant 0 : i32
      %dma_start3A_173 = tpu.memref_slice %arg21[%mul3A_0, %dma_start3A_172] : memref<10000x128xf32, #tpu.memory_space<vmem_shared>> -> memref<625x128xf32, #tpu.memory_space<vmem_shared>>
      tpu.enqueue_dma source(%dma_start3A_173 : memref<625x128xf32, #tpu.memory_space<vmem_shared>>) target(%dma_start3A_171 : memref<625x128xf32, #tpu.memory_space<hbm>>) target_semaphore(%run_scoped3A : memref<!tpu.dma_semaphore, #tpu.memory_space<semaphore_mem>>)
      %dma_wait3A_174 = arith.constant 0 : i32
      %dma_wait3A_175 = tpu.memref_slice %arg7[%add3A_169, %dma_wait3A_174] : memref<20000x128xf32, #tpu.memory_space<hbm>> -> memref<625x128xf32, #tpu.memory_space<hbm>>
      %dma_wait3A_176 = arith.constant 0 : i32
      %dma_wait3A_177 = tpu.memref_slice %arg21[%mul3A_0, %dma_wait3A_176] : memref<10000x128xf32, #tpu.memory_space<vmem_shared>> -> memref<625x128xf32, #tpu.memory_space<vmem_shared>>
      tpu.wait_dma2 semaphore(%run_scoped3A : memref<!tpu.dma_semaphore, #tpu.memory_space<semaphore_mem>>) src(%dma_wait3A_177 : memref<625x128xf32, #tpu.memory_space<vmem_shared>>) dst(%dma_wait3A_175 : memref<625x128xf32, #tpu.memory_space<hbm>>)
      tpu.yield
    }) : () -> ()
    return
  }
}

#map = affine_map<(d0, d1) -> (0, 0)>
#map1 = affine_map<(d0, d1) -> (0)>
module attributes {stable_mosaic.version = 14 : i64} {
  func.func @k(%arg0: i32, %arg1: i32, %arg2: memref<10000x128xf32, #tpu.memory_space<hbm>>, %arg3: memref<10000x128xf32, #tpu.memory_space<hbm>>, %arg4: memref<320000xi32, #tpu.memory_space<hbm>>, %arg5: memref<320000xi32, #tpu.memory_space<hbm>>, %arg6: memref<625x128xf32, #tpu.memory_space<hbm>>, %arg7: memref<20000x128xf32, #tpu.memory_space<hbm>>, %arg8: memref<128xi32, #tpu.memory_space<vmem>>, %arg9: memref<128xi32, #tpu.memory_space<vmem>>, %arg10: memref<128xi32, #tpu.memory_space<vmem>>, %arg11: memref<128xi32, #tpu.memory_space<vmem>>, %arg12: memref<128xi32, #tpu.memory_space<vmem>>, %arg13: memref<128xi32, #tpu.memory_space<vmem>>, %arg14: memref<128xi32, #tpu.memory_space<vmem>>, %arg15: memref<128xi32, #tpu.memory_space<vmem>>, %arg16: memref<32xi32, #tpu.memory_space<vmem>>, %arg17: memref<32xi32, #tpu.memory_space<vmem>>, %arg18: memref<128x128xf32, #tpu.memory_space<vmem>>, %arg19: memref<128x128xf32, #tpu.memory_space<vmem>>, %arg20: memref<32x128xf32, #tpu.memory_space<vmem>>, %arg21: memref<10000x128xf32, #tpu.memory_space<vmem_shared>>, %arg22: memref<!tpu.dma_semaphore, #tpu.memory_space<semaphore_mem>>, %arg23: memref<!tpu.dma_semaphore, #tpu.memory_space<semaphore_mem>>, %arg24: memref<!tpu.dma_semaphore, #tpu.memory_space<semaphore_mem>>, %arg25: memref<!tpu.dma_semaphore, #tpu.memory_space<semaphore_mem>>, %arg26: memref<!tpu.dma_semaphore, #tpu.memory_space<semaphore_mem>>, %arg27: memref<!tpu.dma_semaphore, #tpu.memory_space<semaphore_mem>>, %arg28: memref<!tpu.dma_semaphore, #tpu.memory_space<semaphore_mem>>, %arg29: memref<!tpu.dma_semaphore, #tpu.memory_space<semaphore_mem>>, %arg30: memref<!tpu.dma_semaphore, #tpu.memory_space<semaphore_mem>>) attributes {dimension_semantics = [#tpu.dimension_semantics<core_parallel>, #tpu.dimension_semantics<subcore_parallel>], iteration_bounds = array<i64: 2, 16>, scalar_prefetch = 0 : i64, scratch_operands = 23 : i64, tpu.core_type = #tpu.core_type<sc_vector_subcore>, window_params = [{transform_indices = #map}, {transform_indices = #map}, {transform_indices = #map1}, {transform_indices = #map1}, {transform_indices = #map}, {transform_indices = #map}]} {
    %mul3A = arith.constant 625 : i32
    %mul3A_0 = arith.muli %arg1, %mul3A : i32
    "tpu.region"() ({
      %run_scoped3A = tpu.sem_alloc : memref<!tpu.dma_semaphore, #tpu.memory_space<semaphore_mem>>
      %dma_start3A_170 = arith.constant 0 : i32
      %dma_start3A_171 = tpu.memref_slice %arg21[%mul3A_0, %dma_start3A_170] : memref<10000x128xf32, #tpu.memory_space<vmem_shared>> -> memref<625x128xf32, #tpu.memory_space<vmem_shared>>
      tpu.enqueue_dma source(%arg6 : memref<625x128xf32, #tpu.memory_space<hbm>>) target(%dma_start3A_171 : memref<625x128xf32, #tpu.memory_space<vmem_shared>>) target_semaphore(%run_scoped3A : memref<!tpu.dma_semaphore, #tpu.memory_space<semaphore_mem>>)
      %dma_wait3A_172 = arith.constant 0 : i32
      %dma_wait3A_173 = tpu.memref_slice %arg21[%mul3A_0, %dma_wait3A_172] : memref<10000x128xf32, #tpu.memory_space<vmem_shared>> -> memref<625x128xf32, #tpu.memory_space<vmem_shared>>
      tpu.wait_dma2 semaphore(%run_scoped3A : memref<!tpu.dma_semaphore, #tpu.memory_space<semaphore_mem>>) src(%arg6 : memref<625x128xf32, #tpu.memory_space<hbm>>) dst(%dma_wait3A_173 : memref<625x128xf32, #tpu.memory_space<vmem_shared>>)
      tpu.yield
    }) : () -> ()
    %barrier3A = arith.constant 0 : index
    tpu.barrier barrier_id(%barrier3A)
    %mul3A_1 = arith.constant 20000 : i32
    %mul3A_2 = arith.muli %arg1, %mul3A_1 : i32
    %add3A = arith.constant 0 : i32
    %add3A_3 = arith.addi %mul3A_2, %add3A : i32
    %dma_start3A = tpu.memref_slice %arg4[%add3A_3] : memref<320000xi32, #tpu.memory_space<hbm>> -> memref<128xi32, #tpu.memory_space<hbm>>
    %dma_start3A_4 = tpu.memref_slice %arg4[%add3A_3] : memref<320000xi32, #tpu.memory_space<hbm>> -> memref<128xi32, #tpu.memory_space<hbm>>
    tpu.enqueue_dma source(%dma_start3A_4 : memref<128xi32, #tpu.memory_space<hbm>>) target(%arg8 : memref<128xi32, #tpu.memory_space<vmem>>) target_semaphore(%arg22 : memref<!tpu.dma_semaphore, #tpu.memory_space<semaphore_mem>>)
    %dma_start3A_5 = tpu.memref_slice %arg5[%add3A_3] : memref<320000xi32, #tpu.memory_space<hbm>> -> memref<128xi32, #tpu.memory_space<hbm>>
    %dma_start3A_6 = tpu.memref_slice %arg5[%add3A_3] : memref<320000xi32, #tpu.memory_space<hbm>> -> memref<128xi32, #tpu.memory_space<hbm>>
    tpu.enqueue_dma source(%dma_start3A_6 : memref<128xi32, #tpu.memory_space<hbm>>) target(%arg12 : memref<128xi32, #tpu.memory_space<vmem>>) target_semaphore(%arg22 : memref<!tpu.dma_semaphore, #tpu.memory_space<semaphore_mem>>)
    %add3A_7 = arith.constant 128 : i32
    %add3A_8 = arith.addi %mul3A_2, %add3A_7 : i32
    %dma_start3A_9 = tpu.memref_slice %arg4[%add3A_8] : memref<320000xi32, #tpu.memory_space<hbm>> -> memref<128xi32, #tpu.memory_space<hbm>>
    %dma_start3A_10 = tpu.memref_slice %arg4[%add3A_8] : memref<320000xi32, #tpu.memory_space<hbm>> -> memref<128xi32, #tpu.memory_space<hbm>>
    tpu.enqueue_dma source(%dma_start3A_10 : memref<128xi32, #tpu.memory_space<hbm>>) target(%arg9 : memref<128xi32, #tpu.memory_space<vmem>>) target_semaphore(%arg23 : memref<!tpu.dma_semaphore, #tpu.memory_space<semaphore_mem>>)
    %dma_start3A_11 = tpu.memref_slice %arg5[%add3A_8] : memref<320000xi32, #tpu.memory_space<hbm>> -> memref<128xi32, #tpu.memory_space<hbm>>
    %dma_start3A_12 = tpu.memref_slice %arg5[%add3A_8] : memref<320000xi32, #tpu.memory_space<hbm>> -> memref<128xi32, #tpu.memory_space<hbm>>
    tpu.enqueue_dma source(%dma_start3A_12 : memref<128xi32, #tpu.memory_space<hbm>>) target(%arg13 : memref<128xi32, #tpu.memory_space<vmem>>) target_semaphore(%arg23 : memref<!tpu.dma_semaphore, #tpu.memory_space<semaphore_mem>>)
    %add3A_13 = arith.constant 0 : i32
    %add3A_14 = arith.addi %mul3A_2, %add3A_13 : i32
    %dma_wait3A = tpu.memref_slice %arg4[%add3A_14] : memref<320000xi32, #tpu.memory_space<hbm>> -> memref<128xi32, #tpu.memory_space<hbm>>
    %dma_wait3A_15 = tpu.memref_slice %arg4[%add3A_14] : memref<320000xi32, #tpu.memory_space<hbm>> -> memref<128xi32, #tpu.memory_space<hbm>>
    tpu.wait_dma2 semaphore(%arg22 : memref<!tpu.dma_semaphore, #tpu.memory_space<semaphore_mem>>) src(%dma_wait3A_15 : memref<128xi32, #tpu.memory_space<hbm>>) dst(%arg8 : memref<128xi32, #tpu.memory_space<vmem>>)
    %dma_wait3A_16 = tpu.memref_slice %arg5[%add3A_14] : memref<320000xi32, #tpu.memory_space<hbm>> -> memref<128xi32, #tpu.memory_space<hbm>>
    %dma_wait3A_17 = tpu.memref_slice %arg5[%add3A_14] : memref<320000xi32, #tpu.memory_space<hbm>> -> memref<128xi32, #tpu.memory_space<hbm>>
    tpu.wait_dma2 semaphore(%arg22 : memref<!tpu.dma_semaphore, #tpu.memory_space<semaphore_mem>>) src(%dma_wait3A_17 : memref<128xi32, #tpu.memory_space<hbm>>) dst(%arg12 : memref<128xi32, #tpu.memory_space<vmem>>)
    %eq3A = arith.constant 0 : i32
    %eq3A_18 = arith.cmpi eq, %arg0, %eq3A : i32
    %convert_element_type3A = arith.extui %eq3A_18 : i1 to i32
    %cond3A = arith.constant 0 : i32
    %cond3A_19 = arith.cmpi ne, %convert_element_type3A, %cond3A : i32
    scf.if %cond3A_19 {
      %dma_start3A_170 = arith.constant 0 : i32
      %dma_start3A_171 = arith.constant 0 : i32
      %dma_start3A_172 = tpu.memref_slice %arg2[%dma_start3A_170, %dma_start3A_171] : memref<10000x128xf32, #tpu.memory_space<hbm>> -> memref<10000x128xf32, #tpu.memory_space<hbm>>
      tpu.enqueue_indirect_dma source(%dma_start3A_172 : memref<10000x128xf32, #tpu.memory_space<hbm>>) target(%arg18 : memref<128x128xf32, #tpu.memory_space<vmem>>) offsets(%arg8 : memref<128xi32, #tpu.memory_space<vmem>>) semaphore(%arg26 : memref<!tpu.dma_semaphore, #tpu.memory_space<semaphore_mem>>)
    } else {
    }
    %eq3A_20 = arith.constant 1 : i32
    %eq3A_21 = arith.cmpi eq, %arg0, %eq3A_20 : i32
    %convert_element_type3A_22 = arith.extui %eq3A_21 : i1 to i32
    %cond3A_23 = arith.constant 0 : i32
    %cond3A_24 = arith.cmpi ne, %convert_element_type3A_22, %cond3A_23 : i32
    scf.if %cond3A_24 {
      %dma_start3A_170 = arith.constant 0 : i32
      %dma_start3A_171 = arith.constant 0 : i32
      %dma_start3A_172 = tpu.memref_slice %arg3[%dma_start3A_170, %dma_start3A_171] : memref<10000x128xf32, #tpu.memory_space<hbm>> -> memref<10000x128xf32, #tpu.memory_space<hbm>>
      tpu.enqueue_indirect_dma source(%dma_start3A_172 : memref<10000x128xf32, #tpu.memory_space<hbm>>) target(%arg18 : memref<128x128xf32, #tpu.memory_space<vmem>>) offsets(%arg8 : memref<128xi32, #tpu.memory_space<vmem>>) semaphore(%arg26 : memref<!tpu.dma_semaphore, #tpu.memory_space<semaphore_mem>>)
    } else {
    }
    %add3A_25 = arith.constant 256 : i32
    %add3A_26 = arith.addi %mul3A_2, %add3A_25 : i32
    %dma_start3A_27 = tpu.memref_slice %arg4[%add3A_26] : memref<320000xi32, #tpu.memory_space<hbm>> -> memref<128xi32, #tpu.memory_space<hbm>>
    %dma_start3A_28 = tpu.memref_slice %arg4[%add3A_26] : memref<320000xi32, #tpu.memory_space<hbm>> -> memref<128xi32, #tpu.memory_space<hbm>>
    tpu.enqueue_dma source(%dma_start3A_28 : memref<128xi32, #tpu.memory_space<hbm>>) target(%arg10 : memref<128xi32, #tpu.memory_space<vmem>>) target_semaphore(%arg24 : memref<!tpu.dma_semaphore, #tpu.memory_space<semaphore_mem>>)
    %dma_start3A_29 = tpu.memref_slice %arg5[%add3A_26] : memref<320000xi32, #tpu.memory_space<hbm>> -> memref<128xi32, #tpu.memory_space<hbm>>
    %dma_start3A_30 = tpu.memref_slice %arg5[%add3A_26] : memref<320000xi32, #tpu.memory_space<hbm>> -> memref<128xi32, #tpu.memory_space<hbm>>
    tpu.enqueue_dma source(%dma_start3A_30 : memref<128xi32, #tpu.memory_space<hbm>>) target(%arg14 : memref<128xi32, #tpu.memory_space<vmem>>) target_semaphore(%arg24 : memref<!tpu.dma_semaphore, #tpu.memory_space<semaphore_mem>>)
    %eq3A_31 = arith.constant 0 : i32
    %eq3A_32 = arith.cmpi eq, %arg0, %eq3A_31 : i32
    %convert_element_type3A_33 = arith.extui %eq3A_32 : i1 to i32
    %cond3A_34 = arith.constant 0 : i32
    %cond3A_35 = arith.cmpi ne, %convert_element_type3A_33, %cond3A_34 : i32
    scf.if %cond3A_35 {
      %dma_wait3A_170 = arith.constant 0 : i32
      %dma_wait3A_171 = arith.constant 0 : i32
      %dma_wait3A_172 = tpu.memref_slice %arg2[%dma_wait3A_170, %dma_wait3A_171] : memref<10000x128xf32, #tpu.memory_space<hbm>> -> memref<10000x128xf32, #tpu.memory_space<hbm>>
      tpu.wait_indirect_dma semaphore(%arg26 : memref<!tpu.dma_semaphore, #tpu.memory_space<semaphore_mem>>) src(%dma_wait3A_172 : memref<10000x128xf32, #tpu.memory_space<hbm>>) dst(%arg18 : memref<128x128xf32, #tpu.memory_space<vmem>>)
    } else {
    }
    %eq3A_36 = arith.constant 1 : i32
    %eq3A_37 = arith.cmpi eq, %arg0, %eq3A_36 : i32
    %convert_element_type3A_38 = arith.extui %eq3A_37 : i1 to i32
    %cond3A_39 = arith.constant 0 : i32
    %cond3A_40 = arith.cmpi ne, %convert_element_type3A_38, %cond3A_39 : i32
    scf.if %cond3A_40 {
      %dma_wait3A_170 = arith.constant 0 : i32
      %dma_wait3A_171 = arith.constant 0 : i32
      %dma_wait3A_172 = tpu.memref_slice %arg3[%dma_wait3A_170, %dma_wait3A_171] : memref<10000x128xf32, #tpu.memory_space<hbm>> -> memref<10000x128xf32, #tpu.memory_space<hbm>>
      tpu.wait_indirect_dma semaphore(%arg26 : memref<!tpu.dma_semaphore, #tpu.memory_space<semaphore_mem>>) src(%dma_wait3A_172 : memref<10000x128xf32, #tpu.memory_space<hbm>>) dst(%arg18 : memref<128x128xf32, #tpu.memory_space<vmem>>)
    } else {
    }
    %dma_start3A_41 = arith.constant 0 : i32
    %dma_start3A_42 = arith.constant 0 : i32
    %dma_start3A_43 = tpu.memref_slice %arg21[%dma_start3A_41, %dma_start3A_42] : memref<10000x128xf32, #tpu.memory_space<vmem_shared>> -> memref<10000x128xf32, #tpu.memory_space<vmem_shared>>
    tpu.enqueue_indirect_dma source(%arg18 : memref<128x128xf32, #tpu.memory_space<vmem>>) target(%dma_start3A_43 : memref<10000x128xf32, #tpu.memory_space<vmem_shared>>) offsets(%arg12 : memref<128xi32, #tpu.memory_space<vmem>>) semaphore(%arg28 : memref<!tpu.dma_semaphore, #tpu.memory_space<semaphore_mem>>) {add = true}
    %add3A_44 = arith.constant 128 : i32
    %add3A_45 = arith.addi %mul3A_2, %add3A_44 : i32
    %dma_wait3A_46 = tpu.memref_slice %arg4[%add3A_45] : memref<320000xi32, #tpu.memory_space<hbm>> -> memref<128xi32, #tpu.memory_space<hbm>>
    %dma_wait3A_47 = tpu.memref_slice %arg4[%add3A_45] : memref<320000xi32, #tpu.memory_space<hbm>> -> memref<128xi32, #tpu.memory_space<hbm>>
    tpu.wait_dma2 semaphore(%arg23 : memref<!tpu.dma_semaphore, #tpu.memory_space<semaphore_mem>>) src(%dma_wait3A_47 : memref<128xi32, #tpu.memory_space<hbm>>) dst(%arg9 : memref<128xi32, #tpu.memory_space<vmem>>)
    %dma_wait3A_48 = tpu.memref_slice %arg5[%add3A_45] : memref<320000xi32, #tpu.memory_space<hbm>> -> memref<128xi32, #tpu.memory_space<hbm>>
    %dma_wait3A_49 = tpu.memref_slice %arg5[%add3A_45] : memref<320000xi32, #tpu.memory_space<hbm>> -> memref<128xi32, #tpu.memory_space<hbm>>
    tpu.wait_dma2 semaphore(%arg23 : memref<!tpu.dma_semaphore, #tpu.memory_space<semaphore_mem>>) src(%dma_wait3A_49 : memref<128xi32, #tpu.memory_space<hbm>>) dst(%arg13 : memref<128xi32, #tpu.memory_space<vmem>>)
    %eq3A_50 = arith.constant 0 : i32
    %eq3A_51 = arith.cmpi eq, %arg0, %eq3A_50 : i32
    %convert_element_type3A_52 = arith.extui %eq3A_51 : i1 to i32
    %cond3A_53 = arith.constant 0 : i32
    %cond3A_54 = arith.cmpi ne, %convert_element_type3A_52, %cond3A_53 : i32
    scf.if %cond3A_54 {
      %dma_start3A_170 = arith.constant 0 : i32
      %dma_start3A_171 = arith.constant 0 : i32
      %dma_start3A_172 = tpu.memref_slice %arg2[%dma_start3A_170, %dma_start3A_171] : memref<10000x128xf32, #tpu.memory_space<hbm>> -> memref<10000x128xf32, #tpu.memory_space<hbm>>
      tpu.enqueue_indirect_dma source(%dma_start3A_172 : memref<10000x128xf32, #tpu.memory_space<hbm>>) target(%arg19 : memref<128x128xf32, #tpu.memory_space<vmem>>) offsets(%arg9 : memref<128xi32, #tpu.memory_space<vmem>>) semaphore(%arg27 : memref<!tpu.dma_semaphore, #tpu.memory_space<semaphore_mem>>)
    } else {
    }
    %eq3A_55 = arith.constant 1 : i32
    %eq3A_56 = arith.cmpi eq, %arg0, %eq3A_55 : i32
    %convert_element_type3A_57 = arith.extui %eq3A_56 : i1 to i32
    %cond3A_58 = arith.constant 0 : i32
    %cond3A_59 = arith.cmpi ne, %convert_element_type3A_57, %cond3A_58 : i32
    scf.if %cond3A_59 {
      %dma_start3A_170 = arith.constant 0 : i32
      %dma_start3A_171 = arith.constant 0 : i32
      %dma_start3A_172 = tpu.memref_slice %arg3[%dma_start3A_170, %dma_start3A_171] : memref<10000x128xf32, #tpu.memory_space<hbm>> -> memref<10000x128xf32, #tpu.memory_space<hbm>>
      tpu.enqueue_indirect_dma source(%dma_start3A_172 : memref<10000x128xf32, #tpu.memory_space<hbm>>) target(%arg19 : memref<128x128xf32, #tpu.memory_space<vmem>>) offsets(%arg9 : memref<128xi32, #tpu.memory_space<vmem>>) semaphore(%arg27 : memref<!tpu.dma_semaphore, #tpu.memory_space<semaphore_mem>>)
    } else {
    }
    %add3A_60 = arith.constant 384 : i32
    %add3A_61 = arith.addi %mul3A_2, %add3A_60 : i32
    %dma_start3A_62 = tpu.memref_slice %arg4[%add3A_61] : memref<320000xi32, #tpu.memory_space<hbm>> -> memref<128xi32, #tpu.memory_space<hbm>>
    %dma_start3A_63 = tpu.memref_slice %arg4[%add3A_61] : memref<320000xi32, #tpu.memory_space<hbm>> -> memref<128xi32, #tpu.memory_space<hbm>>
    tpu.enqueue_dma source(%dma_start3A_63 : memref<128xi32, #tpu.memory_space<hbm>>) target(%arg11 : memref<128xi32, #tpu.memory_space<vmem>>) target_semaphore(%arg25 : memref<!tpu.dma_semaphore, #tpu.memory_space<semaphore_mem>>)
    %dma_start3A_64 = tpu.memref_slice %arg5[%add3A_61] : memref<320000xi32, #tpu.memory_space<hbm>> -> memref<128xi32, #tpu.memory_space<hbm>>
    %dma_start3A_65 = tpu.memref_slice %arg5[%add3A_61] : memref<320000xi32, #tpu.memory_space<hbm>> -> memref<128xi32, #tpu.memory_space<hbm>>
    tpu.enqueue_dma source(%dma_start3A_65 : memref<128xi32, #tpu.memory_space<hbm>>) target(%arg15 : memref<128xi32, #tpu.memory_space<vmem>>) target_semaphore(%arg25 : memref<!tpu.dma_semaphore, #tpu.memory_space<semaphore_mem>>)
    %scan3A = arith.constant 0 : i32
    %scan3A_66 = arith.constant 0 : i32
    %scan3A_67 = arith.constant 38 : i32
    %scan3A_68 = arith.addi %scan3A_66, %scan3A_67 : i32
    %scan3A_69 = arith.constant 1 : i32
    scf.for %scan3A_170 = %scan3A_66 to %scan3A_68 step %scan3A_69  : i32 {
      %mul3A_171 = arith.constant 4 : i32
      %mul3A_172 = arith.muli %scan3A_170, %mul3A_171 : i32
      %add3A_173 = arith.constant 1 : i32
      %add3A_174 = arith.addi %add3A_173, %mul3A_172 : i32
      %eq3A_175 = arith.constant 0 : i32
      %eq3A_176 = arith.cmpi eq, %arg0, %eq3A_175 : i32
      %convert_element_type3A_177 = arith.extui %eq3A_176 : i1 to i32
      %cond3A_178 = arith.constant 0 : i32
      %cond3A_179 = arith.cmpi ne, %convert_element_type3A_177, %cond3A_178 : i32
      scf.if %cond3A_179 {
        %dma_wait3A_357 = arith.constant 0 : i32
        %dma_wait3A_358 = arith.constant 0 : i32
        %dma_wait3A_359 = tpu.memref_slice %arg2[%dma_wait3A_357, %dma_wait3A_358] : memref<10000x128xf32, #tpu.memory_space<hbm>> -> memref<10000x128xf32, #tpu.memory_space<hbm>>
        tpu.wait_indirect_dma semaphore(%arg27 : memref<!tpu.dma_semaphore, #tpu.memory_space<semaphore_mem>>) src(%dma_wait3A_359 : memref<10000x128xf32, #tpu.memory_space<hbm>>) dst(%arg19 : memref<128x128xf32, #tpu.memory_space<vmem>>)
      } else {
      }
      %eq3A_180 = arith.constant 1 : i32
      %eq3A_181 = arith.cmpi eq, %arg0, %eq3A_180 : i32
      %convert_element_type3A_182 = arith.extui %eq3A_181 : i1 to i32
      %cond3A_183 = arith.constant 0 : i32
      %cond3A_184 = arith.cmpi ne, %convert_element_type3A_182, %cond3A_183 : i32
      scf.if %cond3A_184 {
        %dma_wait3A_357 = arith.constant 0 : i32
        %dma_wait3A_358 = arith.constant 0 : i32
        %dma_wait3A_359 = tpu.memref_slice %arg3[%dma_wait3A_357, %dma_wait3A_358] : memref<10000x128xf32, #tpu.memory_space<hbm>> -> memref<10000x128xf32, #tpu.memory_space<hbm>>
        tpu.wait_indirect_dma semaphore(%arg27 : memref<!tpu.dma_semaphore, #tpu.memory_space<semaphore_mem>>) src(%dma_wait3A_359 : memref<10000x128xf32, #tpu.memory_space<hbm>>) dst(%arg19 : memref<128x128xf32, #tpu.memory_space<vmem>>)
      } else {
      }
      %dma_wait3A_185 = arith.constant 0 : i32
      %dma_wait3A_186 = arith.constant 0 : i32
      %dma_wait3A_187 = tpu.memref_slice %arg21[%dma_wait3A_185, %dma_wait3A_186] : memref<10000x128xf32, #tpu.memory_space<vmem_shared>> -> memref<10000x128xf32, #tpu.memory_space<vmem_shared>>
      tpu.wait_indirect_dma semaphore(%arg28 : memref<!tpu.dma_semaphore, #tpu.memory_space<semaphore_mem>>) src(%arg18 : memref<128x128xf32, #tpu.memory_space<vmem>>) dst(%dma_wait3A_187 : memref<10000x128xf32, #tpu.memory_space<vmem_shared>>)
      %dma_start3A_188 = arith.constant 0 : i32
      %dma_start3A_189 = arith.constant 0 : i32
      %dma_start3A_190 = tpu.memref_slice %arg21[%dma_start3A_188, %dma_start3A_189] : memref<10000x128xf32, #tpu.memory_space<vmem_shared>> -> memref<10000x128xf32, #tpu.memory_space<vmem_shared>>
      tpu.enqueue_indirect_dma source(%arg19 : memref<128x128xf32, #tpu.memory_space<vmem>>) target(%dma_start3A_190 : memref<10000x128xf32, #tpu.memory_space<vmem_shared>>) offsets(%arg13 : memref<128xi32, #tpu.memory_space<vmem>>) semaphore(%arg29 : memref<!tpu.dma_semaphore, #tpu.memory_space<semaphore_mem>>) {add = true}
      %add3A_191 = arith.constant 1 : i32
      %add3A_192 = arith.addi %add3A_174, %add3A_191 : i32
      %mul3A_193 = arith.constant 128 : i32
      %mul3A_194 = arith.muli %add3A_192, %mul3A_193 : i32
      %add3A_195 = arith.addi %mul3A_2, %mul3A_194 : i32
      %dma_wait3A_196 = tpu.memref_slice %arg4[%add3A_195] : memref<320000xi32, #tpu.memory_space<hbm>> -> memref<128xi32, #tpu.memory_space<hbm>>
      %dma_wait3A_197 = tpu.memref_slice %arg4[%add3A_195] : memref<320000xi32, #tpu.memory_space<hbm>> -> memref<128xi32, #tpu.memory_space<hbm>>
      tpu.wait_dma2 semaphore(%arg24 : memref<!tpu.dma_semaphore, #tpu.memory_space<semaphore_mem>>) src(%dma_wait3A_197 : memref<128xi32, #tpu.memory_space<hbm>>) dst(%arg10 : memref<128xi32, #tpu.memory_space<vmem>>)
      %dma_wait3A_198 = tpu.memref_slice %arg5[%add3A_195] : memref<320000xi32, #tpu.memory_space<hbm>> -> memref<128xi32, #tpu.memory_space<hbm>>
      %dma_wait3A_199 = tpu.memref_slice %arg5[%add3A_195] : memref<320000xi32, #tpu.memory_space<hbm>> -> memref<128xi32, #tpu.memory_space<hbm>>
      tpu.wait_dma2 semaphore(%arg24 : memref<!tpu.dma_semaphore, #tpu.memory_space<semaphore_mem>>) src(%dma_wait3A_199 : memref<128xi32, #tpu.memory_space<hbm>>) dst(%arg14 : memref<128xi32, #tpu.memory_space<vmem>>)
      %eq3A_200 = arith.constant 0 : i32
      %eq3A_201 = arith.cmpi eq, %arg0, %eq3A_200 : i32
      %convert_element_type3A_202 = arith.extui %eq3A_201 : i1 to i32
      %cond3A_203 = arith.constant 0 : i32
      %cond3A_204 = arith.cmpi ne, %convert_element_type3A_202, %cond3A_203 : i32
      scf.if %cond3A_204 {
        %dma_start3A_357 = arith.constant 0 : i32
        %dma_start3A_358 = arith.constant 0 : i32
        %dma_start3A_359 = tpu.memref_slice %arg2[%dma_start3A_357, %dma_start3A_358] : memref<10000x128xf32, #tpu.memory_space<hbm>> -> memref<10000x128xf32, #tpu.memory_space<hbm>>
        tpu.enqueue_indirect_dma source(%dma_start3A_359 : memref<10000x128xf32, #tpu.memory_space<hbm>>) target(%arg18 : memref<128x128xf32, #tpu.memory_space<vmem>>) offsets(%arg10 : memref<128xi32, #tpu.memory_space<vmem>>) semaphore(%arg26 : memref<!tpu.dma_semaphore, #tpu.memory_space<semaphore_mem>>)
      } else {
      }
      %eq3A_205 = arith.constant 1 : i32
      %eq3A_206 = arith.cmpi eq, %arg0, %eq3A_205 : i32
      %convert_element_type3A_207 = arith.extui %eq3A_206 : i1 to i32
      %cond3A_208 = arith.constant 0 : i32
      %cond3A_209 = arith.cmpi ne, %convert_element_type3A_207, %cond3A_208 : i32
      scf.if %cond3A_209 {
        %dma_start3A_357 = arith.constant 0 : i32
        %dma_start3A_358 = arith.constant 0 : i32
        %dma_start3A_359 = tpu.memref_slice %arg3[%dma_start3A_357, %dma_start3A_358] : memref<10000x128xf32, #tpu.memory_space<hbm>> -> memref<10000x128xf32, #tpu.memory_space<hbm>>
        tpu.enqueue_indirect_dma source(%dma_start3A_359 : memref<10000x128xf32, #tpu.memory_space<hbm>>) target(%arg18 : memref<128x128xf32, #tpu.memory_space<vmem>>) offsets(%arg10 : memref<128xi32, #tpu.memory_space<vmem>>) semaphore(%arg26 : memref<!tpu.dma_semaphore, #tpu.memory_space<semaphore_mem>>)
      } else {
      }
      %add3A_210 = arith.constant 3 : i32
      %add3A_211 = arith.addi %add3A_174, %add3A_210 : i32
      %mul3A_212 = arith.constant 128 : i32
      %mul3A_213 = arith.muli %add3A_211, %mul3A_212 : i32
      %add3A_214 = arith.addi %mul3A_2, %mul3A_213 : i32
      %dma_start3A_215 = tpu.memref_slice %arg4[%add3A_214] : memref<320000xi32, #tpu.memory_space<hbm>> -> memref<128xi32, #tpu.memory_space<hbm>>
      %dma_start3A_216 = tpu.memref_slice %arg4[%add3A_214] : memref<320000xi32, #tpu.memory_space<hbm>> -> memref<128xi32, #tpu.memory_space<hbm>>
      tpu.enqueue_dma source(%dma_start3A_216 : memref<128xi32, #tpu.memory_space<hbm>>) target(%arg8 : memref<128xi32, #tpu.memory_space<vmem>>) target_semaphore(%arg22 : memref<!tpu.dma_semaphore, #tpu.memory_space<semaphore_mem>>)
      %dma_start3A_217 = tpu.memref_slice %arg5[%add3A_214] : memref<320000xi32, #tpu.memory_space<hbm>> -> memref<128xi32, #tpu.memory_space<hbm>>
      %dma_start3A_218 = tpu.memref_slice %arg5[%add3A_214] : memref<320000xi32, #tpu.memory_space<hbm>> -> memref<128xi32, #tpu.memory_space<hbm>>
      tpu.enqueue_dma source(%dma_start3A_218 : memref<128xi32, #tpu.memory_space<hbm>>) target(%arg12 : memref<128xi32, #tpu.memory_space<vmem>>) target_semaphore(%arg22 : memref<!tpu.dma_semaphore, #tpu.memory_space<semaphore_mem>>)
      %add3A_219 = arith.constant 1 : i32
      %add3A_220 = arith.addi %add3A_174, %add3A_219 : i32
      %eq3A_221 = arith.constant 0 : i32
      %eq3A_222 = arith.cmpi eq, %arg0, %eq3A_221 : i32
      %convert_element_type3A_223 = arith.extui %eq3A_222 : i1 to i32
      %cond3A_224 = arith.constant 0 : i32
      %cond3A_225 = arith.cmpi ne, %convert_element_type3A_223, %cond3A_224 : i32
      scf.if %cond3A_225 {
        %dma_wait3A_357 = arith.constant 0 : i32
        %dma_wait3A_358 = arith.constant 0 : i32
        %dma_wait3A_359 = tpu.memref_slice %arg2[%dma_wait3A_357, %dma_wait3A_358] : memref<10000x128xf32, #tpu.memory_space<hbm>> -> memref<10000x128xf32, #tpu.memory_space<hbm>>
        tpu.wait_indirect_dma semaphore(%arg26 : memref<!tpu.dma_semaphore, #tpu.memory_space<semaphore_mem>>) src(%dma_wait3A_359 : memref<10000x128xf32, #tpu.memory_space<hbm>>) dst(%arg18 : memref<128x128xf32, #tpu.memory_space<vmem>>)
      } else {
      }
      %eq3A_226 = arith.constant 1 : i32
      %eq3A_227 = arith.cmpi eq, %arg0, %eq3A_226 : i32
      %convert_element_type3A_228 = arith.extui %eq3A_227 : i1 to i32
      %cond3A_229 = arith.constant 0 : i32
      %cond3A_230 = arith.cmpi ne, %convert_element_type3A_228, %cond3A_229 : i32
      scf.if %cond3A_230 {
        %dma_wait3A_357 = arith.constant 0 : i32
        %dma_wait3A_358 = arith.constant 0 : i32
        %dma_wait3A_359 = tpu.memref_slice %arg3[%dma_wait3A_357, %dma_wait3A_358] : memref<10000x128xf32, #tpu.memory_space<hbm>> -> memref<10000x128xf32, #tpu.memory_space<hbm>>
        tpu.wait_indirect_dma semaphore(%arg26 : memref<!tpu.dma_semaphore, #tpu.memory_space<semaphore_mem>>) src(%dma_wait3A_359 : memref<10000x128xf32, #tpu.memory_space<hbm>>) dst(%arg18 : memref<128x128xf32, #tpu.memory_space<vmem>>)
      } else {
      }
      %dma_wait3A_231 = arith.constant 0 : i32
      %dma_wait3A_232 = arith.constant 0 : i32
      %dma_wait3A_233 = tpu.memref_slice %arg21[%dma_wait3A_231, %dma_wait3A_232] : memref<10000x128xf32, #tpu.memory_space<vmem_shared>> -> memref<10000x128xf32, #tpu.memory_space<vmem_shared>>
      tpu.wait_indirect_dma semaphore(%arg29 : memref<!tpu.dma_semaphore, #tpu.memory_space<semaphore_mem>>) src(%arg19 : memref<128x128xf32, #tpu.memory_space<vmem>>) dst(%dma_wait3A_233 : memref<10000x128xf32, #tpu.memory_space<vmem_shared>>)
      %dma_start3A_234 = arith.constant 0 : i32
      %dma_start3A_235 = arith.constant 0 : i32
      %dma_start3A_236 = tpu.memref_slice %arg21[%dma_start3A_234, %dma_start3A_235] : memref<10000x128xf32, #tpu.memory_space<vmem_shared>> -> memref<10000x128xf32, #tpu.memory_space<vmem_shared>>
      tpu.enqueue_indirect_dma source(%arg18 : memref<128x128xf32, #tpu.memory_space<vmem>>) target(%dma_start3A_236 : memref<10000x128xf32, #tpu.memory_space<vmem_shared>>) offsets(%arg14 : memref<128xi32, #tpu.memory_space<vmem>>) semaphore(%arg28 : memref<!tpu.dma_semaphore, #tpu.memory_space<semaphore_mem>>) {add = true}
      %add3A_237 = arith.constant 1 : i32
      %add3A_238 = arith.addi %add3A_220, %add3A_237 : i32
      %mul3A_239 = arith.constant 128 : i32
      %mul3A_240 = arith.muli %add3A_238, %mul3A_239 : i32
      %add3A_241 = arith.addi %mul3A_2, %mul3A_240 : i32
      %dma_wait3A_242 = tpu.memref_slice %arg4[%add3A_241] : memref<320000xi32, #tpu.memory_space<hbm>> -> memref<128xi32, #tpu.memory_space<hbm>>
      %dma_wait3A_243 = tpu.memref_slice %arg4[%add3A_241] : memref<320000xi32, #tpu.memory_space<hbm>> -> memref<128xi32, #tpu.memory_space<hbm>>
      tpu.wait_dma2 semaphore(%arg25 : memref<!tpu.dma_semaphore, #tpu.memory_space<semaphore_mem>>) src(%dma_wait3A_243 : memref<128xi32, #tpu.memory_space<hbm>>) dst(%arg11 : memref<128xi32, #tpu.memory_space<vmem>>)
      %dma_wait3A_244 = tpu.memref_slice %arg5[%add3A_241] : memref<320000xi32, #tpu.memory_space<hbm>> -> memref<128xi32, #tpu.memory_space<hbm>>
      %dma_wait3A_245 = tpu.memref_slice %arg5[%add3A_241] : memref<320000xi32, #tpu.memory_space<hbm>> -> memref<128xi32, #tpu.memory_space<hbm>>
      tpu.wait_dma2 semaphore(%arg25 : memref<!tpu.dma_semaphore, #tpu.memory_space<semaphore_mem>>) src(%dma_wait3A_245 : memref<128xi32, #tpu.memory_space<hbm>>) dst(%arg15 : memref<128xi32, #tpu.memory_space<vmem>>)
      %eq3A_246 = arith.constant 0 : i32
      %eq3A_247 = arith.cmpi eq, %arg0, %eq3A_246 : i32
      %convert_element_type3A_248 = arith.extui %eq3A_247 : i1 to i32
      %cond3A_249 = arith.constant 0 : i32
      %cond3A_250 = arith.cmpi ne, %convert_element_type3A_248, %cond3A_249 : i32
      scf.if %cond3A_250 {
        %dma_start3A_357 = arith.constant 0 : i32
        %dma_start3A_358 = arith.constant 0 : i32
        %dma_start3A_359 = tpu.memref_slice %arg2[%dma_start3A_357, %dma_start3A_358] : memref<10000x128xf32, #tpu.memory_space<hbm>> -> memref<10000x128xf32, #tpu.memory_space<hbm>>
        tpu.enqueue_indirect_dma source(%dma_start3A_359 : memref<10000x128xf32, #tpu.memory_space<hbm>>) target(%arg19 : memref<128x128xf32, #tpu.memory_space<vmem>>) offsets(%arg11 : memref<128xi32, #tpu.memory_space<vmem>>) semaphore(%arg27 : memref<!tpu.dma_semaphore, #tpu.memory_space<semaphore_mem>>)
      } else {
      }
      %eq3A_251 = arith.constant 1 : i32
      %eq3A_252 = arith.cmpi eq, %arg0, %eq3A_251 : i32
      %convert_element_type3A_253 = arith.extui %eq3A_252 : i1 to i32
      %cond3A_254 = arith.constant 0 : i32
      %cond3A_255 = arith.cmpi ne, %convert_element_type3A_253, %cond3A_254 : i32
      scf.if %cond3A_255 {
        %dma_start3A_357 = arith.constant 0 : i32
        %dma_start3A_358 = arith.constant 0 : i32
        %dma_start3A_359 = tpu.memref_slice %arg3[%dma_start3A_357, %dma_start3A_358] : memref<10000x128xf32, #tpu.memory_space<hbm>> -> memref<10000x128xf32, #tpu.memory_space<hbm>>
        tpu.enqueue_indirect_dma source(%dma_start3A_359 : memref<10000x128xf32, #tpu.memory_space<hbm>>) target(%arg19 : memref<128x128xf32, #tpu.memory_space<vmem>>) offsets(%arg11 : memref<128xi32, #tpu.memory_space<vmem>>) semaphore(%arg27 : memref<!tpu.dma_semaphore, #tpu.memory_space<semaphore_mem>>)
      } else {
      }
      %add3A_256 = arith.constant 3 : i32
      %add3A_257 = arith.addi %add3A_220, %add3A_256 : i32
      %mul3A_258 = arith.constant 128 : i32
      %mul3A_259 = arith.muli %add3A_257, %mul3A_258 : i32
      %add3A_260 = arith.addi %mul3A_2, %mul3A_259 : i32
      %dma_start3A_261 = tpu.memref_slice %arg4[%add3A_260] : memref<320000xi32, #tpu.memory_space<hbm>> -> memref<128xi32, #tpu.memory_space<hbm>>
      %dma_start3A_262 = tpu.memref_slice %arg4[%add3A_260] : memref<320000xi32, #tpu.memory_space<hbm>> -> memref<128xi32, #tpu.memory_space<hbm>>
      tpu.enqueue_dma source(%dma_start3A_262 : memref<128xi32, #tpu.memory_space<hbm>>) target(%arg9 : memref<128xi32, #tpu.memory_space<vmem>>) target_semaphore(%arg23 : memref<!tpu.dma_semaphore, #tpu.memory_space<semaphore_mem>>)
      %dma_start3A_263 = tpu.memref_slice %arg5[%add3A_260] : memref<320000xi32, #tpu.memory_space<hbm>> -> memref<128xi32, #tpu.memory_space<hbm>>
      %dma_start3A_264 = tpu.memref_slice %arg5[%add3A_260] : memref<320000xi32, #tpu.memory_space<hbm>> -> memref<128xi32, #tpu.memory_space<hbm>>
      tpu.enqueue_dma source(%dma_start3A_264 : memref<128xi32, #tpu.memory_space<hbm>>) target(%arg13 : memref<128xi32, #tpu.memory_space<vmem>>) target_semaphore(%arg23 : memref<!tpu.dma_semaphore, #tpu.memory_space<semaphore_mem>>)
      %add3A_265 = arith.constant 2 : i32
      %add3A_266 = arith.addi %add3A_174, %add3A_265 : i32
      %eq3A_267 = arith.constant 0 : i32
      %eq3A_268 = arith.cmpi eq, %arg0, %eq3A_267 : i32
      %convert_element_type3A_269 = arith.extui %eq3A_268 : i1 to i32
      %cond3A_270 = arith.constant 0 : i32
      %cond3A_271 = arith.cmpi ne, %convert_element_type3A_269, %cond3A_270 : i32
      scf.if %cond3A_271 {
        %dma_wait3A_357 = arith.constant 0 : i32
        %dma_wait3A_358 = arith.constant 0 : i32
        %dma_wait3A_359 = tpu.memref_slice %arg2[%dma_wait3A_357, %dma_wait3A_358] : memref<10000x128xf32, #tpu.memory_space<hbm>> -> memref<10000x128xf32, #tpu.memory_space<hbm>>
        tpu.wait_indirect_dma semaphore(%arg27 : memref<!tpu.dma_semaphore, #tpu.memory_space<semaphore_mem>>) src(%dma_wait3A_359 : memref<10000x128xf32, #tpu.memory_space<hbm>>) dst(%arg19 : memref<128x128xf32, #tpu.memory_space<vmem>>)
      } else {
      }
      %eq3A_272 = arith.constant 1 : i32
      %eq3A_273 = arith.cmpi eq, %arg0, %eq3A_272 : i32
      %convert_element_type3A_274 = arith.extui %eq3A_273 : i1 to i32
      %cond3A_275 = arith.constant 0 : i32
      %cond3A_276 = arith.cmpi ne, %convert_element_type3A_274, %cond3A_275 : i32
      scf.if %cond3A_276 {
        %dma_wait3A_357 = arith.constant 0 : i32
        %dma_wait3A_358 = arith.constant 0 : i32
        %dma_wait3A_359 = tpu.memref_slice %arg3[%dma_wait3A_357, %dma_wait3A_358] : memref<10000x128xf32, #tpu.memory_space<hbm>> -> memref<10000x128xf32, #tpu.memory_space<hbm>>
        tpu.wait_indirect_dma semaphore(%arg27 : memref<!tpu.dma_semaphore, #tpu.memory_space<semaphore_mem>>) src(%dma_wait3A_359 : memref<10000x128xf32, #tpu.memory_space<hbm>>) dst(%arg19 : memref<128x128xf32, #tpu.memory_space<vmem>>)
      } else {
      }
      %dma_wait3A_277 = arith.constant 0 : i32
      %dma_wait3A_278 = arith.constant 0 : i32
      %dma_wait3A_279 = tpu.memref_slice %arg21[%dma_wait3A_277, %dma_wait3A_278] : memref<10000x128xf32, #tpu.memory_space<vmem_shared>> -> memref<10000x128xf32, #tpu.memory_space<vmem_shared>>
      tpu.wait_indirect_dma semaphore(%arg28 : memref<!tpu.dma_semaphore, #tpu.memory_space<semaphore_mem>>) src(%arg18 : memref<128x128xf32, #tpu.memory_space<vmem>>) dst(%dma_wait3A_279 : memref<10000x128xf32, #tpu.memory_space<vmem_shared>>)
      %dma_start3A_280 = arith.constant 0 : i32
      %dma_start3A_281 = arith.constant 0 : i32
      %dma_start3A_282 = tpu.memref_slice %arg21[%dma_start3A_280, %dma_start3A_281] : memref<10000x128xf32, #tpu.memory_space<vmem_shared>> -> memref<10000x128xf32, #tpu.memory_space<vmem_shared>>
      tpu.enqueue_indirect_dma source(%arg19 : memref<128x128xf32, #tpu.memory_space<vmem>>) target(%dma_start3A_282 : memref<10000x128xf32, #tpu.memory_space<vmem_shared>>) offsets(%arg15 : memref<128xi32, #tpu.memory_space<vmem>>) semaphore(%arg29 : memref<!tpu.dma_semaphore, #tpu.memory_space<semaphore_mem>>) {add = true}
      %add3A_283 = arith.constant 1 : i32
      %add3A_284 = arith.addi %add3A_266, %add3A_283 : i32
      %mul3A_285 = arith.constant 128 : i32
      %mul3A_286 = arith.muli %add3A_284, %mul3A_285 : i32
      %add3A_287 = arith.addi %mul3A_2, %mul3A_286 : i32
      %dma_wait3A_288 = tpu.memref_slice %arg4[%add3A_287] : memref<320000xi32, #tpu.memory_space<hbm>> -> memref<128xi32, #tpu.memory_space<hbm>>
      %dma_wait3A_289 = tpu.memref_slice %arg4[%add3A_287] : memref<320000xi32, #tpu.memory_space<hbm>> -> memref<128xi32, #tpu.memory_space<hbm>>
      tpu.wait_dma2 semaphore(%arg22 : memref<!tpu.dma_semaphore, #tpu.memory_space<semaphore_mem>>) src(%dma_wait3A_289 : memref<128xi32, #tpu.memory_space<hbm>>) dst(%arg8 : memref<128xi32, #tpu.memory_space<vmem>>)
      %dma_wait3A_290 = tpu.memref_slice %arg5[%add3A_287] : memref<320000xi32, #tpu.memory_space<hbm>> -> memref<128xi32, #tpu.memory_space<hbm>>
      %dma_wait3A_291 = tpu.memref_slice %arg5[%add3A_287] : memref<320000xi32, #tpu.memory_space<hbm>> -> memref<128xi32, #tpu.memory_space<hbm>>
      tpu.wait_dma2 semaphore(%arg22 : memref<!tpu.dma_semaphore, #tpu.memory_space<semaphore_mem>>) src(%dma_wait3A_291 : memref<128xi32, #tpu.memory_space<hbm>>) dst(%arg12 : memref<128xi32, #tpu.memory_space<vmem>>)
      %eq3A_292 = arith.constant 0 : i32
      %eq3A_293 = arith.cmpi eq, %arg0, %eq3A_292 : i32
      %convert_element_type3A_294 = arith.extui %eq3A_293 : i1 to i32
      %cond3A_295 = arith.constant 0 : i32
      %cond3A_296 = arith.cmpi ne, %convert_element_type3A_294, %cond3A_295 : i32
      scf.if %cond3A_296 {
        %dma_start3A_357 = arith.constant 0 : i32
        %dma_start3A_358 = arith.constant 0 : i32
        %dma_start3A_359 = tpu.memref_slice %arg2[%dma_start3A_357, %dma_start3A_358] : memref<10000x128xf32, #tpu.memory_space<hbm>> -> memref<10000x128xf32, #tpu.memory_space<hbm>>
        tpu.enqueue_indirect_dma source(%dma_start3A_359 : memref<10000x128xf32, #tpu.memory_space<hbm>>) target(%arg18 : memref<128x128xf32, #tpu.memory_space<vmem>>) offsets(%arg8 : memref<128xi32, #tpu.memory_space<vmem>>) semaphore(%arg26 : memref<!tpu.dma_semaphore, #tpu.memory_space<semaphore_mem>>)
      } else {
      }
      %eq3A_297 = arith.constant 1 : i32
      %eq3A_298 = arith.cmpi eq, %arg0, %eq3A_297 : i32
      %convert_element_type3A_299 = arith.extui %eq3A_298 : i1 to i32
      %cond3A_300 = arith.constant 0 : i32
      %cond3A_301 = arith.cmpi ne, %convert_element_type3A_299, %cond3A_300 : i32
      scf.if %cond3A_301 {
        %dma_start3A_357 = arith.constant 0 : i32
        %dma_start3A_358 = arith.constant 0 : i32
        %dma_start3A_359 = tpu.memref_slice %arg3[%dma_start3A_357, %dma_start3A_358] : memref<10000x128xf32, #tpu.memory_space<hbm>> -> memref<10000x128xf32, #tpu.memory_space<hbm>>
        tpu.enqueue_indirect_dma source(%dma_start3A_359 : memref<10000x128xf32, #tpu.memory_space<hbm>>) target(%arg18 : memref<128x128xf32, #tpu.memory_space<vmem>>) offsets(%arg8 : memref<128xi32, #tpu.memory_space<vmem>>) semaphore(%arg26 : memref<!tpu.dma_semaphore, #tpu.memory_space<semaphore_mem>>)
      } else {
      }
      %add3A_302 = arith.constant 3 : i32
      %add3A_303 = arith.addi %add3A_266, %add3A_302 : i32
      %mul3A_304 = arith.constant 128 : i32
      %mul3A_305 = arith.muli %add3A_303, %mul3A_304 : i32
      %add3A_306 = arith.addi %mul3A_2, %mul3A_305 : i32
      %dma_start3A_307 = tpu.memref_slice %arg4[%add3A_306] : memref<320000xi32, #tpu.memory_space<hbm>> -> memref<128xi32, #tpu.memory_space<hbm>>
      %dma_start3A_308 = tpu.memref_slice %arg4[%add3A_306] : memref<320000xi32, #tpu.memory_space<hbm>> -> memref<128xi32, #tpu.memory_space<hbm>>
      tpu.enqueue_dma source(%dma_start3A_308 : memref<128xi32, #tpu.memory_space<hbm>>) target(%arg10 : memref<128xi32, #tpu.memory_space<vmem>>) target_semaphore(%arg24 : memref<!tpu.dma_semaphore, #tpu.memory_space<semaphore_mem>>)
      %dma_start3A_309 = tpu.memref_slice %arg5[%add3A_306] : memref<320000xi32, #tpu.memory_space<hbm>> -> memref<128xi32, #tpu.memory_space<hbm>>
      %dma_start3A_310 = tpu.memref_slice %arg5[%add3A_306] : memref<320000xi32, #tpu.memory_space<hbm>> -> memref<128xi32, #tpu.memory_space<hbm>>
      tpu.enqueue_dma source(%dma_start3A_310 : memref<128xi32, #tpu.memory_space<hbm>>) target(%arg14 : memref<128xi32, #tpu.memory_space<vmem>>) target_semaphore(%arg24 : memref<!tpu.dma_semaphore, #tpu.memory_space<semaphore_mem>>)
      %add3A_311 = arith.constant 3 : i32
      %add3A_312 = arith.addi %add3A_174, %add3A_311 : i32
      %eq3A_313 = arith.constant 0 : i32
      %eq3A_314 = arith.cmpi eq, %arg0, %eq3A_313 : i32
      %convert_element_type3A_315 = arith.extui %eq3A_314 : i1 to i32
      %cond3A_316 = arith.constant 0 : i32
      %cond3A_317 = arith.cmpi ne, %convert_element_type3A_315, %cond3A_316 : i32
      scf.if %cond3A_317 {
        %dma_wait3A_357 = arith.constant 0 : i32
        %dma_wait3A_358 = arith.constant 0 : i32
        %dma_wait3A_359 = tpu.memref_slice %arg2[%dma_wait3A_357, %dma_wait3A_358] : memref<10000x128xf32, #tpu.memory_space<hbm>> -> memref<10000x128xf32, #tpu.memory_space<hbm>>
        tpu.wait_indirect_dma semaphore(%arg26 : memref<!tpu.dma_semaphore, #tpu.memory_space<semaphore_mem>>) src(%dma_wait3A_359 : memref<10000x128xf32, #tpu.memory_space<hbm>>) dst(%arg18 : memref<128x128xf32, #tpu.memory_space<vmem>>)
      } else {
      }
      %eq3A_318 = arith.constant 1 : i32
      %eq3A_319 = arith.cmpi eq, %arg0, %eq3A_318 : i32
      %convert_element_type3A_320 = arith.extui %eq3A_319 : i1 to i32
      %cond3A_321 = arith.constant 0 : i32
      %cond3A_322 = arith.cmpi ne, %convert_element_type3A_320, %cond3A_321 : i32
      scf.if %cond3A_322 {
        %dma_wait3A_357 = arith.constant 0 : i32
        %dma_wait3A_358 = arith.constant 0 : i32
        %dma_wait3A_359 = tpu.memref_slice %arg3[%dma_wait3A_357, %dma_wait3A_358] : memref<10000x128xf32, #tpu.memory_space<hbm>> -> memref<10000x128xf32, #tpu.memory_space<hbm>>
        tpu.wait_indirect_dma semaphore(%arg26 : memref<!tpu.dma_semaphore, #tpu.memory_space<semaphore_mem>>) src(%dma_wait3A_359 : memref<10000x128xf32, #tpu.memory_space<hbm>>) dst(%arg18 : memref<128x128xf32, #tpu.memory_space<vmem>>)
      } else {
      }
      %dma_wait3A_323 = arith.constant 0 : i32
      %dma_wait3A_324 = arith.constant 0 : i32
      %dma_wait3A_325 = tpu.memref_slice %arg21[%dma_wait3A_323, %dma_wait3A_324] : memref<10000x128xf32, #tpu.memory_space<vmem_shared>> -> memref<10000x128xf32, #tpu.memory_space<vmem_shared>>
      tpu.wait_indirect_dma semaphore(%arg29 : memref<!tpu.dma_semaphore, #tpu.memory_space<semaphore_mem>>) src(%arg19 : memref<128x128xf32, #tpu.memory_space<vmem>>) dst(%dma_wait3A_325 : memref<10000x128xf32, #tpu.memory_space<vmem_shared>>)
      %dma_start3A_326 = arith.constant 0 : i32
      %dma_start3A_327 = arith.constant 0 : i32
      %dma_start3A_328 = tpu.memref_slice %arg21[%dma_start3A_326, %dma_start3A_327] : memref<10000x128xf32, #tpu.memory_space<vmem_shared>> -> memref<10000x128xf32, #tpu.memory_space<vmem_shared>>
      tpu.enqueue_indirect_dma source(%arg18 : memref<128x128xf32, #tpu.memory_space<vmem>>) target(%dma_start3A_328 : memref<10000x128xf32, #tpu.memory_space<vmem_shared>>) offsets(%arg12 : memref<128xi32, #tpu.memory_space<vmem>>) semaphore(%arg28 : memref<!tpu.dma_semaphore, #tpu.memory_space<semaphore_mem>>) {add = true}
      %add3A_329 = arith.constant 1 : i32
      %add3A_330 = arith.addi %add3A_312, %add3A_329 : i32
      %mul3A_331 = arith.constant 128 : i32
      %mul3A_332 = arith.muli %add3A_330, %mul3A_331 : i32
      %add3A_333 = arith.addi %mul3A_2, %mul3A_332 : i32
      %dma_wait3A_334 = tpu.memref_slice %arg4[%add3A_333] : memref<320000xi32, #tpu.memory_space<hbm>> -> memref<128xi32, #tpu.memory_space<hbm>>
      %dma_wait3A_335 = tpu.memref_slice %arg4[%add3A_333] : memref<320000xi32, #tpu.memory_space<hbm>> -> memref<128xi32, #tpu.memory_space<hbm>>
      tpu.wait_dma2 semaphore(%arg23 : memref<!tpu.dma_semaphore, #tpu.memory_space<semaphore_mem>>) src(%dma_wait3A_335 : memref<128xi32, #tpu.memory_space<hbm>>) dst(%arg9 : memref<128xi32, #tpu.memory_space<vmem>>)
      %dma_wait3A_336 = tpu.memref_slice %arg5[%add3A_333] : memref<320000xi32, #tpu.memory_space<hbm>> -> memref<128xi32, #tpu.memory_space<hbm>>
      %dma_wait3A_337 = tpu.memref_slice %arg5[%add3A_333] : memref<320000xi32, #tpu.memory_space<hbm>> -> memref<128xi32, #tpu.memory_space<hbm>>
      tpu.wait_dma2 semaphore(%arg23 : memref<!tpu.dma_semaphore, #tpu.memory_space<semaphore_mem>>) src(%dma_wait3A_337 : memref<128xi32, #tpu.memory_space<hbm>>) dst(%arg13 : memref<128xi32, #tpu.memory_space<vmem>>)
      %eq3A_338 = arith.constant 0 : i32
      %eq3A_339 = arith.cmpi eq, %arg0, %eq3A_338 : i32
      %convert_element_type3A_340 = arith.extui %eq3A_339 : i1 to i32
      %cond3A_341 = arith.constant 0 : i32
      %cond3A_342 = arith.cmpi ne, %convert_element_type3A_340, %cond3A_341 : i32
      scf.if %cond3A_342 {
        %dma_start3A_357 = arith.constant 0 : i32
        %dma_start3A_358 = arith.constant 0 : i32
        %dma_start3A_359 = tpu.memref_slice %arg2[%dma_start3A_357, %dma_start3A_358] : memref<10000x128xf32, #tpu.memory_space<hbm>> -> memref<10000x128xf32, #tpu.memory_space<hbm>>
        tpu.enqueue_indirect_dma source(%dma_start3A_359 : memref<10000x128xf32, #tpu.memory_space<hbm>>) target(%arg19 : memref<128x128xf32, #tpu.memory_space<vmem>>) offsets(%arg9 : memref<128xi32, #tpu.memory_space<vmem>>) semaphore(%arg27 : memref<!tpu.dma_semaphore, #tpu.memory_space<semaphore_mem>>)
      } else {
      }
      %eq3A_343 = arith.constant 1 : i32
      %eq3A_344 = arith.cmpi eq, %arg0, %eq3A_343 : i32
      %convert_element_type3A_345 = arith.extui %eq3A_344 : i1 to i32
      %cond3A_346 = arith.constant 0 : i32
      %cond3A_347 = arith.cmpi ne, %convert_element_type3A_345, %cond3A_346 : i32
      scf.if %cond3A_347 {
        %dma_start3A_357 = arith.constant 0 : i32
        %dma_start3A_358 = arith.constant 0 : i32
        %dma_start3A_359 = tpu.memref_slice %arg3[%dma_start3A_357, %dma_start3A_358] : memref<10000x128xf32, #tpu.memory_space<hbm>> -> memref<10000x128xf32, #tpu.memory_space<hbm>>
        tpu.enqueue_indirect_dma source(%dma_start3A_359 : memref<10000x128xf32, #tpu.memory_space<hbm>>) target(%arg19 : memref<128x128xf32, #tpu.memory_space<vmem>>) offsets(%arg9 : memref<128xi32, #tpu.memory_space<vmem>>) semaphore(%arg27 : memref<!tpu.dma_semaphore, #tpu.memory_space<semaphore_mem>>)
      } else {
      }
      %add3A_348 = arith.constant 3 : i32
      %add3A_349 = arith.addi %add3A_312, %add3A_348 : i32
      %mul3A_350 = arith.constant 128 : i32
      %mul3A_351 = arith.muli %add3A_349, %mul3A_350 : i32
      %add3A_352 = arith.addi %mul3A_2, %mul3A_351 : i32
      %dma_start3A_353 = tpu.memref_slice %arg4[%add3A_352] : memref<320000xi32, #tpu.memory_space<hbm>> -> memref<128xi32, #tpu.memory_space<hbm>>
      %dma_start3A_354 = tpu.memref_slice %arg4[%add3A_352] : memref<320000xi32, #tpu.memory_space<hbm>> -> memref<128xi32, #tpu.memory_space<hbm>>
      tpu.enqueue_dma source(%dma_start3A_354 : memref<128xi32, #tpu.memory_space<hbm>>) target(%arg11 : memref<128xi32, #tpu.memory_space<vmem>>) target_semaphore(%arg25 : memref<!tpu.dma_semaphore, #tpu.memory_space<semaphore_mem>>)
      %dma_start3A_355 = tpu.memref_slice %arg5[%add3A_352] : memref<320000xi32, #tpu.memory_space<hbm>> -> memref<128xi32, #tpu.memory_space<hbm>>
      %dma_start3A_356 = tpu.memref_slice %arg5[%add3A_352] : memref<320000xi32, #tpu.memory_space<hbm>> -> memref<128xi32, #tpu.memory_space<hbm>>
      tpu.enqueue_dma source(%dma_start3A_356 : memref<128xi32, #tpu.memory_space<hbm>>) target(%arg15 : memref<128xi32, #tpu.memory_space<vmem>>) target_semaphore(%arg25 : memref<!tpu.dma_semaphore, #tpu.memory_space<semaphore_mem>>)
    }
    %scan3A_70 = arith.constant 38 : i32
    %eq3A_71 = arith.constant 0 : i32
    %eq3A_72 = arith.cmpi eq, %arg0, %eq3A_71 : i32
    %convert_element_type3A_73 = arith.extui %eq3A_72 : i1 to i32
    %cond3A_74 = arith.constant 0 : i32
    %cond3A_75 = arith.cmpi ne, %convert_element_type3A_73, %cond3A_74 : i32
    scf.if %cond3A_75 {
      %dma_wait3A_170 = arith.constant 0 : i32
      %dma_wait3A_171 = arith.constant 0 : i32
      %dma_wait3A_172 = tpu.memref_slice %arg2[%dma_wait3A_170, %dma_wait3A_171] : memref<10000x128xf32, #tpu.memory_space<hbm>> -> memref<10000x128xf32, #tpu.memory_space<hbm>>
      tpu.wait_indirect_dma semaphore(%arg27 : memref<!tpu.dma_semaphore, #tpu.memory_space<semaphore_mem>>) src(%dma_wait3A_172 : memref<10000x128xf32, #tpu.memory_space<hbm>>) dst(%arg19 : memref<128x128xf32, #tpu.memory_space<vmem>>)
    } else {
    }
    %eq3A_76 = arith.constant 1 : i32
    %eq3A_77 = arith.cmpi eq, %arg0, %eq3A_76 : i32
    %convert_element_type3A_78 = arith.extui %eq3A_77 : i1 to i32
    %cond3A_79 = arith.constant 0 : i32
    %cond3A_80 = arith.cmpi ne, %convert_element_type3A_78, %cond3A_79 : i32
    scf.if %cond3A_80 {
      %dma_wait3A_170 = arith.constant 0 : i32
      %dma_wait3A_171 = arith.constant 0 : i32
      %dma_wait3A_172 = tpu.memref_slice %arg3[%dma_wait3A_170, %dma_wait3A_171] : memref<10000x128xf32, #tpu.memory_space<hbm>> -> memref<10000x128xf32, #tpu.memory_space<hbm>>
      tpu.wait_indirect_dma semaphore(%arg27 : memref<!tpu.dma_semaphore, #tpu.memory_space<semaphore_mem>>) src(%dma_wait3A_172 : memref<10000x128xf32, #tpu.memory_space<hbm>>) dst(%arg19 : memref<128x128xf32, #tpu.memory_space<vmem>>)
    } else {
    }
    %dma_wait3A_81 = arith.constant 0 : i32
    %dma_wait3A_82 = arith.constant 0 : i32
    %dma_wait3A_83 = tpu.memref_slice %arg21[%dma_wait3A_81, %dma_wait3A_82] : memref<10000x128xf32, #tpu.memory_space<vmem_shared>> -> memref<10000x128xf32, #tpu.memory_space<vmem_shared>>
    tpu.wait_indirect_dma semaphore(%arg28 : memref<!tpu.dma_semaphore, #tpu.memory_space<semaphore_mem>>) src(%arg18 : memref<128x128xf32, #tpu.memory_space<vmem>>) dst(%dma_wait3A_83 : memref<10000x128xf32, #tpu.memory_space<vmem_shared>>)
    %dma_start3A_84 = arith.constant 0 : i32
    %dma_start3A_85 = arith.constant 0 : i32
    %dma_start3A_86 = tpu.memref_slice %arg21[%dma_start3A_84, %dma_start3A_85] : memref<10000x128xf32, #tpu.memory_space<vmem_shared>> -> memref<10000x128xf32, #tpu.memory_space<vmem_shared>>
    tpu.enqueue_indirect_dma source(%arg19 : memref<128x128xf32, #tpu.memory_space<vmem>>) target(%dma_start3A_86 : memref<10000x128xf32, #tpu.memory_space<vmem_shared>>) offsets(%arg13 : memref<128xi32, #tpu.memory_space<vmem>>) semaphore(%arg29 : memref<!tpu.dma_semaphore, #tpu.memory_space<semaphore_mem>>) {add = true}
    %add3A_87 = arith.constant 19712 : i32
    %add3A_88 = arith.addi %mul3A_2, %add3A_87 : i32
    %dma_wait3A_89 = tpu.memref_slice %arg4[%add3A_88] : memref<320000xi32, #tpu.memory_space<hbm>> -> memref<128xi32, #tpu.memory_space<hbm>>
    %dma_wait3A_90 = tpu.memref_slice %arg4[%add3A_88] : memref<320000xi32, #tpu.memory_space<hbm>> -> memref<128xi32, #tpu.memory_space<hbm>>
    tpu.wait_dma2 semaphore(%arg24 : memref<!tpu.dma_semaphore, #tpu.memory_space<semaphore_mem>>) src(%dma_wait3A_90 : memref<128xi32, #tpu.memory_space<hbm>>) dst(%arg10 : memref<128xi32, #tpu.memory_space<vmem>>)
    %dma_wait3A_91 = tpu.memref_slice %arg5[%add3A_88] : memref<320000xi32, #tpu.memory_space<hbm>> -> memref<128xi32, #tpu.memory_space<hbm>>
    %dma_wait3A_92 = tpu.memref_slice %arg5[%add3A_88] : memref<320000xi32, #tpu.memory_space<hbm>> -> memref<128xi32, #tpu.memory_space<hbm>>
    tpu.wait_dma2 semaphore(%arg24 : memref<!tpu.dma_semaphore, #tpu.memory_space<semaphore_mem>>) src(%dma_wait3A_92 : memref<128xi32, #tpu.memory_space<hbm>>) dst(%arg14 : memref<128xi32, #tpu.memory_space<vmem>>)
    %eq3A_93 = arith.constant 0 : i32
    %eq3A_94 = arith.cmpi eq, %arg0, %eq3A_93 : i32
    %convert_element_type3A_95 = arith.extui %eq3A_94 : i1 to i32
    %cond3A_96 = arith.constant 0 : i32
    %cond3A_97 = arith.cmpi ne, %convert_element_type3A_95, %cond3A_96 : i32
    scf.if %cond3A_97 {
      %dma_start3A_170 = arith.constant 0 : i32
      %dma_start3A_171 = arith.constant 0 : i32
      %dma_start3A_172 = tpu.memref_slice %arg2[%dma_start3A_170, %dma_start3A_171] : memref<10000x128xf32, #tpu.memory_space<hbm>> -> memref<10000x128xf32, #tpu.memory_space<hbm>>
      tpu.enqueue_indirect_dma source(%dma_start3A_172 : memref<10000x128xf32, #tpu.memory_space<hbm>>) target(%arg18 : memref<128x128xf32, #tpu.memory_space<vmem>>) offsets(%arg10 : memref<128xi32, #tpu.memory_space<vmem>>) semaphore(%arg26 : memref<!tpu.dma_semaphore, #tpu.memory_space<semaphore_mem>>)
    } else {
    }
    %eq3A_98 = arith.constant 1 : i32
    %eq3A_99 = arith.cmpi eq, %arg0, %eq3A_98 : i32
    %convert_element_type3A_100 = arith.extui %eq3A_99 : i1 to i32
    %cond3A_101 = arith.constant 0 : i32
    %cond3A_102 = arith.cmpi ne, %convert_element_type3A_100, %cond3A_101 : i32
    scf.if %cond3A_102 {
      %dma_start3A_170 = arith.constant 0 : i32
      %dma_start3A_171 = arith.constant 0 : i32
      %dma_start3A_172 = tpu.memref_slice %arg3[%dma_start3A_170, %dma_start3A_171] : memref<10000x128xf32, #tpu.memory_space<hbm>> -> memref<10000x128xf32, #tpu.memory_space<hbm>>
      tpu.enqueue_indirect_dma source(%dma_start3A_172 : memref<10000x128xf32, #tpu.memory_space<hbm>>) target(%arg18 : memref<128x128xf32, #tpu.memory_space<vmem>>) offsets(%arg10 : memref<128xi32, #tpu.memory_space<vmem>>) semaphore(%arg26 : memref<!tpu.dma_semaphore, #tpu.memory_space<semaphore_mem>>)
    } else {
    }
    %eq3A_103 = arith.constant 0 : i32
    %eq3A_104 = arith.cmpi eq, %arg0, %eq3A_103 : i32
    %convert_element_type3A_105 = arith.extui %eq3A_104 : i1 to i32
    %cond3A_106 = arith.constant 0 : i32
    %cond3A_107 = arith.cmpi ne, %convert_element_type3A_105, %cond3A_106 : i32
    scf.if %cond3A_107 {
      %dma_wait3A_170 = arith.constant 0 : i32
      %dma_wait3A_171 = arith.constant 0 : i32
      %dma_wait3A_172 = tpu.memref_slice %arg2[%dma_wait3A_170, %dma_wait3A_171] : memref<10000x128xf32, #tpu.memory_space<hbm>> -> memref<10000x128xf32, #tpu.memory_space<hbm>>
      tpu.wait_indirect_dma semaphore(%arg26 : memref<!tpu.dma_semaphore, #tpu.memory_space<semaphore_mem>>) src(%dma_wait3A_172 : memref<10000x128xf32, #tpu.memory_space<hbm>>) dst(%arg18 : memref<128x128xf32, #tpu.memory_space<vmem>>)
    } else {
    }
    %eq3A_108 = arith.constant 1 : i32
    %eq3A_109 = arith.cmpi eq, %arg0, %eq3A_108 : i32
    %convert_element_type3A_110 = arith.extui %eq3A_109 : i1 to i32
    %cond3A_111 = arith.constant 0 : i32
    %cond3A_112 = arith.cmpi ne, %convert_element_type3A_110, %cond3A_111 : i32
    scf.if %cond3A_112 {
      %dma_wait3A_170 = arith.constant 0 : i32
      %dma_wait3A_171 = arith.constant 0 : i32
      %dma_wait3A_172 = tpu.memref_slice %arg3[%dma_wait3A_170, %dma_wait3A_171] : memref<10000x128xf32, #tpu.memory_space<hbm>> -> memref<10000x128xf32, #tpu.memory_space<hbm>>
      tpu.wait_indirect_dma semaphore(%arg26 : memref<!tpu.dma_semaphore, #tpu.memory_space<semaphore_mem>>) src(%dma_wait3A_172 : memref<10000x128xf32, #tpu.memory_space<hbm>>) dst(%arg18 : memref<128x128xf32, #tpu.memory_space<vmem>>)
    } else {
    }
    %dma_wait3A_113 = arith.constant 0 : i32
    %dma_wait3A_114 = arith.constant 0 : i32
    %dma_wait3A_115 = tpu.memref_slice %arg21[%dma_wait3A_113, %dma_wait3A_114] : memref<10000x128xf32, #tpu.memory_space<vmem_shared>> -> memref<10000x128xf32, #tpu.memory_space<vmem_shared>>
    tpu.wait_indirect_dma semaphore(%arg29 : memref<!tpu.dma_semaphore, #tpu.memory_space<semaphore_mem>>) src(%arg19 : memref<128x128xf32, #tpu.memory_space<vmem>>) dst(%dma_wait3A_115 : memref<10000x128xf32, #tpu.memory_space<vmem_shared>>)
    %dma_start3A_116 = arith.constant 0 : i32
    %dma_start3A_117 = arith.constant 0 : i32
    %dma_start3A_118 = tpu.memref_slice %arg21[%dma_start3A_116, %dma_start3A_117] : memref<10000x128xf32, #tpu.memory_space<vmem_shared>> -> memref<10000x128xf32, #tpu.memory_space<vmem_shared>>
    tpu.enqueue_indirect_dma source(%arg18 : memref<128x128xf32, #tpu.memory_space<vmem>>) target(%dma_start3A_118 : memref<10000x128xf32, #tpu.memory_space<vmem_shared>>) offsets(%arg14 : memref<128xi32, #tpu.memory_space<vmem>>) semaphore(%arg28 : memref<!tpu.dma_semaphore, #tpu.memory_space<semaphore_mem>>) {add = true}
    %add3A_119 = arith.constant 19840 : i32
    %add3A_120 = arith.addi %mul3A_2, %add3A_119 : i32
    %dma_wait3A_121 = tpu.memref_slice %arg4[%add3A_120] : memref<320000xi32, #tpu.memory_space<hbm>> -> memref<128xi32, #tpu.memory_space<hbm>>
    %dma_wait3A_122 = tpu.memref_slice %arg4[%add3A_120] : memref<320000xi32, #tpu.memory_space<hbm>> -> memref<128xi32, #tpu.memory_space<hbm>>
    tpu.wait_dma2 semaphore(%arg25 : memref<!tpu.dma_semaphore, #tpu.memory_space<semaphore_mem>>) src(%dma_wait3A_122 : memref<128xi32, #tpu.memory_space<hbm>>) dst(%arg11 : memref<128xi32, #tpu.memory_space<vmem>>)
    %dma_wait3A_123 = tpu.memref_slice %arg5[%add3A_120] : memref<320000xi32, #tpu.memory_space<hbm>> -> memref<128xi32, #tpu.memory_space<hbm>>
    %dma_wait3A_124 = tpu.memref_slice %arg5[%add3A_120] : memref<320000xi32, #tpu.memory_space<hbm>> -> memref<128xi32, #tpu.memory_space<hbm>>
    tpu.wait_dma2 semaphore(%arg25 : memref<!tpu.dma_semaphore, #tpu.memory_space<semaphore_mem>>) src(%dma_wait3A_124 : memref<128xi32, #tpu.memory_space<hbm>>) dst(%arg15 : memref<128xi32, #tpu.memory_space<vmem>>)
    %eq3A_125 = arith.constant 0 : i32
    %eq3A_126 = arith.cmpi eq, %arg0, %eq3A_125 : i32
    %convert_element_type3A_127 = arith.extui %eq3A_126 : i1 to i32
    %cond3A_128 = arith.constant 0 : i32
    %cond3A_129 = arith.cmpi ne, %convert_element_type3A_127, %cond3A_128 : i32
    scf.if %cond3A_129 {
      %dma_start3A_170 = arith.constant 0 : i32
      %dma_start3A_171 = arith.constant 0 : i32
      %dma_start3A_172 = tpu.memref_slice %arg2[%dma_start3A_170, %dma_start3A_171] : memref<10000x128xf32, #tpu.memory_space<hbm>> -> memref<10000x128xf32, #tpu.memory_space<hbm>>
      tpu.enqueue_indirect_dma source(%dma_start3A_172 : memref<10000x128xf32, #tpu.memory_space<hbm>>) target(%arg19 : memref<128x128xf32, #tpu.memory_space<vmem>>) offsets(%arg11 : memref<128xi32, #tpu.memory_space<vmem>>) semaphore(%arg27 : memref<!tpu.dma_semaphore, #tpu.memory_space<semaphore_mem>>)
    } else {
    }
    %eq3A_130 = arith.constant 1 : i32
    %eq3A_131 = arith.cmpi eq, %arg0, %eq3A_130 : i32
    %convert_element_type3A_132 = arith.extui %eq3A_131 : i1 to i32
    %cond3A_133 = arith.constant 0 : i32
    %cond3A_134 = arith.cmpi ne, %convert_element_type3A_132, %cond3A_133 : i32
    scf.if %cond3A_134 {
      %dma_start3A_170 = arith.constant 0 : i32
      %dma_start3A_171 = arith.constant 0 : i32
      %dma_start3A_172 = tpu.memref_slice %arg3[%dma_start3A_170, %dma_start3A_171] : memref<10000x128xf32, #tpu.memory_space<hbm>> -> memref<10000x128xf32, #tpu.memory_space<hbm>>
      tpu.enqueue_indirect_dma source(%dma_start3A_172 : memref<10000x128xf32, #tpu.memory_space<hbm>>) target(%arg19 : memref<128x128xf32, #tpu.memory_space<vmem>>) offsets(%arg11 : memref<128xi32, #tpu.memory_space<vmem>>) semaphore(%arg27 : memref<!tpu.dma_semaphore, #tpu.memory_space<semaphore_mem>>)
    } else {
    }
    %eq3A_135 = arith.constant 0 : i32
    %eq3A_136 = arith.cmpi eq, %arg0, %eq3A_135 : i32
    %convert_element_type3A_137 = arith.extui %eq3A_136 : i1 to i32
    %cond3A_138 = arith.constant 0 : i32
    %cond3A_139 = arith.cmpi ne, %convert_element_type3A_137, %cond3A_138 : i32
    scf.if %cond3A_139 {
      %dma_wait3A_170 = arith.constant 0 : i32
      %dma_wait3A_171 = arith.constant 0 : i32
      %dma_wait3A_172 = tpu.memref_slice %arg2[%dma_wait3A_170, %dma_wait3A_171] : memref<10000x128xf32, #tpu.memory_space<hbm>> -> memref<10000x128xf32, #tpu.memory_space<hbm>>
      tpu.wait_indirect_dma semaphore(%arg27 : memref<!tpu.dma_semaphore, #tpu.memory_space<semaphore_mem>>) src(%dma_wait3A_172 : memref<10000x128xf32, #tpu.memory_space<hbm>>) dst(%arg19 : memref<128x128xf32, #tpu.memory_space<vmem>>)
    } else {
    }
    %eq3A_140 = arith.constant 1 : i32
    %eq3A_141 = arith.cmpi eq, %arg0, %eq3A_140 : i32
    %convert_element_type3A_142 = arith.extui %eq3A_141 : i1 to i32
    %cond3A_143 = arith.constant 0 : i32
    %cond3A_144 = arith.cmpi ne, %convert_element_type3A_142, %cond3A_143 : i32
    scf.if %cond3A_144 {
      %dma_wait3A_170 = arith.constant 0 : i32
      %dma_wait3A_171 = arith.constant 0 : i32
      %dma_wait3A_172 = tpu.memref_slice %arg3[%dma_wait3A_170, %dma_wait3A_171] : memref<10000x128xf32, #tpu.memory_space<hbm>> -> memref<10000x128xf32, #tpu.memory_space<hbm>>
      tpu.wait_indirect_dma semaphore(%arg27 : memref<!tpu.dma_semaphore, #tpu.memory_space<semaphore_mem>>) src(%dma_wait3A_172 : memref<10000x128xf32, #tpu.memory_space<hbm>>) dst(%arg19 : memref<128x128xf32, #tpu.memory_space<vmem>>)
    } else {
    }
    %dma_wait3A_145 = arith.constant 0 : i32
    %dma_wait3A_146 = arith.constant 0 : i32
    %dma_wait3A_147 = tpu.memref_slice %arg21[%dma_wait3A_145, %dma_wait3A_146] : memref<10000x128xf32, #tpu.memory_space<vmem_shared>> -> memref<10000x128xf32, #tpu.memory_space<vmem_shared>>
    tpu.wait_indirect_dma semaphore(%arg28 : memref<!tpu.dma_semaphore, #tpu.memory_space<semaphore_mem>>) src(%arg18 : memref<128x128xf32, #tpu.memory_space<vmem>>) dst(%dma_wait3A_147 : memref<10000x128xf32, #tpu.memory_space<vmem_shared>>)
    %dma_start3A_148 = arith.constant 0 : i32
    %dma_start3A_149 = arith.constant 0 : i32
    %dma_start3A_150 = tpu.memref_slice %arg21[%dma_start3A_148, %dma_start3A_149] : memref<10000x128xf32, #tpu.memory_space<vmem_shared>> -> memref<10000x128xf32, #tpu.memory_space<vmem_shared>>
    tpu.enqueue_indirect_dma source(%arg19 : memref<128x128xf32, #tpu.memory_space<vmem>>) target(%dma_start3A_150 : memref<10000x128xf32, #tpu.memory_space<vmem_shared>>) offsets(%arg15 : memref<128xi32, #tpu.memory_space<vmem>>) semaphore(%arg29 : memref<!tpu.dma_semaphore, #tpu.memory_space<semaphore_mem>>) {add = true}
    %dma_wait3A_151 = arith.constant 0 : i32
    %dma_wait3A_152 = arith.constant 0 : i32
    %dma_wait3A_153 = tpu.memref_slice %arg21[%dma_wait3A_151, %dma_wait3A_152] : memref<10000x128xf32, #tpu.memory_space<vmem_shared>> -> memref<10000x128xf32, #tpu.memory_space<vmem_shared>>
    tpu.wait_indirect_dma semaphore(%arg29 : memref<!tpu.dma_semaphore, #tpu.memory_space<semaphore_mem>>) src(%arg19 : memref<128x128xf32, #tpu.memory_space<vmem>>) dst(%dma_wait3A_153 : memref<10000x128xf32, #tpu.memory_space<vmem_shared>>)
    %add3A_154 = arith.constant 19968 : i32
    %add3A_155 = arith.addi %mul3A_2, %add3A_154 : i32
    "tpu.region"() ({
      %run_scoped3A = tpu.sem_alloc : memref<!tpu.dma_semaphore, #tpu.memory_space<semaphore_mem>>
      %dma_start3A_170 = tpu.memref_slice %arg4[%add3A_155] : memref<320000xi32, #tpu.memory_space<hbm>> -> memref<32xi32, #tpu.memory_space<hbm>>
      %dma_start3A_171 = tpu.memref_slice %arg4[%add3A_155] : memref<320000xi32, #tpu.memory_space<hbm>> -> memref<32xi32, #tpu.memory_space<hbm>>
      tpu.enqueue_dma source(%dma_start3A_171 : memref<32xi32, #tpu.memory_space<hbm>>) target(%arg16 : memref<32xi32, #tpu.memory_space<vmem>>) target_semaphore(%run_scoped3A : memref<!tpu.dma_semaphore, #tpu.memory_space<semaphore_mem>>)
      %dma_wait3A_172 = tpu.memref_slice %arg4[%add3A_155] : memref<320000xi32, #tpu.memory_space<hbm>> -> memref<32xi32, #tpu.memory_space<hbm>>
      %dma_wait3A_173 = tpu.memref_slice %arg4[%add3A_155] : memref<320000xi32, #tpu.memory_space<hbm>> -> memref<32xi32, #tpu.memory_space<hbm>>
      tpu.wait_dma2 semaphore(%run_scoped3A : memref<!tpu.dma_semaphore, #tpu.memory_space<semaphore_mem>>) src(%dma_wait3A_173 : memref<32xi32, #tpu.memory_space<hbm>>) dst(%arg16 : memref<32xi32, #tpu.memory_space<vmem>>)
      tpu.yield
    }) : () -> ()
    "tpu.region"() ({
      %run_scoped3A = tpu.sem_alloc : memref<!tpu.dma_semaphore, #tpu.memory_space<semaphore_mem>>
      %dma_start3A_170 = tpu.memref_slice %arg5[%add3A_155] : memref<320000xi32, #tpu.memory_space<hbm>> -> memref<32xi32, #tpu.memory_space<hbm>>
      %dma_start3A_171 = tpu.memref_slice %arg5[%add3A_155] : memref<320000xi32, #tpu.memory_space<hbm>> -> memref<32xi32, #tpu.memory_space<hbm>>
      tpu.enqueue_dma source(%dma_start3A_171 : memref<32xi32, #tpu.memory_space<hbm>>) target(%arg17 : memref<32xi32, #tpu.memory_space<vmem>>) target_semaphore(%run_scoped3A : memref<!tpu.dma_semaphore, #tpu.memory_space<semaphore_mem>>)
      %dma_wait3A_172 = tpu.memref_slice %arg5[%add3A_155] : memref<320000xi32, #tpu.memory_space<hbm>> -> memref<32xi32, #tpu.memory_space<hbm>>
      %dma_wait3A_173 = tpu.memref_slice %arg5[%add3A_155] : memref<320000xi32, #tpu.memory_space<hbm>> -> memref<32xi32, #tpu.memory_space<hbm>>
      tpu.wait_dma2 semaphore(%run_scoped3A : memref<!tpu.dma_semaphore, #tpu.memory_space<semaphore_mem>>) src(%dma_wait3A_173 : memref<32xi32, #tpu.memory_space<hbm>>) dst(%arg17 : memref<32xi32, #tpu.memory_space<vmem>>)
      tpu.yield
    }) : () -> ()
    %eq3A_156 = arith.constant 0 : i32
    %eq3A_157 = arith.cmpi eq, %arg0, %eq3A_156 : i32
    %convert_element_type3A_158 = arith.extui %eq3A_157 : i1 to i32
    %cond3A_159 = arith.constant 0 : i32
    %cond3A_160 = arith.cmpi ne, %convert_element_type3A_158, %cond3A_159 : i32
    scf.if %cond3A_160 {
      %dma_start3A_170 = arith.constant 0 : i32
      %dma_start3A_171 = arith.constant 0 : i32
      %dma_start3A_172 = tpu.memref_slice %arg2[%dma_start3A_170, %dma_start3A_171] : memref<10000x128xf32, #tpu.memory_space<hbm>> -> memref<10000x128xf32, #tpu.memory_space<hbm>>
      tpu.enqueue_indirect_dma source(%dma_start3A_172 : memref<10000x128xf32, #tpu.memory_space<hbm>>) target(%arg20 : memref<32x128xf32, #tpu.memory_space<vmem>>) offsets(%arg16 : memref<32xi32, #tpu.memory_space<vmem>>) semaphore(%arg30 : memref<!tpu.dma_semaphore, #tpu.memory_space<semaphore_mem>>)
      %dma_wait3A_173 = arith.constant 0 : i32
      %dma_wait3A_174 = arith.constant 0 : i32
      %dma_wait3A_175 = tpu.memref_slice %arg2[%dma_wait3A_173, %dma_wait3A_174] : memref<10000x128xf32, #tpu.memory_space<hbm>> -> memref<10000x128xf32, #tpu.memory_space<hbm>>
      tpu.wait_indirect_dma semaphore(%arg30 : memref<!tpu.dma_semaphore, #tpu.memory_space<semaphore_mem>>) src(%dma_wait3A_175 : memref<10000x128xf32, #tpu.memory_space<hbm>>) dst(%arg20 : memref<32x128xf32, #tpu.memory_space<vmem>>)
    } else {
    }
    %eq3A_161 = arith.constant 1 : i32
    %eq3A_162 = arith.cmpi eq, %arg0, %eq3A_161 : i32
    %convert_element_type3A_163 = arith.extui %eq3A_162 : i1 to i32
    %cond3A_164 = arith.constant 0 : i32
    %cond3A_165 = arith.cmpi ne, %convert_element_type3A_163, %cond3A_164 : i32
    scf.if %cond3A_165 {
      %dma_start3A_170 = arith.constant 0 : i32
      %dma_start3A_171 = arith.constant 0 : i32
      %dma_start3A_172 = tpu.memref_slice %arg3[%dma_start3A_170, %dma_start3A_171] : memref<10000x128xf32, #tpu.memory_space<hbm>> -> memref<10000x128xf32, #tpu.memory_space<hbm>>
      tpu.enqueue_indirect_dma source(%dma_start3A_172 : memref<10000x128xf32, #tpu.memory_space<hbm>>) target(%arg20 : memref<32x128xf32, #tpu.memory_space<vmem>>) offsets(%arg16 : memref<32xi32, #tpu.memory_space<vmem>>) semaphore(%arg30 : memref<!tpu.dma_semaphore, #tpu.memory_space<semaphore_mem>>)
      %dma_wait3A_173 = arith.constant 0 : i32
      %dma_wait3A_174 = arith.constant 0 : i32
      %dma_wait3A_175 = tpu.memref_slice %arg3[%dma_wait3A_173, %dma_wait3A_174] : memref<10000x128xf32, #tpu.memory_space<hbm>> -> memref<10000x128xf32, #tpu.memory_space<hbm>>
      tpu.wait_indirect_dma semaphore(%arg30 : memref<!tpu.dma_semaphore, #tpu.memory_space<semaphore_mem>>) src(%dma_wait3A_175 : memref<10000x128xf32, #tpu.memory_space<hbm>>) dst(%arg20 : memref<32x128xf32, #tpu.memory_space<vmem>>)
    } else {
    }
    "tpu.region"() ({
      %run_scoped3A = tpu.sem_alloc : memref<!tpu.dma_semaphore, #tpu.memory_space<semaphore_mem>>
      %dma_start3A_170 = arith.constant 0 : i32
      %dma_start3A_171 = arith.constant 0 : i32
      %dma_start3A_172 = tpu.memref_slice %arg21[%dma_start3A_170, %dma_start3A_171] : memref<10000x128xf32, #tpu.memory_space<vmem_shared>> -> memref<10000x128xf32, #tpu.memory_space<vmem_shared>>
      tpu.enqueue_indirect_dma source(%arg20 : memref<32x128xf32, #tpu.memory_space<vmem>>) target(%dma_start3A_172 : memref<10000x128xf32, #tpu.memory_space<vmem_shared>>) offsets(%arg17 : memref<32xi32, #tpu.memory_space<vmem>>) semaphore(%run_scoped3A : memref<!tpu.dma_semaphore, #tpu.memory_space<semaphore_mem>>) {add = true}
      %dma_wait3A_173 = arith.constant 0 : i32
      %dma_wait3A_174 = arith.constant 0 : i32
      %dma_wait3A_175 = tpu.memref_slice %arg21[%dma_wait3A_173, %dma_wait3A_174] : memref<10000x128xf32, #tpu.memory_space<vmem_shared>> -> memref<10000x128xf32, #tpu.memory_space<vmem_shared>>
      tpu.wait_indirect_dma semaphore(%run_scoped3A : memref<!tpu.dma_semaphore, #tpu.memory_space<semaphore_mem>>) src(%arg20 : memref<32x128xf32, #tpu.memory_space<vmem>>) dst(%dma_wait3A_175 : memref<10000x128xf32, #tpu.memory_space<vmem_shared>>)
      tpu.yield
    }) : () -> ()
    %barrier3A_166 = arith.constant 0 : index
    tpu.barrier barrier_id(%barrier3A_166)
    %mul3A_167 = arith.constant 10000 : i32
    %mul3A_168 = arith.muli %arg0, %mul3A_167 : i32
    %add3A_169 = arith.addi %mul3A_168, %mul3A_0 : i32
    "tpu.region"() ({
      %run_scoped3A = tpu.sem_alloc : memref<!tpu.dma_semaphore, #tpu.memory_space<semaphore_mem>>
      %dma_start3A_170 = arith.constant 0 : i32
      %dma_start3A_171 = tpu.memref_slice %arg7[%add3A_169, %dma_start3A_170] : memref<20000x128xf32, #tpu.memory_space<hbm>> -> memref<625x128xf32, #tpu.memory_space<hbm>>
      %dma_start3A_172 = arith.constant 0 : i32
      %dma_start3A_173 = tpu.memref_slice %arg21[%mul3A_0, %dma_start3A_172] : memref<10000x128xf32, #tpu.memory_space<vmem_shared>> -> memref<625x128xf32, #tpu.memory_space<vmem_shared>>
      tpu.enqueue_dma source(%dma_start3A_173 : memref<625x128xf32, #tpu.memory_space<vmem_shared>>) target(%dma_start3A_171 : memref<625x128xf32, #tpu.memory_space<hbm>>) target_semaphore(%run_scoped3A : memref<!tpu.dma_semaphore, #tpu.memory_space<semaphore_mem>>)
      %dma_wait3A_174 = arith.constant 0 : i32
      %dma_wait3A_175 = tpu.memref_slice %arg7[%add3A_169, %dma_wait3A_174] : memref<20000x128xf32, #tpu.memory_space<hbm>> -> memref<625x128xf32, #tpu.memory_space<hbm>>
      %dma_wait3A_176 = arith.constant 0 : i32
      %dma_wait3A_177 = tpu.memref_slice %arg21[%mul3A_0, %dma_wait3A_176] : memref<10000x128xf32, #tpu.memory_space<vmem_shared>> -> memref<625x128xf32, #tpu.memory_space<vmem_shared>>
      tpu.wait_dma2 semaphore(%run_scoped3A : memref<!tpu.dma_semaphore, #tpu.memory_space<semaphore_mem>>) src(%dma_wait3A_177 : memref<625x128xf32, #tpu.memory_space<vmem_shared>>) dst(%dma_wait3A_175 : memref<625x128xf32, #tpu.memory_space<hbm>>)
      tpu.yield
    }) : () -> ()
    return
  }
}

#map = affine_map<(d0, d1) -> (0, 0)>
#map1 = affine_map<(d0, d1) -> (0)>
module attributes {stable_mosaic.version = 14 : i64} {
  func.func @k(%arg0: i32, %arg1: i32, %arg2: memref<10000x64xf32, #tpu.memory_space<hbm>>, %arg3: memref<10000x64xf32, #tpu.memory_space<hbm>>, %arg4: memref<320000xi32, #tpu.memory_space<hbm>>, %arg5: memref<320000xi32, #tpu.memory_space<hbm>>, %arg6: memref<625x64xf32, #tpu.memory_space<hbm>>, %arg7: memref<20000x64xf32, #tpu.memory_space<hbm>>, %arg8: memref<128xi32, #tpu.memory_space<vmem>>, %arg9: memref<128xi32, #tpu.memory_space<vmem>>, %arg10: memref<128xi32, #tpu.memory_space<vmem>>, %arg11: memref<128xi32, #tpu.memory_space<vmem>>, %arg12: memref<128xi32, #tpu.memory_space<vmem>>, %arg13: memref<128xi32, #tpu.memory_space<vmem>>, %arg14: memref<128xi32, #tpu.memory_space<vmem>>, %arg15: memref<128xi32, #tpu.memory_space<vmem>>, %arg16: memref<32xi32, #tpu.memory_space<vmem>>, %arg17: memref<32xi32, #tpu.memory_space<vmem>>, %arg18: memref<128x64xf32, #tpu.memory_space<vmem>>, %arg19: memref<128x64xf32, #tpu.memory_space<vmem>>, %arg20: memref<32x64xf32, #tpu.memory_space<vmem>>, %arg21: memref<10000x64xf32, #tpu.memory_space<vmem_shared>>, %arg22: memref<!tpu.dma_semaphore, #tpu.memory_space<semaphore_mem>>, %arg23: memref<!tpu.dma_semaphore, #tpu.memory_space<semaphore_mem>>, %arg24: memref<!tpu.dma_semaphore, #tpu.memory_space<semaphore_mem>>, %arg25: memref<!tpu.dma_semaphore, #tpu.memory_space<semaphore_mem>>, %arg26: memref<!tpu.dma_semaphore, #tpu.memory_space<semaphore_mem>>, %arg27: memref<!tpu.dma_semaphore, #tpu.memory_space<semaphore_mem>>, %arg28: memref<!tpu.dma_semaphore, #tpu.memory_space<semaphore_mem>>, %arg29: memref<!tpu.dma_semaphore, #tpu.memory_space<semaphore_mem>>, %arg30: memref<!tpu.dma_semaphore, #tpu.memory_space<semaphore_mem>>) attributes {dimension_semantics = [#tpu.dimension_semantics<core_parallel>, #tpu.dimension_semantics<subcore_parallel>], iteration_bounds = array<i64: 2, 16>, scalar_prefetch = 0 : i64, scratch_operands = 23 : i64, tpu.core_type = #tpu.core_type<sc_vector_subcore>, window_params = [{transform_indices = #map}, {transform_indices = #map}, {transform_indices = #map1}, {transform_indices = #map1}, {transform_indices = #map}, {transform_indices = #map}]} {
    %mul3A = arith.constant 625 : i32
    %mul3A_0 = arith.muli %arg1, %mul3A : i32
    "tpu.region"() ({
      %run_scoped3A = tpu.sem_alloc : memref<!tpu.dma_semaphore, #tpu.memory_space<semaphore_mem>>
      %dma_start3A_170 = arith.constant 0 : i32
      %dma_start3A_171 = tpu.memref_slice %arg21[%mul3A_0, %dma_start3A_170] : memref<10000x64xf32, #tpu.memory_space<vmem_shared>> -> memref<625x64xf32, #tpu.memory_space<vmem_shared>>
      tpu.enqueue_dma source(%arg6 : memref<625x64xf32, #tpu.memory_space<hbm>>) target(%dma_start3A_171 : memref<625x64xf32, #tpu.memory_space<vmem_shared>>) target_semaphore(%run_scoped3A : memref<!tpu.dma_semaphore, #tpu.memory_space<semaphore_mem>>)
      %dma_wait3A_172 = arith.constant 0 : i32
      %dma_wait3A_173 = tpu.memref_slice %arg21[%mul3A_0, %dma_wait3A_172] : memref<10000x64xf32, #tpu.memory_space<vmem_shared>> -> memref<625x64xf32, #tpu.memory_space<vmem_shared>>
      tpu.wait_dma2 semaphore(%run_scoped3A : memref<!tpu.dma_semaphore, #tpu.memory_space<semaphore_mem>>) src(%arg6 : memref<625x64xf32, #tpu.memory_space<hbm>>) dst(%dma_wait3A_173 : memref<625x64xf32, #tpu.memory_space<vmem_shared>>)
      tpu.yield
    }) : () -> ()
    %barrier3A = arith.constant 0 : index
    tpu.barrier barrier_id(%barrier3A)
    %mul3A_1 = arith.constant 20000 : i32
    %mul3A_2 = arith.muli %arg1, %mul3A_1 : i32
    %add3A = arith.constant 0 : i32
    %add3A_3 = arith.addi %mul3A_2, %add3A : i32
    %dma_start3A = tpu.memref_slice %arg4[%add3A_3] : memref<320000xi32, #tpu.memory_space<hbm>> -> memref<128xi32, #tpu.memory_space<hbm>>
    %dma_start3A_4 = tpu.memref_slice %arg4[%add3A_3] : memref<320000xi32, #tpu.memory_space<hbm>> -> memref<128xi32, #tpu.memory_space<hbm>>
    tpu.enqueue_dma source(%dma_start3A_4 : memref<128xi32, #tpu.memory_space<hbm>>) target(%arg8 : memref<128xi32, #tpu.memory_space<vmem>>) target_semaphore(%arg22 : memref<!tpu.dma_semaphore, #tpu.memory_space<semaphore_mem>>)
    %dma_start3A_5 = tpu.memref_slice %arg5[%add3A_3] : memref<320000xi32, #tpu.memory_space<hbm>> -> memref<128xi32, #tpu.memory_space<hbm>>
    %dma_start3A_6 = tpu.memref_slice %arg5[%add3A_3] : memref<320000xi32, #tpu.memory_space<hbm>> -> memref<128xi32, #tpu.memory_space<hbm>>
    tpu.enqueue_dma source(%dma_start3A_6 : memref<128xi32, #tpu.memory_space<hbm>>) target(%arg12 : memref<128xi32, #tpu.memory_space<vmem>>) target_semaphore(%arg22 : memref<!tpu.dma_semaphore, #tpu.memory_space<semaphore_mem>>)
    %add3A_7 = arith.constant 128 : i32
    %add3A_8 = arith.addi %mul3A_2, %add3A_7 : i32
    %dma_start3A_9 = tpu.memref_slice %arg4[%add3A_8] : memref<320000xi32, #tpu.memory_space<hbm>> -> memref<128xi32, #tpu.memory_space<hbm>>
    %dma_start3A_10 = tpu.memref_slice %arg4[%add3A_8] : memref<320000xi32, #tpu.memory_space<hbm>> -> memref<128xi32, #tpu.memory_space<hbm>>
    tpu.enqueue_dma source(%dma_start3A_10 : memref<128xi32, #tpu.memory_space<hbm>>) target(%arg9 : memref<128xi32, #tpu.memory_space<vmem>>) target_semaphore(%arg23 : memref<!tpu.dma_semaphore, #tpu.memory_space<semaphore_mem>>)
    %dma_start3A_11 = tpu.memref_slice %arg5[%add3A_8] : memref<320000xi32, #tpu.memory_space<hbm>> -> memref<128xi32, #tpu.memory_space<hbm>>
    %dma_start3A_12 = tpu.memref_slice %arg5[%add3A_8] : memref<320000xi32, #tpu.memory_space<hbm>> -> memref<128xi32, #tpu.memory_space<hbm>>
    tpu.enqueue_dma source(%dma_start3A_12 : memref<128xi32, #tpu.memory_space<hbm>>) target(%arg13 : memref<128xi32, #tpu.memory_space<vmem>>) target_semaphore(%arg23 : memref<!tpu.dma_semaphore, #tpu.memory_space<semaphore_mem>>)
    %add3A_13 = arith.constant 0 : i32
    %add3A_14 = arith.addi %mul3A_2, %add3A_13 : i32
    %dma_wait3A = tpu.memref_slice %arg4[%add3A_14] : memref<320000xi32, #tpu.memory_space<hbm>> -> memref<128xi32, #tpu.memory_space<hbm>>
    %dma_wait3A_15 = tpu.memref_slice %arg4[%add3A_14] : memref<320000xi32, #tpu.memory_space<hbm>> -> memref<128xi32, #tpu.memory_space<hbm>>
    tpu.wait_dma2 semaphore(%arg22 : memref<!tpu.dma_semaphore, #tpu.memory_space<semaphore_mem>>) src(%dma_wait3A_15 : memref<128xi32, #tpu.memory_space<hbm>>) dst(%arg8 : memref<128xi32, #tpu.memory_space<vmem>>)
    %dma_wait3A_16 = tpu.memref_slice %arg5[%add3A_14] : memref<320000xi32, #tpu.memory_space<hbm>> -> memref<128xi32, #tpu.memory_space<hbm>>
    %dma_wait3A_17 = tpu.memref_slice %arg5[%add3A_14] : memref<320000xi32, #tpu.memory_space<hbm>> -> memref<128xi32, #tpu.memory_space<hbm>>
    tpu.wait_dma2 semaphore(%arg22 : memref<!tpu.dma_semaphore, #tpu.memory_space<semaphore_mem>>) src(%dma_wait3A_17 : memref<128xi32, #tpu.memory_space<hbm>>) dst(%arg12 : memref<128xi32, #tpu.memory_space<vmem>>)
    %eq3A = arith.constant 0 : i32
    %eq3A_18 = arith.cmpi eq, %arg0, %eq3A : i32
    %convert_element_type3A = arith.extui %eq3A_18 : i1 to i32
    %cond3A = arith.constant 0 : i32
    %cond3A_19 = arith.cmpi ne, %convert_element_type3A, %cond3A : i32
    scf.if %cond3A_19 {
      %dma_start3A_170 = arith.constant 0 : i32
      %dma_start3A_171 = arith.constant 0 : i32
      %dma_start3A_172 = tpu.memref_slice %arg2[%dma_start3A_170, %dma_start3A_171] : memref<10000x64xf32, #tpu.memory_space<hbm>> -> memref<10000x64xf32, #tpu.memory_space<hbm>>
      tpu.enqueue_indirect_dma source(%dma_start3A_172 : memref<10000x64xf32, #tpu.memory_space<hbm>>) target(%arg18 : memref<128x64xf32, #tpu.memory_space<vmem>>) offsets(%arg8 : memref<128xi32, #tpu.memory_space<vmem>>) semaphore(%arg26 : memref<!tpu.dma_semaphore, #tpu.memory_space<semaphore_mem>>)
    } else {
    }
    %eq3A_20 = arith.constant 1 : i32
    %eq3A_21 = arith.cmpi eq, %arg0, %eq3A_20 : i32
    %convert_element_type3A_22 = arith.extui %eq3A_21 : i1 to i32
    %cond3A_23 = arith.constant 0 : i32
    %cond3A_24 = arith.cmpi ne, %convert_element_type3A_22, %cond3A_23 : i32
    scf.if %cond3A_24 {
      %dma_start3A_170 = arith.constant 0 : i32
      %dma_start3A_171 = arith.constant 0 : i32
      %dma_start3A_172 = tpu.memref_slice %arg3[%dma_start3A_170, %dma_start3A_171] : memref<10000x64xf32, #tpu.memory_space<hbm>> -> memref<10000x64xf32, #tpu.memory_space<hbm>>
      tpu.enqueue_indirect_dma source(%dma_start3A_172 : memref<10000x64xf32, #tpu.memory_space<hbm>>) target(%arg18 : memref<128x64xf32, #tpu.memory_space<vmem>>) offsets(%arg8 : memref<128xi32, #tpu.memory_space<vmem>>) semaphore(%arg26 : memref<!tpu.dma_semaphore, #tpu.memory_space<semaphore_mem>>)
    } else {
    }
    %add3A_25 = arith.constant 256 : i32
    %add3A_26 = arith.addi %mul3A_2, %add3A_25 : i32
    %dma_start3A_27 = tpu.memref_slice %arg4[%add3A_26] : memref<320000xi32, #tpu.memory_space<hbm>> -> memref<128xi32, #tpu.memory_space<hbm>>
    %dma_start3A_28 = tpu.memref_slice %arg4[%add3A_26] : memref<320000xi32, #tpu.memory_space<hbm>> -> memref<128xi32, #tpu.memory_space<hbm>>
    tpu.enqueue_dma source(%dma_start3A_28 : memref<128xi32, #tpu.memory_space<hbm>>) target(%arg10 : memref<128xi32, #tpu.memory_space<vmem>>) target_semaphore(%arg24 : memref<!tpu.dma_semaphore, #tpu.memory_space<semaphore_mem>>)
    %dma_start3A_29 = tpu.memref_slice %arg5[%add3A_26] : memref<320000xi32, #tpu.memory_space<hbm>> -> memref<128xi32, #tpu.memory_space<hbm>>
    %dma_start3A_30 = tpu.memref_slice %arg5[%add3A_26] : memref<320000xi32, #tpu.memory_space<hbm>> -> memref<128xi32, #tpu.memory_space<hbm>>
    tpu.enqueue_dma source(%dma_start3A_30 : memref<128xi32, #tpu.memory_space<hbm>>) target(%arg14 : memref<128xi32, #tpu.memory_space<vmem>>) target_semaphore(%arg24 : memref<!tpu.dma_semaphore, #tpu.memory_space<semaphore_mem>>)
    %eq3A_31 = arith.constant 0 : i32
    %eq3A_32 = arith.cmpi eq, %arg0, %eq3A_31 : i32
    %convert_element_type3A_33 = arith.extui %eq3A_32 : i1 to i32
    %cond3A_34 = arith.constant 0 : i32
    %cond3A_35 = arith.cmpi ne, %convert_element_type3A_33, %cond3A_34 : i32
    scf.if %cond3A_35 {
      %dma_wait3A_170 = arith.constant 0 : i32
      %dma_wait3A_171 = arith.constant 0 : i32
      %dma_wait3A_172 = tpu.memref_slice %arg2[%dma_wait3A_170, %dma_wait3A_171] : memref<10000x64xf32, #tpu.memory_space<hbm>> -> memref<10000x64xf32, #tpu.memory_space<hbm>>
      tpu.wait_indirect_dma semaphore(%arg26 : memref<!tpu.dma_semaphore, #tpu.memory_space<semaphore_mem>>) src(%dma_wait3A_172 : memref<10000x64xf32, #tpu.memory_space<hbm>>) dst(%arg18 : memref<128x64xf32, #tpu.memory_space<vmem>>)
    } else {
    }
    %eq3A_36 = arith.constant 1 : i32
    %eq3A_37 = arith.cmpi eq, %arg0, %eq3A_36 : i32
    %convert_element_type3A_38 = arith.extui %eq3A_37 : i1 to i32
    %cond3A_39 = arith.constant 0 : i32
    %cond3A_40 = arith.cmpi ne, %convert_element_type3A_38, %cond3A_39 : i32
    scf.if %cond3A_40 {
      %dma_wait3A_170 = arith.constant 0 : i32
      %dma_wait3A_171 = arith.constant 0 : i32
      %dma_wait3A_172 = tpu.memref_slice %arg3[%dma_wait3A_170, %dma_wait3A_171] : memref<10000x64xf32, #tpu.memory_space<hbm>> -> memref<10000x64xf32, #tpu.memory_space<hbm>>
      tpu.wait_indirect_dma semaphore(%arg26 : memref<!tpu.dma_semaphore, #tpu.memory_space<semaphore_mem>>) src(%dma_wait3A_172 : memref<10000x64xf32, #tpu.memory_space<hbm>>) dst(%arg18 : memref<128x64xf32, #tpu.memory_space<vmem>>)
    } else {
    }
    %dma_start3A_41 = arith.constant 0 : i32
    %dma_start3A_42 = arith.constant 0 : i32
    %dma_start3A_43 = tpu.memref_slice %arg21[%dma_start3A_41, %dma_start3A_42] : memref<10000x64xf32, #tpu.memory_space<vmem_shared>> -> memref<10000x64xf32, #tpu.memory_space<vmem_shared>>
    tpu.enqueue_indirect_dma source(%arg18 : memref<128x64xf32, #tpu.memory_space<vmem>>) target(%dma_start3A_43 : memref<10000x64xf32, #tpu.memory_space<vmem_shared>>) offsets(%arg12 : memref<128xi32, #tpu.memory_space<vmem>>) semaphore(%arg28 : memref<!tpu.dma_semaphore, #tpu.memory_space<semaphore_mem>>) {add = true}
    %add3A_44 = arith.constant 128 : i32
    %add3A_45 = arith.addi %mul3A_2, %add3A_44 : i32
    %dma_wait3A_46 = tpu.memref_slice %arg4[%add3A_45] : memref<320000xi32, #tpu.memory_space<hbm>> -> memref<128xi32, #tpu.memory_space<hbm>>
    %dma_wait3A_47 = tpu.memref_slice %arg4[%add3A_45] : memref<320000xi32, #tpu.memory_space<hbm>> -> memref<128xi32, #tpu.memory_space<hbm>>
    tpu.wait_dma2 semaphore(%arg23 : memref<!tpu.dma_semaphore, #tpu.memory_space<semaphore_mem>>) src(%dma_wait3A_47 : memref<128xi32, #tpu.memory_space<hbm>>) dst(%arg9 : memref<128xi32, #tpu.memory_space<vmem>>)
    %dma_wait3A_48 = tpu.memref_slice %arg5[%add3A_45] : memref<320000xi32, #tpu.memory_space<hbm>> -> memref<128xi32, #tpu.memory_space<hbm>>
    %dma_wait3A_49 = tpu.memref_slice %arg5[%add3A_45] : memref<320000xi32, #tpu.memory_space<hbm>> -> memref<128xi32, #tpu.memory_space<hbm>>
    tpu.wait_dma2 semaphore(%arg23 : memref<!tpu.dma_semaphore, #tpu.memory_space<semaphore_mem>>) src(%dma_wait3A_49 : memref<128xi32, #tpu.memory_space<hbm>>) dst(%arg13 : memref<128xi32, #tpu.memory_space<vmem>>)
    %eq3A_50 = arith.constant 0 : i32
    %eq3A_51 = arith.cmpi eq, %arg0, %eq3A_50 : i32
    %convert_element_type3A_52 = arith.extui %eq3A_51 : i1 to i32
    %cond3A_53 = arith.constant 0 : i32
    %cond3A_54 = arith.cmpi ne, %convert_element_type3A_52, %cond3A_53 : i32
    scf.if %cond3A_54 {
      %dma_start3A_170 = arith.constant 0 : i32
      %dma_start3A_171 = arith.constant 0 : i32
      %dma_start3A_172 = tpu.memref_slice %arg2[%dma_start3A_170, %dma_start3A_171] : memref<10000x64xf32, #tpu.memory_space<hbm>> -> memref<10000x64xf32, #tpu.memory_space<hbm>>
      tpu.enqueue_indirect_dma source(%dma_start3A_172 : memref<10000x64xf32, #tpu.memory_space<hbm>>) target(%arg19 : memref<128x64xf32, #tpu.memory_space<vmem>>) offsets(%arg9 : memref<128xi32, #tpu.memory_space<vmem>>) semaphore(%arg27 : memref<!tpu.dma_semaphore, #tpu.memory_space<semaphore_mem>>)
    } else {
    }
    %eq3A_55 = arith.constant 1 : i32
    %eq3A_56 = arith.cmpi eq, %arg0, %eq3A_55 : i32
    %convert_element_type3A_57 = arith.extui %eq3A_56 : i1 to i32
    %cond3A_58 = arith.constant 0 : i32
    %cond3A_59 = arith.cmpi ne, %convert_element_type3A_57, %cond3A_58 : i32
    scf.if %cond3A_59 {
      %dma_start3A_170 = arith.constant 0 : i32
      %dma_start3A_171 = arith.constant 0 : i32
      %dma_start3A_172 = tpu.memref_slice %arg3[%dma_start3A_170, %dma_start3A_171] : memref<10000x64xf32, #tpu.memory_space<hbm>> -> memref<10000x64xf32, #tpu.memory_space<hbm>>
      tpu.enqueue_indirect_dma source(%dma_start3A_172 : memref<10000x64xf32, #tpu.memory_space<hbm>>) target(%arg19 : memref<128x64xf32, #tpu.memory_space<vmem>>) offsets(%arg9 : memref<128xi32, #tpu.memory_space<vmem>>) semaphore(%arg27 : memref<!tpu.dma_semaphore, #tpu.memory_space<semaphore_mem>>)
    } else {
    }
    %add3A_60 = arith.constant 384 : i32
    %add3A_61 = arith.addi %mul3A_2, %add3A_60 : i32
    %dma_start3A_62 = tpu.memref_slice %arg4[%add3A_61] : memref<320000xi32, #tpu.memory_space<hbm>> -> memref<128xi32, #tpu.memory_space<hbm>>
    %dma_start3A_63 = tpu.memref_slice %arg4[%add3A_61] : memref<320000xi32, #tpu.memory_space<hbm>> -> memref<128xi32, #tpu.memory_space<hbm>>
    tpu.enqueue_dma source(%dma_start3A_63 : memref<128xi32, #tpu.memory_space<hbm>>) target(%arg11 : memref<128xi32, #tpu.memory_space<vmem>>) target_semaphore(%arg25 : memref<!tpu.dma_semaphore, #tpu.memory_space<semaphore_mem>>)
    %dma_start3A_64 = tpu.memref_slice %arg5[%add3A_61] : memref<320000xi32, #tpu.memory_space<hbm>> -> memref<128xi32, #tpu.memory_space<hbm>>
    %dma_start3A_65 = tpu.memref_slice %arg5[%add3A_61] : memref<320000xi32, #tpu.memory_space<hbm>> -> memref<128xi32, #tpu.memory_space<hbm>>
    tpu.enqueue_dma source(%dma_start3A_65 : memref<128xi32, #tpu.memory_space<hbm>>) target(%arg15 : memref<128xi32, #tpu.memory_space<vmem>>) target_semaphore(%arg25 : memref<!tpu.dma_semaphore, #tpu.memory_space<semaphore_mem>>)
    %scan3A = arith.constant 0 : i32
    %scan3A_66 = arith.constant 0 : i32
    %scan3A_67 = arith.constant 38 : i32
    %scan3A_68 = arith.addi %scan3A_66, %scan3A_67 : i32
    %scan3A_69 = arith.constant 1 : i32
    scf.for %scan3A_170 = %scan3A_66 to %scan3A_68 step %scan3A_69  : i32 {
      %mul3A_171 = arith.constant 4 : i32
      %mul3A_172 = arith.muli %scan3A_170, %mul3A_171 : i32
      %add3A_173 = arith.constant 1 : i32
      %add3A_174 = arith.addi %add3A_173, %mul3A_172 : i32
      %eq3A_175 = arith.constant 0 : i32
      %eq3A_176 = arith.cmpi eq, %arg0, %eq3A_175 : i32
      %convert_element_type3A_177 = arith.extui %eq3A_176 : i1 to i32
      %cond3A_178 = arith.constant 0 : i32
      %cond3A_179 = arith.cmpi ne, %convert_element_type3A_177, %cond3A_178 : i32
      scf.if %cond3A_179 {
        %dma_wait3A_357 = arith.constant 0 : i32
        %dma_wait3A_358 = arith.constant 0 : i32
        %dma_wait3A_359 = tpu.memref_slice %arg2[%dma_wait3A_357, %dma_wait3A_358] : memref<10000x64xf32, #tpu.memory_space<hbm>> -> memref<10000x64xf32, #tpu.memory_space<hbm>>
        tpu.wait_indirect_dma semaphore(%arg27 : memref<!tpu.dma_semaphore, #tpu.memory_space<semaphore_mem>>) src(%dma_wait3A_359 : memref<10000x64xf32, #tpu.memory_space<hbm>>) dst(%arg19 : memref<128x64xf32, #tpu.memory_space<vmem>>)
      } else {
      }
      %eq3A_180 = arith.constant 1 : i32
      %eq3A_181 = arith.cmpi eq, %arg0, %eq3A_180 : i32
      %convert_element_type3A_182 = arith.extui %eq3A_181 : i1 to i32
      %cond3A_183 = arith.constant 0 : i32
      %cond3A_184 = arith.cmpi ne, %convert_element_type3A_182, %cond3A_183 : i32
      scf.if %cond3A_184 {
        %dma_wait3A_357 = arith.constant 0 : i32
        %dma_wait3A_358 = arith.constant 0 : i32
        %dma_wait3A_359 = tpu.memref_slice %arg3[%dma_wait3A_357, %dma_wait3A_358] : memref<10000x64xf32, #tpu.memory_space<hbm>> -> memref<10000x64xf32, #tpu.memory_space<hbm>>
        tpu.wait_indirect_dma semaphore(%arg27 : memref<!tpu.dma_semaphore, #tpu.memory_space<semaphore_mem>>) src(%dma_wait3A_359 : memref<10000x64xf32, #tpu.memory_space<hbm>>) dst(%arg19 : memref<128x64xf32, #tpu.memory_space<vmem>>)
      } else {
      }
      %dma_wait3A_185 = arith.constant 0 : i32
      %dma_wait3A_186 = arith.constant 0 : i32
      %dma_wait3A_187 = tpu.memref_slice %arg21[%dma_wait3A_185, %dma_wait3A_186] : memref<10000x64xf32, #tpu.memory_space<vmem_shared>> -> memref<10000x64xf32, #tpu.memory_space<vmem_shared>>
      tpu.wait_indirect_dma semaphore(%arg28 : memref<!tpu.dma_semaphore, #tpu.memory_space<semaphore_mem>>) src(%arg18 : memref<128x64xf32, #tpu.memory_space<vmem>>) dst(%dma_wait3A_187 : memref<10000x64xf32, #tpu.memory_space<vmem_shared>>)
      %dma_start3A_188 = arith.constant 0 : i32
      %dma_start3A_189 = arith.constant 0 : i32
      %dma_start3A_190 = tpu.memref_slice %arg21[%dma_start3A_188, %dma_start3A_189] : memref<10000x64xf32, #tpu.memory_space<vmem_shared>> -> memref<10000x64xf32, #tpu.memory_space<vmem_shared>>
      tpu.enqueue_indirect_dma source(%arg19 : memref<128x64xf32, #tpu.memory_space<vmem>>) target(%dma_start3A_190 : memref<10000x64xf32, #tpu.memory_space<vmem_shared>>) offsets(%arg13 : memref<128xi32, #tpu.memory_space<vmem>>) semaphore(%arg29 : memref<!tpu.dma_semaphore, #tpu.memory_space<semaphore_mem>>) {add = true}
      %add3A_191 = arith.constant 1 : i32
      %add3A_192 = arith.addi %add3A_174, %add3A_191 : i32
      %mul3A_193 = arith.constant 128 : i32
      %mul3A_194 = arith.muli %add3A_192, %mul3A_193 : i32
      %add3A_195 = arith.addi %mul3A_2, %mul3A_194 : i32
      %dma_wait3A_196 = tpu.memref_slice %arg4[%add3A_195] : memref<320000xi32, #tpu.memory_space<hbm>> -> memref<128xi32, #tpu.memory_space<hbm>>
      %dma_wait3A_197 = tpu.memref_slice %arg4[%add3A_195] : memref<320000xi32, #tpu.memory_space<hbm>> -> memref<128xi32, #tpu.memory_space<hbm>>
      tpu.wait_dma2 semaphore(%arg24 : memref<!tpu.dma_semaphore, #tpu.memory_space<semaphore_mem>>) src(%dma_wait3A_197 : memref<128xi32, #tpu.memory_space<hbm>>) dst(%arg10 : memref<128xi32, #tpu.memory_space<vmem>>)
      %dma_wait3A_198 = tpu.memref_slice %arg5[%add3A_195] : memref<320000xi32, #tpu.memory_space<hbm>> -> memref<128xi32, #tpu.memory_space<hbm>>
      %dma_wait3A_199 = tpu.memref_slice %arg5[%add3A_195] : memref<320000xi32, #tpu.memory_space<hbm>> -> memref<128xi32, #tpu.memory_space<hbm>>
      tpu.wait_dma2 semaphore(%arg24 : memref<!tpu.dma_semaphore, #tpu.memory_space<semaphore_mem>>) src(%dma_wait3A_199 : memref<128xi32, #tpu.memory_space<hbm>>) dst(%arg14 : memref<128xi32, #tpu.memory_space<vmem>>)
      %eq3A_200 = arith.constant 0 : i32
      %eq3A_201 = arith.cmpi eq, %arg0, %eq3A_200 : i32
      %convert_element_type3A_202 = arith.extui %eq3A_201 : i1 to i32
      %cond3A_203 = arith.constant 0 : i32
      %cond3A_204 = arith.cmpi ne, %convert_element_type3A_202, %cond3A_203 : i32
      scf.if %cond3A_204 {
        %dma_start3A_357 = arith.constant 0 : i32
        %dma_start3A_358 = arith.constant 0 : i32
        %dma_start3A_359 = tpu.memref_slice %arg2[%dma_start3A_357, %dma_start3A_358] : memref<10000x64xf32, #tpu.memory_space<hbm>> -> memref<10000x64xf32, #tpu.memory_space<hbm>>
        tpu.enqueue_indirect_dma source(%dma_start3A_359 : memref<10000x64xf32, #tpu.memory_space<hbm>>) target(%arg18 : memref<128x64xf32, #tpu.memory_space<vmem>>) offsets(%arg10 : memref<128xi32, #tpu.memory_space<vmem>>) semaphore(%arg26 : memref<!tpu.dma_semaphore, #tpu.memory_space<semaphore_mem>>)
      } else {
      }
      %eq3A_205 = arith.constant 1 : i32
      %eq3A_206 = arith.cmpi eq, %arg0, %eq3A_205 : i32
      %convert_element_type3A_207 = arith.extui %eq3A_206 : i1 to i32
      %cond3A_208 = arith.constant 0 : i32
      %cond3A_209 = arith.cmpi ne, %convert_element_type3A_207, %cond3A_208 : i32
      scf.if %cond3A_209 {
        %dma_start3A_357 = arith.constant 0 : i32
        %dma_start3A_358 = arith.constant 0 : i32
        %dma_start3A_359 = tpu.memref_slice %arg3[%dma_start3A_357, %dma_start3A_358] : memref<10000x64xf32, #tpu.memory_space<hbm>> -> memref<10000x64xf32, #tpu.memory_space<hbm>>
        tpu.enqueue_indirect_dma source(%dma_start3A_359 : memref<10000x64xf32, #tpu.memory_space<hbm>>) target(%arg18 : memref<128x64xf32, #tpu.memory_space<vmem>>) offsets(%arg10 : memref<128xi32, #tpu.memory_space<vmem>>) semaphore(%arg26 : memref<!tpu.dma_semaphore, #tpu.memory_space<semaphore_mem>>)
      } else {
      }
      %add3A_210 = arith.constant 3 : i32
      %add3A_211 = arith.addi %add3A_174, %add3A_210 : i32
      %mul3A_212 = arith.constant 128 : i32
      %mul3A_213 = arith.muli %add3A_211, %mul3A_212 : i32
      %add3A_214 = arith.addi %mul3A_2, %mul3A_213 : i32
      %dma_start3A_215 = tpu.memref_slice %arg4[%add3A_214] : memref<320000xi32, #tpu.memory_space<hbm>> -> memref<128xi32, #tpu.memory_space<hbm>>
      %dma_start3A_216 = tpu.memref_slice %arg4[%add3A_214] : memref<320000xi32, #tpu.memory_space<hbm>> -> memref<128xi32, #tpu.memory_space<hbm>>
      tpu.enqueue_dma source(%dma_start3A_216 : memref<128xi32, #tpu.memory_space<hbm>>) target(%arg8 : memref<128xi32, #tpu.memory_space<vmem>>) target_semaphore(%arg22 : memref<!tpu.dma_semaphore, #tpu.memory_space<semaphore_mem>>)
      %dma_start3A_217 = tpu.memref_slice %arg5[%add3A_214] : memref<320000xi32, #tpu.memory_space<hbm>> -> memref<128xi32, #tpu.memory_space<hbm>>
      %dma_start3A_218 = tpu.memref_slice %arg5[%add3A_214] : memref<320000xi32, #tpu.memory_space<hbm>> -> memref<128xi32, #tpu.memory_space<hbm>>
      tpu.enqueue_dma source(%dma_start3A_218 : memref<128xi32, #tpu.memory_space<hbm>>) target(%arg12 : memref<128xi32, #tpu.memory_space<vmem>>) target_semaphore(%arg22 : memref<!tpu.dma_semaphore, #tpu.memory_space<semaphore_mem>>)
      %add3A_219 = arith.constant 1 : i32
      %add3A_220 = arith.addi %add3A_174, %add3A_219 : i32
      %eq3A_221 = arith.constant 0 : i32
      %eq3A_222 = arith.cmpi eq, %arg0, %eq3A_221 : i32
      %convert_element_type3A_223 = arith.extui %eq3A_222 : i1 to i32
      %cond3A_224 = arith.constant 0 : i32
      %cond3A_225 = arith.cmpi ne, %convert_element_type3A_223, %cond3A_224 : i32
      scf.if %cond3A_225 {
        %dma_wait3A_357 = arith.constant 0 : i32
        %dma_wait3A_358 = arith.constant 0 : i32
        %dma_wait3A_359 = tpu.memref_slice %arg2[%dma_wait3A_357, %dma_wait3A_358] : memref<10000x64xf32, #tpu.memory_space<hbm>> -> memref<10000x64xf32, #tpu.memory_space<hbm>>
        tpu.wait_indirect_dma semaphore(%arg26 : memref<!tpu.dma_semaphore, #tpu.memory_space<semaphore_mem>>) src(%dma_wait3A_359 : memref<10000x64xf32, #tpu.memory_space<hbm>>) dst(%arg18 : memref<128x64xf32, #tpu.memory_space<vmem>>)
      } else {
      }
      %eq3A_226 = arith.constant 1 : i32
      %eq3A_227 = arith.cmpi eq, %arg0, %eq3A_226 : i32
      %convert_element_type3A_228 = arith.extui %eq3A_227 : i1 to i32
      %cond3A_229 = arith.constant 0 : i32
      %cond3A_230 = arith.cmpi ne, %convert_element_type3A_228, %cond3A_229 : i32
      scf.if %cond3A_230 {
        %dma_wait3A_357 = arith.constant 0 : i32
        %dma_wait3A_358 = arith.constant 0 : i32
        %dma_wait3A_359 = tpu.memref_slice %arg3[%dma_wait3A_357, %dma_wait3A_358] : memref<10000x64xf32, #tpu.memory_space<hbm>> -> memref<10000x64xf32, #tpu.memory_space<hbm>>
        tpu.wait_indirect_dma semaphore(%arg26 : memref<!tpu.dma_semaphore, #tpu.memory_space<semaphore_mem>>) src(%dma_wait3A_359 : memref<10000x64xf32, #tpu.memory_space<hbm>>) dst(%arg18 : memref<128x64xf32, #tpu.memory_space<vmem>>)
      } else {
      }
      %dma_wait3A_231 = arith.constant 0 : i32
      %dma_wait3A_232 = arith.constant 0 : i32
      %dma_wait3A_233 = tpu.memref_slice %arg21[%dma_wait3A_231, %dma_wait3A_232] : memref<10000x64xf32, #tpu.memory_space<vmem_shared>> -> memref<10000x64xf32, #tpu.memory_space<vmem_shared>>
      tpu.wait_indirect_dma semaphore(%arg29 : memref<!tpu.dma_semaphore, #tpu.memory_space<semaphore_mem>>) src(%arg19 : memref<128x64xf32, #tpu.memory_space<vmem>>) dst(%dma_wait3A_233 : memref<10000x64xf32, #tpu.memory_space<vmem_shared>>)
      %dma_start3A_234 = arith.constant 0 : i32
      %dma_start3A_235 = arith.constant 0 : i32
      %dma_start3A_236 = tpu.memref_slice %arg21[%dma_start3A_234, %dma_start3A_235] : memref<10000x64xf32, #tpu.memory_space<vmem_shared>> -> memref<10000x64xf32, #tpu.memory_space<vmem_shared>>
      tpu.enqueue_indirect_dma source(%arg18 : memref<128x64xf32, #tpu.memory_space<vmem>>) target(%dma_start3A_236 : memref<10000x64xf32, #tpu.memory_space<vmem_shared>>) offsets(%arg14 : memref<128xi32, #tpu.memory_space<vmem>>) semaphore(%arg28 : memref<!tpu.dma_semaphore, #tpu.memory_space<semaphore_mem>>) {add = true}
      %add3A_237 = arith.constant 1 : i32
      %add3A_238 = arith.addi %add3A_220, %add3A_237 : i32
      %mul3A_239 = arith.constant 128 : i32
      %mul3A_240 = arith.muli %add3A_238, %mul3A_239 : i32
      %add3A_241 = arith.addi %mul3A_2, %mul3A_240 : i32
      %dma_wait3A_242 = tpu.memref_slice %arg4[%add3A_241] : memref<320000xi32, #tpu.memory_space<hbm>> -> memref<128xi32, #tpu.memory_space<hbm>>
      %dma_wait3A_243 = tpu.memref_slice %arg4[%add3A_241] : memref<320000xi32, #tpu.memory_space<hbm>> -> memref<128xi32, #tpu.memory_space<hbm>>
      tpu.wait_dma2 semaphore(%arg25 : memref<!tpu.dma_semaphore, #tpu.memory_space<semaphore_mem>>) src(%dma_wait3A_243 : memref<128xi32, #tpu.memory_space<hbm>>) dst(%arg11 : memref<128xi32, #tpu.memory_space<vmem>>)
      %dma_wait3A_244 = tpu.memref_slice %arg5[%add3A_241] : memref<320000xi32, #tpu.memory_space<hbm>> -> memref<128xi32, #tpu.memory_space<hbm>>
      %dma_wait3A_245 = tpu.memref_slice %arg5[%add3A_241] : memref<320000xi32, #tpu.memory_space<hbm>> -> memref<128xi32, #tpu.memory_space<hbm>>
      tpu.wait_dma2 semaphore(%arg25 : memref<!tpu.dma_semaphore, #tpu.memory_space<semaphore_mem>>) src(%dma_wait3A_245 : memref<128xi32, #tpu.memory_space<hbm>>) dst(%arg15 : memref<128xi32, #tpu.memory_space<vmem>>)
      %eq3A_246 = arith.constant 0 : i32
      %eq3A_247 = arith.cmpi eq, %arg0, %eq3A_246 : i32
      %convert_element_type3A_248 = arith.extui %eq3A_247 : i1 to i32
      %cond3A_249 = arith.constant 0 : i32
      %cond3A_250 = arith.cmpi ne, %convert_element_type3A_248, %cond3A_249 : i32
      scf.if %cond3A_250 {
        %dma_start3A_357 = arith.constant 0 : i32
        %dma_start3A_358 = arith.constant 0 : i32
        %dma_start3A_359 = tpu.memref_slice %arg2[%dma_start3A_357, %dma_start3A_358] : memref<10000x64xf32, #tpu.memory_space<hbm>> -> memref<10000x64xf32, #tpu.memory_space<hbm>>
        tpu.enqueue_indirect_dma source(%dma_start3A_359 : memref<10000x64xf32, #tpu.memory_space<hbm>>) target(%arg19 : memref<128x64xf32, #tpu.memory_space<vmem>>) offsets(%arg11 : memref<128xi32, #tpu.memory_space<vmem>>) semaphore(%arg27 : memref<!tpu.dma_semaphore, #tpu.memory_space<semaphore_mem>>)
      } else {
      }
      %eq3A_251 = arith.constant 1 : i32
      %eq3A_252 = arith.cmpi eq, %arg0, %eq3A_251 : i32
      %convert_element_type3A_253 = arith.extui %eq3A_252 : i1 to i32
      %cond3A_254 = arith.constant 0 : i32
      %cond3A_255 = arith.cmpi ne, %convert_element_type3A_253, %cond3A_254 : i32
      scf.if %cond3A_255 {
        %dma_start3A_357 = arith.constant 0 : i32
        %dma_start3A_358 = arith.constant 0 : i32
        %dma_start3A_359 = tpu.memref_slice %arg3[%dma_start3A_357, %dma_start3A_358] : memref<10000x64xf32, #tpu.memory_space<hbm>> -> memref<10000x64xf32, #tpu.memory_space<hbm>>
        tpu.enqueue_indirect_dma source(%dma_start3A_359 : memref<10000x64xf32, #tpu.memory_space<hbm>>) target(%arg19 : memref<128x64xf32, #tpu.memory_space<vmem>>) offsets(%arg11 : memref<128xi32, #tpu.memory_space<vmem>>) semaphore(%arg27 : memref<!tpu.dma_semaphore, #tpu.memory_space<semaphore_mem>>)
      } else {
      }
      %add3A_256 = arith.constant 3 : i32
      %add3A_257 = arith.addi %add3A_220, %add3A_256 : i32
      %mul3A_258 = arith.constant 128 : i32
      %mul3A_259 = arith.muli %add3A_257, %mul3A_258 : i32
      %add3A_260 = arith.addi %mul3A_2, %mul3A_259 : i32
      %dma_start3A_261 = tpu.memref_slice %arg4[%add3A_260] : memref<320000xi32, #tpu.memory_space<hbm>> -> memref<128xi32, #tpu.memory_space<hbm>>
      %dma_start3A_262 = tpu.memref_slice %arg4[%add3A_260] : memref<320000xi32, #tpu.memory_space<hbm>> -> memref<128xi32, #tpu.memory_space<hbm>>
      tpu.enqueue_dma source(%dma_start3A_262 : memref<128xi32, #tpu.memory_space<hbm>>) target(%arg9 : memref<128xi32, #tpu.memory_space<vmem>>) target_semaphore(%arg23 : memref<!tpu.dma_semaphore, #tpu.memory_space<semaphore_mem>>)
      %dma_start3A_263 = tpu.memref_slice %arg5[%add3A_260] : memref<320000xi32, #tpu.memory_space<hbm>> -> memref<128xi32, #tpu.memory_space<hbm>>
      %dma_start3A_264 = tpu.memref_slice %arg5[%add3A_260] : memref<320000xi32, #tpu.memory_space<hbm>> -> memref<128xi32, #tpu.memory_space<hbm>>
      tpu.enqueue_dma source(%dma_start3A_264 : memref<128xi32, #tpu.memory_space<hbm>>) target(%arg13 : memref<128xi32, #tpu.memory_space<vmem>>) target_semaphore(%arg23 : memref<!tpu.dma_semaphore, #tpu.memory_space<semaphore_mem>>)
      %add3A_265 = arith.constant 2 : i32
      %add3A_266 = arith.addi %add3A_174, %add3A_265 : i32
      %eq3A_267 = arith.constant 0 : i32
      %eq3A_268 = arith.cmpi eq, %arg0, %eq3A_267 : i32
      %convert_element_type3A_269 = arith.extui %eq3A_268 : i1 to i32
      %cond3A_270 = arith.constant 0 : i32
      %cond3A_271 = arith.cmpi ne, %convert_element_type3A_269, %cond3A_270 : i32
      scf.if %cond3A_271 {
        %dma_wait3A_357 = arith.constant 0 : i32
        %dma_wait3A_358 = arith.constant 0 : i32
        %dma_wait3A_359 = tpu.memref_slice %arg2[%dma_wait3A_357, %dma_wait3A_358] : memref<10000x64xf32, #tpu.memory_space<hbm>> -> memref<10000x64xf32, #tpu.memory_space<hbm>>
        tpu.wait_indirect_dma semaphore(%arg27 : memref<!tpu.dma_semaphore, #tpu.memory_space<semaphore_mem>>) src(%dma_wait3A_359 : memref<10000x64xf32, #tpu.memory_space<hbm>>) dst(%arg19 : memref<128x64xf32, #tpu.memory_space<vmem>>)
      } else {
      }
      %eq3A_272 = arith.constant 1 : i32
      %eq3A_273 = arith.cmpi eq, %arg0, %eq3A_272 : i32
      %convert_element_type3A_274 = arith.extui %eq3A_273 : i1 to i32
      %cond3A_275 = arith.constant 0 : i32
      %cond3A_276 = arith.cmpi ne, %convert_element_type3A_274, %cond3A_275 : i32
      scf.if %cond3A_276 {
        %dma_wait3A_357 = arith.constant 0 : i32
        %dma_wait3A_358 = arith.constant 0 : i32
        %dma_wait3A_359 = tpu.memref_slice %arg3[%dma_wait3A_357, %dma_wait3A_358] : memref<10000x64xf32, #tpu.memory_space<hbm>> -> memref<10000x64xf32, #tpu.memory_space<hbm>>
        tpu.wait_indirect_dma semaphore(%arg27 : memref<!tpu.dma_semaphore, #tpu.memory_space<semaphore_mem>>) src(%dma_wait3A_359 : memref<10000x64xf32, #tpu.memory_space<hbm>>) dst(%arg19 : memref<128x64xf32, #tpu.memory_space<vmem>>)
      } else {
      }
      %dma_wait3A_277 = arith.constant 0 : i32
      %dma_wait3A_278 = arith.constant 0 : i32
      %dma_wait3A_279 = tpu.memref_slice %arg21[%dma_wait3A_277, %dma_wait3A_278] : memref<10000x64xf32, #tpu.memory_space<vmem_shared>> -> memref<10000x64xf32, #tpu.memory_space<vmem_shared>>
      tpu.wait_indirect_dma semaphore(%arg28 : memref<!tpu.dma_semaphore, #tpu.memory_space<semaphore_mem>>) src(%arg18 : memref<128x64xf32, #tpu.memory_space<vmem>>) dst(%dma_wait3A_279 : memref<10000x64xf32, #tpu.memory_space<vmem_shared>>)
      %dma_start3A_280 = arith.constant 0 : i32
      %dma_start3A_281 = arith.constant 0 : i32
      %dma_start3A_282 = tpu.memref_slice %arg21[%dma_start3A_280, %dma_start3A_281] : memref<10000x64xf32, #tpu.memory_space<vmem_shared>> -> memref<10000x64xf32, #tpu.memory_space<vmem_shared>>
      tpu.enqueue_indirect_dma source(%arg19 : memref<128x64xf32, #tpu.memory_space<vmem>>) target(%dma_start3A_282 : memref<10000x64xf32, #tpu.memory_space<vmem_shared>>) offsets(%arg15 : memref<128xi32, #tpu.memory_space<vmem>>) semaphore(%arg29 : memref<!tpu.dma_semaphore, #tpu.memory_space<semaphore_mem>>) {add = true}
      %add3A_283 = arith.constant 1 : i32
      %add3A_284 = arith.addi %add3A_266, %add3A_283 : i32
      %mul3A_285 = arith.constant 128 : i32
      %mul3A_286 = arith.muli %add3A_284, %mul3A_285 : i32
      %add3A_287 = arith.addi %mul3A_2, %mul3A_286 : i32
      %dma_wait3A_288 = tpu.memref_slice %arg4[%add3A_287] : memref<320000xi32, #tpu.memory_space<hbm>> -> memref<128xi32, #tpu.memory_space<hbm>>
      %dma_wait3A_289 = tpu.memref_slice %arg4[%add3A_287] : memref<320000xi32, #tpu.memory_space<hbm>> -> memref<128xi32, #tpu.memory_space<hbm>>
      tpu.wait_dma2 semaphore(%arg22 : memref<!tpu.dma_semaphore, #tpu.memory_space<semaphore_mem>>) src(%dma_wait3A_289 : memref<128xi32, #tpu.memory_space<hbm>>) dst(%arg8 : memref<128xi32, #tpu.memory_space<vmem>>)
      %dma_wait3A_290 = tpu.memref_slice %arg5[%add3A_287] : memref<320000xi32, #tpu.memory_space<hbm>> -> memref<128xi32, #tpu.memory_space<hbm>>
      %dma_wait3A_291 = tpu.memref_slice %arg5[%add3A_287] : memref<320000xi32, #tpu.memory_space<hbm>> -> memref<128xi32, #tpu.memory_space<hbm>>
      tpu.wait_dma2 semaphore(%arg22 : memref<!tpu.dma_semaphore, #tpu.memory_space<semaphore_mem>>) src(%dma_wait3A_291 : memref<128xi32, #tpu.memory_space<hbm>>) dst(%arg12 : memref<128xi32, #tpu.memory_space<vmem>>)
      %eq3A_292 = arith.constant 0 : i32
      %eq3A_293 = arith.cmpi eq, %arg0, %eq3A_292 : i32
      %convert_element_type3A_294 = arith.extui %eq3A_293 : i1 to i32
      %cond3A_295 = arith.constant 0 : i32
      %cond3A_296 = arith.cmpi ne, %convert_element_type3A_294, %cond3A_295 : i32
      scf.if %cond3A_296 {
        %dma_start3A_357 = arith.constant 0 : i32
        %dma_start3A_358 = arith.constant 0 : i32
        %dma_start3A_359 = tpu.memref_slice %arg2[%dma_start3A_357, %dma_start3A_358] : memref<10000x64xf32, #tpu.memory_space<hbm>> -> memref<10000x64xf32, #tpu.memory_space<hbm>>
        tpu.enqueue_indirect_dma source(%dma_start3A_359 : memref<10000x64xf32, #tpu.memory_space<hbm>>) target(%arg18 : memref<128x64xf32, #tpu.memory_space<vmem>>) offsets(%arg8 : memref<128xi32, #tpu.memory_space<vmem>>) semaphore(%arg26 : memref<!tpu.dma_semaphore, #tpu.memory_space<semaphore_mem>>)
      } else {
      }
      %eq3A_297 = arith.constant 1 : i32
      %eq3A_298 = arith.cmpi eq, %arg0, %eq3A_297 : i32
      %convert_element_type3A_299 = arith.extui %eq3A_298 : i1 to i32
      %cond3A_300 = arith.constant 0 : i32
      %cond3A_301 = arith.cmpi ne, %convert_element_type3A_299, %cond3A_300 : i32
      scf.if %cond3A_301 {
        %dma_start3A_357 = arith.constant 0 : i32
        %dma_start3A_358 = arith.constant 0 : i32
        %dma_start3A_359 = tpu.memref_slice %arg3[%dma_start3A_357, %dma_start3A_358] : memref<10000x64xf32, #tpu.memory_space<hbm>> -> memref<10000x64xf32, #tpu.memory_space<hbm>>
        tpu.enqueue_indirect_dma source(%dma_start3A_359 : memref<10000x64xf32, #tpu.memory_space<hbm>>) target(%arg18 : memref<128x64xf32, #tpu.memory_space<vmem>>) offsets(%arg8 : memref<128xi32, #tpu.memory_space<vmem>>) semaphore(%arg26 : memref<!tpu.dma_semaphore, #tpu.memory_space<semaphore_mem>>)
      } else {
      }
      %add3A_302 = arith.constant 3 : i32
      %add3A_303 = arith.addi %add3A_266, %add3A_302 : i32
      %mul3A_304 = arith.constant 128 : i32
      %mul3A_305 = arith.muli %add3A_303, %mul3A_304 : i32
      %add3A_306 = arith.addi %mul3A_2, %mul3A_305 : i32
      %dma_start3A_307 = tpu.memref_slice %arg4[%add3A_306] : memref<320000xi32, #tpu.memory_space<hbm>> -> memref<128xi32, #tpu.memory_space<hbm>>
      %dma_start3A_308 = tpu.memref_slice %arg4[%add3A_306] : memref<320000xi32, #tpu.memory_space<hbm>> -> memref<128xi32, #tpu.memory_space<hbm>>
      tpu.enqueue_dma source(%dma_start3A_308 : memref<128xi32, #tpu.memory_space<hbm>>) target(%arg10 : memref<128xi32, #tpu.memory_space<vmem>>) target_semaphore(%arg24 : memref<!tpu.dma_semaphore, #tpu.memory_space<semaphore_mem>>)
      %dma_start3A_309 = tpu.memref_slice %arg5[%add3A_306] : memref<320000xi32, #tpu.memory_space<hbm>> -> memref<128xi32, #tpu.memory_space<hbm>>
      %dma_start3A_310 = tpu.memref_slice %arg5[%add3A_306] : memref<320000xi32, #tpu.memory_space<hbm>> -> memref<128xi32, #tpu.memory_space<hbm>>
      tpu.enqueue_dma source(%dma_start3A_310 : memref<128xi32, #tpu.memory_space<hbm>>) target(%arg14 : memref<128xi32, #tpu.memory_space<vmem>>) target_semaphore(%arg24 : memref<!tpu.dma_semaphore, #tpu.memory_space<semaphore_mem>>)
      %add3A_311 = arith.constant 3 : i32
      %add3A_312 = arith.addi %add3A_174, %add3A_311 : i32
      %eq3A_313 = arith.constant 0 : i32
      %eq3A_314 = arith.cmpi eq, %arg0, %eq3A_313 : i32
      %convert_element_type3A_315 = arith.extui %eq3A_314 : i1 to i32
      %cond3A_316 = arith.constant 0 : i32
      %cond3A_317 = arith.cmpi ne, %convert_element_type3A_315, %cond3A_316 : i32
      scf.if %cond3A_317 {
        %dma_wait3A_357 = arith.constant 0 : i32
        %dma_wait3A_358 = arith.constant 0 : i32
        %dma_wait3A_359 = tpu.memref_slice %arg2[%dma_wait3A_357, %dma_wait3A_358] : memref<10000x64xf32, #tpu.memory_space<hbm>> -> memref<10000x64xf32, #tpu.memory_space<hbm>>
        tpu.wait_indirect_dma semaphore(%arg26 : memref<!tpu.dma_semaphore, #tpu.memory_space<semaphore_mem>>) src(%dma_wait3A_359 : memref<10000x64xf32, #tpu.memory_space<hbm>>) dst(%arg18 : memref<128x64xf32, #tpu.memory_space<vmem>>)
      } else {
      }
      %eq3A_318 = arith.constant 1 : i32
      %eq3A_319 = arith.cmpi eq, %arg0, %eq3A_318 : i32
      %convert_element_type3A_320 = arith.extui %eq3A_319 : i1 to i32
      %cond3A_321 = arith.constant 0 : i32
      %cond3A_322 = arith.cmpi ne, %convert_element_type3A_320, %cond3A_321 : i32
      scf.if %cond3A_322 {
        %dma_wait3A_357 = arith.constant 0 : i32
        %dma_wait3A_358 = arith.constant 0 : i32
        %dma_wait3A_359 = tpu.memref_slice %arg3[%dma_wait3A_357, %dma_wait3A_358] : memref<10000x64xf32, #tpu.memory_space<hbm>> -> memref<10000x64xf32, #tpu.memory_space<hbm>>
        tpu.wait_indirect_dma semaphore(%arg26 : memref<!tpu.dma_semaphore, #tpu.memory_space<semaphore_mem>>) src(%dma_wait3A_359 : memref<10000x64xf32, #tpu.memory_space<hbm>>) dst(%arg18 : memref<128x64xf32, #tpu.memory_space<vmem>>)
      } else {
      }
      %dma_wait3A_323 = arith.constant 0 : i32
      %dma_wait3A_324 = arith.constant 0 : i32
      %dma_wait3A_325 = tpu.memref_slice %arg21[%dma_wait3A_323, %dma_wait3A_324] : memref<10000x64xf32, #tpu.memory_space<vmem_shared>> -> memref<10000x64xf32, #tpu.memory_space<vmem_shared>>
      tpu.wait_indirect_dma semaphore(%arg29 : memref<!tpu.dma_semaphore, #tpu.memory_space<semaphore_mem>>) src(%arg19 : memref<128x64xf32, #tpu.memory_space<vmem>>) dst(%dma_wait3A_325 : memref<10000x64xf32, #tpu.memory_space<vmem_shared>>)
      %dma_start3A_326 = arith.constant 0 : i32
      %dma_start3A_327 = arith.constant 0 : i32
      %dma_start3A_328 = tpu.memref_slice %arg21[%dma_start3A_326, %dma_start3A_327] : memref<10000x64xf32, #tpu.memory_space<vmem_shared>> -> memref<10000x64xf32, #tpu.memory_space<vmem_shared>>
      tpu.enqueue_indirect_dma source(%arg18 : memref<128x64xf32, #tpu.memory_space<vmem>>) target(%dma_start3A_328 : memref<10000x64xf32, #tpu.memory_space<vmem_shared>>) offsets(%arg12 : memref<128xi32, #tpu.memory_space<vmem>>) semaphore(%arg28 : memref<!tpu.dma_semaphore, #tpu.memory_space<semaphore_mem>>) {add = true}
      %add3A_329 = arith.constant 1 : i32
      %add3A_330 = arith.addi %add3A_312, %add3A_329 : i32
      %mul3A_331 = arith.constant 128 : i32
      %mul3A_332 = arith.muli %add3A_330, %mul3A_331 : i32
      %add3A_333 = arith.addi %mul3A_2, %mul3A_332 : i32
      %dma_wait3A_334 = tpu.memref_slice %arg4[%add3A_333] : memref<320000xi32, #tpu.memory_space<hbm>> -> memref<128xi32, #tpu.memory_space<hbm>>
      %dma_wait3A_335 = tpu.memref_slice %arg4[%add3A_333] : memref<320000xi32, #tpu.memory_space<hbm>> -> memref<128xi32, #tpu.memory_space<hbm>>
      tpu.wait_dma2 semaphore(%arg23 : memref<!tpu.dma_semaphore, #tpu.memory_space<semaphore_mem>>) src(%dma_wait3A_335 : memref<128xi32, #tpu.memory_space<hbm>>) dst(%arg9 : memref<128xi32, #tpu.memory_space<vmem>>)
      %dma_wait3A_336 = tpu.memref_slice %arg5[%add3A_333] : memref<320000xi32, #tpu.memory_space<hbm>> -> memref<128xi32, #tpu.memory_space<hbm>>
      %dma_wait3A_337 = tpu.memref_slice %arg5[%add3A_333] : memref<320000xi32, #tpu.memory_space<hbm>> -> memref<128xi32, #tpu.memory_space<hbm>>
      tpu.wait_dma2 semaphore(%arg23 : memref<!tpu.dma_semaphore, #tpu.memory_space<semaphore_mem>>) src(%dma_wait3A_337 : memref<128xi32, #tpu.memory_space<hbm>>) dst(%arg13 : memref<128xi32, #tpu.memory_space<vmem>>)
      %eq3A_338 = arith.constant 0 : i32
      %eq3A_339 = arith.cmpi eq, %arg0, %eq3A_338 : i32
      %convert_element_type3A_340 = arith.extui %eq3A_339 : i1 to i32
      %cond3A_341 = arith.constant 0 : i32
      %cond3A_342 = arith.cmpi ne, %convert_element_type3A_340, %cond3A_341 : i32
      scf.if %cond3A_342 {
        %dma_start3A_357 = arith.constant 0 : i32
        %dma_start3A_358 = arith.constant 0 : i32
        %dma_start3A_359 = tpu.memref_slice %arg2[%dma_start3A_357, %dma_start3A_358] : memref<10000x64xf32, #tpu.memory_space<hbm>> -> memref<10000x64xf32, #tpu.memory_space<hbm>>
        tpu.enqueue_indirect_dma source(%dma_start3A_359 : memref<10000x64xf32, #tpu.memory_space<hbm>>) target(%arg19 : memref<128x64xf32, #tpu.memory_space<vmem>>) offsets(%arg9 : memref<128xi32, #tpu.memory_space<vmem>>) semaphore(%arg27 : memref<!tpu.dma_semaphore, #tpu.memory_space<semaphore_mem>>)
      } else {
      }
      %eq3A_343 = arith.constant 1 : i32
      %eq3A_344 = arith.cmpi eq, %arg0, %eq3A_343 : i32
      %convert_element_type3A_345 = arith.extui %eq3A_344 : i1 to i32
      %cond3A_346 = arith.constant 0 : i32
      %cond3A_347 = arith.cmpi ne, %convert_element_type3A_345, %cond3A_346 : i32
      scf.if %cond3A_347 {
        %dma_start3A_357 = arith.constant 0 : i32
        %dma_start3A_358 = arith.constant 0 : i32
        %dma_start3A_359 = tpu.memref_slice %arg3[%dma_start3A_357, %dma_start3A_358] : memref<10000x64xf32, #tpu.memory_space<hbm>> -> memref<10000x64xf32, #tpu.memory_space<hbm>>
        tpu.enqueue_indirect_dma source(%dma_start3A_359 : memref<10000x64xf32, #tpu.memory_space<hbm>>) target(%arg19 : memref<128x64xf32, #tpu.memory_space<vmem>>) offsets(%arg9 : memref<128xi32, #tpu.memory_space<vmem>>) semaphore(%arg27 : memref<!tpu.dma_semaphore, #tpu.memory_space<semaphore_mem>>)
      } else {
      }
      %add3A_348 = arith.constant 3 : i32
      %add3A_349 = arith.addi %add3A_312, %add3A_348 : i32
      %mul3A_350 = arith.constant 128 : i32
      %mul3A_351 = arith.muli %add3A_349, %mul3A_350 : i32
      %add3A_352 = arith.addi %mul3A_2, %mul3A_351 : i32
      %dma_start3A_353 = tpu.memref_slice %arg4[%add3A_352] : memref<320000xi32, #tpu.memory_space<hbm>> -> memref<128xi32, #tpu.memory_space<hbm>>
      %dma_start3A_354 = tpu.memref_slice %arg4[%add3A_352] : memref<320000xi32, #tpu.memory_space<hbm>> -> memref<128xi32, #tpu.memory_space<hbm>>
      tpu.enqueue_dma source(%dma_start3A_354 : memref<128xi32, #tpu.memory_space<hbm>>) target(%arg11 : memref<128xi32, #tpu.memory_space<vmem>>) target_semaphore(%arg25 : memref<!tpu.dma_semaphore, #tpu.memory_space<semaphore_mem>>)
      %dma_start3A_355 = tpu.memref_slice %arg5[%add3A_352] : memref<320000xi32, #tpu.memory_space<hbm>> -> memref<128xi32, #tpu.memory_space<hbm>>
      %dma_start3A_356 = tpu.memref_slice %arg5[%add3A_352] : memref<320000xi32, #tpu.memory_space<hbm>> -> memref<128xi32, #tpu.memory_space<hbm>>
      tpu.enqueue_dma source(%dma_start3A_356 : memref<128xi32, #tpu.memory_space<hbm>>) target(%arg15 : memref<128xi32, #tpu.memory_space<vmem>>) target_semaphore(%arg25 : memref<!tpu.dma_semaphore, #tpu.memory_space<semaphore_mem>>)
    }
    %scan3A_70 = arith.constant 38 : i32
    %eq3A_71 = arith.constant 0 : i32
    %eq3A_72 = arith.cmpi eq, %arg0, %eq3A_71 : i32
    %convert_element_type3A_73 = arith.extui %eq3A_72 : i1 to i32
    %cond3A_74 = arith.constant 0 : i32
    %cond3A_75 = arith.cmpi ne, %convert_element_type3A_73, %cond3A_74 : i32
    scf.if %cond3A_75 {
      %dma_wait3A_170 = arith.constant 0 : i32
      %dma_wait3A_171 = arith.constant 0 : i32
      %dma_wait3A_172 = tpu.memref_slice %arg2[%dma_wait3A_170, %dma_wait3A_171] : memref<10000x64xf32, #tpu.memory_space<hbm>> -> memref<10000x64xf32, #tpu.memory_space<hbm>>
      tpu.wait_indirect_dma semaphore(%arg27 : memref<!tpu.dma_semaphore, #tpu.memory_space<semaphore_mem>>) src(%dma_wait3A_172 : memref<10000x64xf32, #tpu.memory_space<hbm>>) dst(%arg19 : memref<128x64xf32, #tpu.memory_space<vmem>>)
    } else {
    }
    %eq3A_76 = arith.constant 1 : i32
    %eq3A_77 = arith.cmpi eq, %arg0, %eq3A_76 : i32
    %convert_element_type3A_78 = arith.extui %eq3A_77 : i1 to i32
    %cond3A_79 = arith.constant 0 : i32
    %cond3A_80 = arith.cmpi ne, %convert_element_type3A_78, %cond3A_79 : i32
    scf.if %cond3A_80 {
      %dma_wait3A_170 = arith.constant 0 : i32
      %dma_wait3A_171 = arith.constant 0 : i32
      %dma_wait3A_172 = tpu.memref_slice %arg3[%dma_wait3A_170, %dma_wait3A_171] : memref<10000x64xf32, #tpu.memory_space<hbm>> -> memref<10000x64xf32, #tpu.memory_space<hbm>>
      tpu.wait_indirect_dma semaphore(%arg27 : memref<!tpu.dma_semaphore, #tpu.memory_space<semaphore_mem>>) src(%dma_wait3A_172 : memref<10000x64xf32, #tpu.memory_space<hbm>>) dst(%arg19 : memref<128x64xf32, #tpu.memory_space<vmem>>)
    } else {
    }
    %dma_wait3A_81 = arith.constant 0 : i32
    %dma_wait3A_82 = arith.constant 0 : i32
    %dma_wait3A_83 = tpu.memref_slice %arg21[%dma_wait3A_81, %dma_wait3A_82] : memref<10000x64xf32, #tpu.memory_space<vmem_shared>> -> memref<10000x64xf32, #tpu.memory_space<vmem_shared>>
    tpu.wait_indirect_dma semaphore(%arg28 : memref<!tpu.dma_semaphore, #tpu.memory_space<semaphore_mem>>) src(%arg18 : memref<128x64xf32, #tpu.memory_space<vmem>>) dst(%dma_wait3A_83 : memref<10000x64xf32, #tpu.memory_space<vmem_shared>>)
    %dma_start3A_84 = arith.constant 0 : i32
    %dma_start3A_85 = arith.constant 0 : i32
    %dma_start3A_86 = tpu.memref_slice %arg21[%dma_start3A_84, %dma_start3A_85] : memref<10000x64xf32, #tpu.memory_space<vmem_shared>> -> memref<10000x64xf32, #tpu.memory_space<vmem_shared>>
    tpu.enqueue_indirect_dma source(%arg19 : memref<128x64xf32, #tpu.memory_space<vmem>>) target(%dma_start3A_86 : memref<10000x64xf32, #tpu.memory_space<vmem_shared>>) offsets(%arg13 : memref<128xi32, #tpu.memory_space<vmem>>) semaphore(%arg29 : memref<!tpu.dma_semaphore, #tpu.memory_space<semaphore_mem>>) {add = true}
    %add3A_87 = arith.constant 19712 : i32
    %add3A_88 = arith.addi %mul3A_2, %add3A_87 : i32
    %dma_wait3A_89 = tpu.memref_slice %arg4[%add3A_88] : memref<320000xi32, #tpu.memory_space<hbm>> -> memref<128xi32, #tpu.memory_space<hbm>>
    %dma_wait3A_90 = tpu.memref_slice %arg4[%add3A_88] : memref<320000xi32, #tpu.memory_space<hbm>> -> memref<128xi32, #tpu.memory_space<hbm>>
    tpu.wait_dma2 semaphore(%arg24 : memref<!tpu.dma_semaphore, #tpu.memory_space<semaphore_mem>>) src(%dma_wait3A_90 : memref<128xi32, #tpu.memory_space<hbm>>) dst(%arg10 : memref<128xi32, #tpu.memory_space<vmem>>)
    %dma_wait3A_91 = tpu.memref_slice %arg5[%add3A_88] : memref<320000xi32, #tpu.memory_space<hbm>> -> memref<128xi32, #tpu.memory_space<hbm>>
    %dma_wait3A_92 = tpu.memref_slice %arg5[%add3A_88] : memref<320000xi32, #tpu.memory_space<hbm>> -> memref<128xi32, #tpu.memory_space<hbm>>
    tpu.wait_dma2 semaphore(%arg24 : memref<!tpu.dma_semaphore, #tpu.memory_space<semaphore_mem>>) src(%dma_wait3A_92 : memref<128xi32, #tpu.memory_space<hbm>>) dst(%arg14 : memref<128xi32, #tpu.memory_space<vmem>>)
    %eq3A_93 = arith.constant 0 : i32
    %eq3A_94 = arith.cmpi eq, %arg0, %eq3A_93 : i32
    %convert_element_type3A_95 = arith.extui %eq3A_94 : i1 to i32
    %cond3A_96 = arith.constant 0 : i32
    %cond3A_97 = arith.cmpi ne, %convert_element_type3A_95, %cond3A_96 : i32
    scf.if %cond3A_97 {
      %dma_start3A_170 = arith.constant 0 : i32
      %dma_start3A_171 = arith.constant 0 : i32
      %dma_start3A_172 = tpu.memref_slice %arg2[%dma_start3A_170, %dma_start3A_171] : memref<10000x64xf32, #tpu.memory_space<hbm>> -> memref<10000x64xf32, #tpu.memory_space<hbm>>
      tpu.enqueue_indirect_dma source(%dma_start3A_172 : memref<10000x64xf32, #tpu.memory_space<hbm>>) target(%arg18 : memref<128x64xf32, #tpu.memory_space<vmem>>) offsets(%arg10 : memref<128xi32, #tpu.memory_space<vmem>>) semaphore(%arg26 : memref<!tpu.dma_semaphore, #tpu.memory_space<semaphore_mem>>)
    } else {
    }
    %eq3A_98 = arith.constant 1 : i32
    %eq3A_99 = arith.cmpi eq, %arg0, %eq3A_98 : i32
    %convert_element_type3A_100 = arith.extui %eq3A_99 : i1 to i32
    %cond3A_101 = arith.constant 0 : i32
    %cond3A_102 = arith.cmpi ne, %convert_element_type3A_100, %cond3A_101 : i32
    scf.if %cond3A_102 {
      %dma_start3A_170 = arith.constant 0 : i32
      %dma_start3A_171 = arith.constant 0 : i32
      %dma_start3A_172 = tpu.memref_slice %arg3[%dma_start3A_170, %dma_start3A_171] : memref<10000x64xf32, #tpu.memory_space<hbm>> -> memref<10000x64xf32, #tpu.memory_space<hbm>>
      tpu.enqueue_indirect_dma source(%dma_start3A_172 : memref<10000x64xf32, #tpu.memory_space<hbm>>) target(%arg18 : memref<128x64xf32, #tpu.memory_space<vmem>>) offsets(%arg10 : memref<128xi32, #tpu.memory_space<vmem>>) semaphore(%arg26 : memref<!tpu.dma_semaphore, #tpu.memory_space<semaphore_mem>>)
    } else {
    }
    %eq3A_103 = arith.constant 0 : i32
    %eq3A_104 = arith.cmpi eq, %arg0, %eq3A_103 : i32
    %convert_element_type3A_105 = arith.extui %eq3A_104 : i1 to i32
    %cond3A_106 = arith.constant 0 : i32
    %cond3A_107 = arith.cmpi ne, %convert_element_type3A_105, %cond3A_106 : i32
    scf.if %cond3A_107 {
      %dma_wait3A_170 = arith.constant 0 : i32
      %dma_wait3A_171 = arith.constant 0 : i32
      %dma_wait3A_172 = tpu.memref_slice %arg2[%dma_wait3A_170, %dma_wait3A_171] : memref<10000x64xf32, #tpu.memory_space<hbm>> -> memref<10000x64xf32, #tpu.memory_space<hbm>>
      tpu.wait_indirect_dma semaphore(%arg26 : memref<!tpu.dma_semaphore, #tpu.memory_space<semaphore_mem>>) src(%dma_wait3A_172 : memref<10000x64xf32, #tpu.memory_space<hbm>>) dst(%arg18 : memref<128x64xf32, #tpu.memory_space<vmem>>)
    } else {
    }
    %eq3A_108 = arith.constant 1 : i32
    %eq3A_109 = arith.cmpi eq, %arg0, %eq3A_108 : i32
    %convert_element_type3A_110 = arith.extui %eq3A_109 : i1 to i32
    %cond3A_111 = arith.constant 0 : i32
    %cond3A_112 = arith.cmpi ne, %convert_element_type3A_110, %cond3A_111 : i32
    scf.if %cond3A_112 {
      %dma_wait3A_170 = arith.constant 0 : i32
      %dma_wait3A_171 = arith.constant 0 : i32
      %dma_wait3A_172 = tpu.memref_slice %arg3[%dma_wait3A_170, %dma_wait3A_171] : memref<10000x64xf32, #tpu.memory_space<hbm>> -> memref<10000x64xf32, #tpu.memory_space<hbm>>
      tpu.wait_indirect_dma semaphore(%arg26 : memref<!tpu.dma_semaphore, #tpu.memory_space<semaphore_mem>>) src(%dma_wait3A_172 : memref<10000x64xf32, #tpu.memory_space<hbm>>) dst(%arg18 : memref<128x64xf32, #tpu.memory_space<vmem>>)
    } else {
    }
    %dma_wait3A_113 = arith.constant 0 : i32
    %dma_wait3A_114 = arith.constant 0 : i32
    %dma_wait3A_115 = tpu.memref_slice %arg21[%dma_wait3A_113, %dma_wait3A_114] : memref<10000x64xf32, #tpu.memory_space<vmem_shared>> -> memref<10000x64xf32, #tpu.memory_space<vmem_shared>>
    tpu.wait_indirect_dma semaphore(%arg29 : memref<!tpu.dma_semaphore, #tpu.memory_space<semaphore_mem>>) src(%arg19 : memref<128x64xf32, #tpu.memory_space<vmem>>) dst(%dma_wait3A_115 : memref<10000x64xf32, #tpu.memory_space<vmem_shared>>)
    %dma_start3A_116 = arith.constant 0 : i32
    %dma_start3A_117 = arith.constant 0 : i32
    %dma_start3A_118 = tpu.memref_slice %arg21[%dma_start3A_116, %dma_start3A_117] : memref<10000x64xf32, #tpu.memory_space<vmem_shared>> -> memref<10000x64xf32, #tpu.memory_space<vmem_shared>>
    tpu.enqueue_indirect_dma source(%arg18 : memref<128x64xf32, #tpu.memory_space<vmem>>) target(%dma_start3A_118 : memref<10000x64xf32, #tpu.memory_space<vmem_shared>>) offsets(%arg14 : memref<128xi32, #tpu.memory_space<vmem>>) semaphore(%arg28 : memref<!tpu.dma_semaphore, #tpu.memory_space<semaphore_mem>>) {add = true}
    %add3A_119 = arith.constant 19840 : i32
    %add3A_120 = arith.addi %mul3A_2, %add3A_119 : i32
    %dma_wait3A_121 = tpu.memref_slice %arg4[%add3A_120] : memref<320000xi32, #tpu.memory_space<hbm>> -> memref<128xi32, #tpu.memory_space<hbm>>
    %dma_wait3A_122 = tpu.memref_slice %arg4[%add3A_120] : memref<320000xi32, #tpu.memory_space<hbm>> -> memref<128xi32, #tpu.memory_space<hbm>>
    tpu.wait_dma2 semaphore(%arg25 : memref<!tpu.dma_semaphore, #tpu.memory_space<semaphore_mem>>) src(%dma_wait3A_122 : memref<128xi32, #tpu.memory_space<hbm>>) dst(%arg11 : memref<128xi32, #tpu.memory_space<vmem>>)
    %dma_wait3A_123 = tpu.memref_slice %arg5[%add3A_120] : memref<320000xi32, #tpu.memory_space<hbm>> -> memref<128xi32, #tpu.memory_space<hbm>>
    %dma_wait3A_124 = tpu.memref_slice %arg5[%add3A_120] : memref<320000xi32, #tpu.memory_space<hbm>> -> memref<128xi32, #tpu.memory_space<hbm>>
    tpu.wait_dma2 semaphore(%arg25 : memref<!tpu.dma_semaphore, #tpu.memory_space<semaphore_mem>>) src(%dma_wait3A_124 : memref<128xi32, #tpu.memory_space<hbm>>) dst(%arg15 : memref<128xi32, #tpu.memory_space<vmem>>)
    %eq3A_125 = arith.constant 0 : i32
    %eq3A_126 = arith.cmpi eq, %arg0, %eq3A_125 : i32
    %convert_element_type3A_127 = arith.extui %eq3A_126 : i1 to i32
    %cond3A_128 = arith.constant 0 : i32
    %cond3A_129 = arith.cmpi ne, %convert_element_type3A_127, %cond3A_128 : i32
    scf.if %cond3A_129 {
      %dma_start3A_170 = arith.constant 0 : i32
      %dma_start3A_171 = arith.constant 0 : i32
      %dma_start3A_172 = tpu.memref_slice %arg2[%dma_start3A_170, %dma_start3A_171] : memref<10000x64xf32, #tpu.memory_space<hbm>> -> memref<10000x64xf32, #tpu.memory_space<hbm>>
      tpu.enqueue_indirect_dma source(%dma_start3A_172 : memref<10000x64xf32, #tpu.memory_space<hbm>>) target(%arg19 : memref<128x64xf32, #tpu.memory_space<vmem>>) offsets(%arg11 : memref<128xi32, #tpu.memory_space<vmem>>) semaphore(%arg27 : memref<!tpu.dma_semaphore, #tpu.memory_space<semaphore_mem>>)
    } else {
    }
    %eq3A_130 = arith.constant 1 : i32
    %eq3A_131 = arith.cmpi eq, %arg0, %eq3A_130 : i32
    %convert_element_type3A_132 = arith.extui %eq3A_131 : i1 to i32
    %cond3A_133 = arith.constant 0 : i32
    %cond3A_134 = arith.cmpi ne, %convert_element_type3A_132, %cond3A_133 : i32
    scf.if %cond3A_134 {
      %dma_start3A_170 = arith.constant 0 : i32
      %dma_start3A_171 = arith.constant 0 : i32
      %dma_start3A_172 = tpu.memref_slice %arg3[%dma_start3A_170, %dma_start3A_171] : memref<10000x64xf32, #tpu.memory_space<hbm>> -> memref<10000x64xf32, #tpu.memory_space<hbm>>
      tpu.enqueue_indirect_dma source(%dma_start3A_172 : memref<10000x64xf32, #tpu.memory_space<hbm>>) target(%arg19 : memref<128x64xf32, #tpu.memory_space<vmem>>) offsets(%arg11 : memref<128xi32, #tpu.memory_space<vmem>>) semaphore(%arg27 : memref<!tpu.dma_semaphore, #tpu.memory_space<semaphore_mem>>)
    } else {
    }
    %eq3A_135 = arith.constant 0 : i32
    %eq3A_136 = arith.cmpi eq, %arg0, %eq3A_135 : i32
    %convert_element_type3A_137 = arith.extui %eq3A_136 : i1 to i32
    %cond3A_138 = arith.constant 0 : i32
    %cond3A_139 = arith.cmpi ne, %convert_element_type3A_137, %cond3A_138 : i32
    scf.if %cond3A_139 {
      %dma_wait3A_170 = arith.constant 0 : i32
      %dma_wait3A_171 = arith.constant 0 : i32
      %dma_wait3A_172 = tpu.memref_slice %arg2[%dma_wait3A_170, %dma_wait3A_171] : memref<10000x64xf32, #tpu.memory_space<hbm>> -> memref<10000x64xf32, #tpu.memory_space<hbm>>
      tpu.wait_indirect_dma semaphore(%arg27 : memref<!tpu.dma_semaphore, #tpu.memory_space<semaphore_mem>>) src(%dma_wait3A_172 : memref<10000x64xf32, #tpu.memory_space<hbm>>) dst(%arg19 : memref<128x64xf32, #tpu.memory_space<vmem>>)
    } else {
    }
    %eq3A_140 = arith.constant 1 : i32
    %eq3A_141 = arith.cmpi eq, %arg0, %eq3A_140 : i32
    %convert_element_type3A_142 = arith.extui %eq3A_141 : i1 to i32
    %cond3A_143 = arith.constant 0 : i32
    %cond3A_144 = arith.cmpi ne, %convert_element_type3A_142, %cond3A_143 : i32
    scf.if %cond3A_144 {
      %dma_wait3A_170 = arith.constant 0 : i32
      %dma_wait3A_171 = arith.constant 0 : i32
      %dma_wait3A_172 = tpu.memref_slice %arg3[%dma_wait3A_170, %dma_wait3A_171] : memref<10000x64xf32, #tpu.memory_space<hbm>> -> memref<10000x64xf32, #tpu.memory_space<hbm>>
      tpu.wait_indirect_dma semaphore(%arg27 : memref<!tpu.dma_semaphore, #tpu.memory_space<semaphore_mem>>) src(%dma_wait3A_172 : memref<10000x64xf32, #tpu.memory_space<hbm>>) dst(%arg19 : memref<128x64xf32, #tpu.memory_space<vmem>>)
    } else {
    }
    %dma_wait3A_145 = arith.constant 0 : i32
    %dma_wait3A_146 = arith.constant 0 : i32
    %dma_wait3A_147 = tpu.memref_slice %arg21[%dma_wait3A_145, %dma_wait3A_146] : memref<10000x64xf32, #tpu.memory_space<vmem_shared>> -> memref<10000x64xf32, #tpu.memory_space<vmem_shared>>
    tpu.wait_indirect_dma semaphore(%arg28 : memref<!tpu.dma_semaphore, #tpu.memory_space<semaphore_mem>>) src(%arg18 : memref<128x64xf32, #tpu.memory_space<vmem>>) dst(%dma_wait3A_147 : memref<10000x64xf32, #tpu.memory_space<vmem_shared>>)
    %dma_start3A_148 = arith.constant 0 : i32
    %dma_start3A_149 = arith.constant 0 : i32
    %dma_start3A_150 = tpu.memref_slice %arg21[%dma_start3A_148, %dma_start3A_149] : memref<10000x64xf32, #tpu.memory_space<vmem_shared>> -> memref<10000x64xf32, #tpu.memory_space<vmem_shared>>
    tpu.enqueue_indirect_dma source(%arg19 : memref<128x64xf32, #tpu.memory_space<vmem>>) target(%dma_start3A_150 : memref<10000x64xf32, #tpu.memory_space<vmem_shared>>) offsets(%arg15 : memref<128xi32, #tpu.memory_space<vmem>>) semaphore(%arg29 : memref<!tpu.dma_semaphore, #tpu.memory_space<semaphore_mem>>) {add = true}
    %dma_wait3A_151 = arith.constant 0 : i32
    %dma_wait3A_152 = arith.constant 0 : i32
    %dma_wait3A_153 = tpu.memref_slice %arg21[%dma_wait3A_151, %dma_wait3A_152] : memref<10000x64xf32, #tpu.memory_space<vmem_shared>> -> memref<10000x64xf32, #tpu.memory_space<vmem_shared>>
    tpu.wait_indirect_dma semaphore(%arg29 : memref<!tpu.dma_semaphore, #tpu.memory_space<semaphore_mem>>) src(%arg19 : memref<128x64xf32, #tpu.memory_space<vmem>>) dst(%dma_wait3A_153 : memref<10000x64xf32, #tpu.memory_space<vmem_shared>>)
    %add3A_154 = arith.constant 19968 : i32
    %add3A_155 = arith.addi %mul3A_2, %add3A_154 : i32
    "tpu.region"() ({
      %run_scoped3A = tpu.sem_alloc : memref<!tpu.dma_semaphore, #tpu.memory_space<semaphore_mem>>
      %dma_start3A_170 = tpu.memref_slice %arg4[%add3A_155] : memref<320000xi32, #tpu.memory_space<hbm>> -> memref<32xi32, #tpu.memory_space<hbm>>
      %dma_start3A_171 = tpu.memref_slice %arg4[%add3A_155] : memref<320000xi32, #tpu.memory_space<hbm>> -> memref<32xi32, #tpu.memory_space<hbm>>
      tpu.enqueue_dma source(%dma_start3A_171 : memref<32xi32, #tpu.memory_space<hbm>>) target(%arg16 : memref<32xi32, #tpu.memory_space<vmem>>) target_semaphore(%run_scoped3A : memref<!tpu.dma_semaphore, #tpu.memory_space<semaphore_mem>>)
      %dma_wait3A_172 = tpu.memref_slice %arg4[%add3A_155] : memref<320000xi32, #tpu.memory_space<hbm>> -> memref<32xi32, #tpu.memory_space<hbm>>
      %dma_wait3A_173 = tpu.memref_slice %arg4[%add3A_155] : memref<320000xi32, #tpu.memory_space<hbm>> -> memref<32xi32, #tpu.memory_space<hbm>>
      tpu.wait_dma2 semaphore(%run_scoped3A : memref<!tpu.dma_semaphore, #tpu.memory_space<semaphore_mem>>) src(%dma_wait3A_173 : memref<32xi32, #tpu.memory_space<hbm>>) dst(%arg16 : memref<32xi32, #tpu.memory_space<vmem>>)
      tpu.yield
    }) : () -> ()
    "tpu.region"() ({
      %run_scoped3A = tpu.sem_alloc : memref<!tpu.dma_semaphore, #tpu.memory_space<semaphore_mem>>
      %dma_start3A_170 = tpu.memref_slice %arg5[%add3A_155] : memref<320000xi32, #tpu.memory_space<hbm>> -> memref<32xi32, #tpu.memory_space<hbm>>
      %dma_start3A_171 = tpu.memref_slice %arg5[%add3A_155] : memref<320000xi32, #tpu.memory_space<hbm>> -> memref<32xi32, #tpu.memory_space<hbm>>
      tpu.enqueue_dma source(%dma_start3A_171 : memref<32xi32, #tpu.memory_space<hbm>>) target(%arg17 : memref<32xi32, #tpu.memory_space<vmem>>) target_semaphore(%run_scoped3A : memref<!tpu.dma_semaphore, #tpu.memory_space<semaphore_mem>>)
      %dma_wait3A_172 = tpu.memref_slice %arg5[%add3A_155] : memref<320000xi32, #tpu.memory_space<hbm>> -> memref<32xi32, #tpu.memory_space<hbm>>
      %dma_wait3A_173 = tpu.memref_slice %arg5[%add3A_155] : memref<320000xi32, #tpu.memory_space<hbm>> -> memref<32xi32, #tpu.memory_space<hbm>>
      tpu.wait_dma2 semaphore(%run_scoped3A : memref<!tpu.dma_semaphore, #tpu.memory_space<semaphore_mem>>) src(%dma_wait3A_173 : memref<32xi32, #tpu.memory_space<hbm>>) dst(%arg17 : memref<32xi32, #tpu.memory_space<vmem>>)
      tpu.yield
    }) : () -> ()
    %eq3A_156 = arith.constant 0 : i32
    %eq3A_157 = arith.cmpi eq, %arg0, %eq3A_156 : i32
    %convert_element_type3A_158 = arith.extui %eq3A_157 : i1 to i32
    %cond3A_159 = arith.constant 0 : i32
    %cond3A_160 = arith.cmpi ne, %convert_element_type3A_158, %cond3A_159 : i32
    scf.if %cond3A_160 {
      %dma_start3A_170 = arith.constant 0 : i32
      %dma_start3A_171 = arith.constant 0 : i32
      %dma_start3A_172 = tpu.memref_slice %arg2[%dma_start3A_170, %dma_start3A_171] : memref<10000x64xf32, #tpu.memory_space<hbm>> -> memref<10000x64xf32, #tpu.memory_space<hbm>>
      tpu.enqueue_indirect_dma source(%dma_start3A_172 : memref<10000x64xf32, #tpu.memory_space<hbm>>) target(%arg20 : memref<32x64xf32, #tpu.memory_space<vmem>>) offsets(%arg16 : memref<32xi32, #tpu.memory_space<vmem>>) semaphore(%arg30 : memref<!tpu.dma_semaphore, #tpu.memory_space<semaphore_mem>>)
      %dma_wait3A_173 = arith.constant 0 : i32
      %dma_wait3A_174 = arith.constant 0 : i32
      %dma_wait3A_175 = tpu.memref_slice %arg2[%dma_wait3A_173, %dma_wait3A_174] : memref<10000x64xf32, #tpu.memory_space<hbm>> -> memref<10000x64xf32, #tpu.memory_space<hbm>>
      tpu.wait_indirect_dma semaphore(%arg30 : memref<!tpu.dma_semaphore, #tpu.memory_space<semaphore_mem>>) src(%dma_wait3A_175 : memref<10000x64xf32, #tpu.memory_space<hbm>>) dst(%arg20 : memref<32x64xf32, #tpu.memory_space<vmem>>)
    } else {
    }
    %eq3A_161 = arith.constant 1 : i32
    %eq3A_162 = arith.cmpi eq, %arg0, %eq3A_161 : i32
    %convert_element_type3A_163 = arith.extui %eq3A_162 : i1 to i32
    %cond3A_164 = arith.constant 0 : i32
    %cond3A_165 = arith.cmpi ne, %convert_element_type3A_163, %cond3A_164 : i32
    scf.if %cond3A_165 {
      %dma_start3A_170 = arith.constant 0 : i32
      %dma_start3A_171 = arith.constant 0 : i32
      %dma_start3A_172 = tpu.memref_slice %arg3[%dma_start3A_170, %dma_start3A_171] : memref<10000x64xf32, #tpu.memory_space<hbm>> -> memref<10000x64xf32, #tpu.memory_space<hbm>>
      tpu.enqueue_indirect_dma source(%dma_start3A_172 : memref<10000x64xf32, #tpu.memory_space<hbm>>) target(%arg20 : memref<32x64xf32, #tpu.memory_space<vmem>>) offsets(%arg16 : memref<32xi32, #tpu.memory_space<vmem>>) semaphore(%arg30 : memref<!tpu.dma_semaphore, #tpu.memory_space<semaphore_mem>>)
      %dma_wait3A_173 = arith.constant 0 : i32
      %dma_wait3A_174 = arith.constant 0 : i32
      %dma_wait3A_175 = tpu.memref_slice %arg3[%dma_wait3A_173, %dma_wait3A_174] : memref<10000x64xf32, #tpu.memory_space<hbm>> -> memref<10000x64xf32, #tpu.memory_space<hbm>>
      tpu.wait_indirect_dma semaphore(%arg30 : memref<!tpu.dma_semaphore, #tpu.memory_space<semaphore_mem>>) src(%dma_wait3A_175 : memref<10000x64xf32, #tpu.memory_space<hbm>>) dst(%arg20 : memref<32x64xf32, #tpu.memory_space<vmem>>)
    } else {
    }
    "tpu.region"() ({
      %run_scoped3A = tpu.sem_alloc : memref<!tpu.dma_semaphore, #tpu.memory_space<semaphore_mem>>
      %dma_start3A_170 = arith.constant 0 : i32
      %dma_start3A_171 = arith.constant 0 : i32
      %dma_start3A_172 = tpu.memref_slice %arg21[%dma_start3A_170, %dma_start3A_171] : memref<10000x64xf32, #tpu.memory_space<vmem_shared>> -> memref<10000x64xf32, #tpu.memory_space<vmem_shared>>
      tpu.enqueue_indirect_dma source(%arg20 : memref<32x64xf32, #tpu.memory_space<vmem>>) target(%dma_start3A_172 : memref<10000x64xf32, #tpu.memory_space<vmem_shared>>) offsets(%arg17 : memref<32xi32, #tpu.memory_space<vmem>>) semaphore(%run_scoped3A : memref<!tpu.dma_semaphore, #tpu.memory_space<semaphore_mem>>) {add = true}
      %dma_wait3A_173 = arith.constant 0 : i32
      %dma_wait3A_174 = arith.constant 0 : i32
      %dma_wait3A_175 = tpu.memref_slice %arg21[%dma_wait3A_173, %dma_wait3A_174] : memref<10000x64xf32, #tpu.memory_space<vmem_shared>> -> memref<10000x64xf32, #tpu.memory_space<vmem_shared>>
      tpu.wait_indirect_dma semaphore(%run_scoped3A : memref<!tpu.dma_semaphore, #tpu.memory_space<semaphore_mem>>) src(%arg20 : memref<32x64xf32, #tpu.memory_space<vmem>>) dst(%dma_wait3A_175 : memref<10000x64xf32, #tpu.memory_space<vmem_shared>>)
      tpu.yield
    }) : () -> ()
    %barrier3A_166 = arith.constant 0 : index
    tpu.barrier barrier_id(%barrier3A_166)
    %mul3A_167 = arith.constant 10000 : i32
    %mul3A_168 = arith.muli %arg0, %mul3A_167 : i32
    %add3A_169 = arith.addi %mul3A_168, %mul3A_0 : i32
    "tpu.region"() ({
      %run_scoped3A = tpu.sem_alloc : memref<!tpu.dma_semaphore, #tpu.memory_space<semaphore_mem>>
      %dma_start3A_170 = arith.constant 0 : i32
      %dma_start3A_171 = tpu.memref_slice %arg7[%add3A_169, %dma_start3A_170] : memref<20000x64xf32, #tpu.memory_space<hbm>> -> memref<625x64xf32, #tpu.memory_space<hbm>>
      %dma_start3A_172 = arith.constant 0 : i32
      %dma_start3A_173 = tpu.memref_slice %arg21[%mul3A_0, %dma_start3A_172] : memref<10000x64xf32, #tpu.memory_space<vmem_shared>> -> memref<625x64xf32, #tpu.memory_space<vmem_shared>>
      tpu.enqueue_dma source(%dma_start3A_173 : memref<625x64xf32, #tpu.memory_space<vmem_shared>>) target(%dma_start3A_171 : memref<625x64xf32, #tpu.memory_space<hbm>>) target_semaphore(%run_scoped3A : memref<!tpu.dma_semaphore, #tpu.memory_space<semaphore_mem>>)
      %dma_wait3A_174 = arith.constant 0 : i32
      %dma_wait3A_175 = tpu.memref_slice %arg7[%add3A_169, %dma_wait3A_174] : memref<20000x64xf32, #tpu.memory_space<hbm>> -> memref<625x64xf32, #tpu.memory_space<hbm>>
      %dma_wait3A_176 = arith.constant 0 : i32
      %dma_wait3A_177 = tpu.memref_slice %arg21[%mul3A_0, %dma_wait3A_176] : memref<10000x64xf32, #tpu.memory_space<vmem_shared>> -> memref<625x64xf32, #tpu.memory_space<vmem_shared>>
      tpu.wait_dma2 semaphore(%run_scoped3A : memref<!tpu.dma_semaphore, #tpu.memory_space<semaphore_mem>>) src(%dma_wait3A_177 : memref<625x64xf32, #tpu.memory_space<vmem_shared>>) dst(%dma_wait3A_175 : memref<625x64xf32, #tpu.memory_space<hbm>>)
      tpu.yield
    }) : () -> ()
    return
  }
}

module attributes {stable_mosaic.version = 14 : i64} {
  func.func @body(%arg0: i32, %arg1: memref<2000x128xf32, #tpu.memory_space<vmem>>, %arg2: memref<2000x1xf32, #tpu.memory_space<vmem>>, %arg3: memref<1x256xf32, #tpu.memory_space<vmem>>, %arg4: memref<1x8xf32, #tpu.memory_space<vmem>>, %arg5: memref<2000x1xf32, #tpu.memory_space<vmem>>, %arg6: memref<2000x128xf32, #tpu.memory_space<vmem>>, %arg7: memref<2000x64xf32, #tpu.memory_space<vmem>>, %arg8: memref<2000x64xf32, #tpu.memory_space<vmem>>) attributes {dimension_semantics = [#tpu.dimension_semantics<arbitrary>], iteration_bounds = array<i64: 5>, scalar_prefetch = 0 : i64, scratch_operands = 0 : i64, tpu.core_type = #tpu.core_type<tc>, window_params = [{transform_indices = @transform_0, window_bounds = array<i64: 2000, 128>}, {transform_indices = @transform_1, window_bounds = array<i64: 2000, 1>}, {pipeline_mode = #tpu.pipeline_mode<synchronous>, transform_indices = @transform_2, window_bounds = array<i64: 1, 256>}, {pipeline_mode = #tpu.pipeline_mode<synchronous>, transform_indices = @transform_3, window_bounds = array<i64: 1, 8>}, {transform_indices = @transform_4, window_bounds = array<i64: 2000, 1>}, {transform_indices = @transform_5, window_bounds = array<i64: 2000, 128>}, {transform_indices = @transform_6, window_bounds = array<i64: 2000, 64>}, {transform_indices = @transform_7, window_bounds = array<i64: 2000, 64>}]} {
    %get3A = arith.constant 0 : index
    %get3A_0 = arith.constant 0 : index
    %get3A_1 = vector.load %arg3[%get3A, %get3A_0] : memref<1x256xf32, #tpu.memory_space<vmem>>, vector<1x256xf32>
    %slice3A = vector.extract_strided_slice %get3A_1 {offsets = [0, 0], sizes = [1, 128], strides = [1, 1]} : vector<1x256xf32> to vector<1x128xf32>
    %slice3A_2 = vector.extract_strided_slice %get3A_1 {offsets = [0, 128], sizes = [1, 128], strides = [1, 1]} : vector<1x256xf32> to vector<1x128xf32>
    %get3A_3 = arith.constant 0 : index
    %get3A_4 = arith.constant 0 : index
    %get3A_5 = vector.load %arg4[%get3A_3, %get3A_4] : memref<1x8xf32, #tpu.memory_space<vmem>>, vector<1x8xf32>
    %get3A_6 = arith.constant 0 : index
    %get3A_7 = arith.constant 0 : index
    %get3A_8 = vector.load %arg1[%get3A_6, %get3A_7] : memref<2000x128xf32, #tpu.memory_space<vmem>>, vector<2000x128xf32>
    %slice3A_9 = vector.extract_strided_slice %get3A_8 {offsets = [0, 0], sizes = [2000, 8], strides = [1, 1]} : vector<2000x128xf32> to vector<2000x8xf32>
    %mul3A = vector.broadcast %get3A_5 : vector<1x8xf32> to vector<2000x8xf32>
    %mul3A_10 = arith.mulf %slice3A_9, %mul3A : vector<2000x8xf32>
    %reduce_sum3A = arith.constant dense<0.000000e+00> : vector<2000xf32>
    %reduce_sum3A_11 = vector.multi_reduction <add>, %mul3A_10, %reduce_sum3A [1] : vector<2000x8xf32> to vector<2000xf32>
    %broadcast_in_dim3A = vector.shape_cast %reduce_sum3A_11 : vector<2000xf32> to vector<2000x1xf32>
    %swap3A = arith.constant 0 : index
    %swap3A_12 = arith.constant 0 : index
    %swap3A_13 = vector.load %arg5[%swap3A, %swap3A_12] : memref<2000x1xf32, #tpu.memory_space<vmem>>, vector<2000x1xf32>
    tpu.vector_store %arg5[%swap3A, %swap3A_12], %broadcast_in_dim3A {strides = array<i32>} : memref<2000x1xf32, #tpu.memory_space<vmem>>, vector<2000x1xf32>,
    %mul3A_14 = arith.constant 5.000000e-01 : f32
    %mul3A_15 = vector.broadcast %mul3A_14 : f32 to vector<1x128xf32>
    %mul3A_16 = arith.mulf %mul3A_15, %slice3A : vector<1x128xf32>
    %add3A = arith.constant 1.000000e+00 : f32
    %add3A_17 = vector.broadcast %add3A : f32 to vector<1x128xf32>
    %add3A_18 = arith.addf %add3A_17, %mul3A_16 : vector<1x128xf32>
    %mul3A_19 = vector.broadcast %add3A_18 : vector<1x128xf32> to vector<2000x128xf32>
    %mul3A_20 = arith.mulf %mul3A_19, %get3A_8 : vector<2000x128xf32>
    %mul3A_21 = arith.constant 3.000000e-01 : f32
    %mul3A_22 = vector.broadcast %mul3A_21 : f32 to vector<1x128xf32>
    %mul3A_23 = arith.mulf %mul3A_22, %slice3A_2 : vector<1x128xf32>
    %add3A_24 = vector.broadcast %mul3A_23 : vector<1x128xf32> to vector<2000x128xf32>
    %add3A_25 = arith.addf %mul3A_20, %add3A_24 : vector<2000x128xf32>
    %swap3A_26 = arith.constant 0 : index
    %swap3A_27 = arith.constant 0 : index
    %swap3A_28 = vector.load %arg6[%swap3A_26, %swap3A_27] : memref<2000x128xf32, #tpu.memory_space<vmem>>, vector<2000x128xf32>
    tpu.vector_store %arg6[%swap3A_26, %swap3A_27], %add3A_25 {strides = array<i32>} : memref<2000x128xf32, #tpu.memory_space<vmem>>, vector<2000x128xf32>,
    %get3A_29 = arith.constant 0 : index
    %get3A_30 = arith.constant 0 : index
    %get3A_31 = vector.load %arg2[%get3A_29, %get3A_30] : memref<2000x1xf32, #tpu.memory_space<vmem>>, vector<2000x1xf32>
    %mul3A_32 = vector.broadcast %get3A_31 : vector<2000x1xf32> to vector<2000x128xf32>
    %mul3A_33 = arith.mulf %add3A_25, %mul3A_32 : vector<2000x128xf32>
    %slice3A_34 = vector.extract_strided_slice %mul3A_33 {offsets = [0, 0], sizes = [2000, 64], strides = [1, 1]} : vector<2000x128xf32> to vector<2000x64xf32>
    %swap3A_35 = arith.constant 0 : index
    %swap3A_36 = arith.constant 0 : index
    %swap3A_37 = vector.load %arg7[%swap3A_35, %swap3A_36] : memref<2000x64xf32, #tpu.memory_space<vmem>>, vector<2000x64xf32>
    tpu.vector_store %arg7[%swap3A_35, %swap3A_36], %slice3A_34 {strides = array<i32>} : memref<2000x64xf32, #tpu.memory_space<vmem>>, vector<2000x64xf32>,
    %slice3A_38 = vector.extract_strided_slice %mul3A_33 {offsets = [0, 64], sizes = [2000, 64], strides = [1, 1]} : vector<2000x128xf32> to vector<2000x64xf32>
    %swap3A_39 = arith.constant 0 : index
    %swap3A_40 = arith.constant 0 : index
    %swap3A_41 = vector.load %arg8[%swap3A_39, %swap3A_40] : memref<2000x64xf32, #tpu.memory_space<vmem>>, vector<2000x64xf32>
    tpu.vector_store %arg8[%swap3A_39, %swap3A_40], %slice3A_38 {strides = array<i32>} : memref<2000x64xf32, #tpu.memory_space<vmem>>, vector<2000x64xf32>,
    return
  }
  func.func @transform_0(%arg0: i32) -> (i32, i32) {
    %c0_i32 = arith.constant 0 : i32
    %c0_i32_0 = arith.constant 0 : i32
    return %arg0, %c0_i32 : i32, i32
  }
  func.func @transform_1(%arg0: i32) -> (i32, i32) {
    %c0_i32 = arith.constant 0 : i32
    %c0_i32_0 = arith.constant 0 : i32
    return %arg0, %c0_i32 : i32, i32
  }
  func.func @transform_2(%arg0: i32) -> (i32, i32) {
    %c0_i32 = arith.constant 0 : i32
    %c0_i32_0 = arith.constant 0 : i32
    %c0_i32_1 = arith.constant 0 : i32
    return %c0_i32, %c0_i32_0 : i32, i32
  }
  func.func @transform_3(%arg0: i32) -> (i32, i32) {
    %c0_i32 = arith.constant 0 : i32
    %c0_i32_0 = arith.constant 0 : i32
    %c0_i32_1 = arith.constant 0 : i32
    return %c0_i32, %c0_i32_0 : i32, i32
  }
  func.func @transform_4(%arg0: i32) -> (i32, i32) {
    %c0_i32 = arith.constant 0 : i32
    %c0_i32_0 = arith.constant 0 : i32
    return %arg0, %c0_i32 : i32, i32
  }
  func.func @transform_5(%arg0: i32) -> (i32, i32) {
    %c0_i32 = arith.constant 0 : i32
    %c0_i32_0 = arith.constant 0 : i32
    return %arg0, %c0_i32 : i32, i32
  }
  func.func @transform_6(%arg0: i32) -> (i32, i32) {
    %c0_i32 = arith.constant 0 : i32
    %c0_i32_0 = arith.constant 0 : i32
    return %arg0, %c0_i32 : i32, i32
  }
  func.func @transform_7(%arg0: i32) -> (i32, i32) {
    %c0_i32 = arith.constant 0 : i32
    %c0_i32_0 = arith.constant 0 : i32
    return %arg0, %c0_i32 : i32, i32
  }
}

module attributes {stable_mosaic.version = 14 : i64} {
  func.func @body(%arg0: i32, %arg1: memref<2000x64xf32, #tpu.memory_space<vmem>>, %arg2: memref<2000x64xf32, #tpu.memory_space<vmem>>, %arg3: memref<2000x128xf32, #tpu.memory_space<vmem>>, %arg4: memref<2000x1xf32, #tpu.memory_space<vmem>>, %arg5: memref<2000x1xf32, #tpu.memory_space<vmem>>, %arg6: memref<128x256xf32, #tpu.memory_space<vmem>>, %arg7: memref<1x256xf32, #tpu.memory_space<vmem>>, %arg8: memref<2000x256xf32, #tpu.memory_space<vmem>>, %arg9: memref<2000x128xf32, #tpu.memory_space<vmem>>, %arg10: memref<2000x128xf32, #tpu.memory_space<vmem>>) attributes {dimension_semantics = [#tpu.dimension_semantics<arbitrary>], iteration_bounds = array<i64: 5>, scalar_prefetch = 0 : i64, scratch_operands = 0 : i64, tpu.core_type = #tpu.core_type<tc>, window_params = [{transform_indices = @transform_0, window_bounds = array<i64: 2000, 64>}, {transform_indices = @transform_1, window_bounds = array<i64: 2000, 64>}, {transform_indices = @transform_2, window_bounds = array<i64: 2000, 128>}, {transform_indices = @transform_3, window_bounds = array<i64: 2000, 1>}, {transform_indices = @transform_4, window_bounds = array<i64: 2000, 1>}, {pipeline_mode = #tpu.pipeline_mode<synchronous>, transform_indices = @transform_5, window_bounds = array<i64: 128, 256>}, {pipeline_mode = #tpu.pipeline_mode<synchronous>, transform_indices = @transform_6, window_bounds = array<i64: 1, 256>}, {transform_indices = @transform_7, window_bounds = array<i64: 2000, 256>}, {transform_indices = @transform_8, window_bounds = array<i64: 2000, 128>}, {transform_indices = @transform_9, window_bounds = array<i64: 2000, 128>}]} {
    %get3A = arith.constant 0 : index
    %get3A_0 = arith.constant 0 : index
    %get3A_1 = vector.load %arg4[%get3A, %get3A_0] : memref<2000x1xf32, #tpu.memory_space<vmem>>, vector<2000x1xf32>
    %get3A_2 = arith.constant 0 : index
    %get3A_3 = arith.constant 0 : index
    %get3A_4 = vector.load %arg1[%get3A_2, %get3A_3] : memref<2000x64xf32, #tpu.memory_space<vmem>>, vector<2000x64xf32>
    %get3A_5 = arith.constant 0 : index
    %get3A_6 = arith.constant 0 : index
    %get3A_7 = vector.load %arg2[%get3A_5, %get3A_6] : memref<2000x64xf32, #tpu.memory_space<vmem>>, vector<2000x64xf32>
    %concatenate3A = tpu.concatenate %get3A_4, %get3A_7 in 1 : vector<2000x64xf32>, vector<2000x64xf32> -> vector<2000x128xf32>
    %mul3A = vector.broadcast %get3A_1 : vector<2000x1xf32> to vector<2000x128xf32>
    %mul3A_8 = arith.mulf %concatenate3A, %mul3A : vector<2000x128xf32>
    %get3A_9 = arith.constant 0 : index
    %get3A_10 = arith.constant 0 : index
    %get3A_11 = vector.load %arg3[%get3A_9, %get3A_10] : memref<2000x128xf32, #tpu.memory_space<vmem>>, vector<2000x128xf32>
    %get3A_12 = arith.constant 0 : index
    %get3A_13 = arith.constant 0 : index
    %get3A_14 = vector.load %arg5[%get3A_12, %get3A_13] : memref<2000x1xf32, #tpu.memory_space<vmem>>, vector<2000x1xf32>
    %mul3A_15 = vector.broadcast %get3A_14 : vector<2000x1xf32> to vector<2000x128xf32>
    %mul3A_16 = arith.mulf %get3A_11, %mul3A_15 : vector<2000x128xf32>
    %add3A = arith.addf %mul3A_8, %mul3A_16 : vector<2000x128xf32>
    %get3A_17 = arith.constant 0 : index
    %get3A_18 = arith.constant 0 : index
    %get3A_19 = vector.load %arg6[%get3A_17, %get3A_18] : memref<128x256xf32, #tpu.memory_space<vmem>>, vector<128x256xf32>
    %dot_general3A = arith.constant dense<0.000000e+00> : vector<2000x256xf32>
    %dot_general3A_20 = tpu.matmul %add3A, %get3A_19, %dot_general3A {dimension_numbers = #tpu.dot_dimension_numbers<[1], [0], [0], [1], [0, 0, 1, 1], [], []>, transpose_lhs_hint = false} : vector<2000x128xf32>, vector<128x256xf32>, vector<2000x256xf32> -> vector<2000x256xf32>
    %get3A_21 = arith.constant 0 : index
    %get3A_22 = arith.constant 0 : index
    %get3A_23 = vector.load %arg7[%get3A_21, %get3A_22] : memref<1x256xf32, #tpu.memory_space<vmem>>, vector<1x256xf32>
    %add3A_24 = vector.broadcast %get3A_23 : vector<1x256xf32> to vector<2000x256xf32>
    %add3A_25 = arith.addf %dot_general3A_20, %add3A_24 : vector<2000x256xf32>
    %max3A = arith.constant 0.000000e+00 : f32
    %max3A_26 = vector.broadcast %max3A : f32 to vector<2000x256xf32>
    %max3A_27 = arith.maximumf %add3A_25, %max3A_26 : vector<2000x256xf32>
    %swap3A = arith.constant 0 : index
    %swap3A_28 = arith.constant 0 : index
    %swap3A_29 = vector.load %arg8[%swap3A, %swap3A_28] : memref<2000x256xf32, #tpu.memory_space<vmem>>, vector<2000x256xf32>
    tpu.vector_store %arg8[%swap3A, %swap3A_28], %max3A_27 {strides = array<i32>} : memref<2000x256xf32, #tpu.memory_space<vmem>>, vector<2000x256xf32>,
    %mul3A_30 = vector.broadcast %get3A_1 : vector<2000x1xf32> to vector<2000x256xf32>
    %mul3A_31 = arith.mulf %max3A_27, %mul3A_30 : vector<2000x256xf32>
    %slice3A = vector.extract_strided_slice %mul3A_31 {offsets = [0, 0], sizes = [2000, 128], strides = [1, 1]} : vector<2000x256xf32> to vector<2000x128xf32>
    %swap3A_32 = arith.constant 0 : index
    %swap3A_33 = arith.constant 0 : index
    %swap3A_34 = vector.load %arg9[%swap3A_32, %swap3A_33] : memref<2000x128xf32, #tpu.memory_space<vmem>>, vector<2000x128xf32>
    tpu.vector_store %arg9[%swap3A_32, %swap3A_33], %slice3A {strides = array<i32>} : memref<2000x128xf32, #tpu.memory_space<vmem>>, vector<2000x128xf32>,
    %slice3A_35 = vector.extract_strided_slice %mul3A_31 {offsets = [0, 128], sizes = [2000, 128], strides = [1, 1]} : vector<2000x256xf32> to vector<2000x128xf32>
    %swap3A_36 = arith.constant 0 : index
    %swap3A_37 = arith.constant 0 : index
    %swap3A_38 = vector.load %arg10[%swap3A_36, %swap3A_37] : memref<2000x128xf32, #tpu.memory_space<vmem>>, vector<2000x128xf32>
    tpu.vector_store %arg10[%swap3A_36, %swap3A_37], %slice3A_35 {strides = array<i32>} : memref<2000x128xf32, #tpu.memory_space<vmem>>, vector<2000x128xf32>,
    return
  }
  func.func @transform_0(%arg0: i32) -> (i32, i32) {
    %c0_i32 = arith.constant 0 : i32
    %c0_i32_0 = arith.constant 0 : i32
    return %arg0, %c0_i32 : i32, i32
  }
  func.func @transform_1(%arg0: i32) -> (i32, i32) {
    %add3A = arith.constant 5 : i32
    %add3A_0 = arith.addi %arg0, %add3A : i32
    %c0_i32 = arith.constant 0 : i32
    %c0_i32_1 = arith.constant 0 : i32
    return %add3A_0, %c0_i32 : i32, i32
  }
  func.func @transform_2(%arg0: i32) -> (i32, i32) {
    %c0_i32 = arith.constant 0 : i32
    %c0_i32_0 = arith.constant 0 : i32
    return %arg0, %c0_i32 : i32, i32
  }
  func.func @transform_3(%arg0: i32) -> (i32, i32) {
    %c0_i32 = arith.constant 0 : i32
    %c0_i32_0 = arith.constant 0 : i32
    return %arg0, %c0_i32 : i32, i32
  }
  func.func @transform_4(%arg0: i32) -> (i32, i32) {
    %c0_i32 = arith.constant 0 : i32
    %c0_i32_0 = arith.constant 0 : i32
    return %arg0, %c0_i32 : i32, i32
  }
  func.func @transform_5(%arg0: i32) -> (i32, i32) {
    %c0_i32 = arith.constant 0 : i32
    %c0_i32_0 = arith.constant 0 : i32
    %c0_i32_1 = arith.constant 0 : i32
    return %c0_i32, %c0_i32_0 : i32, i32
  }
  func.func @transform_6(%arg0: i32) -> (i32, i32) {
    %c0_i32 = arith.constant 0 : i32
    %c0_i32_0 = arith.constant 0 : i32
    %c0_i32_1 = arith.constant 0 : i32
    return %c0_i32, %c0_i32_0 : i32, i32
  }
  func.func @transform_7(%arg0: i32) -> (i32, i32) {
    %c0_i32 = arith.constant 0 : i32
    %c0_i32_0 = arith.constant 0 : i32
    return %arg0, %c0_i32 : i32, i32
  }
  func.func @transform_8(%arg0: i32) -> (i32, i32) {
    %c0_i32 = arith.constant 0 : i32
    %c0_i32_0 = arith.constant 0 : i32
    return %arg0, %c0_i32 : i32, i32
  }
  func.func @transform_9(%arg0: i32) -> (i32, i32) {
    %c0_i32 = arith.constant 0 : i32
    %c0_i32_0 = arith.constant 0 : i32
    return %arg0, %c0_i32 : i32, i32
  }
}

module attributes {stable_mosaic.version = 14 : i64} {
  func.func @body(%arg0: i32, %arg1: memref<2000x128xf32, #tpu.memory_space<vmem>>, %arg2: memref<2000x128xf32, #tpu.memory_space<vmem>>, %arg3: memref<2000x256xf32, #tpu.memory_space<vmem>>, %arg4: memref<2000x1xf32, #tpu.memory_space<vmem>>, %arg5: memref<2000x1xf32, #tpu.memory_space<vmem>>, %arg6: memref<256x256xf32, #tpu.memory_space<vmem>>, %arg7: memref<1x256xf32, #tpu.memory_space<vmem>>, %arg8: memref<2000x256xf32, #tpu.memory_space<vmem>>, %arg9: memref<2000x128xf32, #tpu.memory_space<vmem>>, %arg10: memref<2000x128xf32, #tpu.memory_space<vmem>>) attributes {dimension_semantics = [#tpu.dimension_semantics<arbitrary>], iteration_bounds = array<i64: 5>, scalar_prefetch = 0 : i64, scratch_operands = 0 : i64, tpu.core_type = #tpu.core_type<tc>, window_params = [{transform_indices = @transform_0, window_bounds = array<i64: 2000, 128>}, {transform_indices = @transform_1, window_bounds = array<i64: 2000, 128>}, {transform_indices = @transform_2, window_bounds = array<i64: 2000, 256>}, {transform_indices = @transform_3, window_bounds = array<i64: 2000, 1>}, {transform_indices = @transform_4, window_bounds = array<i64: 2000, 1>}, {pipeline_mode = #tpu.pipeline_mode<synchronous>, transform_indices = @transform_5, window_bounds = array<i64: 256, 256>}, {pipeline_mode = #tpu.pipeline_mode<synchronous>, transform_indices = @transform_6, window_bounds = array<i64: 1, 256>}, {transform_indices = @transform_7, window_bounds = array<i64: 2000, 256>}, {transform_indices = @transform_8, window_bounds = array<i64: 2000, 128>}, {transform_indices = @transform_9, window_bounds = array<i64: 2000, 128>}]} {
    %get3A = arith.constant 0 : index
    %get3A_0 = arith.constant 0 : index
    %get3A_1 = vector.load %arg4[%get3A, %get3A_0] : memref<2000x1xf32, #tpu.memory_space<vmem>>, vector<2000x1xf32>
    %get3A_2 = arith.constant 0 : index
    %get3A_3 = arith.constant 0 : index
    %get3A_4 = vector.load %arg1[%get3A_2, %get3A_3] : memref<2000x128xf32, #tpu.memory_space<vmem>>, vector<2000x128xf32>
    %get3A_5 = arith.constant 0 : index
    %get3A_6 = arith.constant 0 : index
    %get3A_7 = vector.load %arg2[%get3A_5, %get3A_6] : memref<2000x128xf32, #tpu.memory_space<vmem>>, vector<2000x128xf32>
    %concatenate3A = tpu.concatenate %get3A_4, %get3A_7 in 1 : vector<2000x128xf32>, vector<2000x128xf32> -> vector<2000x256xf32>
    %mul3A = vector.broadcast %get3A_1 : vector<2000x1xf32> to vector<2000x256xf32>
    %mul3A_8 = arith.mulf %concatenate3A, %mul3A : vector<2000x256xf32>
    %get3A_9 = arith.constant 0 : index
    %get3A_10 = arith.constant 0 : index
    %get3A_11 = vector.load %arg3[%get3A_9, %get3A_10] : memref<2000x256xf32, #tpu.memory_space<vmem>>, vector<2000x256xf32>
    %get3A_12 = arith.constant 0 : index
    %get3A_13 = arith.constant 0 : index
    %get3A_14 = vector.load %arg5[%get3A_12, %get3A_13] : memref<2000x1xf32, #tpu.memory_space<vmem>>, vector<2000x1xf32>
    %mul3A_15 = vector.broadcast %get3A_14 : vector<2000x1xf32> to vector<2000x256xf32>
    %mul3A_16 = arith.mulf %get3A_11, %mul3A_15 : vector<2000x256xf32>
    %add3A = arith.addf %mul3A_8, %mul3A_16 : vector<2000x256xf32>
    %get3A_17 = arith.constant 0 : index
    %get3A_18 = arith.constant 0 : index
    %get3A_19 = vector.load %arg6[%get3A_17, %get3A_18] : memref<256x256xf32, #tpu.memory_space<vmem>>, vector<256x256xf32>
    %dot_general3A = arith.constant dense<0.000000e+00> : vector<2000x256xf32>
    %dot_general3A_20 = tpu.matmul %add3A, %get3A_19, %dot_general3A {dimension_numbers = #tpu.dot_dimension_numbers<[1], [0], [0], [1], [0, 0, 1, 1], [], []>, transpose_lhs_hint = false} : vector<2000x256xf32>, vector<256x256xf32>, vector<2000x256xf32> -> vector<2000x256xf32>
    %get3A_21 = arith.constant 0 : index
    %get3A_22 = arith.constant 0 : index
    %get3A_23 = vector.load %arg7[%get3A_21, %get3A_22] : memref<1x256xf32, #tpu.memory_space<vmem>>, vector<1x256xf32>
    %add3A_24 = vector.broadcast %get3A_23 : vector<1x256xf32> to vector<2000x256xf32>
    %add3A_25 = arith.addf %dot_general3A_20, %add3A_24 : vector<2000x256xf32>
    %max3A = arith.constant 0.000000e+00 : f32
    %max3A_26 = vector.broadcast %max3A : f32 to vector<2000x256xf32>
    %max3A_27 = arith.maximumf %add3A_25, %max3A_26 : vector<2000x256xf32>
    %swap3A = arith.constant 0 : index
    %swap3A_28 = arith.constant 0 : index
    %swap3A_29 = vector.load %arg8[%swap3A, %swap3A_28] : memref<2000x256xf32, #tpu.memory_space<vmem>>, vector<2000x256xf32>
    tpu.vector_store %arg8[%swap3A, %swap3A_28], %max3A_27 {strides = array<i32>} : memref<2000x256xf32, #tpu.memory_space<vmem>>, vector<2000x256xf32>,
    %mul3A_30 = vector.broadcast %get3A_1 : vector<2000x1xf32> to vector<2000x256xf32>
    %mul3A_31 = arith.mulf %max3A_27, %mul3A_30 : vector<2000x256xf32>
    %slice3A = vector.extract_strided_slice %mul3A_31 {offsets = [0, 0], sizes = [2000, 128], strides = [1, 1]} : vector<2000x256xf32> to vector<2000x128xf32>
    %swap3A_32 = arith.constant 0 : index
    %swap3A_33 = arith.constant 0 : index
    %swap3A_34 = vector.load %arg9[%swap3A_32, %swap3A_33] : memref<2000x128xf32, #tpu.memory_space<vmem>>, vector<2000x128xf32>
    tpu.vector_store %arg9[%swap3A_32, %swap3A_33], %slice3A {strides = array<i32>} : memref<2000x128xf32, #tpu.memory_space<vmem>>, vector<2000x128xf32>,
    %slice3A_35 = vector.extract_strided_slice %mul3A_31 {offsets = [0, 128], sizes = [2000, 128], strides = [1, 1]} : vector<2000x256xf32> to vector<2000x128xf32>
    %swap3A_36 = arith.constant 0 : index
    %swap3A_37 = arith.constant 0 : index
    %swap3A_38 = vector.load %arg10[%swap3A_36, %swap3A_37] : memref<2000x128xf32, #tpu.memory_space<vmem>>, vector<2000x128xf32>
    tpu.vector_store %arg10[%swap3A_36, %swap3A_37], %slice3A_35 {strides = array<i32>} : memref<2000x128xf32, #tpu.memory_space<vmem>>, vector<2000x128xf32>,
    return
  }
  func.func @transform_0(%arg0: i32) -> (i32, i32) {
    %c0_i32 = arith.constant 0 : i32
    %c0_i32_0 = arith.constant 0 : i32
    return %arg0, %c0_i32 : i32, i32
  }
  func.func @transform_1(%arg0: i32) -> (i32, i32) {
    %add3A = arith.constant 5 : i32
    %add3A_0 = arith.addi %arg0, %add3A : i32
    %c0_i32 = arith.constant 0 : i32
    %c0_i32_1 = arith.constant 0 : i32
    return %add3A_0, %c0_i32 : i32, i32
  }
  func.func @transform_2(%arg0: i32) -> (i32, i32) {
    %c0_i32 = arith.constant 0 : i32
    %c0_i32_0 = arith.constant 0 : i32
    return %arg0, %c0_i32 : i32, i32
  }
  func.func @transform_3(%arg0: i32) -> (i32, i32) {
    %c0_i32 = arith.constant 0 : i32
    %c0_i32_0 = arith.constant 0 : i32
    return %arg0, %c0_i32 : i32, i32
  }
  func.func @transform_4(%arg0: i32) -> (i32, i32) {
    %c0_i32 = arith.constant 0 : i32
    %c0_i32_0 = arith.constant 0 : i32
    return %arg0, %c0_i32 : i32, i32
  }
  func.func @transform_5(%arg0: i32) -> (i32, i32) {
    %c0_i32 = arith.constant 0 : i32
    %c0_i32_0 = arith.constant 0 : i32
    %c0_i32_1 = arith.constant 0 : i32
    return %c0_i32, %c0_i32_0 : i32, i32
  }
  func.func @transform_6(%arg0: i32) -> (i32, i32) {
    %c0_i32 = arith.constant 0 : i32
    %c0_i32_0 = arith.constant 0 : i32
    %c0_i32_1 = arith.constant 0 : i32
    return %c0_i32, %c0_i32_0 : i32, i32
  }
  func.func @transform_7(%arg0: i32) -> (i32, i32) {
    %c0_i32 = arith.constant 0 : i32
    %c0_i32_0 = arith.constant 0 : i32
    return %arg0, %c0_i32 : i32, i32
  }
  func.func @transform_8(%arg0: i32) -> (i32, i32) {
    %c0_i32 = arith.constant 0 : i32
    %c0_i32_0 = arith.constant 0 : i32
    return %arg0, %c0_i32 : i32, i32
  }
  func.func @transform_9(%arg0: i32) -> (i32, i32) {
    %c0_i32 = arith.constant 0 : i32
    %c0_i32_0 = arith.constant 0 : i32
    return %arg0, %c0_i32 : i32, i32
  }
}

module attributes {stable_mosaic.version = 14 : i64} {
  func.func @body(%arg0: i32, %arg1: memref<2000x128xf32, #tpu.memory_space<vmem>>, %arg2: memref<2000x128xf32, #tpu.memory_space<vmem>>, %arg3: memref<2000x256xf32, #tpu.memory_space<vmem>>, %arg4: memref<2000x1xf32, #tpu.memory_space<vmem>>, %arg5: memref<2000x1xf32, #tpu.memory_space<vmem>>, %arg6: memref<2000x1xf32, #tpu.memory_space<vmem>>, %arg7: memref<1x1xf32, #tpu.memory_space<vmem>>, %arg8: memref<256x256xf32, #tpu.memory_space<vmem>>, %arg9: memref<1x256xf32, #tpu.memory_space<vmem>>, %arg10: memref<258x128xf32, #tpu.memory_space<vmem>>, %arg11: memref<1x128xf32, #tpu.memory_space<vmem>>, %arg12: memref<128x1xf32, #tpu.memory_space<vmem>>, %arg13: memref<1x1xf32, #tpu.memory_space<vmem>>, %arg14: memref<256x128xf32, #tpu.memory_space<vmem>>, %arg15: memref<1x128xf32, #tpu.memory_space<vmem>>, %arg16: memref<128x1xf32, #tpu.memory_space<vmem>>, %arg17: memref<1x1xf32, #tpu.memory_space<vmem>>, %arg18: memref<2000x1xf32, #tpu.memory_space<vmem>>) attributes {dimension_semantics = [#tpu.dimension_semantics<arbitrary>], iteration_bounds = array<i64: 5>, scalar_prefetch = 0 : i64, scratch_operands = 0 : i64, tpu.core_type = #tpu.core_type<tc>, window_params = [{transform_indices = @transform_0, window_bounds = array<i64: 2000, 128>}, {transform_indices = @transform_1, window_bounds = array<i64: 2000, 128>}, {transform_indices = @transform_2, window_bounds = array<i64: 2000, 256>}, {transform_indices = @transform_3, window_bounds = array<i64: 2000, 1>}, {transform_indices = @transform_4, window_bounds = array<i64: 2000, 1>}, {transform_indices = @transform_5, window_bounds = array<i64: 2000, 1>}, {pipeline_mode = #tpu.pipeline_mode<synchronous>, transform_indices = @transform_6, window_bounds = array<i64: 1, 1>}, {pipeline_mode = #tpu.pipeline_mode<synchronous>, transform_indices = @transform_7, window_bounds = array<i64: 256, 256>}, {pipeline_mode = #tpu.pipeline_mode<synchronous>, transform_indices = @transform_8, window_bounds = array<i64: 1, 256>}, {pipeline_mode = #tpu.pipeline_mode<synchronous>, transform_indices = @transform_9, window_bounds = array<i64: 258, 128>}, {pipeline_mode = #tpu.pipeline_mode<synchronous>, transform_indices = @transform_10, window_bounds = array<i64: 1, 128>}, {pipeline_mode = #tpu.pipeline_mode<synchronous>, transform_indices = @transform_11, window_bounds = array<i64: 128, 1>}, {pipeline_mode = #tpu.pipeline_mode<synchronous>, transform_indices = @transform_12, window_bounds = array<i64: 1, 1>}, {pipeline_mode = #tpu.pipeline_mode<synchronous>, transform_indices = @transform_13, window_bounds = array<i64: 256, 128>}, {pipeline_mode = #tpu.pipeline_mode<synchronous>, transform_indices = @transform_14, window_bounds = array<i64: 1, 128>}, {pipeline_mode = #tpu.pipeline_mode<synchronous>, transform_indices = @transform_15, window_bounds = array<i64: 128, 1>}, {pipeline_mode = #tpu.pipeline_mode<synchronous>, transform_indices = @transform_16, window_bounds = array<i64: 1, 1>}, {transform_indices = @transform_17, window_bounds = array<i64: 2000, 1>}]} {
    %get3A = arith.constant 0 : index
    %get3A_0 = arith.constant 0 : index
    %get3A_1 = vector.load %arg4[%get3A, %get3A_0] : memref<2000x1xf32, #tpu.memory_space<vmem>>, vector<2000x1xf32>
    %get3A_2 = arith.constant 0 : index
    %get3A_3 = arith.constant 0 : index
    %get3A_4 = vector.load %arg1[%get3A_2, %get3A_3] : memref<2000x128xf32, #tpu.memory_space<vmem>>, vector<2000x128xf32>
    %get3A_5 = arith.constant 0 : index
    %get3A_6 = arith.constant 0 : index
    %get3A_7 = vector.load %arg2[%get3A_5, %get3A_6] : memref<2000x128xf32, #tpu.memory_space<vmem>>, vector<2000x128xf32>
    %concatenate3A = tpu.concatenate %get3A_4, %get3A_7 in 1 : vector<2000x128xf32>, vector<2000x128xf32> -> vector<2000x256xf32>
    %mul3A = vector.broadcast %get3A_1 : vector<2000x1xf32> to vector<2000x256xf32>
    %mul3A_8 = arith.mulf %concatenate3A, %mul3A : vector<2000x256xf32>
    %get3A_9 = arith.constant 0 : index
    %get3A_10 = arith.constant 0 : index
    %get3A_11 = vector.load %arg3[%get3A_9, %get3A_10] : memref<2000x256xf32, #tpu.memory_space<vmem>>, vector<2000x256xf32>
    %get3A_12 = arith.constant 0 : index
    %get3A_13 = arith.constant 0 : index
    %get3A_14 = vector.load %arg5[%get3A_12, %get3A_13] : memref<2000x1xf32, #tpu.memory_space<vmem>>, vector<2000x1xf32>
    %mul3A_15 = vector.broadcast %get3A_14 : vector<2000x1xf32> to vector<2000x256xf32>
    %mul3A_16 = arith.mulf %get3A_11, %mul3A_15 : vector<2000x256xf32>
    %add3A = arith.addf %mul3A_8, %mul3A_16 : vector<2000x256xf32>
    %get3A_17 = arith.constant 0 : index
    %get3A_18 = arith.constant 0 : index
    %get3A_19 = vector.load %arg8[%get3A_17, %get3A_18] : memref<256x256xf32, #tpu.memory_space<vmem>>, vector<256x256xf32>
    %dot_general3A = arith.constant dense<0.000000e+00> : vector<2000x256xf32>
    %dot_general3A_20 = tpu.matmul %add3A, %get3A_19, %dot_general3A {dimension_numbers = #tpu.dot_dimension_numbers<[1], [0], [0], [1], [0, 0, 1, 1], [], []>, transpose_lhs_hint = false} : vector<2000x256xf32>, vector<256x256xf32>, vector<2000x256xf32> -> vector<2000x256xf32>
    %get3A_21 = arith.constant 0 : index
    %get3A_22 = arith.constant 0 : index
    %get3A_23 = vector.load %arg9[%get3A_21, %get3A_22] : memref<1x256xf32, #tpu.memory_space<vmem>>, vector<1x256xf32>
    %add3A_24 = vector.broadcast %get3A_23 : vector<1x256xf32> to vector<2000x256xf32>
    %add3A_25 = arith.addf %dot_general3A_20, %add3A_24 : vector<2000x256xf32>
    %get3A_26 = arith.constant 0 : index
    %get3A_27 = arith.constant 0 : index
    %get3A_28 = vector.load %arg7[%get3A_26, %get3A_27] : memref<1x1xf32, #tpu.memory_space<vmem>>, vector<1x1xf32>
    %broadcast_in_dim3A = vector.shape_cast %get3A_28 : vector<1x1xf32> to vector<1x1xf32>
    %broadcast_in_dim3A_29 = vector.broadcast %broadcast_in_dim3A : vector<1x1xf32> to vector<2000x1xf32>
    %get3A_30 = arith.constant 0 : index
    %get3A_31 = arith.constant 0 : index
    %get3A_32 = vector.load %arg6[%get3A_30, %get3A_31] : memref<2000x1xf32, #tpu.memory_space<vmem>>, vector<2000x1xf32>
    %concatenate3A_33 = tpu.concatenate %add3A_25, %broadcast_in_dim3A_29, %get3A_32 in 1 : vector<2000x256xf32>, vector<2000x1xf32>, vector<2000x1xf32> -> vector<2000x258xf32>
    %get3A_34 = arith.constant 0 : index
    %get3A_35 = arith.constant 0 : index
    %get3A_36 = vector.load %arg10[%get3A_34, %get3A_35] : memref<258x128xf32, #tpu.memory_space<vmem>>, vector<258x128xf32>
    %dot_general3A_37 = arith.constant dense<0.000000e+00> : vector<2000x128xf32>
    %dot_general3A_38 = tpu.matmul %concatenate3A_33, %get3A_36, %dot_general3A_37 {dimension_numbers = #tpu.dot_dimension_numbers<[1], [0], [0], [1], [0, 0, 1, 1], [], []>, transpose_lhs_hint = false} : vector<2000x258xf32>, vector<258x128xf32>, vector<2000x128xf32> -> vector<2000x128xf32>
    %get3A_39 = arith.constant 0 : index
    %get3A_40 = arith.constant 0 : index
    %get3A_41 = vector.load %arg11[%get3A_39, %get3A_40] : memref<1x128xf32, #tpu.memory_space<vmem>>, vector<1x128xf32>
    %add3A_42 = vector.broadcast %get3A_41 : vector<1x128xf32> to vector<2000x128xf32>
    %add3A_43 = arith.addf %dot_general3A_38, %add3A_42 : vector<2000x128xf32>
    %max3A = arith.constant 0.000000e+00 : f32
    %max3A_44 = vector.broadcast %max3A : f32 to vector<2000x128xf32>
    %max3A_45 = arith.maximumf %add3A_43, %max3A_44 : vector<2000x128xf32>
    %get3A_46 = arith.constant 0 : index
    %get3A_47 = arith.constant 0 : index
    %get3A_48 = vector.load %arg12[%get3A_46, %get3A_47] : memref<128x1xf32, #tpu.memory_space<vmem>>, vector<128x1xf32>
    %dot_general3A_49 = arith.constant dense<0.000000e+00> : vector<2000x1xf32>
    %dot_general3A_50 = tpu.matmul %max3A_45, %get3A_48, %dot_general3A_49 {dimension_numbers = #tpu.dot_dimension_numbers<[1], [0], [0], [1], [0, 0, 1, 1], [], []>, transpose_lhs_hint = false} : vector<2000x128xf32>, vector<128x1xf32>, vector<2000x1xf32> -> vector<2000x1xf32>
    %get3A_51 = arith.constant 0 : index
    %get3A_52 = arith.constant 0 : index
    %get3A_53 = vector.load %arg13[%get3A_51, %get3A_52] : memref<1x1xf32, #tpu.memory_space<vmem>>, vector<1x1xf32>
    %add3A_54 = vector.broadcast %get3A_53 : vector<1x1xf32> to vector<2000x1xf32>
    %add3A_55 = arith.addf %dot_general3A_50, %add3A_54 : vector<2000x1xf32>
    %neg3A = arith.constant 0.000000e+00 : f32
    %neg3A_56 = vector.broadcast %neg3A : f32 to vector<2000x1xf32>
    %neg3A_57 = arith.subf %neg3A_56, %add3A_55 : vector<2000x1xf32>
    %exp3A = math.exp %neg3A_57 : vector<2000x1xf32>
    %add3A_58 = arith.constant 1.000000e+00 : f32
    %add3A_59 = vector.broadcast %add3A_58 : f32 to vector<2000x1xf32>
    %add3A_60 = arith.addf %add3A_59, %exp3A : vector<2000x1xf32>
    %div3A = arith.constant 1.000000e+00 : f32
    %div3A_61 = vector.broadcast %div3A : f32 to vector<2000x1xf32>
    %div3A_62 = arith.divf %div3A_61, %add3A_60 : vector<2000x1xf32>
    %mul3A_63 = vector.broadcast %div3A_62 : vector<2000x1xf32> to vector<2000x256xf32>
    %mul3A_64 = arith.mulf %add3A_25, %mul3A_63 : vector<2000x256xf32>
    %get3A_65 = arith.constant 0 : index
    %get3A_66 = arith.constant 0 : index
    %get3A_67 = vector.load %arg14[%get3A_65, %get3A_66] : memref<256x128xf32, #tpu.memory_space<vmem>>, vector<256x128xf32>
    %dot_general3A_68 = arith.constant dense<0.000000e+00> : vector<2000x128xf32>
    %dot_general3A_69 = tpu.matmul %mul3A_64, %get3A_67, %dot_general3A_68 {dimension_numbers = #tpu.dot_dimension_numbers<[1], [0], [0], [1], [0, 0, 1, 1], [], []>, transpose_lhs_hint = false} : vector<2000x256xf32>, vector<256x128xf32>, vector<2000x128xf32> -> vector<2000x128xf32>
    %get3A_70 = arith.constant 0 : index
    %get3A_71 = arith.constant 0 : index
    %get3A_72 = vector.load %arg15[%get3A_70, %get3A_71] : memref<1x128xf32, #tpu.memory_space<vmem>>, vector<1x128xf32>
    %add3A_73 = vector.broadcast %get3A_72 : vector<1x128xf32> to vector<2000x128xf32>
    %add3A_74 = arith.addf %dot_general3A_69, %add3A_73 : vector<2000x128xf32>
    %max3A_75 = arith.constant 0.000000e+00 : f32
    %max3A_76 = vector.broadcast %max3A_75 : f32 to vector<2000x128xf32>
    %max3A_77 = arith.maximumf %add3A_74, %max3A_76 : vector<2000x128xf32>
    %get3A_78 = arith.constant 0 : index
    %get3A_79 = arith.constant 0 : index
    %get3A_80 = vector.load %arg16[%get3A_78, %get3A_79] : memref<128x1xf32, #tpu.memory_space<vmem>>, vector<128x1xf32>
    %dot_general3A_81 = arith.constant dense<0.000000e+00> : vector<2000x1xf32>
    %dot_general3A_82 = tpu.matmul %max3A_77, %get3A_80, %dot_general3A_81 {dimension_numbers = #tpu.dot_dimension_numbers<[1], [0], [0], [1], [0, 0, 1, 1], [], []>, transpose_lhs_hint = false} : vector<2000x128xf32>, vector<128x1xf32>, vector<2000x1xf32> -> vector<2000x1xf32>
    %get3A_83 = arith.constant 0 : index
    %get3A_84 = arith.constant 0 : index
    %get3A_85 = vector.load %arg17[%get3A_83, %get3A_84] : memref<1x1xf32, #tpu.memory_space<vmem>>, vector<1x1xf32>
    %add3A_86 = vector.broadcast %get3A_85 : vector<1x1xf32> to vector<2000x1xf32>
    %add3A_87 = arith.addf %dot_general3A_82, %add3A_86 : vector<2000x1xf32>
    %swap3A = arith.constant 0 : index
    %swap3A_88 = arith.constant 0 : index
    %swap3A_89 = vector.load %arg18[%swap3A, %swap3A_88] : memref<2000x1xf32, #tpu.memory_space<vmem>>, vector<2000x1xf32>
    tpu.vector_store %arg18[%swap3A, %swap3A_88], %add3A_87 {strides = array<i32>} : memref<2000x1xf32, #tpu.memory_space<vmem>>, vector<2000x1xf32>,
    return
  }
  func.func @transform_0(%arg0: i32) -> (i32, i32) {
    %c0_i32 = arith.constant 0 : i32
    %c0_i32_0 = arith.constant 0 : i32
    return %arg0, %c0_i32 : i32, i32
  }
  func.func @transform_1(%arg0: i32) -> (i32, i32) {
    %add3A = arith.constant 5 : i32
    %add3A_0 = arith.addi %arg0, %add3A : i32
    %c0_i32 = arith.constant 0 : i32
    %c0_i32_1 = arith.constant 0 : i32
    return %add3A_0, %c0_i32 : i32, i32
  }
  func.func @transform_2(%arg0: i32) -> (i32, i32) {
    %c0_i32 = arith.constant 0 : i32
    %c0_i32_0 = arith.constant 0 : i32
    return %arg0, %c0_i32 : i32, i32
  }
  func.func @transform_3(%arg0: i32) -> (i32, i32) {
    %c0_i32 = arith.constant 0 : i32
    %c0_i32_0 = arith.constant 0 : i32
    return %arg0, %c0_i32 : i32, i32
  }
  func.func @transform_4(%arg0: i32) -> (i32, i32) {
    %c0_i32 = arith.constant 0 : i32
    %c0_i32_0 = arith.constant 0 : i32
    return %arg0, %c0_i32 : i32, i32
  }
  func.func @transform_5(%arg0: i32) -> (i32, i32) {
    %c0_i32 = arith.constant 0 : i32
    %c0_i32_0 = arith.constant 0 : i32
    return %arg0, %c0_i32 : i32, i32
  }
  func.func @transform_6(%arg0: i32) -> (i32, i32) {
    %c0_i32 = arith.constant 0 : i32
    %c0_i32_0 = arith.constant 0 : i32
    %c0_i32_1 = arith.constant 0 : i32
    return %c0_i32, %c0_i32_0 : i32, i32
  }
  func.func @transform_7(%arg0: i32) -> (i32, i32) {
    %c0_i32 = arith.constant 0 : i32
    %c0_i32_0 = arith.constant 0 : i32
    %c0_i32_1 = arith.constant 0 : i32
    return %c0_i32, %c0_i32_0 : i32, i32
  }
  func.func @transform_8(%arg0: i32) -> (i32, i32) {
    %c0_i32 = arith.constant 0 : i32
    %c0_i32_0 = arith.constant 0 : i32
    %c0_i32_1 = arith.constant 0 : i32
    return %c0_i32, %c0_i32_0 : i32, i32
  }
  func.func @transform_9(%arg0: i32) -> (i32, i32) {
    %c0_i32 = arith.constant 0 : i32
    %c0_i32_0 = arith.constant 0 : i32
    %c0_i32_1 = arith.constant 0 : i32
    return %c0_i32, %c0_i32_0 : i32, i32
  }
  func.func @transform_10(%arg0: i32) -> (i32, i32) {
    %c0_i32 = arith.constant 0 : i32
    %c0_i32_0 = arith.constant 0 : i32
    %c0_i32_1 = arith.constant 0 : i32
    return %c0_i32, %c0_i32_0 : i32, i32
  }
  func.func @transform_11(%arg0: i32) -> (i32, i32) {
    %c0_i32 = arith.constant 0 : i32
    %c0_i32_0 = arith.constant 0 : i32
    %c0_i32_1 = arith.constant 0 : i32
    return %c0_i32, %c0_i32_0 : i32, i32
  }
  func.func @transform_12(%arg0: i32) -> (i32, i32) {
    %c0_i32 = arith.constant 0 : i32
    %c0_i32_0 = arith.constant 0 : i32
    %c0_i32_1 = arith.constant 0 : i32
    return %c0_i32, %c0_i32_0 : i32, i32
  }
  func.func @transform_13(%arg0: i32) -> (i32, i32) {
    %c0_i32 = arith.constant 0 : i32
    %c0_i32_0 = arith.constant 0 : i32
    %c0_i32_1 = arith.constant 0 : i32
    return %c0_i32, %c0_i32_0 : i32, i32
  }
  func.func @transform_14(%arg0: i32) -> (i32, i32) {
    %c0_i32 = arith.constant 0 : i32
    %c0_i32_0 = arith.constant 0 : i32
    %c0_i32_1 = arith.constant 0 : i32
    return %c0_i32, %c0_i32_0 : i32, i32
  }
  func.func @transform_15(%arg0: i32) -> (i32, i32) {
    %c0_i32 = arith.constant 0 : i32
    %c0_i32_0 = arith.constant 0 : i32
    %c0_i32_1 = arith.constant 0 : i32
    return %c0_i32, %c0_i32_0 : i32, i32
  }
  func.func @transform_16(%arg0: i32) -> (i32, i32) {
    %c0_i32 = arith.constant 0 : i32
    %c0_i32_0 = arith.constant 0 : i32
    %c0_i32_1 = arith.constant 0 : i32
    return %c0_i32, %c0_i32_0 : i32, i32
  }
  func.func @transform_17(%arg0: i32) -> (i32, i32) {
    %c0_i32 = arith.constant 0 : i32
    %c0_i32_0 = arith.constant 0 : i32
    return %arg0, %c0_i32 : i32, i32
  }
}

</mosaic_0001>

<sc_bundles>
// kernel: kernel.10.cloned.1.call-start
scs
__scs_entry_jumppad:
0x0: {  	(pc) =	sbr.rel $0x88, $3  }
0x1: {  	(tag) =	ssettag $0x0;
	lr =	simm.s32 $0x1  }
0x2: {  	[smem:$0x3F87] =	sst lr;
	_ =	strace $0xD0000000  }
0x3: {  	_ = 	snop  }
0x4: {  	_ = 	snop  }
0x5: {  	_ = 	snop  }
0x6: {  	_ = 	snop  }
0x7: {  	_ = 	snop  }
__scs_overlays_trampoline_lowered:
0x8: {  	[smem:$0x3F96] =	sst s0  }
0x9: {  	[smem:$0x3F97] =	sst s1  }
0xa: {  	[smem:$0x3F98] =	sst s2  }
0xb: {  	[smem:$0x3F99] =	sst s3  }
0xc: {  	[smem:$0x3F9A] =	sst s4  }
0xd: {  	[smem:$0x3F9B] =	sst s5  }
0xe: {  	[smem:$0x3F9C] =	sst s6  }
0xf: {  	[smem:$0x3F9D] =	sst s7  }
0x10: {  	[smem:$0x3F9E] =	sst s8  }
0x11: {  	[smem:$0x3F9F] =	sst s9;
	s0 =	simm.s32 @!p0 $0x0  }
0x12: {  	s1 =	sld [smem:$0x3F85];
	s0 =	simm.s32 @p0 $0x1  }
0x13: {  	[smem:$0x3FA0] =	sst s0;
	s0 =	simm.s32 @!p1 $0x0  }
0x14: {  	s2 =	sld [smem:$0x3F84];
	s0 =	simm.s32 @p1 $0x1  }
0x15: {  	[smem:$0x3FA1] =	sst s0;
	s0 =	simm.s32 @!p2 $0x0  }
0x16: {  	s3 =	sld [smem:$0x3FDB];
	s0 =	simm.s32 @p2 $0x1  }
0x17: {  	s4 =	simm.s32 $0x1BF5;
	[smem:$0x3FA3] =	sst s0  }
0x18: {  	s0 =	sld [smem:$0x3F86];
	_ =	swait.ge [sflag:s4], $0x0  }
0x19: {  	s7 =	sld [smem:$0x3F87]  }
0x1a: {  	s8 =	sadd.s32 $0xFFFFE003, lr  }
0x1b: {  	s9 =	sadd.s32 $0xFFFFFEF7, lr;
	s5 =	simm.s32 $0xFFFFFFFF;
	p2 =	slt.u32 s8, $0xFFFFF086  }
0x1c: {  	p1 =	slt.u32 s9, $0xF7A;
	s5 =	simm.s32 @!p2 $0x0  }
0x1d: {  	s5 =	simm.s32 @p1 $0x1;
	p0 =	seq.s32 s7, s2  }
0x1e: {  	s7 =	smul.u32 @!p0 $0xF7A, s2;
	p2 =	seq.s32 @!p0 s5, $0x0  }
0x1f: {  	s9 =	smul.u32 $0xF7A, s1;
	s8 =	simm.s32 @!p0 $0x1BF5;
	p2 =	por !p2, p0  }
0x20: {  	[sflag:s8] =	ssyncset.s32 @!p0 $0xFFFFF086;
	s6 =	sadd.s32 @!p0 s3, s7;
	s7 =	simm.s32 @!p0 $0x108  }
0x21: {  	s3 =	sadd.s32 s3, s9;
	s6 =	sadd.s32 @!p0 $0x88, s6;
	s7 =	simm.s32 @p2 $0x1082  }
0x22: {  	[simem:s7], [sflag:s8] =	dma.local @!p0 [hbm:s6], $0xF7A  }
0x23: {  	s9 =	sor.u32 $0xD0000000, s2;
	s6 =	simm.s32 $0x108;
	_ =	swait.ge @!p0 [sflag:s8], $0x0  }
0x24: {  	s3 =	sadd.s32 $0x88, s3;
	s6 =	simm.s32 @!p1 $0x1082;
	[sflag:s4] =	ssyncset.s32 $0xFFFFF086  }
0x25: {  	[simem:s6], [sflag:s4] =	dma.local [hbm:s3], $0xF7A  }
0x26: {  	[smem:$0x3F87] =	sst s1;
	(tag) =	ssettag s2;
	_ =	strace s9  }
0x27: {  	s1 =	sld [smem:$0x3F97]  }
0x28: {  	s2 =	sld [smem:$0x3F98]  }
0x29: {  	s4 =	sld [smem:$0x3F9A]  }
0x2a: {  	p0 =	seq.s32 s5, $0x0;
	s5 =	sld [smem:$0x3F9B]  }
0x2b: {  	s6 =	sld [smem:$0x3F9C]  }
0x2c: {  	s7 =	sld [smem:$0x3F9D]  }
0x2d: {  	s3 =	simm.s32 $0x108;
	s8 =	sld [smem:$0x3F9E]  }
0x2e: {  	s3 =	simm.s32 @!p0 $0x1082;
	s9 =	sld [smem:$0x3F9F]  }
0x2f: {  	lr =	sadd.s32 s0, s3;
	s0 =	sld [smem:$0x3F96]  }
0x30: {  	s3 =	sld [smem:$0x3F99]  }
0x31: {  	[smem:$0x3FA2] =	sst s10  }
0x32: {  	s10 =	sld [smem:$0x3FA0];
	_ =	sdelay $0x3  }
0x33: {  	p0 =	seq.s32 s10, $0x1;
	s10 =	sld [smem:$0x3FA2];
	_ =	sdelay $0x3  }
0x34: {  	[smem:$0x3FA2] =	sst s10  }
0x35: {  	s10 =	sld [smem:$0x3FA1];
	_ =	sdelay $0x3  }
0x36: {  	p1 =	seq.s32 s10, $0x1;
	s10 =	sld [smem:$0x3FA2];
	_ =	sdelay $0x3  }
0x37: {  	[smem:$0x3FA2] =	sst s10  }
0x38: {  	s10 =	sld [smem:$0x3FA3]  }
0x39: {  	_ = 	snop;
	(pc) =	sbr.ind lr, $3  }
0x3a: {  	_ = 	snop  }
0x3b: {  	_ = 	snop  }
0x3c: {  	p2 =	seq.s32 s10, $0x1;
	s10 =	sld [smem:$0x3FA2]  }
0x3d: {  	_ =	shalt  }
0x3e: {  	_ =	shalt  }
0x3f: {  	_ =	shalt  }
0x40: {  	_ =	shalt  }
0x41: {  	_ =	shalt  }
0x42: {  	_ =	shalt  }
0x43: {  	_ =	shalt  }
0x44: {  	_ =	shalt  }
0x45: {  	_ =	shalt  }
0x46: {  	_ =	shalt  }
0x47: {  	_ =	shalt  }
0x48: {  	_ =	shalt  }
0x49: {  	_ =	shalt  }
0x4a: {  	_ =	shalt  }
0x4b: {  	_ =	shalt  }
0x4c: {  	_ =	shalt  }
0x4d: {  	_ =	shalt  }
0x4e: {  	_ =	shalt  }
0x4f: {  	_ =	shalt  }
0x50: {  	_ =	shalt  }
0x51: {  	_ =	shalt  }
0x52: {  	_ =	shalt  }
0x53: {  	_ =	shalt  }
0x54: {  	_ =	shalt  }
0x55: {  	_ =	shalt  }
0x56: {  	_ =	shalt  }
0x57: {  	_ =	shalt  }
0x58: {  	_ =	shalt  }
0x59: {  	_ =	shalt  }
0x5a: {  	_ =	shalt  }
0x5b: {  	_ =	shalt  }
0x5c: {  	_ =	shalt  }
0x5d: {  	_ =	shalt  }
0x5e: {  	_ =	shalt  }
0x5f: {  	_ =	shalt  }
0x60: {  	_ =	shalt  }
0x61: {  	_ =	shalt  }
0x62: {  	_ =	shalt  }
0x63: {  	_ =	shalt  }
0x64: {  	_ =	shalt  }
0x65: {  	_ =	shalt  }
0x66: {  	_ =	shalt  }
0x67: {  	_ =	shalt  }
0x68: {  	_ =	shalt  }
0x69: {  	_ =	shalt  }
0x6a: {  	_ =	shalt  }
0x6b: {  	_ =	shalt  }
0x6c: {  	_ =	shalt  }
0x6d: {  	_ =	shalt  }
0x6e: {  	_ =	shalt  }
0x6f: {  	_ =	shalt  }
0x70: {  	_ =	shalt  }
0x71: {  	_ =	shalt  }
0x72: {  	_ =	shalt  }
0x73: {  	_ =	shalt  }
0x74: {  	_ =	shalt  }
0x75: {  	_ =	shalt  }
0x76: {  	_ =	shalt  }
0x77: {  	_ =	shalt  }
0x78: {  	_ =	shalt  }
0x79: {  	_ =	shalt  }
0x7a: {  	_ =	shalt  }
0x7b: {  	_ =	shalt  }
0x7c: {  	_ =	shalt  }
0x7d: {  	_ =	shalt  }
0x7e: {  	_ =	shalt  }
0x7f: {  	_ =	shalt  }
0x80: {  	_ =	shalt  }
0x81: {  	_ =	shalt  }
0x82: {  	_ =	shalt  }
0x83: {  	_ =	shalt  }
0x84: {  	_ =	shalt  }
0x85: {  	_ =	shalt  }
0x86: {  	_ =	shalt  }
0x87: {  	_ =	shalt  }
.Lfunc_end0:
.L_simem_size_0:
called_computation_lowered:
.L_overlay_start_0:
0x88: {  	s2 =	sld [smem:$0x3FD9]  }
0x89: {  	s3 =	sld [smem:$0x3FFE];
	_ =	sdelay $0x1  }
0x8a: {  	s1 =	srdreg.scid  }
0x8b: {  	s0 =	sand.u32 $0x1, s1  }
0x8c: {  	s16 =	sshll.u32 s0, $0xA;
	s2 =	sadd.s32 s3, s2  }
0x8d: {  	s2 =	sadd.s32 s2, s16  }
0x8e: {  	[smem:$0x3FAE] =	sst s2  }
0x8f: {  	_ = 	snop  }
0x90: {  	(tm) =	ssettm $0x1  }
0x91: {  	s17 =	sld [smem:$0x3FFB];
	_ =	sdelay $0x3  }
0x92: {  	_ =	strace s17  }
0x93: {  	s2 =	sld [smem:$0x3FFC];
	_ =	sdelay $0x3  }
0x94: {  	_ =	strace s2  }
0x95: {  	s2 =	sld [smem:$0x3FFD];
	_ =	sdelay $0x3  }
0x96: {  	_ =	strace s2  }
0x97: {  	_ =	strace $0x8FFFFFFF  }
0x98: {  	s18 =	sld [smem:$0x3FDB];
	_ =	sdelay $0x1  }
0x99: {  	s19 =	simm.s32 $_scs_section_size  }
0x9a: {  	s4 =	simm.s32 $_size__tile_overlayer_lowered;
	s5 =	simm.s32 $_tile_overlayer_lowered  }
0x9b: {  	s22 =	simm.s32 $0x1BFF;
	s21 =	sshll.u32 s5, $0x1;
	s2 =	sadd.s32 s19, s18  }
0x9c: {  	s6 =	simm.s32 $0x0;
	s20 =	sshll.u32 s4, $0x1;
	s4 =	sadd.s32 s21, s2  }
0x9d: {  	[timem:s6], [sflag:s22] =	dma.local [hbm:s4], s20  }
0x9e: {  	_ =	swait.ge [sflag:s22], s20  }
0x9f: {  	s3 =	ssub.s32 $0x0, s20;
	[sflag:s22] =	ssyncset.done $0x0  }
0xa0: {  	[sflag:s22] =	ssyncadd.s32 s3;
	_ =	sdelay $0x1  }
0xa1: {  	s23 =	simm.s32 $0x1B8B  }
0xa2: {  	_ =	swait.ge [sflag:s23], $0x1  }
0xa3: {  	[sflag:s23] =	ssyncset.done $0x0  }
0xa4: {  	s25 =	simm.s32 $0x1B8E;
	s24 =	sld [smem:$0x3FFE];
	[sflag:s23] =	ssyncadd.s32 $0xFFFFFFFF  }
0xa5: {  	s26 =	simm.s32 $execute0_lowered;
	[smem:$0x3FD2] =	sst s25  }
0xa6: {  	s4 =	sshll.u32 s26, $0x1;
	_ =	strace $0x80000046;
	[dreg:$0x1] =	wrdreg $0xFFFFFFFF  }
0xa7: {  	s28 =	simm.s32 $_size_execute0_lowered;
	s2 =	sadd.s32 s2, s4;
	[dreg:$0x0] =	wrdreg $0x0  }
0xa8: {  	s4 =	sshll.u32 s28, $0x1;
	[dreg:$0x2] =	wrdreg s2  }
0xa9: {  	[dreg:$0x3] =	wrdreg s4  }
0xaa: {  	[dreg:$0x4] =	wrdreg $0xC0  }
0xab: {  	_ =	task [dreg:s6], $0x5FFFF  }
0xac: {  	[dreg:$0x1] =	wrdreg $0xFFFFFFFF  }
0xad: {  	[dreg:$0x0] =	wrdreg $0x60  }
0xae: {  	[dreg:$0x2] =	wrdreg s24  }
0xaf: {  	[dreg:$0x3] =	wrdreg $0x2FA00  }
0xb0: {  	[dreg:$0x4] =	wrdreg $0x9  }
0xb1: {  	_ =	task.clear_ibuf [dreg:s6], $0x5FFFF;
	_ =	strace $0x90000046  }
0xb2: {  	s29 =	simm.s32 $0x9;
	_ =	strace $0x80000048  }
0xb3: {  	_ =	swait.ge [sflag:s29], $0x1  }
0xb4: {  	[sflag:s29] =	ssyncadd.s32 $0xFFFFFFFF  }
0xb5: {  	_ =	strace $0x90000048  }
0xb6: {  	_ =	sfence  }
0xb7: {  	s30 =	sld [smem:$0x0];
	_ =	sdelay $0x2  }
0xb8: {  	s31 =	sshll.u32 s1, $0xD;
	s1 =	sshrl.u32 s1, $0x2  }
0xb9: {  	s3 =	sand.u32 $0x4000, s31;
	s1 =	sadd.s32 s1, s30  }
0xba: {  	s0 =	sor.u32 s3, s0;
	s1 =	sshll.u32 s1, $0x11  }
0xbb: {  	s0 =	sor.u32 s1, s0  }
0xbc: {  	s0 =	sadd.s32 $0x8F2B, s0  }
0xbd: {  	[sflag:s0] =	ssyncadd.remote.s32 $0x1  }
0xbe: {  	_ =	sfence.sel $0xFFFF  }
0xbf: {  	[dreg:$0x0] =	wrdreg $0xFFFFFFFF;
	(pc) =	sbr.abs _section_cstart, $3  }
0xc0: {  	[dreg:$0x1] =	wrdreg $0xFFFFFFFF  }
0xc1: {  	_ =	task.clear_ibuf [dreg:s6], $0x2FFFF;
	_ =	strace $0x9FFFFFFF  }
0xc2: {  	(tm) =	ssettm $0x7FFFFFFF  }
0xc3: {  	_ =	shalt  }
tec
execute0_lowered:
.L_overlay_start_1:
0x0: {  	(tag) =	ssettag $0x1  }
0x1: {  	s5 =	rddreg [dreg:$0x0]  }
0x2: {  	s1 =	rddreg [dreg:$0x1]  }
0x3: {  	s0 =	rddreg [dreg:$0x2];
	s3 =	simm.s32 $0x0  }
0x4: {  	s4 =	srdreg.scid;
	s2 =	stileid.u32;
	s14 =	simm.s32 $0x90  }
0x5: {  	s15 =	simm.s32 $0x10;
	s16 =	simm.s32 $0x890;
	s17 =	simm.s32 $0x0  }
0x6: {  	[smem:$0x7FF] =	sst s3;
	s6 =	sand.u32 $0x1, s4;
	s7 =	smul.u32 $0x4E2, s2  }
0x7: {  	s10 =	sadd.s32 $0xF600, s5;
	s9 =	sshll.u32 s2, $0x1;
	s11 =	smul.u32 $0x9C40, s2  }
0x8: {  	s4 =	sadd.s32 $0x19400, s5;
	s26 =	smul.u32 $0x4E20, s2;
	s30 =	sshll.u32 s2, $0x6  }
0x9: {  	_ =	strace $0x80000047;
	s8 =	smul.u32 $0x4E20, s6;
	s9 =	sor.u32 s6, s9  }
0xa: {  	s24 =	ssub.s32 $0x2, s6;
	s29 =	smul.u32 $0x2710, s6;
	s6 =	sor.u32 $0x1C01, s30  }
0xb: {  	s9 =	smul.u32 $0x2710, s9;
	s25 =	sshrl.u32 s24, $0x1;
	s28 =	sshrl.u32 s11, $0x2  }
0xc: {  	s7 =	sadd.s32 s7, s8;
	s13 =	ssub.s32 s24, s25;
	s31 =	sadd.s32 s29, s26  }
0xd: {  	s12 =	sadd.s32 s7, s5;
	s5 =	sadd.s32 s28, s1;
	s9 =	sshrl.u32 s9, $0x3  }
0xe: {  	s11 =	sshrl.u32 s31, $0x3;
	s9 =	sadd.s32 s10, s9;
	s8 =	sadd.s32 $0x19A00, s12  }
0xf: {  	v0 =	vimm.f32 $0.0e+00;
	vm0 =	vcmask $0x300;
	s10 =	sadd.s32 s11, s10;
	s11 =	sshrl.u32 s5, $0x3;
	s12 =	simm.s32 $0x1  }
0x10: {  	v0 =	vsel vm0, $0x3F800000, v0;
	s7 =	sadd.s32 $0x4E0, s9;
	s9 =	smax.u32 s13, $0x1;
	s13 =	simm.s32 $0x80  }
.LBB2_1:
0x11: {  	s18 =	simm.s32 $0x40;
	s19 =	simm.s32 $0x0  }
.LBB2_2:
0x12: {  	p0 =	sne.s32 s18, $0x1FC0;
	[tilespmem:s19+$0x90] =	vst v0;
	s19 =	smov.u32 s18;
	s18 =	sadd.s32 $0x40, s18  }
.Ltmp0:
0x13: {  	(pc) =	sbr.rel @p0 .LBB2_2-.Ltmp0, $2  }
0x14: {  	_ =	sdelay $0x2  }
0x15: {  	s19 =	sshra.s32 s19, $0x2  }
0x16: {  	[tilespmem:s19+$0x90] =	vst v0  }
0x17: {  	[spmem:s11], [sflag:s6] =	dma.local [hbm:s4], $0x4E2  }
0x18: {  	_ =	swait.ge [sflag:s12], $0x4E2  }
0x19: {  	[sflag:s12] =	ssyncset.done $0x0  }
0x1a: {  	[sflag:s12] =	ssyncadd.s32 $0xFFFFFB1E  }
0x1b: {  	s18 =	sadd.s32 $0x0, s10;
	[bflag:$0x0] =	sbarrier.arrive $0xFFFF  }
0x1c: {  	[tilespmem:s3], [sflag:$0x1] =	stream.linear.gather [hbm4b:s18+s3], $0x80, $0x38;
	[tilespmem:$0x56B0] =	vst v63  }
0x1d: {  	_ =	swait.ge [sflag:s12], $0x80  }
0x1e: {  	[sflag:s12] =	ssyncset.done $0x0  }
0x1f: {  	[sflag:s12] =	ssyncadd.s32 $0xFFFFFF80  }
0x20: {  	[spmem:s1] =	stream.indirect.scatter.add.f32 [tilespmem:s14], [sflag:$0x1], $0x10, s3, s13, $0xb8;
	[tilespmem:$0x56B0] =	vst v63  }
0x21: {  	_ =	swait.ge [sflag:s12], $0x800  }
0x22: {  	s19 =	simm.s32 $0x20;
	s18 =	simm.s32 $0x10;
	[sflag:s12] =	ssyncset.done $0x0  }
.LBB2_4:
0x23: {  	s20 =	sadd.s32 s18, s10  }
0x24: {  	[sflag:s12] =	ssyncadd.s32 $0xFFFFF800;
	s18 =	smov.u32 s19;
	s21 =	sadd.s32 $0x10, s19  }
0x25: {  	[tilespmem:s3], [sflag:$0x1] =	stream.linear.gather [hbm4b:s20+s3], $0x80, $0x38;
	[tilespmem:$0x56B0] =	vst v63  }
0x26: {  	p0 =	sne.s32 s19, $0x4D0;
	_ =	swait.ge [sflag:s12], $0x80  }
.Ltmp1:
0x27: {  	[sflag:s12] =	ssyncset.done $0x0;
	(pc) =	sbr.rel @p0 .LBB2_4-.Ltmp1, $4  }
0x28: {  	[sflag:s12] =	ssyncadd.s32 $0xFFFFFF80  }
0x29: {  	[spmem:s1] =	stream.indirect.scatter.add.f32 [tilespmem:s14], [sflag:$0x1], $0x10, s3, s13, $0xb8;
	[tilespmem:$0x56B0] =	vst v63  }
0x2a: {  	_ =	swait.ge [sflag:s12], $0x800  }
0x2b: {  	s19 =	smov.u32 s21;
	[sflag:s12] =	ssyncset.done $0x0  }
0x2c: {  	s18 =	sadd.s32 s18, s10;
	[sflag:s12] =	ssyncadd.s32 $0xFFFFF800  }
0x2d: {  	[tilespmem:s3], [sflag:$0x1] =	stream.linear.gather [hbm4b:s18+s3], $0x80, $0x38;
	[tilespmem:$0x56B0] =	vst v63  }
0x2e: {  	_ =	swait.ge [sflag:s12], $0x80  }
0x2f: {  	[sflag:s12] =	ssyncset.done $0x0  }
0x30: {  	[sflag:s12] =	ssyncadd.s32 $0xFFFFFF80  }
0x31: {  	[spmem:s1] =	stream.indirect.scatter.add.f32 [tilespmem:s14], [sflag:$0x1], $0x10, s3, s13, $0xb8;
	[tilespmem:$0x56B0] =	vst v63  }
0x32: {  	_ =	swait.ge [sflag:s12], $0x800  }
0x33: {  	[sflag:s12] =	ssyncset.done $0x0  }
0x34: {  	[sflag:s12] =	ssyncadd.s32 $0xFFFFF800  }
0x35: {  	[tilespmem:s13], [sflag:$0x1] =	stream.linear.gather [hbm4b:s7+s3], $0x10, $0x38;
	[tilespmem:$0x56B0] =	vst v63  }
0x36: {  	_ =	swait.ge [sflag:s12], $0x10  }
0x37: {  	[sflag:s12] =	ssyncset.done $0x0  }
0x38: {  	[sflag:s12] =	ssyncadd.s32 $0xFFFFFFF0  }
0x39: {  	[spmem:s1] =	stream.indirect.scatter.add.f32 [tilespmem:s14], [sflag:$0x1], $0x10, s13, s15, $0xb8;
	[tilespmem:$0x56B0] =	vst v63  }
0x3a: {  	_ =	swait.ge [sflag:s12], $0x100  }
0x3b: {  	[sflag:s12] =	ssyncset.done $0x0  }
0x3c: {  	[sflag:s12] =	ssyncadd.s32 $0xFFFFFF00  }
0x3d: {  	[bflag:$0x0] =	sbarrier.arrive $0xFFFF  }
0x3e: {  	[tilespmem:s16], [sflag:$0x1] =	stream.linear.gather [spmem:s5], $0x2710, $0x38;
	[tilespmem:$0x56B0] =	vst v63  }
0x3f: {  	s17 =	sadd.s32 $0x1, s17;
	_ =	swait.ge [sflag:s12], $0x2710  }
0x40: {  	p0 =	sne.s32 s17, s9;
	[sflag:s12] =	ssyncset.done $0x0  }
.Ltmp2:
0x41: {  	[sflag:s12] =	ssyncadd.s32 $0xFFFFD8F0;
	(pc) =	sbr.rel @p0 .LBB2_1-.Ltmp2, $4  }
0x42: {  	[hbm4b:s8+s3] =	stream.linear.scatter [tilespmem:s16], [sflag:$0x1], $0x2710, $0x38;
	[tilespmem:$0x56B0] =	vst v63  }
0x43: {  	_ =	swait.ge [sflag:s12], $0x2710  }
0x44: {  	[sflag:s12] =	ssyncset.done $0x0  }
0x45: {  	[sflag:s12] =	ssyncadd.s32 $0xFFFFD8F0  }
0x46: {  	_ =	sfence.sel $0x180000  }
0x47: {  	[bflag:$0x0] =	sbarrier.arrive $0xFFFF  }
0x48: {  	p0 =	sne.s32 s2, $0x0;
	_ =	strace $0x90000047  }
0x49: {  	s0 =	sadd.s32 @!p0 $0x100000, s0;
	[bflag:$0x2] =	sbarrier.arrive $0xFFFF  }
0x4a: {  	[sflag:s0] =	ssyncadd.tile.s32 @!p0 $0x1;
	_ =	shalt  }
.Lfunc_end2:
_tile_overlayer_lowered:
.L_overlay_start_2:
0x4b: {  	(tag) =	ssettag $0x2  }
0x4c: {  	s0 =	rddreg [dreg:$0x0];
	s2 =	stileid.u32  }
0x4d: {  	s1 =	rddreg [dreg:$0x1];
	p0 =	sne.s32 s2, $0x0  }
0x4e: {  	s3 =	rddreg [dreg:$0x2];
	[bflag:$0x3] =	sbarrier.arrive $0xFFFF;
	s2 =	simm.s32 @!p0 $0x1C01  }
0x4f: {  	[timem:s3], [sflag:s2] =	dma.local @!p0 [hbm:s0], s1  }
0x50: {  	s0 =	simm.s32 @!p0 $0x1  }
0x51: {  	_ =	swait.ge @!p0 [sflag:s0], s1  }
0x52: {  	s1 =	ssub.s32 @!p0 $0x0, s1;
	[sflag:s0] =	ssyncset.done @!p0 $0x0  }
0x53: {  	[sflag:s0] =	ssyncadd.s32 @!p0 s1  }
0x54: {  	[bflag:$0x3] =	sbarrier.arrive $0xFFFF  }
0x55: {  	_ =	shalt  }

// kernel: kernel.13.cloned.1.call-start
scs
__scs_entry_jumppad:
0x0: {  	(pc) =	sbr.rel $0x88, $3  }
0x1: {  	(tag) =	ssettag $0x0;
	lr =	simm.s32 $0x1  }
0x2: {  	[smem:$0x3F87] =	sst lr;
	_ =	strace $0xD0000000  }
0x3: {  	_ = 	snop  }
0x4: {  	_ = 	snop  }
0x5: {  	_ = 	snop  }
0x6: {  	_ = 	snop  }
0x7: {  	_ = 	snop  }
__scs_overlays_trampoline_lowered:
0x8: {  	[smem:$0x3F96] =	sst s0  }
0x9: {  	[smem:$0x3F97] =	sst s1  }
0xa: {  	[smem:$0x3F98] =	sst s2  }
0xb: {  	[smem:$0x3F99] =	sst s3  }
0xc: {  	[smem:$0x3F9A] =	sst s4  }
0xd: {  	[smem:$0x3F9B] =	sst s5  }
0xe: {  	[smem:$0x3F9C] =	sst s6  }
0xf: {  	[smem:$0x3F9D] =	sst s7  }
0x10: {  	[smem:$0x3F9E] =	sst s8  }
0x11: {  	[smem:$0x3F9F] =	sst s9;
	s0 =	simm.s32 @!p0 $0x0  }
0x12: {  	s1 =	sld [smem:$0x3F85];
	s0 =	simm.s32 @p0 $0x1  }
0x13: {  	[smem:$0x3FA0] =	sst s0;
	s0 =	simm.s32 @!p1 $0x0  }
0x14: {  	s2 =	sld [smem:$0x3F84];
	s0 =	simm.s32 @p1 $0x1  }
0x15: {  	[smem:$0x3FA1] =	sst s0;
	s0 =	simm.s32 @!p2 $0x0  }
0x16: {  	s3 =	sld [smem:$0x3FDB];
	s0 =	simm.s32 @p2 $0x1  }
0x17: {  	s4 =	simm.s32 $0x1BF5;
	[smem:$0x3FA3] =	sst s0  }
0x18: {  	s0 =	sld [smem:$0x3F86];
	_ =	swait.ge [sflag:s4], $0x0  }
0x19: {  	s7 =	sld [smem:$0x3F87]  }
0x1a: {  	s8 =	sadd.s32 $0xFFFFE003, lr  }
0x1b: {  	s9 =	sadd.s32 $0xFFFFFEF7, lr;
	s5 =	simm.s32 $0xFFFFFFFF;
	p2 =	slt.u32 s8, $0xFFFFF086  }
0x1c: {  	p1 =	slt.u32 s9, $0xF7A;
	s5 =	simm.s32 @!p2 $0x0  }
0x1d: {  	s5 =	simm.s32 @p1 $0x1;
	p0 =	seq.s32 s7, s2  }
0x1e: {  	s7 =	smul.u32 @!p0 $0xF7A, s2;
	p2 =	seq.s32 @!p0 s5, $0x0  }
0x1f: {  	s9 =	smul.u32 $0xF7A, s1;
	s8 =	simm.s32 @!p0 $0x1BF5;
	p2 =	por !p2, p0  }
0x20: {  	[sflag:s8] =	ssyncset.s32 @!p0 $0xFFFFF086;
	s6 =	sadd.s32 @!p0 s3, s7;
	s7 =	simm.s32 @!p0 $0x108  }
0x21: {  	s3 =	sadd.s32 s3, s9;
	s6 =	sadd.s32 @!p0 $0x88, s6;
	s7 =	simm.s32 @p2 $0x1082  }
0x22: {  	[simem:s7], [sflag:s8] =	dma.local @!p0 [hbm:s6], $0xF7A  }
0x23: {  	s9 =	sor.u32 $0xD0000000, s2;
	s6 =	simm.s32 $0x108;
	_ =	swait.ge @!p0 [sflag:s8], $0x0  }
0x24: {  	s3 =	sadd.s32 $0x88, s3;
	s6 =	simm.s32 @!p1 $0x1082;
	[sflag:s4] =	ssyncset.s32 $0xFFFFF086  }
0x25: {  	[simem:s6], [sflag:s4] =	dma.local [hbm:s3], $0xF7A  }
0x26: {  	[smem:$0x3F87] =	sst s1;
	(tag) =	ssettag s2;
	_ =	strace s9  }
0x27: {  	s1 =	sld [smem:$0x3F97]  }
0x28: {  	s2 =	sld [smem:$0x3F98]  }
0x29: {  	s4 =	sld [smem:$0x3F9A]  }
0x2a: {  	p0 =	seq.s32 s5, $0x0;
	s5 =	sld [smem:$0x3F9B]  }
0x2b: {  	s6 =	sld [smem:$0x3F9C]  }
0x2c: {  	s7 =	sld [smem:$0x3F9D]  }
0x2d: {  	s3 =	simm.s32 $0x108;
	s8 =	sld [smem:$0x3F9E]  }
0x2e: {  	s3 =	simm.s32 @!p0 $0x1082;
	s9 =	sld [smem:$0x3F9F]  }
0x2f: {  	lr =	sadd.s32 s0, s3;
	s0 =	sld [smem:$0x3F96]  }
0x30: {  	s3 =	sld [smem:$0x3F99]  }
0x31: {  	[smem:$0x3FA2] =	sst s10  }
0x32: {  	s10 =	sld [smem:$0x3FA0];
	_ =	sdelay $0x3  }
0x33: {  	p0 =	seq.s32 s10, $0x1;
	s10 =	sld [smem:$0x3FA2];
	_ =	sdelay $0x3  }
0x34: {  	[smem:$0x3FA2] =	sst s10  }
0x35: {  	s10 =	sld [smem:$0x3FA1];
	_ =	sdelay $0x3  }
0x36: {  	p1 =	seq.s32 s10, $0x1;
	s10 =	sld [smem:$0x3FA2];
	_ =	sdelay $0x3  }
0x37: {  	[smem:$0x3FA2] =	sst s10  }
0x38: {  	s10 =	sld [smem:$0x3FA3]  }
0x39: {  	_ = 	snop;
	(pc) =	sbr.ind lr, $3  }
0x3a: {  	_ = 	snop  }
0x3b: {  	_ = 	snop  }
0x3c: {  	p2 =	seq.s32 s10, $0x1;
	s10 =	sld [smem:$0x3FA2]  }
0x3d: {  	_ =	shalt  }
0x3e: {  	_ =	shalt  }
0x3f: {  	_ =	shalt  }
0x40: {  	_ =	shalt  }
0x41: {  	_ =	shalt  }
0x42: {  	_ =	shalt  }
0x43: {  	_ =	shalt  }
0x44: {  	_ =	shalt  }
0x45: {  	_ =	shalt  }
0x46: {  	_ =	shalt  }
0x47: {  	_ =	shalt  }
0x48: {  	_ =	shalt  }
0x49: {  	_ =	shalt  }
0x4a: {  	_ =	shalt  }
0x4b: {  	_ =	shalt  }
0x4c: {  	_ =	shalt  }
0x4d: {  	_ =	shalt  }
0x4e: {  	_ =	shalt  }
0x4f: {  	_ =	shalt  }
0x50: {  	_ =	shalt  }
0x51: {  	_ =	shalt  }
0x52: {  	_ =	shalt  }
0x53: {  	_ =	shalt  }
0x54: {  	_ =	shalt  }
0x55: {  	_ =	shalt  }
0x56: {  	_ =	shalt  }
0x57: {  	_ =	shalt  }
0x58: {  	_ =	shalt  }
0x59: {  	_ =	shalt  }
0x5a: {  	_ =	shalt  }
0x5b: {  	_ =	shalt  }
0x5c: {  	_ =	shalt  }
0x5d: {  	_ =	shalt  }
0x5e: {  	_ =	shalt  }
0x5f: {  	_ =	shalt  }
0x60: {  	_ =	shalt  }
0x61: {  	_ =	shalt  }
0x62: {  	_ =	shalt  }
0x63: {  	_ =	shalt  }
0x64: {  	_ =	shalt  }
0x65: {  	_ =	shalt  }
0x66: {  	_ =	shalt  }
0x67: {  	_ =	shalt  }
0x68: {  	_ =	shalt  }
0x69: {  	_ =	shalt  }
0x6a: {  	_ =	shalt  }
0x6b: {  	_ =	shalt  }
0x6c: {  	_ =	shalt  }
0x6d: {  	_ =	shalt  }
0x6e: {  	_ =	shalt  }
0x6f: {  	_ =	shalt  }
0x70: {  	_ =	shalt  }
0x71: {  	_ =	shalt  }
0x72: {  	_ =	shalt  }
0x73: {  	_ =	shalt  }
0x74: {  	_ =	shalt  }
0x75: {  	_ =	shalt  }
0x76: {  	_ =	shalt  }
0x77: {  	_ =	shalt  }
0x78: {  	_ =	shalt  }
0x79: {  	_ =	shalt  }
0x7a: {  	_ =	shalt  }
0x7b: {  	_ =	shalt  }
0x7c: {  	_ =	shalt  }
0x7d: {  	_ =	shalt  }
0x7e: {  	_ =	shalt  }
0x7f: {  	_ =	shalt  }
0x80: {  	_ =	shalt  }
0x81: {  	_ =	shalt  }
0x82: {  	_ =	shalt  }
0x83: {  	_ =	shalt  }
0x84: {  	_ =	shalt  }
0x85: {  	_ =	shalt  }
0x86: {  	_ =	shalt  }
0x87: {  	_ =	shalt  }
.Lfunc_end0:
.L_simem_size_0:
called_computation.1_lowered:
.L_overlay_start_0:
0x88: {  	s2 =	sld [smem:$0x3FD9]  }
0x89: {  	s3 =	sld [smem:$0x3FFE];
	_ =	sdelay $0x1  }
0x8a: {  	s1 =	srdreg.scid  }
0x8b: {  	s0 =	sand.u32 $0x1, s1  }
0x8c: {  	s16 =	sshll.u32 s0, $0xA;
	s2 =	sadd.s32 s3, s2  }
0x8d: {  	s2 =	sadd.s32 s2, s16  }
0x8e: {  	[smem:$0x3FAE] =	sst s2  }
0x8f: {  	_ = 	snop  }
0x90: {  	(tm) =	ssettm $0x1  }
0x91: {  	s17 =	sld [smem:$0x3FFB];
	_ =	sdelay $0x3  }
0x92: {  	_ =	strace s17  }
0x93: {  	s2 =	sld [smem:$0x3FFC];
	_ =	sdelay $0x3  }
0x94: {  	_ =	strace s2  }
0x95: {  	s2 =	sld [smem:$0x3FFD];
	_ =	sdelay $0x3  }
0x96: {  	_ =	strace s2  }
0x97: {  	_ =	strace $0x8FFFFFFF  }
0x98: {  	s18 =	sld [smem:$0x3FDB];
	_ =	sdelay $0x1  }
0x99: {  	s19 =	simm.s32 $_scs_section_size  }
0x9a: {  	s4 =	simm.s32 $_size__tile_overlayer_lowered;
	s5 =	simm.s32 $_tile_overlayer_lowered  }
0x9b: {  	s22 =	simm.s32 $0x1BFF;
	s21 =	sshll.u32 s5, $0x1;
	s2 =	sadd.s32 s19, s18  }
0x9c: {  	s6 =	simm.s32 $0x0;
	s20 =	sshll.u32 s4, $0x1;
	s4 =	sadd.s32 s21, s2  }
0x9d: {  	[timem:s6], [sflag:s22] =	dma.local [hbm:s4], s20  }
0x9e: {  	_ =	swait.ge [sflag:s22], s20  }
0x9f: {  	s3 =	ssub.s32 $0x0, s20;
	[sflag:s22] =	ssyncset.done $0x0  }
0xa0: {  	[sflag:s22] =	ssyncadd.s32 s3;
	_ =	sdelay $0x1  }
0xa1: {  	s23 =	simm.s32 $0x1B8B  }
0xa2: {  	_ =	swait.ge [sflag:s23], $0x1  }
0xa3: {  	[sflag:s23] =	ssyncset.done $0x0  }
0xa4: {  	s25 =	simm.s32 $0x1B8E;
	s24 =	sld [smem:$0x3FFE];
	[sflag:s23] =	ssyncadd.s32 $0xFFFFFFFF  }
0xa5: {  	s26 =	simm.s32 $execute0_lowered;
	[smem:$0x3FD2] =	sst s25  }
0xa6: {  	s4 =	sshll.u32 s26, $0x1;
	_ =	strace $0x80000049;
	[dreg:$0x1] =	wrdreg $0xFFFFFFFF  }
0xa7: {  	s28 =	simm.s32 $_size_execute0_lowered;
	s2 =	sadd.s32 s2, s4;
	[dreg:$0x0] =	wrdreg $0x0  }
0xa8: {  	s4 =	sshll.u32 s28, $0x1;
	[dreg:$0x2] =	wrdreg s2  }
0xa9: {  	[dreg:$0x3] =	wrdreg s4  }
0xaa: {  	[dreg:$0x4] =	wrdreg $0xC0  }
0xab: {  	_ =	task [dreg:s6], $0x5FFFF  }
0xac: {  	[dreg:$0x1] =	wrdreg $0xFFFFFFFF  }
0xad: {  	[dreg:$0x0] =	wrdreg $0x60  }
0xae: {  	[dreg:$0x2] =	wrdreg s24  }
0xaf: {  	[dreg:$0x3] =	wrdreg $0x4C400  }
0xb0: {  	[dreg:$0x4] =	wrdreg $0x9  }
0xb1: {  	_ =	task.clear_ibuf [dreg:s6], $0x5FFFF;
	_ =	strace $0x90000049  }
0xb2: {  	s29 =	simm.s32 $0x9;
	_ =	strace $0x8000004B  }
0xb3: {  	_ =	swait.ge [sflag:s29], $0x1  }
0xb4: {  	[sflag:s29] =	ssyncadd.s32 $0xFFFFFFFF  }
0xb5: {  	_ =	strace $0x9000004B  }
0xb6: {  	_ =	sfence  }
0xb7: {  	s30 =	sld [smem:$0x0];
	_ =	sdelay $0x2  }
0xb8: {  	s31 =	sshll.u32 s1, $0xD;
	s1 =	sshrl.u32 s1, $0x2  }
0xb9: {  	s3 =	sand.u32 $0x4000, s31;
	s1 =	sadd.s32 s1, s30  }
0xba: {  	s0 =	sor.u32 s3, s0;
	s1 =	sshll.u32 s1, $0x11  }
0xbb: {  	s0 =	sor.u32 s1, s0  }
0xbc: {  	s0 =	sadd.s32 $0x8F2B, s0  }
0xbd: {  	[sflag:s0] =	ssyncadd.remote.s32 $0x1  }
0xbe: {  	_ =	sfence.sel $0xFFFF  }
0xbf: {  	[dreg:$0x0] =	wrdreg $0xFFFFFFFF;
	(pc) =	sbr.abs _section_cstart, $3  }
0xc0: {  	[dreg:$0x1] =	wrdreg $0xFFFFFFFF  }
0xc1: {  	_ =	task.clear_ibuf [dreg:s6], $0x2FFFF;
	_ =	strace $0x9FFFFFFF  }
0xc2: {  	(tm) =	ssettm $0x7FFFFFFF  }
0xc3: {  	_ =	shalt  }
tec
execute0_lowered:
.L_overlay_start_1:
0x0: {  	(tag) =	ssettag $0x1  }
0x1: {  	s0 =	rddreg [dreg:$0x0]  }
0x2: {  	s2 =	rddreg [dreg:$0x1]  }
0x3: {  	s3 =	simm.s32 $0x0;
	s1 =	srdreg.scid;
	s11 =	stileid.u32  }
0x4: {  	s28 =	simm.s32 $0x100;
	s29 =	simm.s32 $0x300;
	s30 =	simm.s32 $0x5  }
0x5: {  	s31 =	simm.s32 $0x2;
	[smem:$0x7FF] =	sst s3;
	s4 =	smul.u32 $0x1388, s11  }
0x6: {  	s1 =	sand.u32 $0x1, s1;
	s7 =	sadd.s32 $0x5800, s0;
	s15 =	smul.u32 $0x27100, s11  }
0x7: {  	s8 =	sadd.s32 $0xF600, s0;
	s6 =	sadd.s32 $0xDD000, s0;
	s10 =	smul.u32 $0x4E20, s11  }
0x8: {  	s16 =	sshll.u32 s11, $0x6;
	s25 =	smul.u32 $0x9C4, s11;
	_ =	strace $0x8000004A  }
0x9: {  	s5 =	smul.u32 $0x13880, s1;
	[dreg:$0x4] =	wrdreg s6;
	s14 =	ssub.s32 $0x2, s1  }
0xa: {  	p0 =	seq.s32 s1, $0x0;
	s9 =	sshrl.u32 s14, $0x1;
	s6 =	sshrl.u32 s15, $0x2  }
0xb: {  	s17 =	sshrl.u32 s10, $0x3;
	s26 =	sadd.s32 s25, s8;
	s15 =	simm.s32 $0x9  }
0xc: {  	s4 =	sadd.s32 s4, s5;
	s6 =	sadd.s32 s6, s2;
	[dreg:$0x3] =	wrdreg s26  }
0xd: {  	s5 =	ssub.s32 s14, s9;
	s10 =	sadd.s32 s7, s17;
	[dreg:$0x5] =	wrdreg s6  }
0xe: {  	s18 =	sadd.s32 s8, s17;
	s19 =	sadd.s32 $0x10, s17;
	[dreg:$0x6] =	wrdreg s10  }
0xf: {  	s20 =	sadd.s32 $0x20, s17;
	[dreg:$0x7] =	wrdreg s18;
	s12 =	sadd.s32 s7, s19  }
0x10: {  	s22 =	sadd.s32 $0x30, s17;
	s10 =	sadd.s32 s8, s19;
	[dreg:$0x8] =	wrdreg s12  }
0x11: {  	s9 =	sadd.s32 $0x9C0, s17;
	s21 =	sadd.s32 s7, s20;
	[dreg:$0x9] =	wrdreg s10  }
0x12: {  	s26 =	simm.s32 $0x440;
	s23 =	sadd.s32 s7, s22;
	[dreg:$0xa] =	wrdreg s21  }
0x13: {  	s4 =	sadd.s32 s4, s0;
	s1 =	sadd.s32 s8, s22;
	[dreg:$0xc] =	wrdreg s23  }
0x14: {  	s6 =	sor.u32 $0x1C0A, s16;
	s24 =	sadd.s32 s7, s9;
	[dreg:$0xd] =	wrdreg s1  }
0x15: {  	s9 =	sadd.s32 s8, s9;
	s5 =	smax.u32 s5, $0x1;
	[dreg:$0xe] =	wrdreg s24  }
0x16: {  	s22 =	simm.s32 $0x200;
	s16 =	simm.s32 $0x0;
	[dreg:$0xf] =	wrdreg s9  }
0x17: {  	s10 =	sadd.s32 s8, s20;
	s4 =	sadd.s32 $0xDE400, s4;
	[dreg:$0x11] =	wrdreg s5  }
0x18: {  	s20 =	sadd.s32 s25, s7;
	s21 =	simm.s32 $0xA;
	s23 =	simm.s32 $0x80  }
0x19: {  	s24 =	simm.s32 $0x280;
	s25 =	simm.s32 $0x1;
	s1 =	simm.s32 $0x180  }
0x1a: {  	s5 =	simm.s32 $0x6;
	s7 =	simm.s32 $0x7;
	s8 =	simm.s32 $0x3  }
0x1b: {  	s9 =	simm.s32 $0x8;
	[dreg:$0x10] =	wrdreg s4;
	s4 =	simm.s32 $0xC9600  }
0x1c: {  	[dreg:$0xb] =	wrdreg s10;
	s10 =	simm.s32 $0x4;
	s4 =	simm.s32 @!p0 $0xB5C00  }
0x1d: {  	s19 =	sadd.s32 s4, s0;
	s0 =	simm.s32 $0x2440;
	s4 =	simm.s32 $0x380  }
.LBB2_1:
0x1e: {  	s11 =	rddreg [dreg:$0x5]  }
0x1f: {  	s12 =	rddreg [dreg:$0x4];
	s17 =	sshrl.u32 s11, $0x3  }
0x20: {  	[spmem:s17], [sflag:s6] =	dma.local [hbm:s12], $0x1388  }
0x21: {  	_ =	swait.ge [sflag:s21], $0x1388  }
0x22: {  	[sflag:s21] =	ssyncset.done $0x0  }
0x23: {  	[sflag:s21] =	ssyncadd.s32 $0xFFFFEC78  }
0x24: {  	[bflag:$0x0] =	sbarrier.arrive $0xFFFF  }
0x25: {  	s13 =	rddreg [dreg:$0x6]  }
0x26: {  	[tilespmem:s3], [sflag:$0x1] =	stream.linear.gather [hbm4b:s13+s3], $0x80, $0x38;
	[tilespmem:$0xE880] =	vst v63  }
0x27: {  	s14 =	rddreg [dreg:$0x7]  }
0x28: {  	[tilespmem:s22], [sflag:$0x1] =	stream.linear.gather [hbm4b:s14+s3], $0x80, $0x38;
	[tilespmem:$0xE880] =	vst v63  }
0x29: {  	s18 =	rddreg [dreg:$0x8]  }
0x2a: {  	[tilespmem:s23], [sflag:$0x2] =	stream.linear.gather [hbm4b:s18+s3], $0x80, $0x38;
	[tilespmem:$0xE880] =	vst v63  }
0x2b: {  	s12 =	rddreg [dreg:$0x9]  }
0x2c: {  	[tilespmem:s24], [sflag:$0x2] =	stream.linear.gather [hbm4b:s12+s3], $0x80, $0x38;
	[tilespmem:$0xE880] =	vst v63  }
0x2d: {  	_ =	swait.ge [sflag:s25], $0x80  }
0x2e: {  	[sflag:s25] =	ssyncset.done $0x0  }
0x2f: {  	[sflag:s25] =	ssyncadd.s32 $0xFFFFFF80  }
0x30: {  	_ =	swait.ge [sflag:s25], $0x80  }
0x31: {  	[sflag:s25] =	ssyncset.done $0x0  }
0x32: {  	[sflag:s25] =	ssyncadd.s32 $0xFFFFFF80  }
0x33: {  	[tilespmem:s26], [sflag:$0x5] =	stream.indirect.gather [hbm4b:s19+s23], $0x40, s3, s23, $0xb8;
	[tilespmem:$0xE880] =	vst v63  }
0x34: {  	s13 =	rddreg [dreg:$0xa]  }
0x35: {  	[tilespmem:s28], [sflag:$0x3] =	stream.linear.gather [hbm4b:s13+s3], $0x80, $0x38;
	[tilespmem:$0xE880] =	vst v63  }
0x36: {  	s14 =	rddreg [dreg:$0xb]  }
0x37: {  	[tilespmem:s29], [sflag:$0x3] =	stream.linear.gather [hbm4b:s14+s3], $0x80, $0x38;
	[tilespmem:$0xE880] =	vst v63  }
0x38: {  	_ =	swait.ge [sflag:s30], $0x2000  }
0x39: {  	[sflag:s30] =	ssyncset.done $0x0  }
0x3a: {  	[sflag:s30] =	ssyncadd.s32 $0xFFFFE000  }
0x3b: {  	[spmem:s2] =	stream.indirect.scatter.add.f32 [tilespmem:s26], [sflag:$0x7], $0x40, s22, s23, $0xb8;
	[tilespmem:$0xE880] =	vst v63  }
0x3c: {  	_ =	swait.ge [sflag:s31], $0x80  }
0x3d: {  	[sflag:s31] =	ssyncset.done $0x0  }
0x3e: {  	[sflag:s31] =	ssyncadd.s32 $0xFFFFFF80  }
0x3f: {  	_ =	swait.ge [sflag:s31], $0x80  }
0x40: {  	[sflag:s31] =	ssyncset.done $0x0  }
0x41: {  	[sflag:s31] =	ssyncadd.s32 $0xFFFFFF80  }
0x42: {  	[tilespmem:s0], [sflag:$0x6] =	stream.indirect.gather [hbm4b:s19+s23], $0x40, s23, s23, $0xb8;
	[tilespmem:$0xE880] =	vst v63  }
0x43: {  	s18 =	rddreg [dreg:$0xc]  }
0x44: {  	[tilespmem:s1], [sflag:$0x4] =	stream.linear.gather [hbm4b:s18+s3], $0x80, $0x38;
	[tilespmem:$0xE880] =	vst v63  }
0x45: {  	s12 =	rddreg [dreg:$0xd]  }
0x46: {  	[tilespmem:s4], [sflag:$0x4] =	stream.linear.gather [hbm4b:s12+s3], $0x80, $0x38;
	[tilespmem:$0xE880] =	vst v63  }
0x47: {  	_ =	swait.ge [sflag:s5], $0x2000  }
0x48: {  	[sflag:s5] =	ssyncset.done $0x0  }
0x49: {  	[sflag:s5] =	ssyncadd.s32 $0xFFFFE000  }
0x4a: {  	_ =	swait.ge [sflag:s7], $0x2000  }
0x4b: {  	[sflag:s7] =	ssyncset.done $0x0  }
0x4c: {  	[sflag:s7] =	ssyncadd.s32 $0xFFFFE000  }
0x4d: {  	[spmem:s2] =	stream.indirect.scatter.add.f32 [tilespmem:s0], [sflag:$0x8], $0x40, s24, s23, $0xb8;
	[tilespmem:$0xE880] =	vst v63  }
0x4e: {  	_ =	swait.ge [sflag:s8], $0x80  }
0x4f: {  	[sflag:s8] =	ssyncset.done $0x0  }
0x50: {  	[sflag:s8] =	ssyncadd.s32 $0xFFFFFF80  }
0x51: {  	_ =	swait.ge [sflag:s8], $0x80  }
0x52: {  	[sflag:s8] =	ssyncset.done $0x0  }
0x53: {  	s12 =	sadd.s32 $0x0, s20;
	s13 =	rddreg [dreg:$0x3];
	[sflag:s8] =	ssyncadd.s32 $0xFFFFFF80  }
0x54: {  	[tilespmem:s26], [sflag:$0x5] =	stream.indirect.gather [hbm4b:s19+s23], $0x40, s28, s23, $0xb8;
	[tilespmem:$0xE880] =	vst v63  }
0x55: {  	s18 =	sadd.s32 $0x40, s12;
	s11 =	sadd.s32 $0x0, s13  }
0x56: {  	[tilespmem:s3], [sflag:$0x1] =	stream.linear.gather [hbm4b:s18+s3], $0x80, $0x38;
	[tilespmem:$0xE880] =	vst v63  }
0x57: {  	s14 =	sadd.s32 $0x40, s11  }
0x58: {  	[tilespmem:s22], [sflag:$0x1] =	stream.linear.gather [hbm4b:s14+s3], $0x80, $0x38;
	[tilespmem:$0xE880] =	vst v63  }
0x59: {  	_ =	swait.ge [sflag:s30], $0x2000  }
0x5a: {  	[sflag:s30] =	ssyncset.done $0x0  }
0x5b: {  	[sflag:s30] =	ssyncadd.s32 $0xFFFFE000  }
0x5c: {  	_ =	swait.ge [sflag:s9], $0x2000  }
0x5d: {  	[sflag:s9] =	ssyncset.done $0x0  }
0x5e: {  	[sflag:s9] =	ssyncadd.s32 $0xFFFFE000  }
0x5f: {  	[spmem:s2] =	stream.indirect.scatter.add.f32 [tilespmem:s26], [sflag:$0x7], $0x40, s29, s23, $0xb8;
	[tilespmem:$0xE880] =	vst v63  }
0x60: {  	_ =	swait.ge [sflag:s10], $0x80  }
0x61: {  	[sflag:s10] =	ssyncset.done $0x0  }
0x62: {  	[sflag:s10] =	ssyncadd.s32 $0xFFFFFF80  }
0x63: {  	_ =	swait.ge [sflag:s10], $0x80  }
0x64: {  	[sflag:s10] =	ssyncset.done $0x0  }
0x65: {  	[sflag:s10] =	ssyncadd.s32 $0xFFFFFF80  }
0x66: {  	[tilespmem:s0], [sflag:$0x6] =	stream.indirect.gather [hbm4b:s19+s23], $0x40, s1, s23, $0xb8;
	[tilespmem:$0xE880] =	vst v63  }
0x67: {  	s13 =	sadd.s32 $0x50, s12  }
0x68: {  	[tilespmem:s23], [sflag:$0x2] =	stream.linear.gather [hbm4b:s13+s3], $0x80, $0x38;
	[tilespmem:$0xE880] =	vst v63  }
0x69: {  	s14 =	sadd.s32 $0x50, s11  }
0x6a: {  	[tilespmem:s24], [sflag:$0x2] =	stream.linear.gather [hbm4b:s14+s3], $0x80, $0x38;
	[tilespmem:$0xE880] =	vst v63  }
0x6b: {  	_ =	swait.ge [sflag:s5], $0x2000  }
0x6c: {  	[sflag:s5] =	ssyncset.done $0x0  }
0x6d: {  	[sflag:s5] =	ssyncadd.s32 $0xFFFFE000  }
0x6e: {  	_ =	swait.ge [sflag:s7], $0x2000  }
0x6f: {  	[sflag:s7] =	ssyncset.done $0x0  }
0x70: {  	[sflag:s7] =	ssyncadd.s32 $0xFFFFE000  }
0x71: {  	[spmem:s2] =	stream.indirect.scatter.add.f32 [tilespmem:s0], [sflag:$0x8], $0x40, s4, s23, $0xb8;
	[tilespmem:$0xE880] =	vst v63  }
0x72: {  	_ =	swait.ge [sflag:s25], $0x80  }
0x73: {  	[sflag:s25] =	ssyncset.done $0x0  }
0x74: {  	[sflag:s25] =	ssyncadd.s32 $0xFFFFFF80  }
0x75: {  	_ =	swait.ge [sflag:s25], $0x80  }
0x76: {  	[sflag:s25] =	ssyncset.done $0x0  }
0x77: {  	[sflag:s25] =	ssyncadd.s32 $0xFFFFFF80  }
0x78: {  	[tilespmem:s26], [sflag:$0x5] =	stream.indirect.gather [hbm4b:s19+s23], $0x40, s3, s23, $0xb8;
	[tilespmem:$0xE880] =	vst v63  }
0x79: {  	s13 =	sadd.s32 $0x60, s12  }
0x7a: {  	[tilespmem:s28], [sflag:$0x3] =	stream.linear.gather [hbm4b:s13+s3], $0x80, $0x38;
	[tilespmem:$0xE880] =	vst v63  }
0x7b: {  	s14 =	sadd.s32 $0x60, s11  }
0x7c: {  	[tilespmem:s29], [sflag:$0x3] =	stream.linear.gather [hbm4b:s14+s3], $0x80, $0x38;
	[tilespmem:$0xE880] =	vst v63  }
0x7d: {  	_ =	swait.ge [sflag:s30], $0x2000  }
0x7e: {  	[sflag:s30] =	ssyncset.done $0x0  }
0x7f: {  	[sflag:s30] =	ssyncadd.s32 $0xFFFFE000  }
0x80: {  	_ =	swait.ge [sflag:s9], $0x2000  }
0x81: {  	[sflag:s9] =	ssyncset.done $0x0  }
0x82: {  	[sflag:s9] =	ssyncadd.s32 $0xFFFFE000  }
0x83: {  	[spmem:s2] =	stream.indirect.scatter.add.f32 [tilespmem:s26], [sflag:$0x7], $0x40, s22, s23, $0xb8;
	[tilespmem:$0xE880] =	vst v63  }
0x84: {  	_ =	swait.ge [sflag:s31], $0x80  }
0x85: {  	[sflag:s31] =	ssyncset.done $0x0  }
0x86: {  	[sflag:s31] =	ssyncadd.s32 $0xFFFFFF80  }
0x87: {  	_ =	swait.ge [sflag:s31], $0x80  }
0x88: {  	[sflag:s31] =	ssyncset.done $0x0  }
0x89: {  	[sflag:s31] =	ssyncadd.s32 $0xFFFFFF80  }
0x8a: {  	[tilespmem:s0], [sflag:$0x6] =	stream.indirect.gather [hbm4b:s19+s23], $0x40, s23, s23, $0xb8;
	[tilespmem:$0xE880] =	vst v63  }
0x8b: {  	s18 =	simm.s32 $0x40;
	s12 =	sadd.s32 $0x70, s12;
	s11 =	sadd.s32 $0x70, s11  }
0x8c: {  	[tilespmem:s1], [sflag:$0x4] =	stream.linear.gather [hbm4b:s12+s3], $0x80, $0x38;
	[tilespmem:$0xE880] =	vst v63  }
.LBB2_2:
0x8d: {  	[tilespmem:s4], [sflag:$0x4] =	stream.linear.gather [hbm4b:s11+s3], $0x80, $0x38;
	[tilespmem:$0xE880] =	vst v63  }
0x8e: {  	_ =	swait.ge [sflag:s5], $0x2000  }
0x8f: {  	[sflag:s5] =	ssyncset.done $0x0  }
0x90: {  	[sflag:s5] =	ssyncadd.s32 $0xFFFFE000  }
0x91: {  	_ =	swait.ge [sflag:s7], $0x2000  }
0x92: {  	[sflag:s7] =	ssyncset.done $0x0  }
0x93: {  	[sflag:s7] =	ssyncadd.s32 $0xFFFFE000  }
0x94: {  	[spmem:s2] =	stream.indirect.scatter.add.f32 [tilespmem:s0], [sflag:$0x8], $0x40, s24, s23, $0xb8;
	[tilespmem:$0xE880] =	vst v63  }
0x95: {  	_ =	swait.ge [sflag:s8], $0x80  }
0x96: {  	[sflag:s8] =	ssyncset.done $0x0  }
0x97: {  	[sflag:s8] =	ssyncadd.s32 $0xFFFFFF80  }
0x98: {  	_ =	swait.ge [sflag:s8], $0x80  }
0x99: {  	s12 =	smov.u32 s18;
	[sflag:s8] =	ssyncset.done $0x0  }
0x9a: {  	s11 =	sadd.s32 s12, s20;
	s13 =	rddreg [dreg:$0x3];
	[sflag:s8] =	ssyncadd.s32 $0xFFFFFF80  }
0x9b: {  	[tilespmem:s26], [sflag:$0x5] =	stream.indirect.gather [hbm4b:s19+s23], $0x40, s28, s23, $0xb8;
	[tilespmem:$0xE880] =	vst v63  }
0x9c: {  	s14 =	sadd.s32 $0x40, s11;
	s12 =	sadd.s32 s12, s13  }
0x9d: {  	[tilespmem:s3], [sflag:$0x1] =	stream.linear.gather [hbm4b:s14+s3], $0x80, $0x38;
	[tilespmem:$0xE880] =	vst v63  }
0x9e: {  	s13 =	sadd.s32 $0x40, s12  }
0x9f: {  	[tilespmem:s22], [sflag:$0x1] =	stream.linear.gather [hbm4b:s13+s3], $0x80, $0x38;
	[tilespmem:$0xE880] =	vst v63  }
0xa0: {  	_ =	swait.ge [sflag:s30], $0x2000  }
0xa1: {  	[sflag:s30] =	ssyncset.done $0x0  }
0xa2: {  	[sflag:s30] =	ssyncadd.s32 $0xFFFFE000  }
0xa3: {  	_ =	swait.ge [sflag:s9], $0x2000  }
0xa4: {  	[sflag:s9] =	ssyncset.done $0x0  }
0xa5: {  	[sflag:s9] =	ssyncadd.s32 $0xFFFFE000  }
0xa6: {  	[spmem:s2] =	stream.indirect.scatter.add.f32 [tilespmem:s26], [sflag:$0x7], $0x40, s29, s23, $0xb8;
	[tilespmem:$0xE880] =	vst v63  }
0xa7: {  	_ =	swait.ge [sflag:s10], $0x80  }
0xa8: {  	[sflag:s10] =	ssyncset.done $0x0  }
0xa9: {  	[sflag:s10] =	ssyncadd.s32 $0xFFFFFF80  }
0xaa: {  	_ =	swait.ge [sflag:s10], $0x80  }
0xab: {  	[sflag:s10] =	ssyncset.done $0x0  }
0xac: {  	[sflag:s10] =	ssyncadd.s32 $0xFFFFFF80  }
0xad: {  	[tilespmem:s0], [sflag:$0x6] =	stream.indirect.gather [hbm4b:s19+s23], $0x40, s1, s23, $0xb8;
	[tilespmem:$0xE880] =	vst v63  }
0xae: {  	s13 =	sadd.s32 $0x50, s11  }
0xaf: {  	[tilespmem:s23], [sflag:$0x2] =	stream.linear.gather [hbm4b:s13+s3], $0x80, $0x38;
	[tilespmem:$0xE880] =	vst v63  }
0xb0: {  	s14 =	sadd.s32 $0x50, s12  }
0xb1: {  	[tilespmem:s24], [sflag:$0x2] =	stream.linear.gather [hbm4b:s14+s3], $0x80, $0x38;
	[tilespmem:$0xE880] =	vst v63  }
0xb2: {  	_ =	swait.ge [sflag:s5], $0x2000  }
0xb3: {  	[sflag:s5] =	ssyncset.done $0x0  }
0xb4: {  	[sflag:s5] =	ssyncadd.s32 $0xFFFFE000  }
0xb5: {  	_ =	swait.ge [sflag:s7], $0x2000  }
0xb6: {  	[sflag:s7] =	ssyncset.done $0x0  }
0xb7: {  	[sflag:s7] =	ssyncadd.s32 $0xFFFFE000  }
0xb8: {  	[spmem:s2] =	stream.indirect.scatter.add.f32 [tilespmem:s0], [sflag:$0x8], $0x40, s4, s23, $0xb8;
	[tilespmem:$0xE880] =	vst v63  }
0xb9: {  	_ =	swait.ge [sflag:s25], $0x80  }
0xba: {  	[sflag:s25] =	ssyncset.done $0x0  }
0xbb: {  	[sflag:s25] =	ssyncadd.s32 $0xFFFFFF80  }
0xbc: {  	_ =	swait.ge [sflag:s25], $0x80  }
0xbd: {  	[sflag:s25] =	ssyncset.done $0x0  }
0xbe: {  	[sflag:s25] =	ssyncadd.s32 $0xFFFFFF80  }
0xbf: {  	[tilespmem:s26], [sflag:$0x5] =	stream.indirect.gather [hbm4b:s19+s23], $0x40, s3, s23, $0xb8;
	[tilespmem:$0xE880] =	vst v63  }
0xc0: {  	s13 =	sadd.s32 $0x60, s11  }
0xc1: {  	[tilespmem:s28], [sflag:$0x3] =	stream.linear.gather [hbm4b:s13+s3], $0x80, $0x38;
	[tilespmem:$0xE880] =	vst v63  }
0xc2: {  	s14 =	sadd.s32 $0x60, s12  }
0xc3: {  	[tilespmem:s29], [sflag:$0x3] =	stream.linear.gather [hbm4b:s14+s3], $0x80, $0x38;
	[tilespmem:$0xE880] =	vst v63  }
0xc4: {  	_ =	swait.ge [sflag:s30], $0x2000  }
0xc5: {  	[sflag:s30] =	ssyncset.done $0x0  }
0xc6: {  	[sflag:s30] =	ssyncadd.s32 $0xFFFFE000  }
0xc7: {  	_ =	swait.ge [sflag:s9], $0x2000  }
0xc8: {  	[sflag:s9] =	ssyncset.done $0x0  }
0xc9: {  	[sflag:s9] =	ssyncadd.s32 $0xFFFFE000  }
0xca: {  	[spmem:s2] =	stream.indirect.scatter.add.f32 [tilespmem:s26], [sflag:$0x7], $0x40, s22, s23, $0xb8;
	[tilespmem:$0xE880] =	vst v63  }
0xcb: {  	_ =	swait.ge [sflag:s31], $0x80  }
0xcc: {  	[sflag:s31] =	ssyncset.done $0x0  }
0xcd: {  	[sflag:s31] =	ssyncadd.s32 $0xFFFFFF80  }
0xce: {  	p0 =	sne.s32 s18, $0x940;
	_ =	swait.ge [sflag:s31], $0x80  }
.Ltmp0:
0xcf: {  	[sflag:s31] =	ssyncset.done $0x0;
	(pc) =	sbr.rel @p0 .LBB2_2-.Ltmp0, $4  }
0xd0: {  	[sflag:s31] =	ssyncadd.s32 $0xFFFFFF80  }
0xd1: {  	[tilespmem:s0], [sflag:$0x6] =	stream.indirect.gather [hbm4b:s19+s23], $0x40, s23, s23, $0xb8;
	[tilespmem:$0xE880] =	vst v63  }
0xd2: {  	s18 =	sadd.s32 $0x40, s18;
	s14 =	sadd.s32 $0x70, s11;
	s11 =	sadd.s32 $0x70, s12  }
0xd3: {  	[tilespmem:s1], [sflag:$0x4] =	stream.linear.gather [hbm4b:s14+s3], $0x80, $0x38;
	[tilespmem:$0xE880] =	vst v63  }
0xd4: {  	[tilespmem:s4], [sflag:$0x4] =	stream.linear.gather [hbm4b:s11+s3], $0x80, $0x38;
	[tilespmem:$0xE880] =	vst v63  }
0xd5: {  	_ =	swait.ge [sflag:s5], $0x2000  }
0xd6: {  	[sflag:s5] =	ssyncset.done $0x0  }
0xd7: {  	[sflag:s5] =	ssyncadd.s32 $0xFFFFE000  }
0xd8: {  	_ =	swait.ge [sflag:s7], $0x2000  }
0xd9: {  	[sflag:s7] =	ssyncset.done $0x0  }
0xda: {  	[sflag:s7] =	ssyncadd.s32 $0xFFFFE000  }
0xdb: {  	[spmem:s2] =	stream.indirect.scatter.add.f32 [tilespmem:s0], [sflag:$0x8], $0x40, s24, s23, $0xb8;
	[tilespmem:$0xE880] =	vst v63  }
0xdc: {  	_ =	swait.ge [sflag:s8], $0x80  }
0xdd: {  	[sflag:s8] =	ssyncset.done $0x0  }
0xde: {  	[sflag:s8] =	ssyncadd.s32 $0xFFFFFF80  }
0xdf: {  	_ =	swait.ge [sflag:s8], $0x80  }
0xe0: {  	[sflag:s8] =	ssyncset.done $0x0  }
0xe1: {  	[sflag:s8] =	ssyncadd.s32 $0xFFFFFF80  }
0xe2: {  	[tilespmem:s26], [sflag:$0x5] =	stream.indirect.gather [hbm4b:s19+s23], $0x40, s28, s23, $0xb8;
	[tilespmem:$0xE880] =	vst v63  }
0xe3: {  	_ =	swait.ge [sflag:s30], $0x2000  }
0xe4: {  	[sflag:s30] =	ssyncset.done $0x0  }
0xe5: {  	[sflag:s30] =	ssyncadd.s32 $0xFFFFE000  }
0xe6: {  	_ =	swait.ge [sflag:s9], $0x2000  }
0xe7: {  	[sflag:s9] =	ssyncset.done $0x0  }
0xe8: {  	[sflag:s9] =	ssyncadd.s32 $0xFFFFE000  }
0xe9: {  	[spmem:s2] =	stream.indirect.scatter.add.f32 [tilespmem:s26], [sflag:$0x7], $0x40, s29, s23, $0xb8;
	[tilespmem:$0xE880] =	vst v63  }
0xea: {  	_ =	swait.ge [sflag:s10], $0x80  }
0xeb: {  	[sflag:s10] =	ssyncset.done $0x0  }
0xec: {  	[sflag:s10] =	ssyncadd.s32 $0xFFFFFF80  }
0xed: {  	_ =	swait.ge [sflag:s10], $0x80  }
0xee: {  	[sflag:s10] =	ssyncset.done $0x0  }
0xef: {  	[sflag:s10] =	ssyncadd.s32 $0xFFFFFF80  }
0xf0: {  	[tilespmem:s0], [sflag:$0x6] =	stream.indirect.gather [hbm4b:s19+s23], $0x40, s1, s23, $0xb8;
	[tilespmem:$0xE880] =	vst v63  }
0xf1: {  	_ =	swait.ge [sflag:s5], $0x2000  }
0xf2: {  	[sflag:s5] =	ssyncset.done $0x0  }
0xf3: {  	[sflag:s5] =	ssyncadd.s32 $0xFFFFE000  }
0xf4: {  	_ =	swait.ge [sflag:s7], $0x2000  }
0xf5: {  	[sflag:s7] =	ssyncset.done $0x0  }
0xf6: {  	[sflag:s7] =	ssyncadd.s32 $0xFFFFE000  }
0xf7: {  	[spmem:s2] =	stream.indirect.scatter.add.f32 [tilespmem:s0], [sflag:$0x8], $0x40, s4, s23, $0xb8;
	[tilespmem:$0xE880] =	vst v63  }
0xf8: {  	_ =	swait.ge [sflag:s9], $0x2000  }
0xf9: {  	[sflag:s9] =	ssyncset.done $0x0  }
0xfa: {  	s12 =	simm.s32 $0x400;
	s13 =	rddreg [dreg:$0xe];
	[sflag:s9] =	ssyncadd.s32 $0xFFFFE000  }
0xfb: {  	[tilespmem:s12], [sflag:$0xA] =	stream.linear.gather [hbm4b:s13+s3], $0x20, $0x38;
	[tilespmem:$0xE880] =	vst v63  }
0xfc: {  	_ =	swait.ge [sflag:s21], $0x20  }
0xfd: {  	[sflag:s21] =	ssyncset.done $0x0  }
0xfe: {  	s13 =	simm.s32 $0x420;
	s14 =	rddreg [dreg:$0xf];
	[sflag:s21] =	ssyncadd.s32 $0xFFFFFFE0  }
0xff: {  	[tilespmem:s13], [sflag:$0xA] =	stream.linear.gather [hbm4b:s14+s3], $0x20, $0x38;
	[tilespmem:$0xE880] =	vst v63  }
0x100: {  	_ =	swait.ge [sflag:s21], $0x20  }
0x101: {  	[sflag:s21] =	ssyncset.done $0x0  }
0x102: {  	s18 =	simm.s32 $0x20;
	s14 =	simm.s32 $0x4440;
	[sflag:s21] =	ssyncadd.s32 $0xFFFFFFE0  }
0x103: {  	[tilespmem:s14], [sflag:$0x9] =	stream.indirect.gather [hbm4b:s19+s18], $0x40, s12, s18, $0xb8;
	[tilespmem:$0xE880] =	vst v63  }
0x104: {  	_ =	swait.ge [sflag:s15], $0x800  }
0x105: {  	[sflag:s15] =	ssyncset.done $0x0  }
0x106: {  	[sflag:s15] =	ssyncadd.s32 $0xFFFFF800  }
0x107: {  	[spmem:s2] =	stream.indirect.scatter.add.f32 [tilespmem:s14], [sflag:$0xA], $0x40, s13, s18, $0xb8;
	[tilespmem:$0xE880] =	vst v63  }
0x108: {  	_ =	swait.ge [sflag:s21], $0x800  }
0x109: {  	[sflag:s21] =	ssyncset.done $0x0  }
0x10a: {  	[sflag:s21] =	ssyncadd.s32 $0xFFFFF800  }
0x10b: {  	[bflag:$0x0] =	sbarrier.arrive $0xFFFF  }
0x10c: {  	s14 =	rddreg [dreg:$0x10]  }
0x10d: {  	[hbm:s14], [sflag:s6] =	dma.local [spmem:s17], $0x1388  }
0x10e: {  	_ =	swait.ge [sflag:s21], $0x1388  }
0x10f: {  	s16 =	sadd.s32 $0x1, s16;
	s18 =	rddreg [dreg:$0x11]  }
0x110: {  	p0 =	sne.s32 s16, s18  }
.Ltmp1:
0x111: {  	_ = 	snop;
	(pc) =	sbr.rel @p0 .LBB2_1-.Ltmp1, $3  }
0x112: {  	_ =	sdelay $0x1  }
0x113: {  	[sflag:s21] =	ssyncset.done $0x0  }
0x114: {  	[sflag:s21] =	ssyncadd.s32 $0xFFFFEC78  }
0x115: {  	_ =	sfence.sel $0x180000  }
0x116: {  	[bflag:$0x0] =	sbarrier.arrive $0xFFFF  }
0x117: {  	_ =	strace $0x9000004A  }
0x118: {  	s0 =	stileid.u32;
	[bflag:$0x2] =	sbarrier.arrive $0xFFFF  }
0x119: {  	p0 =	sne.s32 s0, $0x0;
	s0 =	rddreg [dreg:$0x2]  }
0x11a: {  	s0 =	sadd.s32 @!p0 $0x100000, s0  }
0x11b: {  	[sflag:s0] =	ssyncadd.tile.s32 @!p0 $0x1;
	_ =	shalt  }
.Lfunc_end2:
_tile_overlayer_lowered:
.L_overlay_start_2:
0x11c: {  	(tag) =	ssettag $0x2  }
0x11d: {  	s0 =	rddreg [dreg:$0x0];
	s2 =	stileid.u32  }
0x11e: {  	s1 =	rddreg [dreg:$0x1];
	p0 =	sne.s32 s2, $0x0  }
0x11f: {  	s3 =	rddreg [dreg:$0x2];
	[bflag:$0x3] =	sbarrier.arrive $0xFFFF;
	s2 =	simm.s32 @!p0 $0x1C0A  }
0x120: {  	[timem:s3], [sflag:s2] =	dma.local @!p0 [hbm:s0], s1  }
0x121: {  	s0 =	simm.s32 @!p0 $0xA  }
0x122: {  	_ =	swait.ge @!p0 [sflag:s0], s1  }
0x123: {  	s1 =	ssub.s32 @!p0 $0x0, s1;
	[sflag:s0] =	ssyncset.done @!p0 $0x0  }
0x124: {  	[sflag:s0] =	ssyncadd.s32 @!p0 s1  }
0x125: {  	[bflag:$0x3] =	sbarrier.arrive $0xFFFF  }
0x126: {  	_ =	shalt  }

// kernel: kernel.16.cloned.1.call-start
scs
__scs_entry_jumppad:
0x0: {  	(pc) =	sbr.rel $0x88, $3  }
0x1: {  	(tag) =	ssettag $0x0;
	lr =	simm.s32 $0x1  }
0x2: {  	[smem:$0x3F87] =	sst lr;
	_ =	strace $0xD0000000  }
0x3: {  	_ = 	snop  }
0x4: {  	_ = 	snop  }
0x5: {  	_ = 	snop  }
0x6: {  	_ = 	snop  }
0x7: {  	_ = 	snop  }
__scs_overlays_trampoline_lowered:
0x8: {  	[smem:$0x3F96] =	sst s0  }
0x9: {  	[smem:$0x3F97] =	sst s1  }
0xa: {  	[smem:$0x3F98] =	sst s2  }
0xb: {  	[smem:$0x3F99] =	sst s3  }
0xc: {  	[smem:$0x3F9A] =	sst s4  }
0xd: {  	[smem:$0x3F9B] =	sst s5  }
0xe: {  	[smem:$0x3F9C] =	sst s6  }
0xf: {  	[smem:$0x3F9D] =	sst s7  }
0x10: {  	[smem:$0x3F9E] =	sst s8  }
0x11: {  	[smem:$0x3F9F] =	sst s9;
	s0 =	simm.s32 @!p0 $0x0  }
0x12: {  	s1 =	sld [smem:$0x3F85];
	s0 =	simm.s32 @p0 $0x1  }
0x13: {  	[smem:$0x3FA0] =	sst s0;
	s0 =	simm.s32 @!p1 $0x0  }
0x14: {  	s2 =	sld [smem:$0x3F84];
	s0 =	simm.s32 @p1 $0x1  }
0x15: {  	[smem:$0x3FA1] =	sst s0;
	s0 =	simm.s32 @!p2 $0x0  }
0x16: {  	s3 =	sld [smem:$0x3FDB];
	s0 =	simm.s32 @p2 $0x1  }
0x17: {  	s4 =	simm.s32 $0x1BF5;
	[smem:$0x3FA3] =	sst s0  }
0x18: {  	s0 =	sld [smem:$0x3F86];
	_ =	swait.ge [sflag:s4], $0x0  }
0x19: {  	s7 =	sld [smem:$0x3F87]  }
0x1a: {  	s8 =	sadd.s32 $0xFFFFE003, lr  }
0x1b: {  	s9 =	sadd.s32 $0xFFFFFEF7, lr;
	s5 =	simm.s32 $0xFFFFFFFF;
	p2 =	slt.u32 s8, $0xFFFFF086  }
0x1c: {  	p1 =	slt.u32 s9, $0xF7A;
	s5 =	simm.s32 @!p2 $0x0  }
0x1d: {  	s5 =	simm.s32 @p1 $0x1;
	p0 =	seq.s32 s7, s2  }
0x1e: {  	s7 =	smul.u32 @!p0 $0xF7A, s2;
	p2 =	seq.s32 @!p0 s5, $0x0  }
0x1f: {  	s9 =	smul.u32 $0xF7A, s1;
	s8 =	simm.s32 @!p0 $0x1BF5;
	p2 =	por !p2, p0  }
0x20: {  	[sflag:s8] =	ssyncset.s32 @!p0 $0xFFFFF086;
	s6 =	sadd.s32 @!p0 s3, s7;
	s7 =	simm.s32 @!p0 $0x108  }
0x21: {  	s3 =	sadd.s32 s3, s9;
	s6 =	sadd.s32 @!p0 $0x88, s6;
	s7 =	simm.s32 @p2 $0x1082  }
0x22: {  	[simem:s7], [sflag:s8] =	dma.local @!p0 [hbm:s6], $0xF7A  }
0x23: {  	s9 =	sor.u32 $0xD0000000, s2;
	s6 =	simm.s32 $0x108;
	_ =	swait.ge @!p0 [sflag:s8], $0x0  }
0x24: {  	s3 =	sadd.s32 $0x88, s3;
	s6 =	simm.s32 @!p1 $0x1082;
	[sflag:s4] =	ssyncset.s32 $0xFFFFF086  }
0x25: {  	[simem:s6], [sflag:s4] =	dma.local [hbm:s3], $0xF7A  }
0x26: {  	[smem:$0x3F87] =	sst s1;
	(tag) =	ssettag s2;
	_ =	strace s9  }
0x27: {  	s1 =	sld [smem:$0x3F97]  }
0x28: {  	s2 =	sld [smem:$0x3F98]  }
0x29: {  	s4 =	sld [smem:$0x3F9A]  }
0x2a: {  	p0 =	seq.s32 s5, $0x0;
	s5 =	sld [smem:$0x3F9B]  }
0x2b: {  	s6 =	sld [smem:$0x3F9C]  }
0x2c: {  	s7 =	sld [smem:$0x3F9D]  }
0x2d: {  	s3 =	simm.s32 $0x108;
	s8 =	sld [smem:$0x3F9E]  }
0x2e: {  	s3 =	simm.s32 @!p0 $0x1082;
	s9 =	sld [smem:$0x3F9F]  }
0x2f: {  	lr =	sadd.s32 s0, s3;
	s0 =	sld [smem:$0x3F96]  }
0x30: {  	s3 =	sld [smem:$0x3F99]  }
0x31: {  	[smem:$0x3FA2] =	sst s10  }
0x32: {  	s10 =	sld [smem:$0x3FA0];
	_ =	sdelay $0x3  }
0x33: {  	p0 =	seq.s32 s10, $0x1;
	s10 =	sld [smem:$0x3FA2];
	_ =	sdelay $0x3  }
0x34: {  	[smem:$0x3FA2] =	sst s10  }
0x35: {  	s10 =	sld [smem:$0x3FA1];
	_ =	sdelay $0x3  }
0x36: {  	p1 =	seq.s32 s10, $0x1;
	s10 =	sld [smem:$0x3FA2];
	_ =	sdelay $0x3  }
0x37: {  	[smem:$0x3FA2] =	sst s10  }
0x38: {  	s10 =	sld [smem:$0x3FA3]  }
0x39: {  	_ = 	snop;
	(pc) =	sbr.ind lr, $3  }
0x3a: {  	_ = 	snop  }
0x3b: {  	_ = 	snop  }
0x3c: {  	p2 =	seq.s32 s10, $0x1;
	s10 =	sld [smem:$0x3FA2]  }
0x3d: {  	_ =	shalt  }
0x3e: {  	_ =	shalt  }
0x3f: {  	_ =	shalt  }
0x40: {  	_ =	shalt  }
0x41: {  	_ =	shalt  }
0x42: {  	_ =	shalt  }
0x43: {  	_ =	shalt  }
0x44: {  	_ =	shalt  }
0x45: {  	_ =	shalt  }
0x46: {  	_ =	shalt  }
0x47: {  	_ =	shalt  }
0x48: {  	_ =	shalt  }
0x49: {  	_ =	shalt  }
0x4a: {  	_ =	shalt  }
0x4b: {  	_ =	shalt  }
0x4c: {  	_ =	shalt  }
0x4d: {  	_ =	shalt  }
0x4e: {  	_ =	shalt  }
0x4f: {  	_ =	shalt  }
0x50: {  	_ =	shalt  }
0x51: {  	_ =	shalt  }
0x52: {  	_ =	shalt  }
0x53: {  	_ =	shalt  }
0x54: {  	_ =	shalt  }
0x55: {  	_ =	shalt  }
0x56: {  	_ =	shalt  }
0x57: {  	_ =	shalt  }
0x58: {  	_ =	shalt  }
0x59: {  	_ =	shalt  }
0x5a: {  	_ =	shalt  }
0x5b: {  	_ =	shalt  }
0x5c: {  	_ =	shalt  }
0x5d: {  	_ =	shalt  }
0x5e: {  	_ =	shalt  }
0x5f: {  	_ =	shalt  }
0x60: {  	_ =	shalt  }
0x61: {  	_ =	shalt  }
0x62: {  	_ =	shalt  }
0x63: {  	_ =	shalt  }
0x64: {  	_ =	shalt  }
0x65: {  	_ =	shalt  }
0x66: {  	_ =	shalt  }
0x67: {  	_ =	shalt  }
0x68: {  	_ =	shalt  }
0x69: {  	_ =	shalt  }
0x6a: {  	_ =	shalt  }
0x6b: {  	_ =	shalt  }
0x6c: {  	_ =	shalt  }
0x6d: {  	_ =	shalt  }
0x6e: {  	_ =	shalt  }
0x6f: {  	_ =	shalt  }
0x70: {  	_ =	shalt  }
0x71: {  	_ =	shalt  }
0x72: {  	_ =	shalt  }
0x73: {  	_ =	shalt  }
0x74: {  	_ =	shalt  }
0x75: {  	_ =	shalt  }
0x76: {  	_ =	shalt  }
0x77: {  	_ =	shalt  }
0x78: {  	_ =	shalt  }
0x79: {  	_ =	shalt  }
0x7a: {  	_ =	shalt  }
0x7b: {  	_ =	shalt  }
0x7c: {  	_ =	shalt  }
0x7d: {  	_ =	shalt  }
0x7e: {  	_ =	shalt  }
0x7f: {  	_ =	shalt  }
0x80: {  	_ =	shalt  }
0x81: {  	_ =	shalt  }
0x82: {  	_ =	shalt  }
0x83: {  	_ =	shalt  }
0x84: {  	_ =	shalt  }
0x85: {  	_ =	shalt  }
0x86: {  	_ =	shalt  }
0x87: {  	_ =	shalt  }
.Lfunc_end0:
.L_simem_size_0:
called_computation.2_lowered:
.L_overlay_start_0:
0x88: {  	s2 =	sld [smem:$0x3FD9]  }
0x89: {  	s3 =	sld [smem:$0x3FFE];
	_ =	sdelay $0x1  }
0x8a: {  	s1 =	srdreg.scid  }
0x8b: {  	s0 =	sand.u32 $0x1, s1  }
0x8c: {  	s16 =	sshll.u32 s0, $0xA;
	s2 =	sadd.s32 s3, s2  }
0x8d: {  	s2 =	sadd.s32 s2, s16  }
0x8e: {  	[smem:$0x3FAE] =	sst s2  }
0x8f: {  	_ = 	snop  }
0x90: {  	(tm) =	ssettm $0x1  }
0x91: {  	s17 =	sld [smem:$0x3FFB];
	_ =	sdelay $0x3  }
0x92: {  	_ =	strace s17  }
0x93: {  	s2 =	sld [smem:$0x3FFC];
	_ =	sdelay $0x3  }
0x94: {  	_ =	strace s2  }
0x95: {  	s2 =	sld [smem:$0x3FFD];
	_ =	sdelay $0x3  }
0x96: {  	_ =	strace s2  }
0x97: {  	_ =	strace $0x8FFFFFFF  }
0x98: {  	s18 =	sld [smem:$0x3FDB];
	_ =	sdelay $0x1  }
0x99: {  	s19 =	simm.s32 $_scs_section_size  }
0x9a: {  	s4 =	simm.s32 $_size__tile_overlayer_lowered;
	s5 =	simm.s32 $_tile_overlayer_lowered  }
0x9b: {  	s22 =	simm.s32 $0x1BFF;
	s21 =	sshll.u32 s5, $0x1;
	s2 =	sadd.s32 s19, s18  }
0x9c: {  	s6 =	simm.s32 $0x0;
	s20 =	sshll.u32 s4, $0x1;
	s4 =	sadd.s32 s21, s2  }
0x9d: {  	[timem:s6], [sflag:s22] =	dma.local [hbm:s4], s20  }
0x9e: {  	_ =	swait.ge [sflag:s22], s20  }
0x9f: {  	s3 =	ssub.s32 $0x0, s20;
	[sflag:s22] =	ssyncset.done $0x0  }
0xa0: {  	[sflag:s22] =	ssyncadd.s32 s3;
	_ =	sdelay $0x1  }
0xa1: {  	s23 =	simm.s32 $0x1B8B  }
0xa2: {  	_ =	swait.ge [sflag:s23], $0x1  }
0xa3: {  	[sflag:s23] =	ssyncset.done $0x0  }
0xa4: {  	s25 =	simm.s32 $0x1B8E;
	s24 =	sld [smem:$0x3FFE];
	[sflag:s23] =	ssyncadd.s32 $0xFFFFFFFF  }
0xa5: {  	s26 =	simm.s32 $execute0_lowered;
	[smem:$0x3FD2] =	sst s25  }
0xa6: {  	s4 =	sshll.u32 s26, $0x1;
	_ =	strace $0x8000004C;
	[dreg:$0x1] =	wrdreg $0xFFFFFFFF  }
0xa7: {  	s28 =	simm.s32 $_size_execute0_lowered;
	s2 =	sadd.s32 s2, s4;
	[dreg:$0x0] =	wrdreg $0x0  }
0xa8: {  	s4 =	sshll.u32 s28, $0x1;
	[dreg:$0x2] =	wrdreg s2  }
0xa9: {  	[dreg:$0x3] =	wrdreg s4  }
0xaa: {  	[dreg:$0x4] =	wrdreg $0xC0  }
0xab: {  	_ =	task [dreg:s6], $0x5FFFF  }
0xac: {  	[dreg:$0x1] =	wrdreg $0xFFFFFFFF  }
0xad: {  	[dreg:$0x0] =	wrdreg $0x60  }
0xae: {  	[dreg:$0x2] =	wrdreg s24  }
0xaf: {  	[dreg:$0x3] =	wrdreg $0x94400  }
0xb0: {  	[dreg:$0x4] =	wrdreg $0x9  }
0xb1: {  	_ =	task.clear_ibuf [dreg:s6], $0x5FFFF;
	_ =	strace $0x9000004C  }
0xb2: {  	s29 =	simm.s32 $0x9;
	_ =	strace $0x8000004E  }
0xb3: {  	_ =	swait.ge [sflag:s29], $0x1  }
0xb4: {  	[sflag:s29] =	ssyncadd.s32 $0xFFFFFFFF  }
0xb5: {  	_ =	strace $0x9000004E  }
0xb6: {  	_ =	sfence  }
0xb7: {  	s30 =	sld [smem:$0x0];
	_ =	sdelay $0x2  }
0xb8: {  	s31 =	sshll.u32 s1, $0xD;
	s1 =	sshrl.u32 s1, $0x2  }
0xb9: {  	s3 =	sand.u32 $0x4000, s31;
	s1 =	sadd.s32 s1, s30  }
0xba: {  	s0 =	sor.u32 s3, s0;
	s1 =	sshll.u32 s1, $0x11  }
0xbb: {  	s0 =	sor.u32 s1, s0  }
0xbc: {  	s0 =	sadd.s32 $0x8F2B, s0  }
0xbd: {  	[sflag:s0] =	ssyncadd.remote.s32 $0x1  }
0xbe: {  	_ =	sfence.sel $0xFFFF  }
0xbf: {  	[dreg:$0x0] =	wrdreg $0xFFFFFFFF;
	(pc) =	sbr.abs _section_cstart, $3  }
0xc0: {  	[dreg:$0x1] =	wrdreg $0xFFFFFFFF  }
0xc1: {  	_ =	task.clear_ibuf [dreg:s6], $0x2FFFF;
	_ =	strace $0x9FFFFFFF  }
0xc2: {  	(tm) =	ssettm $0x7FFFFFFF  }
0xc3: {  	_ =	shalt  }
tec
execute0_lowered:
.L_overlay_start_1:
0x0: {  	(tag) =	ssettag $0x1  }
0x1: {  	s0 =	rddreg [dreg:$0x0]  }
0x2: {  	s2 =	rddreg [dreg:$0x1]  }
0x3: {  	s3 =	simm.s32 $0x0;
	s1 =	srdreg.scid;
	s11 =	stileid.u32  }
0x4: {  	s28 =	simm.s32 $0x100;
	s29 =	simm.s32 $0x300;
	s30 =	simm.s32 $0x5  }
0x5: {  	s31 =	simm.s32 $0x2;
	[smem:$0x7FF] =	sst s3;
	s4 =	smul.u32 $0x2710, s11  }
0x6: {  	s1 =	sand.u32 $0x1, s1;
	s7 =	sadd.s32 $0x5800, s0;
	s15 =	smul.u32 $0x4E200, s11  }
0x7: {  	s8 =	sadd.s32 $0xF600, s0;
	s6 =	sadd.s32 $0x103E00, s0;
	s10 =	smul.u32 $0x4E20, s11  }
0x8: {  	s16 =	sshll.u32 s11, $0x6;
	s25 =	smul.u32 $0x9C4, s11;
	_ =	strace $0x8000004D  }
0x9: {  	s5 =	smul.u32 $0x27100, s1;
	[dreg:$0x4] =	wrdreg s6;
	s14 =	ssub.s32 $0x2, s1  }
0xa: {  	p0 =	seq.s32 s1, $0x0;
	s9 =	sshrl.u32 s14, $0x1;
	s6 =	sshrl.u32 s15, $0x2  }
0xb: {  	s17 =	sshrl.u32 s10, $0x3;
	s26 =	sadd.s32 s25, s8;
	s15 =	simm.s32 $0x9  }
0xc: {  	s4 =	sadd.s32 s4, s5;
	s6 =	sadd.s32 s6, s2;
	[dreg:$0x3] =	wrdreg s26  }
0xd: {  	s5 =	ssub.s32 s14, s9;
	s10 =	sadd.s32 s7, s17;
	[dreg:$0x5] =	wrdreg s6  }
0xe: {  	s18 =	sadd.s32 s8, s17;
	s19 =	sadd.s32 $0x10, s17;
	[dreg:$0x6] =	wrdreg s10  }
0xf: {  	s20 =	sadd.s32 $0x20, s17;
	[dreg:$0x7] =	wrdreg s18;
	s12 =	sadd.s32 s7, s19  }
0x10: {  	s22 =	sadd.s32 $0x30, s17;
	s10 =	sadd.s32 s8, s19;
	[dreg:$0x8] =	wrdreg s12  }
0x11: {  	s9 =	sadd.s32 $0x9C0, s17;
	s21 =	sadd.s32 s7, s20;
	[dreg:$0x9] =	wrdreg s10  }
0x12: {  	s26 =	simm.s32 $0x440;
	s23 =	sadd.s32 s7, s22;
	[dreg:$0xa] =	wrdreg s21  }
0x13: {  	s4 =	sadd.s32 s4, s0;
	s1 =	sadd.s32 s8, s22;
	[dreg:$0xc] =	wrdreg s23  }
0x14: {  	s6 =	sor.u32 $0x1C0A, s16;
	s24 =	sadd.s32 s7, s9;
	[dreg:$0xd] =	wrdreg s1  }
0x15: {  	s9 =	sadd.s32 s8, s9;
	s5 =	smax.u32 s5, $0x1;
	[dreg:$0xe] =	wrdreg s24  }
0x16: {  	s22 =	simm.s32 $0x200;
	s16 =	simm.s32 $0x0;
	[dreg:$0xf] =	wrdreg s9  }
0x17: {  	s10 =	sadd.s32 s8, s20;
	s4 =	sadd.s32 $0x106600, s4;
	[dreg:$0x11] =	wrdreg s5  }
0x18: {  	s20 =	sadd.s32 s25, s7;
	s21 =	simm.s32 $0xA;
	s23 =	simm.s32 $0x80  }
0x19: {  	s24 =	simm.s32 $0x280;
	s25 =	simm.s32 $0x1;
	s1 =	simm.s32 $0x180  }
0x1a: {  	s5 =	simm.s32 $0x6;
	s7 =	simm.s32 $0x7;
	s8 =	simm.s32 $0x3  }
0x1b: {  	s9 =	simm.s32 $0x8;
	[dreg:$0x10] =	wrdreg s4;
	s4 =	simm.s32 $0x19400  }
0x1c: {  	[dreg:$0xb] =	wrdreg s10;
	s10 =	simm.s32 $0x4;
	s4 =	simm.s32 @!p0 $0x67800  }
0x1d: {  	s19 =	sadd.s32 s4, s0;
	s0 =	simm.s32 $0x4440;
	s4 =	simm.s32 $0x380  }
.LBB2_1:
0x1e: {  	s11 =	rddreg [dreg:$0x5]  }
0x1f: {  	s12 =	rddreg [dreg:$0x4];
	s17 =	sshrl.u32 s11, $0x3  }
0x20: {  	[spmem:s17], [sflag:s6] =	dma.local [hbm:s12], $0x2710  }
0x21: {  	_ =	swait.ge [sflag:s21], $0x2710  }
0x22: {  	[sflag:s21] =	ssyncset.done $0x0  }
0x23: {  	[sflag:s21] =	ssyncadd.s32 $0xFFFFD8F0  }
0x24: {  	[bflag:$0x0] =	sbarrier.arrive $0xFFFF  }
0x25: {  	s13 =	rddreg [dreg:$0x6]  }
0x26: {  	[tilespmem:s3], [sflag:$0x1] =	stream.linear.gather [hbm4b:s13+s3], $0x80, $0x38;
	[tilespmem:$0x1CCC0] =	vst v63  }
0x27: {  	s14 =	rddreg [dreg:$0x7]  }
0x28: {  	[tilespmem:s22], [sflag:$0x1] =	stream.linear.gather [hbm4b:s14+s3], $0x80, $0x38;
	[tilespmem:$0x1CCC0] =	vst v63  }
0x29: {  	s18 =	rddreg [dreg:$0x8]  }
0x2a: {  	[tilespmem:s23], [sflag:$0x2] =	stream.linear.gather [hbm4b:s18+s3], $0x80, $0x38;
	[tilespmem:$0x1CCC0] =	vst v63  }
0x2b: {  	s12 =	rddreg [dreg:$0x9]  }
0x2c: {  	[tilespmem:s24], [sflag:$0x2] =	stream.linear.gather [hbm4b:s12+s3], $0x80, $0x38;
	[tilespmem:$0x1CCC0] =	vst v63  }
0x2d: {  	_ =	swait.ge [sflag:s25], $0x80  }
0x2e: {  	[sflag:s25] =	ssyncset.done $0x0  }
0x2f: {  	[sflag:s25] =	ssyncadd.s32 $0xFFFFFF80  }
0x30: {  	_ =	swait.ge [sflag:s25], $0x80  }
0x31: {  	[sflag:s25] =	ssyncset.done $0x0  }
0x32: {  	[sflag:s25] =	ssyncadd.s32 $0xFFFFFF80  }
0x33: {  	[tilespmem:s26], [sflag:$0x5] =	stream.indirect.gather [hbm4b:s19+s23], $0x80, s3, s23, $0xb8;
	[tilespmem:$0x1CCC0] =	vst v63  }
0x34: {  	s13 =	rddreg [dreg:$0xa]  }
0x35: {  	[tilespmem:s28], [sflag:$0x3] =	stream.linear.gather [hbm4b:s13+s3], $0x80, $0x38;
	[tilespmem:$0x1CCC0] =	vst v63  }
0x36: {  	s14 =	rddreg [dreg:$0xb]  }
0x37: {  	[tilespmem:s29], [sflag:$0x3] =	stream.linear.gather [hbm4b:s14+s3], $0x80, $0x38;
	[tilespmem:$0x1CCC0] =	vst v63  }
0x38: {  	_ =	swait.ge [sflag:s30], $0x4000  }
0x39: {  	[sflag:s30] =	ssyncset.done $0x0  }
0x3a: {  	[sflag:s30] =	ssyncadd.s32 $0xFFFFC000  }
0x3b: {  	[spmem:s2] =	stream.indirect.scatter.add.f32 [tilespmem:s26], [sflag:$0x7], $0x80, s22, s23, $0xb8;
	[tilespmem:$0x1CCC0] =	vst v63  }
0x3c: {  	_ =	swait.ge [sflag:s31], $0x80  }
0x3d: {  	[sflag:s31] =	ssyncset.done $0x0  }
0x3e: {  	[sflag:s31] =	ssyncadd.s32 $0xFFFFFF80  }
0x3f: {  	_ =	swait.ge [sflag:s31], $0x80  }
0x40: {  	[sflag:s31] =	ssyncset.done $0x0  }
0x41: {  	[sflag:s31] =	ssyncadd.s32 $0xFFFFFF80  }
0x42: {  	[tilespmem:s0], [sflag:$0x6] =	stream.indirect.gather [hbm4b:s19+s23], $0x80, s23, s23, $0xb8;
	[tilespmem:$0x1CCC0] =	vst v63  }
0x43: {  	s18 =	rddreg [dreg:$0xc]  }
0x44: {  	[tilespmem:s1], [sflag:$0x4] =	stream.linear.gather [hbm4b:s18+s3], $0x80, $0x38;
	[tilespmem:$0x1CCC0] =	vst v63  }
0x45: {  	s12 =	rddreg [dreg:$0xd]  }
0x46: {  	[tilespmem:s4], [sflag:$0x4] =	stream.linear.gather [hbm4b:s12+s3], $0x80, $0x38;
	[tilespmem:$0x1CCC0] =	vst v63  }
0x47: {  	_ =	swait.ge [sflag:s5], $0x4000  }
0x48: {  	[sflag:s5] =	ssyncset.done $0x0  }
0x49: {  	[sflag:s5] =	ssyncadd.s32 $0xFFFFC000  }
0x4a: {  	_ =	swait.ge [sflag:s7], $0x4000  }
0x4b: {  	[sflag:s7] =	ssyncset.done $0x0  }
0x4c: {  	[sflag:s7] =	ssyncadd.s32 $0xFFFFC000  }
0x4d: {  	[spmem:s2] =	stream.indirect.scatter.add.f32 [tilespmem:s0], [sflag:$0x8], $0x80, s24, s23, $0xb8;
	[tilespmem:$0x1CCC0] =	vst v63  }
0x4e: {  	_ =	swait.ge [sflag:s8], $0x80  }
0x4f: {  	[sflag:s8] =	ssyncset.done $0x0  }
0x50: {  	[sflag:s8] =	ssyncadd.s32 $0xFFFFFF80  }
0x51: {  	_ =	swait.ge [sflag:s8], $0x80  }
0x52: {  	[sflag:s8] =	ssyncset.done $0x0  }
0x53: {  	s12 =	sadd.s32 $0x0, s20;
	s13 =	rddreg [dreg:$0x3];
	[sflag:s8] =	ssyncadd.s32 $0xFFFFFF80  }
0x54: {  	[tilespmem:s26], [sflag:$0x5] =	stream.indirect.gather [hbm4b:s19+s23], $0x80, s28, s23, $0xb8;
	[tilespmem:$0x1CCC0] =	vst v63  }
0x55: {  	s18 =	sadd.s32 $0x40, s12;
	s11 =	sadd.s32 $0x0, s13  }
0x56: {  	[tilespmem:s3], [sflag:$0x1] =	stream.linear.gather [hbm4b:s18+s3], $0x80, $0x38;
	[tilespmem:$0x1CCC0] =	vst v63  }
0x57: {  	s14 =	sadd.s32 $0x40, s11  }
0x58: {  	[tilespmem:s22], [sflag:$0x1] =	stream.linear.gather [hbm4b:s14+s3], $0x80, $0x38;
	[tilespmem:$0x1CCC0] =	vst v63  }
0x59: {  	_ =	swait.ge [sflag:s30], $0x4000  }
0x5a: {  	[sflag:s30] =	ssyncset.done $0x0  }
0x5b: {  	[sflag:s30] =	ssyncadd.s32 $0xFFFFC000  }
0x5c: {  	_ =	swait.ge [sflag:s9], $0x4000  }
0x5d: {  	[sflag:s9] =	ssyncset.done $0x0  }
0x5e: {  	[sflag:s9] =	ssyncadd.s32 $0xFFFFC000  }
0x5f: {  	[spmem:s2] =	stream.indirect.scatter.add.f32 [tilespmem:s26], [sflag:$0x7], $0x80, s29, s23, $0xb8;
	[tilespmem:$0x1CCC0] =	vst v63  }
0x60: {  	_ =	swait.ge [sflag:s10], $0x80  }
0x61: {  	[sflag:s10] =	ssyncset.done $0x0  }
0x62: {  	[sflag:s10] =	ssyncadd.s32 $0xFFFFFF80  }
0x63: {  	_ =	swait.ge [sflag:s10], $0x80  }
0x64: {  	[sflag:s10] =	ssyncset.done $0x0  }
0x65: {  	[sflag:s10] =	ssyncadd.s32 $0xFFFFFF80  }
0x66: {  	[tilespmem:s0], [sflag:$0x6] =	stream.indirect.gather [hbm4b:s19+s23], $0x80, s1, s23, $0xb8;
	[tilespmem:$0x1CCC0] =	vst v63  }
0x67: {  	s13 =	sadd.s32 $0x50, s12  }
0x68: {  	[tilespmem:s23], [sflag:$0x2] =	stream.linear.gather [hbm4b:s13+s3], $0x80, $0x38;
	[tilespmem:$0x1CCC0] =	vst v63  }
0x69: {  	s14 =	sadd.s32 $0x50, s11  }
0x6a: {  	[tilespmem:s24], [sflag:$0x2] =	stream.linear.gather [hbm4b:s14+s3], $0x80, $0x38;
	[tilespmem:$0x1CCC0] =	vst v63  }
0x6b: {  	_ =	swait.ge [sflag:s5], $0x4000  }
0x6c: {  	[sflag:s5] =	ssyncset.done $0x0  }
0x6d: {  	[sflag:s5] =	ssyncadd.s32 $0xFFFFC000  }
0x6e: {  	_ =	swait.ge [sflag:s7], $0x4000  }
0x6f: {  	[sflag:s7] =	ssyncset.done $0x0  }
0x70: {  	[sflag:s7] =	ssyncadd.s32 $0xFFFFC000  }
0x71: {  	[spmem:s2] =	stream.indirect.scatter.add.f32 [tilespmem:s0], [sflag:$0x8], $0x80, s4, s23, $0xb8;
	[tilespmem:$0x1CCC0] =	vst v63  }
0x72: {  	_ =	swait.ge [sflag:s25], $0x80  }
0x73: {  	[sflag:s25] =	ssyncset.done $0x0  }
0x74: {  	[sflag:s25] =	ssyncadd.s32 $0xFFFFFF80  }
0x75: {  	_ =	swait.ge [sflag:s25], $0x80  }
0x76: {  	[sflag:s25] =	ssyncset.done $0x0  }
0x77: {  	[sflag:s25] =	ssyncadd.s32 $0xFFFFFF80  }
0x78: {  	[tilespmem:s26], [sflag:$0x5] =	stream.indirect.gather [hbm4b:s19+s23], $0x80, s3, s23, $0xb8;
	[tilespmem:$0x1CCC0] =	vst v63  }
0x79: {  	s13 =	sadd.s32 $0x60, s12  }
0x7a: {  	[tilespmem:s28], [sflag:$0x3] =	stream.linear.gather [hbm4b:s13+s3], $0x80, $0x38;
	[tilespmem:$0x1CCC0] =	vst v63  }
0x7b: {  	s14 =	sadd.s32 $0x60, s11  }
0x7c: {  	[tilespmem:s29], [sflag:$0x3] =	stream.linear.gather [hbm4b:s14+s3], $0x80, $0x38;
	[tilespmem:$0x1CCC0] =	vst v63  }
0x7d: {  	_ =	swait.ge [sflag:s30], $0x4000  }
0x7e: {  	[sflag:s30] =	ssyncset.done $0x0  }
0x7f: {  	[sflag:s30] =	ssyncadd.s32 $0xFFFFC000  }
0x80: {  	_ =	swait.ge [sflag:s9], $0x4000  }
0x81: {  	[sflag:s9] =	ssyncset.done $0x0  }
0x82: {  	[sflag:s9] =	ssyncadd.s32 $0xFFFFC000  }
0x83: {  	[spmem:s2] =	stream.indirect.scatter.add.f32 [tilespmem:s26], [sflag:$0x7], $0x80, s22, s23, $0xb8;
	[tilespmem:$0x1CCC0] =	vst v63  }
0x84: {  	_ =	swait.ge [sflag:s31], $0x80  }
0x85: {  	[sflag:s31] =	ssyncset.done $0x0  }
0x86: {  	[sflag:s31] =	ssyncadd.s32 $0xFFFFFF80  }
0x87: {  	_ =	swait.ge [sflag:s31], $0x80  }
0x88: {  	[sflag:s31] =	ssyncset.done $0x0  }
0x89: {  	[sflag:s31] =	ssyncadd.s32 $0xFFFFFF80  }
0x8a: {  	[tilespmem:s0], [sflag:$0x6] =	stream.indirect.gather [hbm4b:s19+s23], $0x80, s23, s23, $0xb8;
	[tilespmem:$0x1CCC0] =	vst v63  }
0x8b: {  	s18 =	simm.s32 $0x40;
	s12 =	sadd.s32 $0x70, s12;
	s11 =	sadd.s32 $0x70, s11  }
0x8c: {  	[tilespmem:s1], [sflag:$0x4] =	stream.linear.gather [hbm4b:s12+s3], $0x80, $0x38;
	[tilespmem:$0x1CCC0] =	vst v63  }
.LBB2_2:
0x8d: {  	[tilespmem:s4], [sflag:$0x4] =	stream.linear.gather [hbm4b:s11+s3], $0x80, $0x38;
	[tilespmem:$0x1CCC0] =	vst v63  }
0x8e: {  	_ =	swait.ge [sflag:s5], $0x4000  }
0x8f: {  	[sflag:s5] =	ssyncset.done $0x0  }
0x90: {  	[sflag:s5] =	ssyncadd.s32 $0xFFFFC000  }
0x91: {  	_ =	swait.ge [sflag:s7], $0x4000  }
0x92: {  	[sflag:s7] =	ssyncset.done $0x0  }
0x93: {  	[sflag:s7] =	ssyncadd.s32 $0xFFFFC000  }
0x94: {  	[spmem:s2] =	stream.indirect.scatter.add.f32 [tilespmem:s0], [sflag:$0x8], $0x80, s24, s23, $0xb8;
	[tilespmem:$0x1CCC0] =	vst v63  }
0x95: {  	_ =	swait.ge [sflag:s8], $0x80  }
0x96: {  	[sflag:s8] =	ssyncset.done $0x0  }
0x97: {  	[sflag:s8] =	ssyncadd.s32 $0xFFFFFF80  }
0x98: {  	_ =	swait.ge [sflag:s8], $0x80  }
0x99: {  	s12 =	smov.u32 s18;
	[sflag:s8] =	ssyncset.done $0x0  }
0x9a: {  	s11 =	sadd.s32 s12, s20;
	s13 =	rddreg [dreg:$0x3];
	[sflag:s8] =	ssyncadd.s32 $0xFFFFFF80  }
0x9b: {  	[tilespmem:s26], [sflag:$0x5] =	stream.indirect.gather [hbm4b:s19+s23], $0x80, s28, s23, $0xb8;
	[tilespmem:$0x1CCC0] =	vst v63  }
0x9c: {  	s14 =	sadd.s32 $0x40, s11;
	s12 =	sadd.s32 s12, s13  }
0x9d: {  	[tilespmem:s3], [sflag:$0x1] =	stream.linear.gather [hbm4b:s14+s3], $0x80, $0x38;
	[tilespmem:$0x1CCC0] =	vst v63  }
0x9e: {  	s13 =	sadd.s32 $0x40, s12  }
0x9f: {  	[tilespmem:s22], [sflag:$0x1] =	stream.linear.gather [hbm4b:s13+s3], $0x80, $0x38;
	[tilespmem:$0x1CCC0] =	vst v63  }
0xa0: {  	_ =	swait.ge [sflag:s30], $0x4000  }
0xa1: {  	[sflag:s30] =	ssyncset.done $0x0  }
0xa2: {  	[sflag:s30] =	ssyncadd.s32 $0xFFFFC000  }
0xa3: {  	_ =	swait.ge [sflag:s9], $0x4000  }
0xa4: {  	[sflag:s9] =	ssyncset.done $0x0  }
0xa5: {  	[sflag:s9] =	ssyncadd.s32 $0xFFFFC000  }
0xa6: {  	[spmem:s2] =	stream.indirect.scatter.add.f32 [tilespmem:s26], [sflag:$0x7], $0x80, s29, s23, $0xb8;
	[tilespmem:$0x1CCC0] =	vst v63  }
0xa7: {  	_ =	swait.ge [sflag:s10], $0x80  }
0xa8: {  	[sflag:s10] =	ssyncset.done $0x0  }
0xa9: {  	[sflag:s10] =	ssyncadd.s32 $0xFFFFFF80  }
0xaa: {  	_ =	swait.ge [sflag:s10], $0x80  }
0xab: {  	[sflag:s10] =	ssyncset.done $0x0  }
0xac: {  	[sflag:s10] =	ssyncadd.s32 $0xFFFFFF80  }
0xad: {  	[tilespmem:s0], [sflag:$0x6] =	stream.indirect.gather [hbm4b:s19+s23], $0x80, s1, s23, $0xb8;
	[tilespmem:$0x1CCC0] =	vst v63  }
0xae: {  	s13 =	sadd.s32 $0x50, s11  }
0xaf: {  	[tilespmem:s23], [sflag:$0x2] =	stream.linear.gather [hbm4b:s13+s3], $0x80, $0x38;
	[tilespmem:$0x1CCC0] =	vst v63  }
0xb0: {  	s14 =	sadd.s32 $0x50, s12  }
0xb1: {  	[tilespmem:s24], [sflag:$0x2] =	stream.linear.gather [hbm4b:s14+s3], $0x80, $0x38;
	[tilespmem:$0x1CCC0] =	vst v63  }
0xb2: {  	_ =	swait.ge [sflag:s5], $0x4000  }
0xb3: {  	[sflag:s5] =	ssyncset.done $0x0  }
0xb4: {  	[sflag:s5] =	ssyncadd.s32 $0xFFFFC000  }
0xb5: {  	_ =	swait.ge [sflag:s7], $0x4000  }
0xb6: {  	[sflag:s7] =	ssyncset.done $0x0  }
0xb7: {  	[sflag:s7] =	ssyncadd.s32 $0xFFFFC000  }
0xb8: {  	[spmem:s2] =	stream.indirect.scatter.add.f32 [tilespmem:s0], [sflag:$0x8], $0x80, s4, s23, $0xb8;
	[tilespmem:$0x1CCC0] =	vst v63  }
0xb9: {  	_ =	swait.ge [sflag:s25], $0x80  }
0xba: {  	[sflag:s25] =	ssyncset.done $0x0  }
0xbb: {  	[sflag:s25] =	ssyncadd.s32 $0xFFFFFF80  }
0xbc: {  	_ =	swait.ge [sflag:s25], $0x80  }
0xbd: {  	[sflag:s25] =	ssyncset.done $0x0  }
0xbe: {  	[sflag:s25] =	ssyncadd.s32 $0xFFFFFF80  }
0xbf: {  	[tilespmem:s26], [sflag:$0x5] =	stream.indirect.gather [hbm4b:s19+s23], $0x80, s3, s23, $0xb8;
	[tilespmem:$0x1CCC0] =	vst v63  }
0xc0: {  	s13 =	sadd.s32 $0x60, s11  }
0xc1: {  	[tilespmem:s28], [sflag:$0x3] =	stream.linear.gather [hbm4b:s13+s3], $0x80, $0x38;
	[tilespmem:$0x1CCC0] =	vst v63  }
0xc2: {  	s14 =	sadd.s32 $0x60, s12  }
0xc3: {  	[tilespmem:s29], [sflag:$0x3] =	stream.linear.gather [hbm4b:s14+s3], $0x80, $0x38;
	[tilespmem:$0x1CCC0] =	vst v63  }
0xc4: {  	_ =	swait.ge [sflag:s30], $0x4000  }
0xc5: {  	[sflag:s30] =	ssyncset.done $0x0  }
0xc6: {  	[sflag:s30] =	ssyncadd.s32 $0xFFFFC000  }
0xc7: {  	_ =	swait.ge [sflag:s9], $0x4000  }
0xc8: {  	[sflag:s9] =	ssyncset.done $0x0  }
0xc9: {  	[sflag:s9] =	ssyncadd.s32 $0xFFFFC000  }
0xca: {  	[spmem:s2] =	stream.indirect.scatter.add.f32 [tilespmem:s26], [sflag:$0x7], $0x80, s22, s23, $0xb8;
	[tilespmem:$0x1CCC0] =	vst v63  }
0xcb: {  	_ =	swait.ge [sflag:s31], $0x80  }
0xcc: {  	[sflag:s31] =	ssyncset.done $0x0  }
0xcd: {  	[sflag:s31] =	ssyncadd.s32 $0xFFFFFF80  }
0xce: {  	p0 =	sne.s32 s18, $0x940;
	_ =	swait.ge [sflag:s31], $0x80  }
.Ltmp0:
0xcf: {  	[sflag:s31] =	ssyncset.done $0x0;
	(pc) =	sbr.rel @p0 .LBB2_2-.Ltmp0, $4  }
0xd0: {  	[sflag:s31] =	ssyncadd.s32 $0xFFFFFF80  }
0xd1: {  	[tilespmem:s0], [sflag:$0x6] =	stream.indirect.gather [hbm4b:s19+s23], $0x80, s23, s23, $0xb8;
	[tilespmem:$0x1CCC0] =	vst v63  }
0xd2: {  	s18 =	sadd.s32 $0x40, s18;
	s14 =	sadd.s32 $0x70, s11;
	s11 =	sadd.s32 $0x70, s12  }
0xd3: {  	[tilespmem:s1], [sflag:$0x4] =	stream.linear.gather [hbm4b:s14+s3], $0x80, $0x38;
	[tilespmem:$0x1CCC0] =	vst v63  }
0xd4: {  	[tilespmem:s4], [sflag:$0x4] =	stream.linear.gather [hbm4b:s11+s3], $0x80, $0x38;
	[tilespmem:$0x1CCC0] =	vst v63  }
0xd5: {  	_ =	swait.ge [sflag:s5], $0x4000  }
0xd6: {  	[sflag:s5] =	ssyncset.done $0x0  }
0xd7: {  	[sflag:s5] =	ssyncadd.s32 $0xFFFFC000  }
0xd8: {  	_ =	swait.ge [sflag:s7], $0x4000  }
0xd9: {  	[sflag:s7] =	ssyncset.done $0x0  }
0xda: {  	[sflag:s7] =	ssyncadd.s32 $0xFFFFC000  }
0xdb: {  	[spmem:s2] =	stream.indirect.scatter.add.f32 [tilespmem:s0], [sflag:$0x8], $0x80, s24, s23, $0xb8;
	[tilespmem:$0x1CCC0] =	vst v63  }
0xdc: {  	_ =	swait.ge [sflag:s8], $0x80  }
0xdd: {  	[sflag:s8] =	ssyncset.done $0x0  }
0xde: {  	[sflag:s8] =	ssyncadd.s32 $0xFFFFFF80  }
0xdf: {  	_ =	swait.ge [sflag:s8], $0x80  }
0xe0: {  	[sflag:s8] =	ssyncset.done $0x0  }
0xe1: {  	[sflag:s8] =	ssyncadd.s32 $0xFFFFFF80  }
0xe2: {  	[tilespmem:s26], [sflag:$0x5] =	stream.indirect.gather [hbm4b:s19+s23], $0x80, s28, s23, $0xb8;
	[tilespmem:$0x1CCC0] =	vst v63  }
0xe3: {  	_ =	swait.ge [sflag:s30], $0x4000  }
0xe4: {  	[sflag:s30] =	ssyncset.done $0x0  }
0xe5: {  	[sflag:s30] =	ssyncadd.s32 $0xFFFFC000  }
0xe6: {  	_ =	swait.ge [sflag:s9], $0x4000  }
0xe7: {  	[sflag:s9] =	ssyncset.done $0x0  }
0xe8: {  	[sflag:s9] =	ssyncadd.s32 $0xFFFFC000  }
0xe9: {  	[spmem:s2] =	stream.indirect.scatter.add.f32 [tilespmem:s26], [sflag:$0x7], $0x80, s29, s23, $0xb8;
	[tilespmem:$0x1CCC0] =	vst v63  }
0xea: {  	_ =	swait.ge [sflag:s10], $0x80  }
0xeb: {  	[sflag:s10] =	ssyncset.done $0x0  }
0xec: {  	[sflag:s10] =	ssyncadd.s32 $0xFFFFFF80  }
0xed: {  	_ =	swait.ge [sflag:s10], $0x80  }
0xee: {  	[sflag:s10] =	ssyncset.done $0x0  }
0xef: {  	[sflag:s10] =	ssyncadd.s32 $0xFFFFFF80  }
0xf0: {  	[tilespmem:s0], [sflag:$0x6] =	stream.indirect.gather [hbm4b:s19+s23], $0x80, s1, s23, $0xb8;
	[tilespmem:$0x1CCC0] =	vst v63  }
0xf1: {  	_ =	swait.ge [sflag:s5], $0x4000  }
0xf2: {  	[sflag:s5] =	ssyncset.done $0x0  }
0xf3: {  	[sflag:s5] =	ssyncadd.s32 $0xFFFFC000  }
0xf4: {  	_ =	swait.ge [sflag:s7], $0x4000  }
0xf5: {  	[sflag:s7] =	ssyncset.done $0x0  }
0xf6: {  	[sflag:s7] =	ssyncadd.s32 $0xFFFFC000  }
0xf7: {  	[spmem:s2] =	stream.indirect.scatter.add.f32 [tilespmem:s0], [sflag:$0x8], $0x80, s4, s23, $0xb8;
	[tilespmem:$0x1CCC0] =	vst v63  }
0xf8: {  	_ =	swait.ge [sflag:s9], $0x4000  }
0xf9: {  	[sflag:s9] =	ssyncset.done $0x0  }
0xfa: {  	s12 =	simm.s32 $0x400;
	s13 =	rddreg [dreg:$0xe];
	[sflag:s9] =	ssyncadd.s32 $0xFFFFC000  }
0xfb: {  	[tilespmem:s12], [sflag:$0xA] =	stream.linear.gather [hbm4b:s13+s3], $0x20, $0x38;
	[tilespmem:$0x1CCC0] =	vst v63  }
0xfc: {  	_ =	swait.ge [sflag:s21], $0x20  }
0xfd: {  	[sflag:s21] =	ssyncset.done $0x0  }
0xfe: {  	s13 =	simm.s32 $0x420;
	s14 =	rddreg [dreg:$0xf];
	[sflag:s21] =	ssyncadd.s32 $0xFFFFFFE0  }
0xff: {  	[tilespmem:s13], [sflag:$0xA] =	stream.linear.gather [hbm4b:s14+s3], $0x20, $0x38;
	[tilespmem:$0x1CCC0] =	vst v63  }
0x100: {  	_ =	swait.ge [sflag:s21], $0x20  }
0x101: {  	[sflag:s21] =	ssyncset.done $0x0  }
0x102: {  	s18 =	simm.s32 $0x20;
	s14 =	simm.s32 $0x8440;
	[sflag:s21] =	ssyncadd.s32 $0xFFFFFFE0  }
0x103: {  	[tilespmem:s14], [sflag:$0x9] =	stream.indirect.gather [hbm4b:s19+s18], $0x80, s12, s18, $0xb8;
	[tilespmem:$0x1CCC0] =	vst v63  }
0x104: {  	_ =	swait.ge [sflag:s15], $0x1000  }
0x105: {  	[sflag:s15] =	ssyncset.done $0x0  }
0x106: {  	[sflag:s15] =	ssyncadd.s32 $0xFFFFF000  }
0x107: {  	[spmem:s2] =	stream.indirect.scatter.add.f32 [tilespmem:s14], [sflag:$0xA], $0x80, s13, s18, $0xb8;
	[tilespmem:$0x1CCC0] =	vst v63  }
0x108: {  	_ =	swait.ge [sflag:s21], $0x1000  }
0x109: {  	[sflag:s21] =	ssyncset.done $0x0  }
0x10a: {  	[sflag:s21] =	ssyncadd.s32 $0xFFFFF000  }
0x10b: {  	[bflag:$0x0] =	sbarrier.arrive $0xFFFF  }
0x10c: {  	s14 =	rddreg [dreg:$0x10]  }
0x10d: {  	[hbm:s14], [sflag:s6] =	dma.local [spmem:s17], $0x2710  }
0x10e: {  	_ =	swait.ge [sflag:s21], $0x2710  }
0x10f: {  	s16 =	sadd.s32 $0x1, s16;
	s18 =	rddreg [dreg:$0x11]  }
0x110: {  	p0 =	sne.s32 s16, s18  }
.Ltmp1:
0x111: {  	_ = 	snop;
	(pc) =	sbr.rel @p0 .LBB2_1-.Ltmp1, $3  }
0x112: {  	_ =	sdelay $0x1  }
0x113: {  	[sflag:s21] =	ssyncset.done $0x0  }
0x114: {  	[sflag:s21] =	ssyncadd.s32 $0xFFFFD8F0  }
0x115: {  	_ =	sfence.sel $0x180000  }
0x116: {  	[bflag:$0x0] =	sbarrier.arrive $0xFFFF  }
0x117: {  	_ =	strace $0x9000004D  }
0x118: {  	s0 =	stileid.u32;
	[bflag:$0x2] =	sbarrier.arrive $0xFFFF  }
0x119: {  	p0 =	sne.s32 s0, $0x0;
	s0 =	rddreg [dreg:$0x2]  }
0x11a: {  	s0 =	sadd.s32 @!p0 $0x100000, s0  }
0x11b: {  	[sflag:s0] =	ssyncadd.tile.s32 @!p0 $0x1;
	_ =	shalt  }
.Lfunc_end2:
_tile_overlayer_lowered:
.L_overlay_start_2:
0x11c: {  	(tag) =	ssettag $0x2  }
0x11d: {  	s0 =	rddreg [dreg:$0x0];
	s2 =	stileid.u32  }
0x11e: {  	s1 =	rddreg [dreg:$0x1];
	p0 =	sne.s32 s2, $0x0  }
0x11f: {  	s3 =	rddreg [dreg:$0x2];
	[bflag:$0x3] =	sbarrier.arrive $0xFFFF;
	s2 =	simm.s32 @!p0 $0x1C0A  }
0x120: {  	[timem:s3], [sflag:s2] =	dma.local @!p0 [hbm:s0], s1  }
0x121: {  	s0 =	simm.s32 @!p0 $0xA  }
0x122: {  	_ =	swait.ge @!p0 [sflag:s0], s1  }
0x123: {  	s1 =	ssub.s32 @!p0 $0x0, s1;
	[sflag:s0] =	ssyncset.done @!p0 $0x0  }
0x124: {  	[sflag:s0] =	ssyncadd.s32 @!p0 s1  }
0x125: {  	[bflag:$0x3] =	sbarrier.arrive $0xFFFF  }
0x126: {  	_ =	shalt  }

// kernel: kernel.19.cloned.1.call-start
scs
__scs_entry_jumppad:
0x0: {  	(pc) =	sbr.rel $0x88, $3  }
0x1: {  	(tag) =	ssettag $0x0;
	lr =	simm.s32 $0x1  }
0x2: {  	[smem:$0x3F87] =	sst lr;
	_ =	strace $0xD0000000  }
0x3: {  	_ = 	snop  }
0x4: {  	_ = 	snop  }
0x5: {  	_ = 	snop  }
0x6: {  	_ = 	snop  }
0x7: {  	_ = 	snop  }
__scs_overlays_trampoline_lowered:
0x8: {  	[smem:$0x3F96] =	sst s0  }
0x9: {  	[smem:$0x3F97] =	sst s1  }
0xa: {  	[smem:$0x3F98] =	sst s2  }
0xb: {  	[smem:$0x3F99] =	sst s3  }
0xc: {  	[smem:$0x3F9A] =	sst s4  }
0xd: {  	[smem:$0x3F9B] =	sst s5  }
0xe: {  	[smem:$0x3F9C] =	sst s6  }
0xf: {  	[smem:$0x3F9D] =	sst s7  }
0x10: {  	[smem:$0x3F9E] =	sst s8  }
0x11: {  	[smem:$0x3F9F] =	sst s9;
	s0 =	simm.s32 @!p0 $0x0  }
0x12: {  	s1 =	sld [smem:$0x3F85];
	s0 =	simm.s32 @p0 $0x1  }
0x13: {  	[smem:$0x3FA0] =	sst s0;
	s0 =	simm.s32 @!p1 $0x0  }
0x14: {  	s2 =	sld [smem:$0x3F84];
	s0 =	simm.s32 @p1 $0x1  }
0x15: {  	[smem:$0x3FA1] =	sst s0;
	s0 =	simm.s32 @!p2 $0x0  }
0x16: {  	s3 =	sld [smem:$0x3FDB];
	s0 =	simm.s32 @p2 $0x1  }
0x17: {  	s4 =	simm.s32 $0x1BF5;
	[smem:$0x3FA3] =	sst s0  }
0x18: {  	s0 =	sld [smem:$0x3F86];
	_ =	swait.ge [sflag:s4], $0x0  }
0x19: {  	s7 =	sld [smem:$0x3F87]  }
0x1a: {  	s8 =	sadd.s32 $0xFFFFE003, lr  }
0x1b: {  	s9 =	sadd.s32 $0xFFFFFEF7, lr;
	s5 =	simm.s32 $0xFFFFFFFF;
	p2 =	slt.u32 s8, $0xFFFFF086  }
0x1c: {  	p1 =	slt.u32 s9, $0xF7A;
	s5 =	simm.s32 @!p2 $0x0  }
0x1d: {  	s5 =	simm.s32 @p1 $0x1;
	p0 =	seq.s32 s7, s2  }
0x1e: {  	s7 =	smul.u32 @!p0 $0xF7A, s2;
	p2 =	seq.s32 @!p0 s5, $0x0  }
0x1f: {  	s9 =	smul.u32 $0xF7A, s1;
	s8 =	simm.s32 @!p0 $0x1BF5;
	p2 =	por !p2, p0  }
0x20: {  	[sflag:s8] =	ssyncset.s32 @!p0 $0xFFFFF086;
	s6 =	sadd.s32 @!p0 s3, s7;
	s7 =	simm.s32 @!p0 $0x108  }
0x21: {  	s3 =	sadd.s32 s3, s9;
	s6 =	sadd.s32 @!p0 $0x88, s6;
	s7 =	simm.s32 @p2 $0x1082  }
0x22: {  	[simem:s7], [sflag:s8] =	dma.local @!p0 [hbm:s6], $0xF7A  }
0x23: {  	s9 =	sor.u32 $0xD0000000, s2;
	s6 =	simm.s32 $0x108;
	_ =	swait.ge @!p0 [sflag:s8], $0x0  }
0x24: {  	s3 =	sadd.s32 $0x88, s3;
	s6 =	simm.s32 @!p1 $0x1082;
	[sflag:s4] =	ssyncset.s32 $0xFFFFF086  }
0x25: {  	[simem:s6], [sflag:s4] =	dma.local [hbm:s3], $0xF7A  }
0x26: {  	[smem:$0x3F87] =	sst s1;
	(tag) =	ssettag s2;
	_ =	strace s9  }
0x27: {  	s1 =	sld [smem:$0x3F97]  }
0x28: {  	s2 =	sld [smem:$0x3F98]  }
0x29: {  	s4 =	sld [smem:$0x3F9A]  }
0x2a: {  	p0 =	seq.s32 s5, $0x0;
	s5 =	sld [smem:$0x3F9B]  }
0x2b: {  	s6 =	sld [smem:$0x3F9C]  }
0x2c: {  	s7 =	sld [smem:$0x3F9D]  }
0x2d: {  	s3 =	simm.s32 $0x108;
	s8 =	sld [smem:$0x3F9E]  }
0x2e: {  	s3 =	simm.s32 @!p0 $0x1082;
	s9 =	sld [smem:$0x3F9F]  }
0x2f: {  	lr =	sadd.s32 s0, s3;
	s0 =	sld [smem:$0x3F96]  }
0x30: {  	s3 =	sld [smem:$0x3F99]  }
0x31: {  	[smem:$0x3FA2] =	sst s10  }
0x32: {  	s10 =	sld [smem:$0x3FA0];
	_ =	sdelay $0x3  }
0x33: {  	p0 =	seq.s32 s10, $0x1;
	s10 =	sld [smem:$0x3FA2];
	_ =	sdelay $0x3  }
0x34: {  	[smem:$0x3FA2] =	sst s10  }
0x35: {  	s10 =	sld [smem:$0x3FA1];
	_ =	sdelay $0x3  }
0x36: {  	p1 =	seq.s32 s10, $0x1;
	s10 =	sld [smem:$0x3FA2];
	_ =	sdelay $0x3  }
0x37: {  	[smem:$0x3FA2] =	sst s10  }
0x38: {  	s10 =	sld [smem:$0x3FA3]  }
0x39: {  	_ = 	snop;
	(pc) =	sbr.ind lr, $3  }
0x3a: {  	_ = 	snop  }
0x3b: {  	_ = 	snop  }
0x3c: {  	p2 =	seq.s32 s10, $0x1;
	s10 =	sld [smem:$0x3FA2]  }
0x3d: {  	_ =	shalt  }
0x3e: {  	_ =	shalt  }
0x3f: {  	_ =	shalt  }
0x40: {  	_ =	shalt  }
0x41: {  	_ =	shalt  }
0x42: {  	_ =	shalt  }
0x43: {  	_ =	shalt  }
0x44: {  	_ =	shalt  }
0x45: {  	_ =	shalt  }
0x46: {  	_ =	shalt  }
0x47: {  	_ =	shalt  }
0x48: {  	_ =	shalt  }
0x49: {  	_ =	shalt  }
0x4a: {  	_ =	shalt  }
0x4b: {  	_ =	shalt  }
0x4c: {  	_ =	shalt  }
0x4d: {  	_ =	shalt  }
0x4e: {  	_ =	shalt  }
0x4f: {  	_ =	shalt  }
0x50: {  	_ =	shalt  }
0x51: {  	_ =	shalt  }
0x52: {  	_ =	shalt  }
0x53: {  	_ =	shalt  }
0x54: {  	_ =	shalt  }
0x55: {  	_ =	shalt  }
0x56: {  	_ =	shalt  }
0x57: {  	_ =	shalt  }
0x58: {  	_ =	shalt  }
0x59: {  	_ =	shalt  }
0x5a: {  	_ =	shalt  }
0x5b: {  	_ =	shalt  }
0x5c: {  	_ =	shalt  }
0x5d: {  	_ =	shalt  }
0x5e: {  	_ =	shalt  }
0x5f: {  	_ =	shalt  }
0x60: {  	_ =	shalt  }
0x61: {  	_ =	shalt  }
0x62: {  	_ =	shalt  }
0x63: {  	_ =	shalt  }
0x64: {  	_ =	shalt  }
0x65: {  	_ =	shalt  }
0x66: {  	_ =	shalt  }
0x67: {  	_ =	shalt  }
0x68: {  	_ =	shalt  }
0x69: {  	_ =	shalt  }
0x6a: {  	_ =	shalt  }
0x6b: {  	_ =	shalt  }
0x6c: {  	_ =	shalt  }
0x6d: {  	_ =	shalt  }
0x6e: {  	_ =	shalt  }
0x6f: {  	_ =	shalt  }
0x70: {  	_ =	shalt  }
0x71: {  	_ =	shalt  }
0x72: {  	_ =	shalt  }
0x73: {  	_ =	shalt  }
0x74: {  	_ =	shalt  }
0x75: {  	_ =	shalt  }
0x76: {  	_ =	shalt  }
0x77: {  	_ =	shalt  }
0x78: {  	_ =	shalt  }
0x79: {  	_ =	shalt  }
0x7a: {  	_ =	shalt  }
0x7b: {  	_ =	shalt  }
0x7c: {  	_ =	shalt  }
0x7d: {  	_ =	shalt  }
0x7e: {  	_ =	shalt  }
0x7f: {  	_ =	shalt  }
0x80: {  	_ =	shalt  }
0x81: {  	_ =	shalt  }
0x82: {  	_ =	shalt  }
0x83: {  	_ =	shalt  }
0x84: {  	_ =	shalt  }
0x85: {  	_ =	shalt  }
0x86: {  	_ =	shalt  }
0x87: {  	_ =	shalt  }
.Lfunc_end0:
.L_simem_size_0:
called_computation.3_lowered:
.L_overlay_start_0:
0x88: {  	s2 =	sld [smem:$0x3FD9]  }
0x89: {  	s3 =	sld [smem:$0x3FFE];
	_ =	sdelay $0x1  }
0x8a: {  	s1 =	srdreg.scid  }
0x8b: {  	s0 =	sand.u32 $0x1, s1  }
0x8c: {  	s16 =	sshll.u32 s0, $0xA;
	s2 =	sadd.s32 s3, s2  }
0x8d: {  	s2 =	sadd.s32 s2, s16  }
0x8e: {  	[smem:$0x3FAE] =	sst s2  }
0x8f: {  	_ = 	snop  }
0x90: {  	(tm) =	ssettm $0x1  }
0x91: {  	s17 =	sld [smem:$0x3FFB];
	_ =	sdelay $0x3  }
0x92: {  	_ =	strace s17  }
0x93: {  	s2 =	sld [smem:$0x3FFC];
	_ =	sdelay $0x3  }
0x94: {  	_ =	strace s2  }
0x95: {  	s2 =	sld [smem:$0x3FFD];
	_ =	sdelay $0x3  }
0x96: {  	_ =	strace s2  }
0x97: {  	_ =	strace $0x8FFFFFFF  }
0x98: {  	s18 =	sld [smem:$0x3FDB];
	_ =	sdelay $0x1  }
0x99: {  	s19 =	simm.s32 $_scs_section_size  }
0x9a: {  	s4 =	simm.s32 $_size__tile_overlayer_lowered;
	s5 =	simm.s32 $_tile_overlayer_lowered  }
0x9b: {  	s22 =	simm.s32 $0x1BFF;
	s21 =	sshll.u32 s5, $0x1;
	s2 =	sadd.s32 s19, s18  }
0x9c: {  	s6 =	simm.s32 $0x0;
	s20 =	sshll.u32 s4, $0x1;
	s4 =	sadd.s32 s21, s2  }
0x9d: {  	[timem:s6], [sflag:s22] =	dma.local [hbm:s4], s20  }
0x9e: {  	_ =	swait.ge [sflag:s22], s20  }
0x9f: {  	s3 =	ssub.s32 $0x0, s20;
	[sflag:s22] =	ssyncset.done $0x0  }
0xa0: {  	[sflag:s22] =	ssyncadd.s32 s3;
	_ =	sdelay $0x1  }
0xa1: {  	s23 =	simm.s32 $0x1B8B  }
0xa2: {  	_ =	swait.ge [sflag:s23], $0x1  }
0xa3: {  	[sflag:s23] =	ssyncset.done $0x0  }
0xa4: {  	s25 =	simm.s32 $0x1B8E;
	s24 =	sld [smem:$0x3FFE];
	[sflag:s23] =	ssyncadd.s32 $0xFFFFFFFF  }
0xa5: {  	s26 =	simm.s32 $execute0_lowered;
	[smem:$0x3FD2] =	sst s25  }
0xa6: {  	s4 =	sshll.u32 s26, $0x1;
	_ =	strace $0x8000004F;
	[dreg:$0x1] =	wrdreg $0xFFFFFFFF  }
0xa7: {  	s28 =	simm.s32 $_size_execute0_lowered;
	s2 =	sadd.s32 s2, s4;
	[dreg:$0x0] =	wrdreg $0x0  }
0xa8: {  	s4 =	sshll.u32 s28, $0x1;
	[dreg:$0x2] =	wrdreg s2  }
0xa9: {  	[dreg:$0x3] =	wrdreg s4  }
0xaa: {  	[dreg:$0x4] =	wrdreg $0xC0  }
0xab: {  	_ =	task [dreg:s6], $0x5FFFF  }
0xac: {  	[dreg:$0x1] =	wrdreg $0xFFFFFFFF  }
0xad: {  	[dreg:$0x0] =	wrdreg $0x60  }
0xae: {  	[dreg:$0x2] =	wrdreg s24  }
0xaf: {  	[dreg:$0x3] =	wrdreg $0x94400  }
0xb0: {  	[dreg:$0x4] =	wrdreg $0x9  }
0xb1: {  	_ =	task.clear_ibuf [dreg:s6], $0x5FFFF;
	_ =	strace $0x9000004F  }
0xb2: {  	s29 =	simm.s32 $0x9;
	_ =	strace $0x80000051  }
0xb3: {  	_ =	swait.ge [sflag:s29], $0x1  }
0xb4: {  	[sflag:s29] =	ssyncadd.s32 $0xFFFFFFFF  }
0xb5: {  	_ =	strace $0x90000051  }
0xb6: {  	_ =	sfence  }
0xb7: {  	s30 =	sld [smem:$0x0];
	_ =	sdelay $0x2  }
0xb8: {  	s31 =	sshll.u32 s1, $0xD;
	s1 =	sshrl.u32 s1, $0x2  }
0xb9: {  	s3 =	sand.u32 $0x4000, s31;
	s1 =	sadd.s32 s1, s30  }
0xba: {  	s0 =	sor.u32 s3, s0;
	s1 =	sshll.u32 s1, $0x11  }
0xbb: {  	s0 =	sor.u32 s1, s0  }
0xbc: {  	s0 =	sadd.s32 $0x8F2B, s0  }
0xbd: {  	[sflag:s0] =	ssyncadd.remote.s32 $0x1  }
0xbe: {  	_ =	sfence.sel $0xFFFF  }
0xbf: {  	[dreg:$0x0] =	wrdreg $0xFFFFFFFF;
	(pc) =	sbr.abs _section_cstart, $3  }
0xc0: {  	[dreg:$0x1] =	wrdreg $0xFFFFFFFF  }
0xc1: {  	_ =	task.clear_ibuf [dreg:s6], $0x2FFFF;
	_ =	strace $0x9FFFFFFF  }
0xc2: {  	(tm) =	ssettm $0x7FFFFFFF  }
0xc3: {  	_ =	shalt  }
tec
execute0_lowered:
.L_overlay_start_1:
0x0: {  	(tag) =	ssettag $0x1  }
0x1: {  	s0 =	rddreg [dreg:$0x0]  }
0x2: {  	s2 =	rddreg [dreg:$0x1]  }
0x3: {  	s3 =	simm.s32 $0x0;
	s1 =	srdreg.scid;
	s11 =	stileid.u32  }
0x4: {  	s28 =	simm.s32 $0x100;
	s29 =	simm.s32 $0x300;
	s30 =	simm.s32 $0x5  }
0x5: {  	s31 =	simm.s32 $0x2;
	[smem:$0x7FF] =	sst s3;
	s4 =	smul.u32 $0x2710, s11  }
0x6: {  	s1 =	sand.u32 $0x1, s1;
	s7 =	sadd.s32 $0x5800, s0;
	s15 =	smul.u32 $0x4E200, s11  }
0x7: {  	s8 =	sadd.s32 $0xF600, s0;
	s6 =	sadd.s32 $0x103E00, s0;
	s10 =	smul.u32 $0x4E20, s11  }
0x8: {  	s16 =	sshll.u32 s11, $0x6;
	s25 =	smul.u32 $0x9C4, s11;
	_ =	strace $0x80000050  }
0x9: {  	s5 =	smul.u32 $0x27100, s1;
	[dreg:$0x4] =	wrdreg s6;
	s14 =	ssub.s32 $0x2, s1  }
0xa: {  	p0 =	seq.s32 s1, $0x0;
	s9 =	sshrl.u32 s14, $0x1;
	s6 =	sshrl.u32 s15, $0x2  }
0xb: {  	s17 =	sshrl.u32 s10, $0x3;
	s26 =	sadd.s32 s25, s8;
	s15 =	simm.s32 $0x9  }
0xc: {  	s4 =	sadd.s32 s4, s5;
	s6 =	sadd.s32 s6, s2;
	[dreg:$0x3] =	wrdreg s26  }
0xd: {  	s5 =	ssub.s32 s14, s9;
	s10 =	sadd.s32 s7, s17;
	[dreg:$0x5] =	wrdreg s6  }
0xe: {  	s18 =	sadd.s32 s8, s17;
	s19 =	sadd.s32 $0x10, s17;
	[dreg:$0x6] =	wrdreg s10  }
0xf: {  	s20 =	sadd.s32 $0x20, s17;
	[dreg:$0x7] =	wrdreg s18;
	s12 =	sadd.s32 s7, s19  }
0x10: {  	s22 =	sadd.s32 $0x30, s17;
	s10 =	sadd.s32 s8, s19;
	[dreg:$0x8] =	wrdreg s12  }
0x11: {  	s9 =	sadd.s32 $0x9C0, s17;
	s21 =	sadd.s32 s7, s20;
	[dreg:$0x9] =	wrdreg s10  }
0x12: {  	s26 =	simm.s32 $0x440;
	s23 =	sadd.s32 s7, s22;
	[dreg:$0xa] =	wrdreg s21  }
0x13: {  	s4 =	sadd.s32 s4, s0;
	s1 =	sadd.s32 s8, s22;
	[dreg:$0xc] =	wrdreg s23  }
0x14: {  	s6 =	sor.u32 $0x1C0A, s16;
	s24 =	sadd.s32 s7, s9;
	[dreg:$0xd] =	wrdreg s1  }
0x15: {  	s9 =	sadd.s32 s8, s9;
	s5 =	smax.u32 s5, $0x1;
	[dreg:$0xe] =	wrdreg s24  }
0x16: {  	s22 =	simm.s32 $0x200;
	s16 =	simm.s32 $0x0;
	[dreg:$0xf] =	wrdreg s9  }
0x17: {  	s10 =	sadd.s32 s8, s20;
	s4 =	sadd.s32 $0x106600, s4;
	[dreg:$0x11] =	wrdreg s5  }
0x18: {  	s20 =	sadd.s32 s25, s7;
	s21 =	simm.s32 $0xA;
	s23 =	simm.s32 $0x80  }
0x19: {  	s24 =	simm.s32 $0x280;
	s25 =	simm.s32 $0x1;
	s1 =	simm.s32 $0x180  }
0x1a: {  	s5 =	simm.s32 $0x6;
	s7 =	simm.s32 $0x7;
	s8 =	simm.s32 $0x3  }
0x1b: {  	s9 =	simm.s32 $0x8;
	[dreg:$0x10] =	wrdreg s4;
	s4 =	simm.s32 $0x67600  }
0x1c: {  	[dreg:$0xb] =	wrdreg s10;
	s10 =	simm.s32 $0x4;
	s4 =	simm.s32 @!p0 $0xB5C00  }
0x1d: {  	s19 =	sadd.s32 s4, s0;
	s0 =	simm.s32 $0x4440;
	s4 =	simm.s32 $0x380  }
.LBB2_1:
0x1e: {  	s11 =	rddreg [dreg:$0x5]  }
0x1f: {  	s12 =	rddreg [dreg:$0x4];
	s17 =	sshrl.u32 s11, $0x3  }
0x20: {  	[spmem:s17], [sflag:s6] =	dma.local [hbm:s12], $0x2710  }
0x21: {  	_ =	swait.ge [sflag:s21], $0x2710  }
0x22: {  	[sflag:s21] =	ssyncset.done $0x0  }
0x23: {  	[sflag:s21] =	ssyncadd.s32 $0xFFFFD8F0  }
0x24: {  	[bflag:$0x0] =	sbarrier.arrive $0xFFFF  }
0x25: {  	s13 =	rddreg [dreg:$0x6]  }
0x26: {  	[tilespmem:s3], [sflag:$0x1] =	stream.linear.gather [hbm4b:s13+s3], $0x80, $0x38;
	[tilespmem:$0x1CCC0] =	vst v63  }
0x27: {  	s14 =	rddreg [dreg:$0x7]  }
0x28: {  	[tilespmem:s22], [sflag:$0x1] =	stream.linear.gather [hbm4b:s14+s3], $0x80, $0x38;
	[tilespmem:$0x1CCC0] =	vst v63  }
0x29: {  	s18 =	rddreg [dreg:$0x8]  }
0x2a: {  	[tilespmem:s23], [sflag:$0x2] =	stream.linear.gather [hbm4b:s18+s3], $0x80, $0x38;
	[tilespmem:$0x1CCC0] =	vst v63  }
0x2b: {  	s12 =	rddreg [dreg:$0x9]  }
0x2c: {  	[tilespmem:s24], [sflag:$0x2] =	stream.linear.gather [hbm4b:s12+s3], $0x80, $0x38;
	[tilespmem:$0x1CCC0] =	vst v63  }
0x2d: {  	_ =	swait.ge [sflag:s25], $0x80  }
0x2e: {  	[sflag:s25] =	ssyncset.done $0x0  }
0x2f: {  	[sflag:s25] =	ssyncadd.s32 $0xFFFFFF80  }
0x30: {  	_ =	swait.ge [sflag:s25], $0x80  }
0x31: {  	[sflag:s25] =	ssyncset.done $0x0  }
0x32: {  	[sflag:s25] =	ssyncadd.s32 $0xFFFFFF80  }
0x33: {  	[tilespmem:s26], [sflag:$0x5] =	stream.indirect.gather [hbm4b:s19+s23], $0x80, s3, s23, $0xb8;
	[tilespmem:$0x1CCC0] =	vst v63  }
0x34: {  	s13 =	rddreg [dreg:$0xa]  }
0x35: {  	[tilespmem:s28], [sflag:$0x3] =	stream.linear.gather [hbm4b:s13+s3], $0x80, $0x38;
	[tilespmem:$0x1CCC0] =	vst v63  }
0x36: {  	s14 =	rddreg [dreg:$0xb]  }
0x37: {  	[tilespmem:s29], [sflag:$0x3] =	stream.linear.gather [hbm4b:s14+s3], $0x80, $0x38;
	[tilespmem:$0x1CCC0] =	vst v63  }
0x38: {  	_ =	swait.ge [sflag:s30], $0x4000  }
0x39: {  	[sflag:s30] =	ssyncset.done $0x0  }
0x3a: {  	[sflag:s30] =	ssyncadd.s32 $0xFFFFC000  }
0x3b: {  	[spmem:s2] =	stream.indirect.scatter.add.f32 [tilespmem:s26], [sflag:$0x7], $0x80, s22, s23, $0xb8;
	[tilespmem:$0x1CCC0] =	vst v63  }
0x3c: {  	_ =	swait.ge [sflag:s31], $0x80  }
0x3d: {  	[sflag:s31] =	ssyncset.done $0x0  }
0x3e: {  	[sflag:s31] =	ssyncadd.s32 $0xFFFFFF80  }
0x3f: {  	_ =	swait.ge [sflag:s31], $0x80  }
0x40: {  	[sflag:s31] =	ssyncset.done $0x0  }
0x41: {  	[sflag:s31] =	ssyncadd.s32 $0xFFFFFF80  }
0x42: {  	[tilespmem:s0], [sflag:$0x6] =	stream.indirect.gather [hbm4b:s19+s23], $0x80, s23, s23, $0xb8;
	[tilespmem:$0x1CCC0] =	vst v63  }
0x43: {  	s18 =	rddreg [dreg:$0xc]  }
0x44: {  	[tilespmem:s1], [sflag:$0x4] =	stream.linear.gather [hbm4b:s18+s3], $0x80, $0x38;
	[tilespmem:$0x1CCC0] =	vst v63  }
0x45: {  	s12 =	rddreg [dreg:$0xd]  }
0x46: {  	[tilespmem:s4], [sflag:$0x4] =	stream.linear.gather [hbm4b:s12+s3], $0x80, $0x38;
	[tilespmem:$0x1CCC0] =	vst v63  }
0x47: {  	_ =	swait.ge [sflag:s5], $0x4000  }
0x48: {  	[sflag:s5] =	ssyncset.done $0x0  }
0x49: {  	[sflag:s5] =	ssyncadd.s32 $0xFFFFC000  }
0x4a: {  	_ =	swait.ge [sflag:s7], $0x4000  }
0x4b: {  	[sflag:s7] =	ssyncset.done $0x0  }
0x4c: {  	[sflag:s7] =	ssyncadd.s32 $0xFFFFC000  }
0x4d: {  	[spmem:s2] =	stream.indirect.scatter.add.f32 [tilespmem:s0], [sflag:$0x8], $0x80, s24, s23, $0xb8;
	[tilespmem:$0x1CCC0] =	vst v63  }
0x4e: {  	_ =	swait.ge [sflag:s8], $0x80  }
0x4f: {  	[sflag:s8] =	ssyncset.done $0x0  }
0x50: {  	[sflag:s8] =	ssyncadd.s32 $0xFFFFFF80  }
0x51: {  	_ =	swait.ge [sflag:s8], $0x80  }
0x52: {  	[sflag:s8] =	ssyncset.done $0x0  }
0x53: {  	s12 =	sadd.s32 $0x0, s20;
	s13 =	rddreg [dreg:$0x3];
	[sflag:s8] =	ssyncadd.s32 $0xFFFFFF80  }
0x54: {  	[tilespmem:s26], [sflag:$0x5] =	stream.indirect.gather [hbm4b:s19+s23], $0x80, s28, s23, $0xb8;
	[tilespmem:$0x1CCC0] =	vst v63  }
0x55: {  	s18 =	sadd.s32 $0x40, s12;
	s11 =	sadd.s32 $0x0, s13  }
0x56: {  	[tilespmem:s3], [sflag:$0x1] =	stream.linear.gather [hbm4b:s18+s3], $0x80, $0x38;
	[tilespmem:$0x1CCC0] =	vst v63  }
0x57: {  	s14 =	sadd.s32 $0x40, s11  }
0x58: {  	[tilespmem:s22], [sflag:$0x1] =	stream.linear.gather [hbm4b:s14+s3], $0x80, $0x38;
	[tilespmem:$0x1CCC0] =	vst v63  }
0x59: {  	_ =	swait.ge [sflag:s30], $0x4000  }
0x5a: {  	[sflag:s30] =	ssyncset.done $0x0  }
0x5b: {  	[sflag:s30] =	ssyncadd.s32 $0xFFFFC000  }
0x5c: {  	_ =	swait.ge [sflag:s9], $0x4000  }
0x5d: {  	[sflag:s9] =	ssyncset.done $0x0  }
0x5e: {  	[sflag:s9] =	ssyncadd.s32 $0xFFFFC000  }
0x5f: {  	[spmem:s2] =	stream.indirect.scatter.add.f32 [tilespmem:s26], [sflag:$0x7], $0x80, s29, s23, $0xb8;
	[tilespmem:$0x1CCC0] =	vst v63  }
0x60: {  	_ =	swait.ge [sflag:s10], $0x80  }
0x61: {  	[sflag:s10] =	ssyncset.done $0x0  }
0x62: {  	[sflag:s10] =	ssyncadd.s32 $0xFFFFFF80  }
0x63: {  	_ =	swait.ge [sflag:s10], $0x80  }
0x64: {  	[sflag:s10] =	ssyncset.done $0x0  }
0x65: {  	[sflag:s10] =	ssyncadd.s32 $0xFFFFFF80  }
0x66: {  	[tilespmem:s0], [sflag:$0x6] =	stream.indirect.gather [hbm4b:s19+s23], $0x80, s1, s23, $0xb8;
	[tilespmem:$0x1CCC0] =	vst v63  }
0x67: {  	s13 =	sadd.s32 $0x50, s12  }
0x68: {  	[tilespmem:s23], [sflag:$0x2] =	stream.linear.gather [hbm4b:s13+s3], $0x80, $0x38;
	[tilespmem:$0x1CCC0] =	vst v63  }
0x69: {  	s14 =	sadd.s32 $0x50, s11  }
0x6a: {  	[tilespmem:s24], [sflag:$0x2] =	stream.linear.gather [hbm4b:s14+s3], $0x80, $0x38;
	[tilespmem:$0x1CCC0] =	vst v63  }
0x6b: {  	_ =	swait.ge [sflag:s5], $0x4000  }
0x6c: {  	[sflag:s5] =	ssyncset.done $0x0  }
0x6d: {  	[sflag:s5] =	ssyncadd.s32 $0xFFFFC000  }
0x6e: {  	_ =	swait.ge [sflag:s7], $0x4000  }
0x6f: {  	[sflag:s7] =	ssyncset.done $0x0  }
0x70: {  	[sflag:s7] =	ssyncadd.s32 $0xFFFFC000  }
0x71: {  	[spmem:s2] =	stream.indirect.scatter.add.f32 [tilespmem:s0], [sflag:$0x8], $0x80, s4, s23, $0xb8;
	[tilespmem:$0x1CCC0] =	vst v63  }
0x72: {  	_ =	swait.ge [sflag:s25], $0x80  }
0x73: {  	[sflag:s25] =	ssyncset.done $0x0  }
0x74: {  	[sflag:s25] =	ssyncadd.s32 $0xFFFFFF80  }
0x75: {  	_ =	swait.ge [sflag:s25], $0x80  }
0x76: {  	[sflag:s25] =	ssyncset.done $0x0  }
0x77: {  	[sflag:s25] =	ssyncadd.s32 $0xFFFFFF80  }
0x78: {  	[tilespmem:s26], [sflag:$0x5] =	stream.indirect.gather [hbm4b:s19+s23], $0x80, s3, s23, $0xb8;
	[tilespmem:$0x1CCC0] =	vst v63  }
0x79: {  	s13 =	sadd.s32 $0x60, s12  }
0x7a: {  	[tilespmem:s28], [sflag:$0x3] =	stream.linear.gather [hbm4b:s13+s3], $0x80, $0x38;
	[tilespmem:$0x1CCC0] =	vst v63  }
0x7b: {  	s14 =	sadd.s32 $0x60, s11  }
0x7c: {  	[tilespmem:s29], [sflag:$0x3] =	stream.linear.gather [hbm4b:s14+s3], $0x80, $0x38;
	[tilespmem:$0x1CCC0] =	vst v63  }
0x7d: {  	_ =	swait.ge [sflag:s30], $0x4000  }
0x7e: {  	[sflag:s30] =	ssyncset.done $0x0  }
0x7f: {  	[sflag:s30] =	ssyncadd.s32 $0xFFFFC000  }
0x80: {  	_ =	swait.ge [sflag:s9], $0x4000  }
0x81: {  	[sflag:s9] =	ssyncset.done $0x0  }
0x82: {  	[sflag:s9] =	ssyncadd.s32 $0xFFFFC000  }
0x83: {  	[spmem:s2] =	stream.indirect.scatter.add.f32 [tilespmem:s26], [sflag:$0x7], $0x80, s22, s23, $0xb8;
	[tilespmem:$0x1CCC0] =	vst v63  }
0x84: {  	_ =	swait.ge [sflag:s31], $0x80  }
0x85: {  	[sflag:s31] =	ssyncset.done $0x0  }
0x86: {  	[sflag:s31] =	ssyncadd.s32 $0xFFFFFF80  }
0x87: {  	_ =	swait.ge [sflag:s31], $0x80  }
0x88: {  	[sflag:s31] =	ssyncset.done $0x0  }
0x89: {  	[sflag:s31] =	ssyncadd.s32 $0xFFFFFF80  }
0x8a: {  	[tilespmem:s0], [sflag:$0x6] =	stream.indirect.gather [hbm4b:s19+s23], $0x80, s23, s23, $0xb8;
	[tilespmem:$0x1CCC0] =	vst v63  }
0x8b: {  	s18 =	simm.s32 $0x40;
	s12 =	sadd.s32 $0x70, s12;
	s11 =	sadd.s32 $0x70, s11  }
0x8c: {  	[tilespmem:s1], [sflag:$0x4] =	stream.linear.gather [hbm4b:s12+s3], $0x80, $0x38;
	[tilespmem:$0x1CCC0] =	vst v63  }
.LBB2_2:
0x8d: {  	[tilespmem:s4], [sflag:$0x4] =	stream.linear.gather [hbm4b:s11+s3], $0x80, $0x38;
	[tilespmem:$0x1CCC0] =	vst v63  }
0x8e: {  	_ =	swait.ge [sflag:s5], $0x4000  }
0x8f: {  	[sflag:s5] =	ssyncset.done $0x0  }
0x90: {  	[sflag:s5] =	ssyncadd.s32 $0xFFFFC000  }
0x91: {  	_ =	swait.ge [sflag:s7], $0x4000  }
0x92: {  	[sflag:s7] =	ssyncset.done $0x0  }
0x93: {  	[sflag:s7] =	ssyncadd.s32 $0xFFFFC000  }
0x94: {  	[spmem:s2] =	stream.indirect.scatter.add.f32 [tilespmem:s0], [sflag:$0x8], $0x80, s24, s23, $0xb8;
	[tilespmem:$0x1CCC0] =	vst v63  }
0x95: {  	_ =	swait.ge [sflag:s8], $0x80  }
0x96: {  	[sflag:s8] =	ssyncset.done $0x0  }
0x97: {  	[sflag:s8] =	ssyncadd.s32 $0xFFFFFF80  }
0x98: {  	_ =	swait.ge [sflag:s8], $0x80  }
0x99: {  	s12 =	smov.u32 s18;
	[sflag:s8] =	ssyncset.done $0x0  }
0x9a: {  	s11 =	sadd.s32 s12, s20;
	s13 =	rddreg [dreg:$0x3];
	[sflag:s8] =	ssyncadd.s32 $0xFFFFFF80  }
0x9b: {  	[tilespmem:s26], [sflag:$0x5] =	stream.indirect.gather [hbm4b:s19+s23], $0x80, s28, s23, $0xb8;
	[tilespmem:$0x1CCC0] =	vst v63  }
0x9c: {  	s14 =	sadd.s32 $0x40, s11;
	s12 =	sadd.s32 s12, s13  }
0x9d: {  	[tilespmem:s3], [sflag:$0x1] =	stream.linear.gather [hbm4b:s14+s3], $0x80, $0x38;
	[tilespmem:$0x1CCC0] =	vst v63  }
0x9e: {  	s13 =	sadd.s32 $0x40, s12  }
0x9f: {  	[tilespmem:s22], [sflag:$0x1] =	stream.linear.gather [hbm4b:s13+s3], $0x80, $0x38;
	[tilespmem:$0x1CCC0] =	vst v63  }
0xa0: {  	_ =	swait.ge [sflag:s30], $0x4000  }
0xa1: {  	[sflag:s30] =	ssyncset.done $0x0  }
0xa2: {  	[sflag:s30] =	ssyncadd.s32 $0xFFFFC000  }
0xa3: {  	_ =	swait.ge [sflag:s9], $0x4000  }
0xa4: {  	[sflag:s9] =	ssyncset.done $0x0  }
0xa5: {  	[sflag:s9] =	ssyncadd.s32 $0xFFFFC000  }
0xa6: {  	[spmem:s2] =	stream.indirect.scatter.add.f32 [tilespmem:s26], [sflag:$0x7], $0x80, s29, s23, $0xb8;
	[tilespmem:$0x1CCC0] =	vst v63  }
0xa7: {  	_ =	swait.ge [sflag:s10], $0x80  }
0xa8: {  	[sflag:s10] =	ssyncset.done $0x0  }
0xa9: {  	[sflag:s10] =	ssyncadd.s32 $0xFFFFFF80  }
0xaa: {  	_ =	swait.ge [sflag:s10], $0x80  }
0xab: {  	[sflag:s10] =	ssyncset.done $0x0  }
0xac: {  	[sflag:s10] =	ssyncadd.s32 $0xFFFFFF80  }
0xad: {  	[tilespmem:s0], [sflag:$0x6] =	stream.indirect.gather [hbm4b:s19+s23], $0x80, s1, s23, $0xb8;
	[tilespmem:$0x1CCC0] =	vst v63  }
0xae: {  	s13 =	sadd.s32 $0x50, s11  }
0xaf: {  	[tilespmem:s23], [sflag:$0x2] =	stream.linear.gather [hbm4b:s13+s3], $0x80, $0x38;
	[tilespmem:$0x1CCC0] =	vst v63  }
0xb0: {  	s14 =	sadd.s32 $0x50, s12  }
0xb1: {  	[tilespmem:s24], [sflag:$0x2] =	stream.linear.gather [hbm4b:s14+s3], $0x80, $0x38;
	[tilespmem:$0x1CCC0] =	vst v63  }
0xb2: {  	_ =	swait.ge [sflag:s5], $0x4000  }
0xb3: {  	[sflag:s5] =	ssyncset.done $0x0  }
0xb4: {  	[sflag:s5] =	ssyncadd.s32 $0xFFFFC000  }
0xb5: {  	_ =	swait.ge [sflag:s7], $0x4000  }
0xb6: {  	[sflag:s7] =	ssyncset.done $0x0  }
0xb7: {  	[sflag:s7] =	ssyncadd.s32 $0xFFFFC000  }
0xb8: {  	[spmem:s2] =	stream.indirect.scatter.add.f32 [tilespmem:s0], [sflag:$0x8], $0x80, s4, s23, $0xb8;
	[tilespmem:$0x1CCC0] =	vst v63  }
0xb9: {  	_ =	swait.ge [sflag:s25], $0x80  }
0xba: {  	[sflag:s25] =	ssyncset.done $0x0  }
0xbb: {  	[sflag:s25] =	ssyncadd.s32 $0xFFFFFF80  }
0xbc: {  	_ =	swait.ge [sflag:s25], $0x80  }
0xbd: {  	[sflag:s25] =	ssyncset.done $0x0  }
0xbe: {  	[sflag:s25] =	ssyncadd.s32 $0xFFFFFF80  }
0xbf: {  	[tilespmem:s26], [sflag:$0x5] =	stream.indirect.gather [hbm4b:s19+s23], $0x80, s3, s23, $0xb8;
	[tilespmem:$0x1CCC0] =	vst v63  }
0xc0: {  	s13 =	sadd.s32 $0x60, s11  }
0xc1: {  	[tilespmem:s28], [sflag:$0x3] =	stream.linear.gather [hbm4b:s13+s3], $0x80, $0x38;
	[tilespmem:$0x1CCC0] =	vst v63  }
0xc2: {  	s14 =	sadd.s32 $0x60, s12  }
0xc3: {  	[tilespmem:s29], [sflag:$0x3] =	stream.linear.gather [hbm4b:s14+s3], $0x80, $0x38;
	[tilespmem:$0x1CCC0] =	vst v63  }
0xc4: {  	_ =	swait.ge [sflag:s30], $0x4000  }
0xc5: {  	[sflag:s30] =	ssyncset.done $0x0  }
0xc6: {  	[sflag:s30] =	ssyncadd.s32 $0xFFFFC000  }
0xc7: {  	_ =	swait.ge [sflag:s9], $0x4000  }
0xc8: {  	[sflag:s9] =	ssyncset.done $0x0  }
0xc9: {  	[sflag:s9] =	ssyncadd.s32 $0xFFFFC000  }
0xca: {  	[spmem:s2] =	stream.indirect.scatter.add.f32 [tilespmem:s26], [sflag:$0x7], $0x80, s22, s23, $0xb8;
	[tilespmem:$0x1CCC0] =	vst v63  }
0xcb: {  	_ =	swait.ge [sflag:s31], $0x80  }
0xcc: {  	[sflag:s31] =	ssyncset.done $0x0  }
0xcd: {  	[sflag:s31] =	ssyncadd.s32 $0xFFFFFF80  }
0xce: {  	p0 =	sne.s32 s18, $0x940;
	_ =	swait.ge [sflag:s31], $0x80  }
.Ltmp0:
0xcf: {  	[sflag:s31] =	ssyncset.done $0x0;
	(pc) =	sbr.rel @p0 .LBB2_2-.Ltmp0, $4  }
0xd0: {  	[sflag:s31] =	ssyncadd.s32 $0xFFFFFF80  }
0xd1: {  	[tilespmem:s0], [sflag:$0x6] =	stream.indirect.gather [hbm4b:s19+s23], $0x80, s23, s23, $0xb8;
	[tilespmem:$0x1CCC0] =	vst v63  }
0xd2: {  	s18 =	sadd.s32 $0x40, s18;
	s14 =	sadd.s32 $0x70, s11;
	s11 =	sadd.s32 $0x70, s12  }
0xd3: {  	[tilespmem:s1], [sflag:$0x4] =	stream.linear.gather [hbm4b:s14+s3], $0x80, $0x38;
	[tilespmem:$0x1CCC0] =	vst v63  }
0xd4: {  	[tilespmem:s4], [sflag:$0x4] =	stream.linear.gather [hbm4b:s11+s3], $0x80, $0x38;
	[tilespmem:$0x1CCC0] =	vst v63  }
0xd5: {  	_ =	swait.ge [sflag:s5], $0x4000  }
0xd6: {  	[sflag:s5] =	ssyncset.done $0x0  }
0xd7: {  	[sflag:s5] =	ssyncadd.s32 $0xFFFFC000  }
0xd8: {  	_ =	swait.ge [sflag:s7], $0x4000  }
0xd9: {  	[sflag:s7] =	ssyncset.done $0x0  }
0xda: {  	[sflag:s7] =	ssyncadd.s32 $0xFFFFC000  }
0xdb: {  	[spmem:s2] =	stream.indirect.scatter.add.f32 [tilespmem:s0], [sflag:$0x8], $0x80, s24, s23, $0xb8;
	[tilespmem:$0x1CCC0] =	vst v63  }
0xdc: {  	_ =	swait.ge [sflag:s8], $0x80  }
0xdd: {  	[sflag:s8] =	ssyncset.done $0x0  }
0xde: {  	[sflag:s8] =	ssyncadd.s32 $0xFFFFFF80  }
0xdf: {  	_ =	swait.ge [sflag:s8], $0x80  }
0xe0: {  	[sflag:s8] =	ssyncset.done $0x0  }
0xe1: {  	[sflag:s8] =	ssyncadd.s32 $0xFFFFFF80  }
0xe2: {  	[tilespmem:s26], [sflag:$0x5] =	stream.indirect.gather [hbm4b:s19+s23], $0x80, s28, s23, $0xb8;
	[tilespmem:$0x1CCC0] =	vst v63  }
0xe3: {  	_ =	swait.ge [sflag:s30], $0x4000  }
0xe4: {  	[sflag:s30] =	ssyncset.done $0x0  }
0xe5: {  	[sflag:s30] =	ssyncadd.s32 $0xFFFFC000  }
0xe6: {  	_ =	swait.ge [sflag:s9], $0x4000  }
0xe7: {  	[sflag:s9] =	ssyncset.done $0x0  }
0xe8: {  	[sflag:s9] =	ssyncadd.s32 $0xFFFFC000  }
0xe9: {  	[spmem:s2] =	stream.indirect.scatter.add.f32 [tilespmem:s26], [sflag:$0x7], $0x80, s29, s23, $0xb8;
	[tilespmem:$0x1CCC0] =	vst v63  }
0xea: {  	_ =	swait.ge [sflag:s10], $0x80  }
0xeb: {  	[sflag:s10] =	ssyncset.done $0x0  }
0xec: {  	[sflag:s10] =	ssyncadd.s32 $0xFFFFFF80  }
0xed: {  	_ =	swait.ge [sflag:s10], $0x80  }
0xee: {  	[sflag:s10] =	ssyncset.done $0x0  }
0xef: {  	[sflag:s10] =	ssyncadd.s32 $0xFFFFFF80  }
0xf0: {  	[tilespmem:s0], [sflag:$0x6] =	stream.indirect.gather [hbm4b:s19+s23], $0x80, s1, s23, $0xb8;
	[tilespmem:$0x1CCC0] =	vst v63  }
0xf1: {  	_ =	swait.ge [sflag:s5], $0x4000  }
0xf2: {  	[sflag:s5] =	ssyncset.done $0x0  }
0xf3: {  	[sflag:s5] =	ssyncadd.s32 $0xFFFFC000  }
0xf4: {  	_ =	swait.ge [sflag:s7], $0x4000  }
0xf5: {  	[sflag:s7] =	ssyncset.done $0x0  }
0xf6: {  	[sflag:s7] =	ssyncadd.s32 $0xFFFFC000  }
0xf7: {  	[spmem:s2] =	stream.indirect.scatter.add.f32 [tilespmem:s0], [sflag:$0x8], $0x80, s4, s23, $0xb8;
	[tilespmem:$0x1CCC0] =	vst v63  }
0xf8: {  	_ =	swait.ge [sflag:s9], $0x4000  }
0xf9: {  	[sflag:s9] =	ssyncset.done $0x0  }
0xfa: {  	s12 =	simm.s32 $0x400;
	s13 =	rddreg [dreg:$0xe];
	[sflag:s9] =	ssyncadd.s32 $0xFFFFC000  }
0xfb: {  	[tilespmem:s12], [sflag:$0xA] =	stream.linear.gather [hbm4b:s13+s3], $0x20, $0x38;
	[tilespmem:$0x1CCC0] =	vst v63  }
0xfc: {  	_ =	swait.ge [sflag:s21], $0x20  }
0xfd: {  	[sflag:s21] =	ssyncset.done $0x0  }
0xfe: {  	s13 =	simm.s32 $0x420;
	s14 =	rddreg [dreg:$0xf];
	[sflag:s21] =	ssyncadd.s32 $0xFFFFFFE0  }
0xff: {  	[tilespmem:s13], [sflag:$0xA] =	stream.linear.gather [hbm4b:s14+s3], $0x20, $0x38;
	[tilespmem:$0x1CCC0] =	vst v63  }
0x100: {  	_ =	swait.ge [sflag:s21], $0x20  }
0x101: {  	[sflag:s21] =	ssyncset.done $0x0  }
0x102: {  	s18 =	simm.s32 $0x20;
	s14 =	simm.s32 $0x8440;
	[sflag:s21] =	ssyncadd.s32 $0xFFFFFFE0  }
0x103: {  	[tilespmem:s14], [sflag:$0x9] =	stream.indirect.gather [hbm4b:s19+s18], $0x80, s12, s18, $0xb8;
	[tilespmem:$0x1CCC0] =	vst v63  }
0x104: {  	_ =	swait.ge [sflag:s15], $0x1000  }
0x105: {  	[sflag:s15] =	ssyncset.done $0x0  }
0x106: {  	[sflag:s15] =	ssyncadd.s32 $0xFFFFF000  }
0x107: {  	[spmem:s2] =	stream.indirect.scatter.add.f32 [tilespmem:s14], [sflag:$0xA], $0x80, s13, s18, $0xb8;
	[tilespmem:$0x1CCC0] =	vst v63  }
0x108: {  	_ =	swait.ge [sflag:s21], $0x1000  }
0x109: {  	[sflag:s21] =	ssyncset.done $0x0  }
0x10a: {  	[sflag:s21] =	ssyncadd.s32 $0xFFFFF000  }
0x10b: {  	[bflag:$0x0] =	sbarrier.arrive $0xFFFF  }
0x10c: {  	s14 =	rddreg [dreg:$0x10]  }
0x10d: {  	[hbm:s14], [sflag:s6] =	dma.local [spmem:s17], $0x2710  }
0x10e: {  	_ =	swait.ge [sflag:s21], $0x2710  }
0x10f: {  	s16 =	sadd.s32 $0x1, s16;
	s18 =	rddreg [dreg:$0x11]  }
0x110: {  	p0 =	sne.s32 s16, s18  }
.Ltmp1:
0x111: {  	_ = 	snop;
	(pc) =	sbr.rel @p0 .LBB2_1-.Ltmp1, $3  }
0x112: {  	_ =	sdelay $0x1  }
0x113: {  	[sflag:s21] =	ssyncset.done $0x0  }
0x114: {  	[sflag:s21] =	ssyncadd.s32 $0xFFFFD8F0  }
0x115: {  	_ =	sfence.sel $0x180000  }
0x116: {  	[bflag:$0x0] =	sbarrier.arrive $0xFFFF  }
0x117: {  	_ =	strace $0x90000050  }
0x118: {  	s0 =	stileid.u32;
	[bflag:$0x2] =	sbarrier.arrive $0xFFFF  }
0x119: {  	p0 =	sne.s32 s0, $0x0;
	s0 =	rddreg [dreg:$0x2]  }
0x11a: {  	s0 =	sadd.s32 @!p0 $0x100000, s0  }
0x11b: {  	[sflag:s0] =	ssyncadd.tile.s32 @!p0 $0x1;
	_ =	shalt  }
.Lfunc_end2:
_tile_overlayer_lowered:
.L_overlay_start_2:
0x11c: {  	(tag) =	ssettag $0x2  }
0x11d: {  	s0 =	rddreg [dreg:$0x0];
	s2 =	stileid.u32  }
0x11e: {  	s1 =	rddreg [dreg:$0x1];
	p0 =	sne.s32 s2, $0x0  }
0x11f: {  	s3 =	rddreg [dreg:$0x2];
	[bflag:$0x3] =	sbarrier.arrive $0xFFFF;
	s2 =	simm.s32 @!p0 $0x1C0A  }
0x120: {  	[timem:s3], [sflag:s2] =	dma.local @!p0 [hbm:s0], s1  }
0x121: {  	s0 =	simm.s32 @!p0 $0xA  }
0x122: {  	_ =	swait.ge @!p0 [sflag:s0], s1  }
0x123: {  	s1 =	ssub.s32 @!p0 $0x0, s1;
	[sflag:s0] =	ssyncset.done @!p0 $0x0  }
0x124: {  	[sflag:s0] =	ssyncadd.s32 @!p0 s1  }
0x125: {  	[bflag:$0x3] =	sbarrier.arrive $0xFFFF  }
0x126: {  	_ =	shalt  }

</sc_bundles>
